<compile_context>
chip_gen: v7x
topology: tpu7x:2x2x1
jax: 0.10.2.dev20260603
libtpu: 0.0.44.dev20260713+nightly
codegen_flags: <defaults>
</compile_context>

<pallas_src>
import functools

import jax
import jax.numpy as jnp
from jax import lax
from jax.experimental import pallas as pl
from jax.experimental.pallas import tpu as pltpu
from jax.experimental.pallas import tpu_sc as plsc

STEPS = 3

NC = 2
NS = 16
CHUNK = 128



def _trans_body(h_ref, wt_ref, b_ref, out_ref):
    out_ref[0] = (
        jnp.dot(h_ref[...], wt_ref[0], preferred_element_type=jnp.float32)
        + b_ref[0]
    )


def _make_trans(N, H, T, BN):
    grid = (T, N // BN)
    return pl.pallas_call(
        _trans_body,
        grid=grid,
        in_specs=[
            pl.BlockSpec((BN, H), lambda t, i: (i, 0)),
            pl.BlockSpec((1, H, H), lambda t, i: (t, 0, 0)),
            pl.BlockSpec((1, 1, H), lambda t, i: (t, 0, 0)),
        ],
        out_specs=pl.BlockSpec((1, BN, H), lambda t, i: (t, i, 0)),
        out_shape=jax.ShapeDtypeStruct((T, N, H), jnp.float32),
    )



def _gru_body(ap_ref, h_ref, wit_ref, wht_ref, bi_ref, bh_ref, out_ref, *, H):
    a = ap_ref[0] + ap_ref[1]
    h = h_ref[...]
    gi = jnp.dot(a, wit_ref[...], preferred_element_type=jnp.float32) + bi_ref[...]
    gh = jnp.dot(h, wht_ref[...], preferred_element_type=jnp.float32) + bh_ref[...]
    r = jax.nn.sigmoid(gi[:, :H] + gh[:, :H])
    z = jax.nn.sigmoid(gi[:, H:2 * H] + gh[:, H:2 * H])
    n = jnp.tanh(gi[:, 2 * H:] + r * gh[:, 2 * H:])
    out_ref[...] = (1.0 - z) * n + z * h


def _make_gru(N, H, BN):
    grid = (N // BN,)
    return pl.pallas_call(
        functools.partial(_gru_body, H=H),
        grid=grid,
        in_specs=[
            pl.BlockSpec((2, BN, H), lambda i: (0, i, 0)),
            pl.BlockSpec((BN, H), lambda i: (i, 0)),
            pl.BlockSpec((H, 3 * H), lambda i: (0, 0)),
            pl.BlockSpec((H, 3 * H), lambda i: (0, 0)),
            pl.BlockSpec((1, 3 * H), lambda i: (0, 0)),
            pl.BlockSpec((1, 3 * H), lambda i: (0, 0)),
        ],
        out_specs=pl.BlockSpec((BN, H), lambda i: (i, 0)),
        out_shape=jax.ShapeDtypeStruct((N, H), jnp.float32),
    )



def _make_msgpass(N, H, N_pad, cpt):
    n_main = (N // NS) // 8 * 8
    n_last = N - n_main * (NS - 1)
    z_per_tile = N_pad // NS
    SB = 16
    n_sb = cpt // SB
    mesh = plsc.VectorSubcoreMesh(core_axis_name="c", subcore_axis_name="s")

    @functools.partial(
        pl.kernel,
        mesh=mesh,
        out_type=jax.ShapeDtypeStruct((NC, N, H), jnp.float32),
        scratch_types=[
            pltpu.VMEM((SB, CHUNK), jnp.int32),
            pltpu.VMEM((SB, CHUNK), jnp.int32),
            pltpu.VMEM((CHUNK, H), jnp.float32),
            pltpu.VMEM((CHUNK, H), jnp.float32),
            pltpu.VMEM_SHARED((N_pad, H), jnp.float32),
            pltpu.SemaphoreType.DMA,
            pltpu.SemaphoreType.DMA,
        ],
    )
    def msgpass(table_hbm, idx_hbm, dst_hbm, zeros_hbm, out_hbm,
                idx_v, dst_v, rows0_v, rows1_v, acc, sem0, sem1):
        c = lax.axis_index("c")
        s = lax.axis_index("s")
        wid = c * NS + s

        pltpu.sync_copy(zeros_hbm.at[pl.ds(s * z_per_tile, z_per_tile)],
                        acc.at[pl.ds(s * z_per_tile, z_per_tile)])

        row0 = wid * cpt
        plsc.subcore_barrier()

        def sb_body(b, carry):
            r0 = row0 + b * SB
            pltpu.sync_copy(idx_hbm.at[pl.ds(r0, SB)], idx_v)
            pltpu.sync_copy(dst_hbm.at[pl.ds(r0, SB)], dst_v)
            pltpu.async_copy(table_hbm.at[idx_v.at[0]], rows0_v, sem0)
            pltpu.async_copy(table_hbm.at[idx_v.at[1]], rows1_v, sem1)

            def body(i, c2):
                g = 2 * i
                pltpu.make_async_copy(table_hbm.at[idx_v.at[0]], rows0_v, sem0).wait()
                pltpu.sync_copy(rows0_v, acc.at[dst_v.at[g]], add=True)

                @pl.when(g + 2 < SB)
                def _():
                    pltpu.async_copy(table_hbm.at[idx_v.at[g + 2]], rows0_v, sem0)

                pltpu.make_async_copy(table_hbm.at[idx_v.at[1]], rows1_v, sem1).wait()
                pltpu.sync_copy(rows1_v, acc.at[dst_v.at[g + 1]], add=True)

                @pl.when(g + 3 < SB)
                def _():
                    pltpu.async_copy(table_hbm.at[idx_v.at[g + 3]], rows1_v, sem1)

                return c2

            lax.fori_loop(0, SB // 2, body, 0)
            return carry

        lax.fori_loop(0, n_sb, sb_body, 0)

        plsc.subcore_barrier()

        @pl.when(s < NS - 1)
        def _():
            pltpu.sync_copy(acc.at[pl.ds(s * n_main, n_main)],
                            out_hbm.at[c, pl.ds(s * n_main, n_main)])

        @pl.when(s == NS - 1)
        def _():
            pltpu.sync_copy(acc.at[pl.ds((NS - 1) * n_main, n_last)],
                            out_hbm.at[c, pl.ds((NS - 1) * n_main, n_last)])

    return msgpass



def kernel(node_features, edge_index, etypes, W_edge, b_edge,
           gru_wi, gru_wh, gru_bi, gru_bh):
    N, H = node_features.shape
    E = edge_index.shape[1]
    L, T = W_edge.shape[0], W_edge.shape[1]

    src = edge_index[0]
    dst = edge_index[1]

    workers = NC * NS
    per_tile = -(-E // workers)
    per_tile = -(-per_tile // (CHUNK * 8)) * (CHUNK * 8)
    cpt = per_tile // CHUNK
    e_pad = per_tile * workers
    n_pad = -(-(N + 1) // (NS * 8)) * (NS * 8)

    flat_idx = etypes * N + src
    pad = e_pad - E
    if pad:
        flat_idx = jnp.concatenate([flat_idx, jnp.zeros((pad,), jnp.int32)])
        dst_p = jnp.concatenate([dst, jnp.full((pad,), N, jnp.int32)])
    else:
        dst_p = dst
    idx2d = flat_idx.reshape(-1, CHUNK)
    dst2d = dst_p.reshape(-1, CHUNK)
    zeros_pad = jnp.zeros((n_pad, H), jnp.float32)

    W_T = jnp.transpose(W_edge, (0, 1, 3, 2))
    wiT = jnp.transpose(gru_wi, (0, 2, 1))
    whT = jnp.transpose(gru_wh, (0, 2, 1))
    bi2 = gru_bi[:, None, :]
    bh2 = gru_bh[:, None, :]

    trans_call = _make_trans(N, H, T, BN=2000)
    gru_call = _make_gru(N, H, BN=2000)
    msgpass_call = _make_msgpass(N, H, n_pad, cpt)

    h = node_features
    for l in range(L):
        for _ in range(STEPS):
            table = trans_call(h, W_T[l], b_edge[l][:, None, :]).reshape(T * N, H)
            parts = msgpass_call(table, idx2d, dst2d, zeros_pad)
            h = gru_call(parts, h, wiT[l], whT[l], bi2[l], bh2[l])
    return h

# --- scband reference (transcript-rebuilt; emitter-appended) ---
"""Pipeline reference for scband-ggnnmodel-79001628442642 (READ-ONLY COPY).

The authoritative reference and input builder live on the scoring server;
editing this copy changes nothing except your own understanding.
"""

import jax, jax.numpy as jnp
import numpy as np

N = 10000
E = 320000
D = 128
H = 128
L = 2
STEPS = 3
ETYPES = 4


def setup_inputs(seed: int = 0) -> dict:
    key = jax.random.key(seed)
    ks = jax.random.split(key, 10)
    node_features = jax.random.normal(ks[0], (N, D), dtype=jnp.float32)
    edge_index = jax.random.randint(ks[1], (2, E), 0, N, dtype=jnp.int32)
    etypes = jax.random.randint(ks[2], (E,), 0, ETYPES, dtype=jnp.int32)
    scale = 0.05
    W_edge = jax.random.normal(ks[3], (L, ETYPES, H, H), dtype=jnp.float32) * scale
    b_edge = jax.random.normal(ks[4], (L, ETYPES, H), dtype=jnp.float32) * scale
    gru_wi = jax.random.normal(ks[5], (L, 3 * H, H), dtype=jnp.float32) * scale
    gru_wh = jax.random.normal(ks[6], (L, 3 * H, H), dtype=jnp.float32) * scale
    gru_bi = jax.random.normal(ks[7], (L, 3 * H), dtype=jnp.float32) * scale
    gru_bh = jax.random.normal(ks[8], (L, 3 * H), dtype=jnp.float32) * scale
    return {
        'node_features': node_features,
        'edge_index': edge_index,
        'etypes': etypes,
        'W_edge': W_edge,
        'b_edge': b_edge,
        'gru_wi': gru_wi,
        'gru_wh': gru_wh,
        'gru_bi': gru_bi,
        'gru_bh': gru_bh,
    }


def _gru_cell(a, h, wi, wh, bi, bh):
    # PyTorch GRUCell gate order: r, z, n
    gi = a @ wi.T + bi
    gh = h @ wh.T + bh
    i_r, i_z, i_n = jnp.split(gi, 3, axis=-1)
    h_r, h_z, h_n = jnp.split(gh, 3, axis=-1)
    r = jax.nn.sigmoid(i_r + h_r)
    z = jax.nn.sigmoid(i_z + h_z)
    n = jnp.tanh(i_n + r * h_n)
    return (1.0 - z) * n + z * h


def reference(node_features, edge_index, etypes, W_edge, b_edge, gru_wi, gru_wh, gru_bi, gru_bh):
    src = edge_index[0]
    dst = edge_index[1]
    h = node_features
    for l in range(L):
        for _ in range(STEPS):
            # dgl GatedGraphConv: message on edge of type t is linears[t](h_src).
            # Equivalently precompute per-etype node transforms then gather per edge.
            trans = jnp.einsum('nh,ekh->enk', h, W_edge[l]) + b_edge[l][:, None, :]
            msg = trans[etypes, src]
            a = jax.ops.segment_sum(msg, dst, num_segments=N)
            h = _gru_cell(a, h, gru_wi[l], gru_wh[l], gru_bi[l], gru_bh[l])
    return h

if __name__ == "__main__":
    import jax
    _d = setup_inputs()
    print(jax.jit(kernel)(*tuple(_d.values())))

</pallas_src>

<mosaic_0001>
#map = affine_map<(d0, d1) -> (0, 0)>
#map1 = affine_map<(d0, d1) -> (0, 0, 0)>
module attributes {stable_mosaic.version = 14 : i64} {
  func.func @msgpass(%arg0: i32, %arg1: i32, %arg2: memref<40000x128xf32, #tpu.memory_space<hbm>>, %arg3: memref<2560x128xi32, #tpu.memory_space<hbm>>, %arg4: memref<2560x128xi32, #tpu.memory_space<hbm>>, %arg5: memref<10112x128xf32, #tpu.memory_space<hbm>>, %arg6: memref<2x10000x128xf32, #tpu.memory_space<hbm>>, %arg7: memref<16x128xi32, #tpu.memory_space<vmem>>, %arg8: memref<16x128xi32, #tpu.memory_space<vmem>>, %arg9: memref<128x128xf32, #tpu.memory_space<vmem>>, %arg10: memref<128x128xf32, #tpu.memory_space<vmem>>, %arg11: memref<10112x128xf32, #tpu.memory_space<vmem_shared>>, %arg12: memref<!tpu.dma_semaphore, #tpu.memory_space<semaphore_mem>>, %arg13: memref<!tpu.dma_semaphore, #tpu.memory_space<semaphore_mem>>) attributes {dimension_semantics = [#tpu.dimension_semantics<core_parallel>, #tpu.dimension_semantics<subcore_parallel>], iteration_bounds = array<i64: 2, 16>, scalar_prefetch = 0 : i64, scratch_operands = 7 : i64, tpu.core_type = #tpu.core_type<sc_vector_subcore>, window_params = [{transform_indices = #map}, {transform_indices = #map}, {transform_indices = #map}, {transform_indices = #map}, {transform_indices = #map1}]} {
    %mul3A = arith.constant 16 : i32
    %mul3A_0 = arith.muli %arg0, %mul3A : i32
    %add3A = arith.addi %mul3A_0, %arg1 : i32
    %mul3A_1 = arith.constant 632 : i32
    %mul3A_2 = arith.muli %arg1, %mul3A_1 : i32
    %mul3A_3 = arith.constant 632 : i32
    %mul3A_4 = arith.muli %arg1, %mul3A_3 : i32
    "tpu.region"() ({
      %run_scoped3A = tpu.sem_alloc : memref<!tpu.dma_semaphore, #tpu.memory_space<semaphore_mem>>
      %dma_start3A = arith.constant 0 : i32
      %dma_start3A_19 = tpu.memref_slice %arg11[%mul3A_4, %dma_start3A] : memref<10112x128xf32, #tpu.memory_space<vmem_shared>> -> memref<632x128xf32, #tpu.memory_space<vmem_shared>>
      %dma_start3A_20 = arith.constant 0 : i32
      %dma_start3A_21 = tpu.memref_slice %arg5[%mul3A_2, %dma_start3A_20] : memref<10112x128xf32, #tpu.memory_space<hbm>> -> memref<632x128xf32, #tpu.memory_space<hbm>>
      tpu.enqueue_dma source(%dma_start3A_21 : memref<632x128xf32, #tpu.memory_space<hbm>>) target(%dma_start3A_19 : memref<632x128xf32, #tpu.memory_space<vmem_shared>>) target_semaphore(%run_scoped3A : memref<!tpu.dma_semaphore, #tpu.memory_space<semaphore_mem>>)
      %dma_wait3A = arith.constant 0 : i32
      %dma_wait3A_22 = tpu.memref_slice %arg11[%mul3A_4, %dma_wait3A] : memref<10112x128xf32, #tpu.memory_space<vmem_shared>> -> memref<632x128xf32, #tpu.memory_space<vmem_shared>>
      %dma_wait3A_23 = arith.constant 0 : i32
      %dma_wait3A_24 = tpu.memref_slice %arg5[%mul3A_2, %dma_wait3A_23] : memref<10112x128xf32, #tpu.memory_space<hbm>> -> memref<632x128xf32, #tpu.memory_space<hbm>>
      tpu.wait_dma2 semaphore(%run_scoped3A : memref<!tpu.dma_semaphore, #tpu.memory_space<semaphore_mem>>) src(%dma_wait3A_24 : memref<632x128xf32, #tpu.memory_space<hbm>>) dst(%dma_wait3A_22 : memref<632x128xf32, #tpu.memory_space<vmem_shared>>)
      tpu.yield
    }) : () -> ()
    %mul3A_5 = arith.constant 80 : i32
    %mul3A_6 = arith.muli %add3A, %mul3A_5 : i32
    %barrier3A = arith.constant 0 : index
    tpu.barrier barrier_id(%barrier3A)
    %scan3A = arith.constant 0 : i32
    %scan3A_7 = arith.constant 0 : i32
    %scan3A_8 = arith.constant 5 : i32
    %scan3A_9 = arith.addi %scan3A_7, %scan3A_8 : i32
    %scan3A_10 = arith.constant 1 : i32
    scf.for %scan3A_19 = %scan3A_7 to %scan3A_9 step %scan3A_10  : i32 {
      %mul3A_20 = arith.constant 16 : i32
      %mul3A_21 = arith.muli %scan3A_19, %mul3A_20 : i32
      %add3A_22 = arith.addi %mul3A_6, %mul3A_21 : i32
      "tpu.region"() ({
        %run_scoped3A = tpu.sem_alloc : memref<!tpu.dma_semaphore, #tpu.memory_space<semaphore_mem>>
        %dma_start3A_42 = arith.constant 0 : i32
        %dma_start3A_43 = tpu.memref_slice %arg3[%add3A_22, %dma_start3A_42] : memref<2560x128xi32, #tpu.memory_space<hbm>> -> memref<16x128xi32, #tpu.memory_space<hbm>>
        %dma_start3A_44 = arith.constant 0 : i32
        %dma_start3A_45 = tpu.memref_slice %arg3[%add3A_22, %dma_start3A_44] : memref<2560x128xi32, #tpu.memory_space<hbm>> -> memref<16x128xi32, #tpu.memory_space<hbm>>
        tpu.enqueue_dma source(%dma_start3A_45 : memref<16x128xi32, #tpu.memory_space<hbm>>) target(%arg7 : memref<16x128xi32, #tpu.memory_space<vmem>>) target_semaphore(%run_scoped3A : memref<!tpu.dma_semaphore, #tpu.memory_space<semaphore_mem>>)
        %dma_wait3A = arith.constant 0 : i32
        %dma_wait3A_46 = tpu.memref_slice %arg3[%add3A_22, %dma_wait3A] : memref<2560x128xi32, #tpu.memory_space<hbm>> -> memref<16x128xi32, #tpu.memory_space<hbm>>
        %dma_wait3A_47 = arith.constant 0 : i32
        %dma_wait3A_48 = tpu.memref_slice %arg3[%add3A_22, %dma_wait3A_47] : memref<2560x128xi32, #tpu.memory_space<hbm>> -> memref<16x128xi32, #tpu.memory_space<hbm>>
        tpu.wait_dma2 semaphore(%run_scoped3A : memref<!tpu.dma_semaphore, #tpu.memory_space<semaphore_mem>>) src(%dma_wait3A_48 : memref<16x128xi32, #tpu.memory_space<hbm>>) dst(%arg7 : memref<16x128xi32, #tpu.memory_space<vmem>>)
        tpu.yield
      }) : () -> ()
      "tpu.region"() ({
        %run_scoped3A = tpu.sem_alloc : memref<!tpu.dma_semaphore, #tpu.memory_space<semaphore_mem>>
        %dma_start3A_42 = arith.constant 0 : i32
        %dma_start3A_43 = tpu.memref_slice %arg4[%add3A_22, %dma_start3A_42] : memref<2560x128xi32, #tpu.memory_space<hbm>> -> memref<16x128xi32, #tpu.memory_space<hbm>>
        %dma_start3A_44 = arith.constant 0 : i32
        %dma_start3A_45 = tpu.memref_slice %arg4[%add3A_22, %dma_start3A_44] : memref<2560x128xi32, #tpu.memory_space<hbm>> -> memref<16x128xi32, #tpu.memory_space<hbm>>
        tpu.enqueue_dma source(%dma_start3A_45 : memref<16x128xi32, #tpu.memory_space<hbm>>) target(%arg8 : memref<16x128xi32, #tpu.memory_space<vmem>>) target_semaphore(%run_scoped3A : memref<!tpu.dma_semaphore, #tpu.memory_space<semaphore_mem>>)
        %dma_wait3A = arith.constant 0 : i32
        %dma_wait3A_46 = tpu.memref_slice %arg4[%add3A_22, %dma_wait3A] : memref<2560x128xi32, #tpu.memory_space<hbm>> -> memref<16x128xi32, #tpu.memory_space<hbm>>
        %dma_wait3A_47 = arith.constant 0 : i32
        %dma_wait3A_48 = tpu.memref_slice %arg4[%add3A_22, %dma_wait3A_47] : memref<2560x128xi32, #tpu.memory_space<hbm>> -> memref<16x128xi32, #tpu.memory_space<hbm>>
        tpu.wait_dma2 semaphore(%run_scoped3A : memref<!tpu.dma_semaphore, #tpu.memory_space<semaphore_mem>>) src(%dma_wait3A_48 : memref<16x128xi32, #tpu.memory_space<hbm>>) dst(%arg8 : memref<16x128xi32, #tpu.memory_space<vmem>>)
        tpu.yield
      }) : () -> ()
      %dma_start3A = arith.constant 0 : i32
      %dma_start3A_23 = arith.constant 0 : i32
      %dma_start3A_24 = tpu.memref_slice %arg7[%dma_start3A, %dma_start3A_23] : memref<16x128xi32, #tpu.memory_space<vmem>> -> memref<1x128xi32, #tpu.memory_space<vmem>>
      %dma_start3A_25 = tpu.memref_squeeze %dma_start3A_24 : memref<1x128xi32, #tpu.memory_space<vmem>> -> memref<128xi32, #tpu.memory_space<vmem>>
      %dma_start3A_26 = arith.constant 0 : i32
      %dma_start3A_27 = arith.constant 0 : i32
      %dma_start3A_28 = tpu.memref_slice %arg2[%dma_start3A_26, %dma_start3A_27] : memref<40000x128xf32, #tpu.memory_space<hbm>> -> memref<40000x128xf32, #tpu.memory_space<hbm>>
      tpu.enqueue_indirect_dma source(%dma_start3A_28 : memref<40000x128xf32, #tpu.memory_space<hbm>>) target(%arg9 : memref<128x128xf32, #tpu.memory_space<vmem>>) offsets(%dma_start3A_25 : memref<128xi32, #tpu.memory_space<vmem>>) semaphore(%arg12 : memref<!tpu.dma_semaphore, #tpu.memory_space<semaphore_mem>>)
      %dma_start3A_29 = arith.constant 1 : i32
      %dma_start3A_30 = arith.constant 0 : i32
      %dma_start3A_31 = tpu.memref_slice %arg7[%dma_start3A_29, %dma_start3A_30] : memref<16x128xi32, #tpu.memory_space<vmem>> -> memref<1x128xi32, #tpu.memory_space<vmem>>
      %dma_start3A_32 = tpu.memref_squeeze %dma_start3A_31 : memref<1x128xi32, #tpu.memory_space<vmem>> -> memref<128xi32, #tpu.memory_space<vmem>>
      %dma_start3A_33 = arith.constant 0 : i32
      %dma_start3A_34 = arith.constant 0 : i32
      %dma_start3A_35 = tpu.memref_slice %arg2[%dma_start3A_33, %dma_start3A_34] : memref<40000x128xf32, #tpu.memory_space<hbm>> -> memref<40000x128xf32, #tpu.memory_space<hbm>>
      tpu.enqueue_indirect_dma source(%dma_start3A_35 : memref<40000x128xf32, #tpu.memory_space<hbm>>) target(%arg10 : memref<128x128xf32, #tpu.memory_space<vmem>>) offsets(%dma_start3A_32 : memref<128xi32, #tpu.memory_space<vmem>>) semaphore(%arg13 : memref<!tpu.dma_semaphore, #tpu.memory_space<semaphore_mem>>)
      %scan3A_36 = arith.constant 0 : i32
      %scan3A_37 = arith.constant 0 : i32
      %scan3A_38 = arith.constant 8 : i32
      %scan3A_39 = arith.addi %scan3A_37, %scan3A_38 : i32
      %scan3A_40 = arith.constant 1 : i32
      scf.for %scan3A_42 = %scan3A_37 to %scan3A_39 step %scan3A_40  : i32 {
        %mul3A_43 = arith.constant 2 : i32
        %mul3A_44 = arith.muli %mul3A_43, %scan3A_42 : i32
        %dma_wait3A = arith.constant 0 : i32
        %dma_wait3A_45 = arith.constant 0 : i32
        %dma_wait3A_46 = tpu.memref_slice %arg7[%dma_wait3A, %dma_wait3A_45] : memref<16x128xi32, #tpu.memory_space<vmem>> -> memref<1x128xi32, #tpu.memory_space<vmem>>
        %dma_wait3A_47 = tpu.memref_squeeze %dma_wait3A_46 : memref<1x128xi32, #tpu.memory_space<vmem>> -> memref<128xi32, #tpu.memory_space<vmem>>
        %dma_wait3A_48 = arith.constant 0 : i32
        %dma_wait3A_49 = arith.constant 0 : i32
        %dma_wait3A_50 = tpu.memref_slice %arg2[%dma_wait3A_48, %dma_wait3A_49] : memref<40000x128xf32, #tpu.memory_space<hbm>> -> memref<40000x128xf32, #tpu.memory_space<hbm>>
        tpu.wait_indirect_dma semaphore(%arg12 : memref<!tpu.dma_semaphore, #tpu.memory_space<semaphore_mem>>) src(%dma_wait3A_50 : memref<40000x128xf32, #tpu.memory_space<hbm>>) dst(%arg9 : memref<128x128xf32, #tpu.memory_space<vmem>>)
        "tpu.region"() ({
          %run_scoped3A = tpu.sem_alloc : memref<!tpu.dma_semaphore, #tpu.memory_space<semaphore_mem>>
          %dma_start3A_74 = arith.constant 0 : i32
          %dma_start3A_75 = tpu.memref_slice %arg8[%mul3A_44, %dma_start3A_74] : memref<16x128xi32, #tpu.memory_space<vmem>> -> memref<1x128xi32, #tpu.memory_space<vmem>>
          %dma_start3A_76 = tpu.memref_squeeze %dma_start3A_75 : memref<1x128xi32, #tpu.memory_space<vmem>> -> memref<128xi32, #tpu.memory_space<vmem>>
          %dma_start3A_77 = arith.constant 0 : i32
          %dma_start3A_78 = arith.constant 0 : i32
          %dma_start3A_79 = tpu.memref_slice %arg11[%dma_start3A_77, %dma_start3A_78] : memref<10112x128xf32, #tpu.memory_space<vmem_shared>> -> memref<10112x128xf32, #tpu.memory_space<vmem_shared>>
          tpu.enqueue_indirect_dma source(%arg9 : memref<128x128xf32, #tpu.memory_space<vmem>>) target(%dma_start3A_79 : memref<10112x128xf32, #tpu.memory_space<vmem_shared>>) offsets(%dma_start3A_76 : memref<128xi32, #tpu.memory_space<vmem>>) semaphore(%run_scoped3A : memref<!tpu.dma_semaphore, #tpu.memory_space<semaphore_mem>>) {add = true}
          %dma_wait3A_80 = arith.constant 0 : i32
          %dma_wait3A_81 = tpu.memref_slice %arg8[%mul3A_44, %dma_wait3A_80] : memref<16x128xi32, #tpu.memory_space<vmem>> -> memref<1x128xi32, #tpu.memory_space<vmem>>
          %dma_wait3A_82 = tpu.memref_squeeze %dma_wait3A_81 : memref<1x128xi32, #tpu.memory_space<vmem>> -> memref<128xi32, #tpu.memory_space<vmem>>
          %dma_wait3A_83 = arith.constant 0 : i32
          %dma_wait3A_84 = arith.constant 0 : i32
          %dma_wait3A_85 = tpu.memref_slice %arg11[%dma_wait3A_83, %dma_wait3A_84] : memref<10112x128xf32, #tpu.memory_space<vmem_shared>> -> memref<10112x128xf32, #tpu.memory_space<vmem_shared>>
          tpu.wait_indirect_dma semaphore(%run_scoped3A : memref<!tpu.dma_semaphore, #tpu.memory_space<semaphore_mem>>) src(%arg9 : memref<128x128xf32, #tpu.memory_space<vmem>>) dst(%dma_wait3A_85 : memref<10112x128xf32, #tpu.memory_space<vmem_shared>>)
          tpu.yield
        }) : () -> ()
        %add3A_51 = arith.constant 2 : i32
        %add3A_52 = arith.addi %mul3A_44, %add3A_51 : i32
        %lt3A_53 = arith.constant 16 : i32
        %lt3A_54 = arith.cmpi slt, %add3A_52, %lt3A_53 : i32
        %convert_element_type3A_55 = arith.extui %lt3A_54 : i1 to i32
        %cond3A_56 = arith.constant 0 : i32
        %cond3A_57 = arith.cmpi ne, %convert_element_type3A_55, %cond3A_56 : i32
        scf.if %cond3A_57 {
          %add3A_74 = arith.constant 2 : i32
          %add3A_75 = arith.addi %mul3A_44, %add3A_74 : i32
          %dma_start3A_76 = arith.constant 0 : i32
          %dma_start3A_77 = tpu.memref_slice %arg7[%add3A_75, %dma_start3A_76] : memref<16x128xi32, #tpu.memory_space<vmem>> -> memref<1x128xi32, #tpu.memory_space<vmem>>
          %dma_start3A_78 = tpu.memref_squeeze %dma_start3A_77 : memref<1x128xi32, #tpu.memory_space<vmem>> -> memref<128xi32, #tpu.memory_space<vmem>>
          %dma_start3A_79 = arith.constant 0 : i32
          %dma_start3A_80 = arith.constant 0 : i32
          %dma_start3A_81 = tpu.memref_slice %arg2[%dma_start3A_79, %dma_start3A_80] : memref<40000x128xf32, #tpu.memory_space<hbm>> -> memref<40000x128xf32, #tpu.memory_space<hbm>>
          tpu.enqueue_indirect_dma source(%dma_start3A_81 : memref<40000x128xf32, #tpu.memory_space<hbm>>) target(%arg9 : memref<128x128xf32, #tpu.memory_space<vmem>>) offsets(%dma_start3A_78 : memref<128xi32, #tpu.memory_space<vmem>>) semaphore(%arg12 : memref<!tpu.dma_semaphore, #tpu.memory_space<semaphore_mem>>)
        } else {
        }
        %dma_wait3A_58 = arith.constant 1 : i32
        %dma_wait3A_59 = arith.constant 0 : i32
        %dma_wait3A_60 = tpu.memref_slice %arg7[%dma_wait3A_58, %dma_wait3A_59] : memref<16x128xi32, #tpu.memory_space<vmem>> -> memref<1x128xi32, #tpu.memory_space<vmem>>
        %dma_wait3A_61 = tpu.memref_squeeze %dma_wait3A_60 : memref<1x128xi32, #tpu.memory_space<vmem>> -> memref<128xi32, #tpu.memory_space<vmem>>
        %dma_wait3A_62 = arith.constant 0 : i32
        %dma_wait3A_63 = arith.constant 0 : i32
        %dma_wait3A_64 = tpu.memref_slice %arg2[%dma_wait3A_62, %dma_wait3A_63] : memref<40000x128xf32, #tpu.memory_space<hbm>> -> memref<40000x128xf32, #tpu.memory_space<hbm>>
        tpu.wait_indirect_dma semaphore(%arg13 : memref<!tpu.dma_semaphore, #tpu.memory_space<semaphore_mem>>) src(%dma_wait3A_64 : memref<40000x128xf32, #tpu.memory_space<hbm>>) dst(%arg10 : memref<128x128xf32, #tpu.memory_space<vmem>>)
        %add3A_65 = arith.constant 1 : i32
        %add3A_66 = arith.addi %mul3A_44, %add3A_65 : i32
        "tpu.region"() ({
          %run_scoped3A = tpu.sem_alloc : memref<!tpu.dma_semaphore, #tpu.memory_space<semaphore_mem>>
          %dma_start3A_74 = arith.constant 0 : i32
          %dma_start3A_75 = tpu.memref_slice %arg8[%add3A_66, %dma_start3A_74] : memref<16x128xi32, #tpu.memory_space<vmem>> -> memref<1x128xi32, #tpu.memory_space<vmem>>
          %dma_start3A_76 = tpu.memref_squeeze %dma_start3A_75 : memref<1x128xi32, #tpu.memory_space<vmem>> -> memref<128xi32, #tpu.memory_space<vmem>>
          %dma_start3A_77 = arith.constant 0 : i32
          %dma_start3A_78 = arith.constant 0 : i32
          %dma_start3A_79 = tpu.memref_slice %arg11[%dma_start3A_77, %dma_start3A_78] : memref<10112x128xf32, #tpu.memory_space<vmem_shared>> -> memref<10112x128xf32, #tpu.memory_space<vmem_shared>>
          tpu.enqueue_indirect_dma source(%arg10 : memref<128x128xf32, #tpu.memory_space<vmem>>) target(%dma_start3A_79 : memref<10112x128xf32, #tpu.memory_space<vmem_shared>>) offsets(%dma_start3A_76 : memref<128xi32, #tpu.memory_space<vmem>>) semaphore(%run_scoped3A : memref<!tpu.dma_semaphore, #tpu.memory_space<semaphore_mem>>) {add = true}
          %dma_wait3A_80 = arith.constant 0 : i32
          %dma_wait3A_81 = tpu.memref_slice %arg8[%add3A_66, %dma_wait3A_80] : memref<16x128xi32, #tpu.memory_space<vmem>> -> memref<1x128xi32, #tpu.memory_space<vmem>>
          %dma_wait3A_82 = tpu.memref_squeeze %dma_wait3A_81 : memref<1x128xi32, #tpu.memory_space<vmem>> -> memref<128xi32, #tpu.memory_space<vmem>>
          %dma_wait3A_83 = arith.constant 0 : i32
          %dma_wait3A_84 = arith.constant 0 : i32
          %dma_wait3A_85 = tpu.memref_slice %arg11[%dma_wait3A_83, %dma_wait3A_84] : memref<10112x128xf32, #tpu.memory_space<vmem_shared>> -> memref<10112x128xf32, #tpu.memory_space<vmem_shared>>
          tpu.wait_indirect_dma semaphore(%run_scoped3A : memref<!tpu.dma_semaphore, #tpu.memory_space<semaphore_mem>>) src(%arg10 : memref<128x128xf32, #tpu.memory_space<vmem>>) dst(%dma_wait3A_85 : memref<10112x128xf32, #tpu.memory_space<vmem_shared>>)
          tpu.yield
        }) : () -> ()
        %add3A_67 = arith.constant 3 : i32
        %add3A_68 = arith.addi %mul3A_44, %add3A_67 : i32
        %lt3A_69 = arith.constant 16 : i32
        %lt3A_70 = arith.cmpi slt, %add3A_68, %lt3A_69 : i32
        %convert_element_type3A_71 = arith.extui %lt3A_70 : i1 to i32
        %cond3A_72 = arith.constant 0 : i32
        %cond3A_73 = arith.cmpi ne, %convert_element_type3A_71, %cond3A_72 : i32
        scf.if %cond3A_73 {
          %add3A_74 = arith.constant 3 : i32
          %add3A_75 = arith.addi %mul3A_44, %add3A_74 : i32
          %dma_start3A_76 = arith.constant 0 : i32
          %dma_start3A_77 = tpu.memref_slice %arg7[%add3A_75, %dma_start3A_76] : memref<16x128xi32, #tpu.memory_space<vmem>> -> memref<1x128xi32, #tpu.memory_space<vmem>>
          %dma_start3A_78 = tpu.memref_squeeze %dma_start3A_77 : memref<1x128xi32, #tpu.memory_space<vmem>> -> memref<128xi32, #tpu.memory_space<vmem>>
          %dma_start3A_79 = arith.constant 0 : i32
          %dma_start3A_80 = arith.constant 0 : i32
          %dma_start3A_81 = tpu.memref_slice %arg2[%dma_start3A_79, %dma_start3A_80] : memref<40000x128xf32, #tpu.memory_space<hbm>> -> memref<40000x128xf32, #tpu.memory_space<hbm>>
          tpu.enqueue_indirect_dma source(%dma_start3A_81 : memref<40000x128xf32, #tpu.memory_space<hbm>>) target(%arg10 : memref<128x128xf32, #tpu.memory_space<vmem>>) offsets(%dma_start3A_78 : memref<128xi32, #tpu.memory_space<vmem>>) semaphore(%arg13 : memref<!tpu.dma_semaphore, #tpu.memory_space<semaphore_mem>>)
        } else {
        }
      }
      %scan3A_41 = arith.constant 8 : i32
    }
    %scan3A_11 = arith.constant 5 : i32
    %barrier3A_12 = arith.constant 0 : index
    tpu.barrier barrier_id(%barrier3A_12)
    %lt3A = arith.constant 15 : i32
    %lt3A_13 = arith.cmpi slt, %arg1, %lt3A : i32
    %convert_element_type3A = arith.extui %lt3A_13 : i1 to i32
    %cond3A = arith.constant 0 : i32
    %cond3A_14 = arith.cmpi ne, %convert_element_type3A, %cond3A : i32
    scf.if %cond3A_14 {
      %mul3A_19 = arith.constant 624 : i32
      %mul3A_20 = arith.muli %arg1, %mul3A_19 : i32
      %mul3A_21 = arith.constant 624 : i32
      %mul3A_22 = arith.muli %arg1, %mul3A_21 : i32
      "tpu.region"() ({
        %run_scoped3A = tpu.sem_alloc : memref<!tpu.dma_semaphore, #tpu.memory_space<semaphore_mem>>
        %dma_start3A = arith.constant 0 : i32
        %dma_start3A_23 = tpu.memref_slice %arg6[%arg0, %mul3A_22, %dma_start3A] : memref<2x10000x128xf32, #tpu.memory_space<hbm>> -> memref<1x624x128xf32, #tpu.memory_space<hbm>>
        %dma_start3A_24 = tpu.memref_squeeze %dma_start3A_23 : memref<1x624x128xf32, #tpu.memory_space<hbm>> -> memref<624x128xf32, #tpu.memory_space<hbm>>
        %dma_start3A_25 = arith.constant 0 : i32
        %dma_start3A_26 = tpu.memref_slice %arg11[%mul3A_20, %dma_start3A_25] : memref<10112x128xf32, #tpu.memory_space<vmem_shared>> -> memref<624x128xf32, #tpu.memory_space<vmem_shared>>
        tpu.enqueue_dma source(%dma_start3A_26 : memref<624x128xf32, #tpu.memory_space<vmem_shared>>) target(%dma_start3A_24 : memref<624x128xf32, #tpu.memory_space<hbm>>) target_semaphore(%run_scoped3A : memref<!tpu.dma_semaphore, #tpu.memory_space<semaphore_mem>>)
        %dma_wait3A = arith.constant 0 : i32
        %dma_wait3A_27 = tpu.memref_slice %arg6[%arg0, %mul3A_22, %dma_wait3A] : memref<2x10000x128xf32, #tpu.memory_space<hbm>> -> memref<1x624x128xf32, #tpu.memory_space<hbm>>
        %dma_wait3A_28 = tpu.memref_squeeze %dma_wait3A_27 : memref<1x624x128xf32, #tpu.memory_space<hbm>> -> memref<624x128xf32, #tpu.memory_space<hbm>>
        %dma_wait3A_29 = arith.constant 0 : i32
        %dma_wait3A_30 = tpu.memref_slice %arg11[%mul3A_20, %dma_wait3A_29] : memref<10112x128xf32, #tpu.memory_space<vmem_shared>> -> memref<624x128xf32, #tpu.memory_space<vmem_shared>>
        tpu.wait_dma2 semaphore(%run_scoped3A : memref<!tpu.dma_semaphore, #tpu.memory_space<semaphore_mem>>) src(%dma_wait3A_30 : memref<624x128xf32, #tpu.memory_space<vmem_shared>>) dst(%dma_wait3A_28 : memref<624x128xf32, #tpu.memory_space<hbm>>)
        tpu.yield
      }) : () -> ()
    } else {
    }
    %eq3A = arith.constant 15 : i32
    %eq3A_15 = arith.cmpi eq, %arg1, %eq3A : i32
    %convert_element_type3A_16 = arith.extui %eq3A_15 : i1 to i32
    %cond3A_17 = arith.constant 0 : i32
    %cond3A_18 = arith.cmpi ne, %convert_element_type3A_16, %cond3A_17 : i32
    scf.if %cond3A_18 {
      "tpu.region"() ({
        %run_scoped3A = tpu.sem_alloc : memref<!tpu.dma_semaphore, #tpu.memory_space<semaphore_mem>>
        %dma_start3A = arith.constant 9360 : i32
        %dma_start3A_19 = arith.constant 0 : i32
        %dma_start3A_20 = tpu.memref_slice %arg6[%arg0, %dma_start3A, %dma_start3A_19] : memref<2x10000x128xf32, #tpu.memory_space<hbm>> -> memref<1x640x128xf32, #tpu.memory_space<hbm>>
        %dma_start3A_21 = tpu.memref_squeeze %dma_start3A_20 : memref<1x640x128xf32, #tpu.memory_space<hbm>> -> memref<640x128xf32, #tpu.memory_space<hbm>>
        %dma_start3A_22 = arith.constant 9360 : i32
        %dma_start3A_23 = arith.constant 0 : i32
        %dma_start3A_24 = tpu.memref_slice %arg11[%dma_start3A_22, %dma_start3A_23] : memref<10112x128xf32, #tpu.memory_space<vmem_shared>> -> memref<640x128xf32, #tpu.memory_space<vmem_shared>>
        tpu.enqueue_dma source(%dma_start3A_24 : memref<640x128xf32, #tpu.memory_space<vmem_shared>>) target(%dma_start3A_21 : memref<640x128xf32, #tpu.memory_space<hbm>>) target_semaphore(%run_scoped3A : memref<!tpu.dma_semaphore, #tpu.memory_space<semaphore_mem>>)
        %dma_wait3A = arith.constant 9360 : i32
        %dma_wait3A_25 = arith.constant 0 : i32
        %dma_wait3A_26 = tpu.memref_slice %arg6[%arg0, %dma_wait3A, %dma_wait3A_25] : memref<2x10000x128xf32, #tpu.memory_space<hbm>> -> memref<1x640x128xf32, #tpu.memory_space<hbm>>
        %dma_wait3A_27 = tpu.memref_squeeze %dma_wait3A_26 : memref<1x640x128xf32, #tpu.memory_space<hbm>> -> memref<640x128xf32, #tpu.memory_space<hbm>>
        %dma_wait3A_28 = arith.constant 9360 : i32
        %dma_wait3A_29 = arith.constant 0 : i32
        %dma_wait3A_30 = tpu.memref_slice %arg11[%dma_wait3A_28, %dma_wait3A_29] : memref<10112x128xf32, #tpu.memory_space<vmem_shared>> -> memref<640x128xf32, #tpu.memory_space<vmem_shared>>
        tpu.wait_dma2 semaphore(%run_scoped3A : memref<!tpu.dma_semaphore, #tpu.memory_space<semaphore_mem>>) src(%dma_wait3A_30 : memref<640x128xf32, #tpu.memory_space<vmem_shared>>) dst(%dma_wait3A_27 : memref<640x128xf32, #tpu.memory_space<hbm>>)
        tpu.yield
      }) : () -> ()
    } else {
    }
    return
  }
}

#map = affine_map<(d0, d1) -> (0, 0)>
#map1 = affine_map<(d0, d1) -> (0, 0, 0)>
module attributes {stable_mosaic.version = 14 : i64} {
  func.func @msgpass(%arg0: i32, %arg1: i32, %arg2: memref<40000x128xf32, #tpu.memory_space<hbm>>, %arg3: memref<2560x128xi32, #tpu.memory_space<hbm>>, %arg4: memref<2560x128xi32, #tpu.memory_space<hbm>>, %arg5: memref<10112x128xf32, #tpu.memory_space<hbm>>, %arg6: memref<2x10000x128xf32, #tpu.memory_space<hbm>>, %arg7: memref<16x128xi32, #tpu.memory_space<vmem>>, %arg8: memref<16x128xi32, #tpu.memory_space<vmem>>, %arg9: memref<128x128xf32, #tpu.memory_space<vmem>>, %arg10: memref<128x128xf32, #tpu.memory_space<vmem>>, %arg11: memref<10112x128xf32, #tpu.memory_space<vmem_shared>>, %arg12: memref<!tpu.dma_semaphore, #tpu.memory_space<semaphore_mem>>, %arg13: memref<!tpu.dma_semaphore, #tpu.memory_space<semaphore_mem>>) attributes {dimension_semantics = [#tpu.dimension_semantics<core_parallel>, #tpu.dimension_semantics<subcore_parallel>], iteration_bounds = array<i64: 2, 16>, scalar_prefetch = 0 : i64, scratch_operands = 7 : i64, tpu.core_type = #tpu.core_type<sc_vector_subcore>, window_params = [{transform_indices = #map}, {transform_indices = #map}, {transform_indices = #map}, {transform_indices = #map}, {transform_indices = #map1}]} {
    %mul3A = arith.constant 16 : i32
    %mul3A_0 = arith.muli %arg0, %mul3A : i32
    %add3A = arith.addi %mul3A_0, %arg1 : i32
    %mul3A_1 = arith.constant 632 : i32
    %mul3A_2 = arith.muli %arg1, %mul3A_1 : i32
    %mul3A_3 = arith.constant 632 : i32
    %mul3A_4 = arith.muli %arg1, %mul3A_3 : i32
    "tpu.region"() ({
      %run_scoped3A = tpu.sem_alloc : memref<!tpu.dma_semaphore, #tpu.memory_space<semaphore_mem>>
      %dma_start3A = arith.constant 0 : i32
      %dma_start3A_19 = tpu.memref_slice %arg11[%mul3A_4, %dma_start3A] : memref<10112x128xf32, #tpu.memory_space<vmem_shared>> -> memref<632x128xf32, #tpu.memory_space<vmem_shared>>
      %dma_start3A_20 = arith.constant 0 : i32
      %dma_start3A_21 = tpu.memref_slice %arg5[%mul3A_2, %dma_start3A_20] : memref<10112x128xf32, #tpu.memory_space<hbm>> -> memref<632x128xf32, #tpu.memory_space<hbm>>
      tpu.enqueue_dma source(%dma_start3A_21 : memref<632x128xf32, #tpu.memory_space<hbm>>) target(%dma_start3A_19 : memref<632x128xf32, #tpu.memory_space<vmem_shared>>) target_semaphore(%run_scoped3A : memref<!tpu.dma_semaphore, #tpu.memory_space<semaphore_mem>>)
      %dma_wait3A = arith.constant 0 : i32
      %dma_wait3A_22 = tpu.memref_slice %arg11[%mul3A_4, %dma_wait3A] : memref<10112x128xf32, #tpu.memory_space<vmem_shared>> -> memref<632x128xf32, #tpu.memory_space<vmem_shared>>
      %dma_wait3A_23 = arith.constant 0 : i32
      %dma_wait3A_24 = tpu.memref_slice %arg5[%mul3A_2, %dma_wait3A_23] : memref<10112x128xf32, #tpu.memory_space<hbm>> -> memref<632x128xf32, #tpu.memory_space<hbm>>
      tpu.wait_dma2 semaphore(%run_scoped3A : memref<!tpu.dma_semaphore, #tpu.memory_space<semaphore_mem>>) src(%dma_wait3A_24 : memref<632x128xf32, #tpu.memory_space<hbm>>) dst(%dma_wait3A_22 : memref<632x128xf32, #tpu.memory_space<vmem_shared>>)
      tpu.yield
    }) : () -> ()
    %mul3A_5 = arith.constant 80 : i32
    %mul3A_6 = arith.muli %add3A, %mul3A_5 : i32
    %barrier3A = arith.constant 0 : index
    tpu.barrier barrier_id(%barrier3A)
    %scan3A = arith.constant 0 : i32
    %scan3A_7 = arith.constant 0 : i32
    %scan3A_8 = arith.constant 5 : i32
    %scan3A_9 = arith.addi %scan3A_7, %scan3A_8 : i32
    %scan3A_10 = arith.constant 1 : i32
    scf.for %scan3A_19 = %scan3A_7 to %scan3A_9 step %scan3A_10  : i32 {
      %mul3A_20 = arith.constant 16 : i32
      %mul3A_21 = arith.muli %scan3A_19, %mul3A_20 : i32
      %add3A_22 = arith.addi %mul3A_6, %mul3A_21 : i32
      "tpu.region"() ({
        %run_scoped3A = tpu.sem_alloc : memref<!tpu.dma_semaphore, #tpu.memory_space<semaphore_mem>>
        %dma_start3A_42 = arith.constant 0 : i32
        %dma_start3A_43 = tpu.memref_slice %arg3[%add3A_22, %dma_start3A_42] : memref<2560x128xi32, #tpu.memory_space<hbm>> -> memref<16x128xi32, #tpu.memory_space<hbm>>
        %dma_start3A_44 = arith.constant 0 : i32
        %dma_start3A_45 = tpu.memref_slice %arg3[%add3A_22, %dma_start3A_44] : memref<2560x128xi32, #tpu.memory_space<hbm>> -> memref<16x128xi32, #tpu.memory_space<hbm>>
        tpu.enqueue_dma source(%dma_start3A_45 : memref<16x128xi32, #tpu.memory_space<hbm>>) target(%arg7 : memref<16x128xi32, #tpu.memory_space<vmem>>) target_semaphore(%run_scoped3A : memref<!tpu.dma_semaphore, #tpu.memory_space<semaphore_mem>>)
        %dma_wait3A = arith.constant 0 : i32
        %dma_wait3A_46 = tpu.memref_slice %arg3[%add3A_22, %dma_wait3A] : memref<2560x128xi32, #tpu.memory_space<hbm>> -> memref<16x128xi32, #tpu.memory_space<hbm>>
        %dma_wait3A_47 = arith.constant 0 : i32
        %dma_wait3A_48 = tpu.memref_slice %arg3[%add3A_22, %dma_wait3A_47] : memref<2560x128xi32, #tpu.memory_space<hbm>> -> memref<16x128xi32, #tpu.memory_space<hbm>>
        tpu.wait_dma2 semaphore(%run_scoped3A : memref<!tpu.dma_semaphore, #tpu.memory_space<semaphore_mem>>) src(%dma_wait3A_48 : memref<16x128xi32, #tpu.memory_space<hbm>>) dst(%arg7 : memref<16x128xi32, #tpu.memory_space<vmem>>)
        tpu.yield
      }) : () -> ()
      "tpu.region"() ({
        %run_scoped3A = tpu.sem_alloc : memref<!tpu.dma_semaphore, #tpu.memory_space<semaphore_mem>>
        %dma_start3A_42 = arith.constant 0 : i32
        %dma_start3A_43 = tpu.memref_slice %arg4[%add3A_22, %dma_start3A_42] : memref<2560x128xi32, #tpu.memory_space<hbm>> -> memref<16x128xi32, #tpu.memory_space<hbm>>
        %dma_start3A_44 = arith.constant 0 : i32
        %dma_start3A_45 = tpu.memref_slice %arg4[%add3A_22, %dma_start3A_44] : memref<2560x128xi32, #tpu.memory_space<hbm>> -> memref<16x128xi32, #tpu.memory_space<hbm>>
        tpu.enqueue_dma source(%dma_start3A_45 : memref<16x128xi32, #tpu.memory_space<hbm>>) target(%arg8 : memref<16x128xi32, #tpu.memory_space<vmem>>) target_semaphore(%run_scoped3A : memref<!tpu.dma_semaphore, #tpu.memory_space<semaphore_mem>>)
        %dma_wait3A = arith.constant 0 : i32
        %dma_wait3A_46 = tpu.memref_slice %arg4[%add3A_22, %dma_wait3A] : memref<2560x128xi32, #tpu.memory_space<hbm>> -> memref<16x128xi32, #tpu.memory_space<hbm>>
        %dma_wait3A_47 = arith.constant 0 : i32
        %dma_wait3A_48 = tpu.memref_slice %arg4[%add3A_22, %dma_wait3A_47] : memref<2560x128xi32, #tpu.memory_space<hbm>> -> memref<16x128xi32, #tpu.memory_space<hbm>>
        tpu.wait_dma2 semaphore(%run_scoped3A : memref<!tpu.dma_semaphore, #tpu.memory_space<semaphore_mem>>) src(%dma_wait3A_48 : memref<16x128xi32, #tpu.memory_space<hbm>>) dst(%arg8 : memref<16x128xi32, #tpu.memory_space<vmem>>)
        tpu.yield
      }) : () -> ()
      %dma_start3A = arith.constant 0 : i32
      %dma_start3A_23 = arith.constant 0 : i32
      %dma_start3A_24 = tpu.memref_slice %arg7[%dma_start3A, %dma_start3A_23] : memref<16x128xi32, #tpu.memory_space<vmem>> -> memref<1x128xi32, #tpu.memory_space<vmem>>
      %dma_start3A_25 = tpu.memref_squeeze %dma_start3A_24 : memref<1x128xi32, #tpu.memory_space<vmem>> -> memref<128xi32, #tpu.memory_space<vmem>>
      %dma_start3A_26 = arith.constant 0 : i32
      %dma_start3A_27 = arith.constant 0 : i32
      %dma_start3A_28 = tpu.memref_slice %arg2[%dma_start3A_26, %dma_start3A_27] : memref<40000x128xf32, #tpu.memory_space<hbm>> -> memref<40000x128xf32, #tpu.memory_space<hbm>>
      tpu.enqueue_indirect_dma source(%dma_start3A_28 : memref<40000x128xf32, #tpu.memory_space<hbm>>) target(%arg9 : memref<128x128xf32, #tpu.memory_space<vmem>>) offsets(%dma_start3A_25 : memref<128xi32, #tpu.memory_space<vmem>>) semaphore(%arg12 : memref<!tpu.dma_semaphore, #tpu.memory_space<semaphore_mem>>)
      %dma_start3A_29 = arith.constant 1 : i32
      %dma_start3A_30 = arith.constant 0 : i32
      %dma_start3A_31 = tpu.memref_slice %arg7[%dma_start3A_29, %dma_start3A_30] : memref<16x128xi32, #tpu.memory_space<vmem>> -> memref<1x128xi32, #tpu.memory_space<vmem>>
      %dma_start3A_32 = tpu.memref_squeeze %dma_start3A_31 : memref<1x128xi32, #tpu.memory_space<vmem>> -> memref<128xi32, #tpu.memory_space<vmem>>
      %dma_start3A_33 = arith.constant 0 : i32
      %dma_start3A_34 = arith.constant 0 : i32
      %dma_start3A_35 = tpu.memref_slice %arg2[%dma_start3A_33, %dma_start3A_34] : memref<40000x128xf32, #tpu.memory_space<hbm>> -> memref<40000x128xf32, #tpu.memory_space<hbm>>
      tpu.enqueue_indirect_dma source(%dma_start3A_35 : memref<40000x128xf32, #tpu.memory_space<hbm>>) target(%arg10 : memref<128x128xf32, #tpu.memory_space<vmem>>) offsets(%dma_start3A_32 : memref<128xi32, #tpu.memory_space<vmem>>) semaphore(%arg13 : memref<!tpu.dma_semaphore, #tpu.memory_space<semaphore_mem>>)
      %scan3A_36 = arith.constant 0 : i32
      %scan3A_37 = arith.constant 0 : i32
      %scan3A_38 = arith.constant 8 : i32
      %scan3A_39 = arith.addi %scan3A_37, %scan3A_38 : i32
      %scan3A_40 = arith.constant 1 : i32
      scf.for %scan3A_42 = %scan3A_37 to %scan3A_39 step %scan3A_40  : i32 {
        %mul3A_43 = arith.constant 2 : i32
        %mul3A_44 = arith.muli %mul3A_43, %scan3A_42 : i32
        %dma_wait3A = arith.constant 0 : i32
        %dma_wait3A_45 = arith.constant 0 : i32
        %dma_wait3A_46 = tpu.memref_slice %arg7[%dma_wait3A, %dma_wait3A_45] : memref<16x128xi32, #tpu.memory_space<vmem>> -> memref<1x128xi32, #tpu.memory_space<vmem>>
        %dma_wait3A_47 = tpu.memref_squeeze %dma_wait3A_46 : memref<1x128xi32, #tpu.memory_space<vmem>> -> memref<128xi32, #tpu.memory_space<vmem>>
        %dma_wait3A_48 = arith.constant 0 : i32
        %dma_wait3A_49 = arith.constant 0 : i32
        %dma_wait3A_50 = tpu.memref_slice %arg2[%dma_wait3A_48, %dma_wait3A_49] : memref<40000x128xf32, #tpu.memory_space<hbm>> -> memref<40000x128xf32, #tpu.memory_space<hbm>>
        tpu.wait_indirect_dma semaphore(%arg12 : memref<!tpu.dma_semaphore, #tpu.memory_space<semaphore_mem>>) src(%dma_wait3A_50 : memref<40000x128xf32, #tpu.memory_space<hbm>>) dst(%arg9 : memref<128x128xf32, #tpu.memory_space<vmem>>)
        "tpu.region"() ({
          %run_scoped3A = tpu.sem_alloc : memref<!tpu.dma_semaphore, #tpu.memory_space<semaphore_mem>>
          %dma_start3A_74 = arith.constant 0 : i32
          %dma_start3A_75 = tpu.memref_slice %arg8[%mul3A_44, %dma_start3A_74] : memref<16x128xi32, #tpu.memory_space<vmem>> -> memref<1x128xi32, #tpu.memory_space<vmem>>
          %dma_start3A_76 = tpu.memref_squeeze %dma_start3A_75 : memref<1x128xi32, #tpu.memory_space<vmem>> -> memref<128xi32, #tpu.memory_space<vmem>>
          %dma_start3A_77 = arith.constant 0 : i32
          %dma_start3A_78 = arith.constant 0 : i32
          %dma_start3A_79 = tpu.memref_slice %arg11[%dma_start3A_77, %dma_start3A_78] : memref<10112x128xf32, #tpu.memory_space<vmem_shared>> -> memref<10112x128xf32, #tpu.memory_space<vmem_shared>>
          tpu.enqueue_indirect_dma source(%arg9 : memref<128x128xf32, #tpu.memory_space<vmem>>) target(%dma_start3A_79 : memref<10112x128xf32, #tpu.memory_space<vmem_shared>>) offsets(%dma_start3A_76 : memref<128xi32, #tpu.memory_space<vmem>>) semaphore(%run_scoped3A : memref<!tpu.dma_semaphore, #tpu.memory_space<semaphore_mem>>) {add = true}
          %dma_wait3A_80 = arith.constant 0 : i32
          %dma_wait3A_81 = tpu.memref_slice %arg8[%mul3A_44, %dma_wait3A_80] : memref<16x128xi32, #tpu.memory_space<vmem>> -> memref<1x128xi32, #tpu.memory_space<vmem>>
          %dma_wait3A_82 = tpu.memref_squeeze %dma_wait3A_81 : memref<1x128xi32, #tpu.memory_space<vmem>> -> memref<128xi32, #tpu.memory_space<vmem>>
          %dma_wait3A_83 = arith.constant 0 : i32
          %dma_wait3A_84 = arith.constant 0 : i32
          %dma_wait3A_85 = tpu.memref_slice %arg11[%dma_wait3A_83, %dma_wait3A_84] : memref<10112x128xf32, #tpu.memory_space<vmem_shared>> -> memref<10112x128xf32, #tpu.memory_space<vmem_shared>>
          tpu.wait_indirect_dma semaphore(%run_scoped3A : memref<!tpu.dma_semaphore, #tpu.memory_space<semaphore_mem>>) src(%arg9 : memref<128x128xf32, #tpu.memory_space<vmem>>) dst(%dma_wait3A_85 : memref<10112x128xf32, #tpu.memory_space<vmem_shared>>)
          tpu.yield
        }) : () -> ()
        %add3A_51 = arith.constant 2 : i32
        %add3A_52 = arith.addi %mul3A_44, %add3A_51 : i32
        %lt3A_53 = arith.constant 16 : i32
        %lt3A_54 = arith.cmpi slt, %add3A_52, %lt3A_53 : i32
        %convert_element_type3A_55 = arith.extui %lt3A_54 : i1 to i32
        %cond3A_56 = arith.constant 0 : i32
        %cond3A_57 = arith.cmpi ne, %convert_element_type3A_55, %cond3A_56 : i32
        scf.if %cond3A_57 {
          %add3A_74 = arith.constant 2 : i32
          %add3A_75 = arith.addi %mul3A_44, %add3A_74 : i32
          %dma_start3A_76 = arith.constant 0 : i32
          %dma_start3A_77 = tpu.memref_slice %arg7[%add3A_75, %dma_start3A_76] : memref<16x128xi32, #tpu.memory_space<vmem>> -> memref<1x128xi32, #tpu.memory_space<vmem>>
          %dma_start3A_78 = tpu.memref_squeeze %dma_start3A_77 : memref<1x128xi32, #tpu.memory_space<vmem>> -> memref<128xi32, #tpu.memory_space<vmem>>
          %dma_start3A_79 = arith.constant 0 : i32
          %dma_start3A_80 = arith.constant 0 : i32
          %dma_start3A_81 = tpu.memref_slice %arg2[%dma_start3A_79, %dma_start3A_80] : memref<40000x128xf32, #tpu.memory_space<hbm>> -> memref<40000x128xf32, #tpu.memory_space<hbm>>
          tpu.enqueue_indirect_dma source(%dma_start3A_81 : memref<40000x128xf32, #tpu.memory_space<hbm>>) target(%arg9 : memref<128x128xf32, #tpu.memory_space<vmem>>) offsets(%dma_start3A_78 : memref<128xi32, #tpu.memory_space<vmem>>) semaphore(%arg12 : memref<!tpu.dma_semaphore, #tpu.memory_space<semaphore_mem>>)
        } else {
        }
        %dma_wait3A_58 = arith.constant 1 : i32
        %dma_wait3A_59 = arith.constant 0 : i32
        %dma_wait3A_60 = tpu.memref_slice %arg7[%dma_wait3A_58, %dma_wait3A_59] : memref<16x128xi32, #tpu.memory_space<vmem>> -> memref<1x128xi32, #tpu.memory_space<vmem>>
        %dma_wait3A_61 = tpu.memref_squeeze %dma_wait3A_60 : memref<1x128xi32, #tpu.memory_space<vmem>> -> memref<128xi32, #tpu.memory_space<vmem>>
        %dma_wait3A_62 = arith.constant 0 : i32
        %dma_wait3A_63 = arith.constant 0 : i32
        %dma_wait3A_64 = tpu.memref_slice %arg2[%dma_wait3A_62, %dma_wait3A_63] : memref<40000x128xf32, #tpu.memory_space<hbm>> -> memref<40000x128xf32, #tpu.memory_space<hbm>>
        tpu.wait_indirect_dma semaphore(%arg13 : memref<!tpu.dma_semaphore, #tpu.memory_space<semaphore_mem>>) src(%dma_wait3A_64 : memref<40000x128xf32, #tpu.memory_space<hbm>>) dst(%arg10 : memref<128x128xf32, #tpu.memory_space<vmem>>)
        %add3A_65 = arith.constant 1 : i32
        %add3A_66 = arith.addi %mul3A_44, %add3A_65 : i32
        "tpu.region"() ({
          %run_scoped3A = tpu.sem_alloc : memref<!tpu.dma_semaphore, #tpu.memory_space<semaphore_mem>>
          %dma_start3A_74 = arith.constant 0 : i32
          %dma_start3A_75 = tpu.memref_slice %arg8[%add3A_66, %dma_start3A_74] : memref<16x128xi32, #tpu.memory_space<vmem>> -> memref<1x128xi32, #tpu.memory_space<vmem>>
          %dma_start3A_76 = tpu.memref_squeeze %dma_start3A_75 : memref<1x128xi32, #tpu.memory_space<vmem>> -> memref<128xi32, #tpu.memory_space<vmem>>
          %dma_start3A_77 = arith.constant 0 : i32
          %dma_start3A_78 = arith.constant 0 : i32
          %dma_start3A_79 = tpu.memref_slice %arg11[%dma_start3A_77, %dma_start3A_78] : memref<10112x128xf32, #tpu.memory_space<vmem_shared>> -> memref<10112x128xf32, #tpu.memory_space<vmem_shared>>
          tpu.enqueue_indirect_dma source(%arg10 : memref<128x128xf32, #tpu.memory_space<vmem>>) target(%dma_start3A_79 : memref<10112x128xf32, #tpu.memory_space<vmem_shared>>) offsets(%dma_start3A_76 : memref<128xi32, #tpu.memory_space<vmem>>) semaphore(%run_scoped3A : memref<!tpu.dma_semaphore, #tpu.memory_space<semaphore_mem>>) {add = true}
          %dma_wait3A_80 = arith.constant 0 : i32
          %dma_wait3A_81 = tpu.memref_slice %arg8[%add3A_66, %dma_wait3A_80] : memref<16x128xi32, #tpu.memory_space<vmem>> -> memref<1x128xi32, #tpu.memory_space<vmem>>
          %dma_wait3A_82 = tpu.memref_squeeze %dma_wait3A_81 : memref<1x128xi32, #tpu.memory_space<vmem>> -> memref<128xi32, #tpu.memory_space<vmem>>
          %dma_wait3A_83 = arith.constant 0 : i32
          %dma_wait3A_84 = arith.constant 0 : i32
          %dma_wait3A_85 = tpu.memref_slice %arg11[%dma_wait3A_83, %dma_wait3A_84] : memref<10112x128xf32, #tpu.memory_space<vmem_shared>> -> memref<10112x128xf32, #tpu.memory_space<vmem_shared>>
          tpu.wait_indirect_dma semaphore(%run_scoped3A : memref<!tpu.dma_semaphore, #tpu.memory_space<semaphore_mem>>) src(%arg10 : memref<128x128xf32, #tpu.memory_space<vmem>>) dst(%dma_wait3A_85 : memref<10112x128xf32, #tpu.memory_space<vmem_shared>>)
          tpu.yield
        }) : () -> ()
        %add3A_67 = arith.constant 3 : i32
        %add3A_68 = arith.addi %mul3A_44, %add3A_67 : i32
        %lt3A_69 = arith.constant 16 : i32
        %lt3A_70 = arith.cmpi slt, %add3A_68, %lt3A_69 : i32
        %convert_element_type3A_71 = arith.extui %lt3A_70 : i1 to i32
        %cond3A_72 = arith.constant 0 : i32
        %cond3A_73 = arith.cmpi ne, %convert_element_type3A_71, %cond3A_72 : i32
        scf.if %cond3A_73 {
          %add3A_74 = arith.constant 3 : i32
          %add3A_75 = arith.addi %mul3A_44, %add3A_74 : i32
          %dma_start3A_76 = arith.constant 0 : i32
          %dma_start3A_77 = tpu.memref_slice %arg7[%add3A_75, %dma_start3A_76] : memref<16x128xi32, #tpu.memory_space<vmem>> -> memref<1x128xi32, #tpu.memory_space<vmem>>
          %dma_start3A_78 = tpu.memref_squeeze %dma_start3A_77 : memref<1x128xi32, #tpu.memory_space<vmem>> -> memref<128xi32, #tpu.memory_space<vmem>>
          %dma_start3A_79 = arith.constant 0 : i32
          %dma_start3A_80 = arith.constant 0 : i32
          %dma_start3A_81 = tpu.memref_slice %arg2[%dma_start3A_79, %dma_start3A_80] : memref<40000x128xf32, #tpu.memory_space<hbm>> -> memref<40000x128xf32, #tpu.memory_space<hbm>>
          tpu.enqueue_indirect_dma source(%dma_start3A_81 : memref<40000x128xf32, #tpu.memory_space<hbm>>) target(%arg10 : memref<128x128xf32, #tpu.memory_space<vmem>>) offsets(%dma_start3A_78 : memref<128xi32, #tpu.memory_space<vmem>>) semaphore(%arg13 : memref<!tpu.dma_semaphore, #tpu.memory_space<semaphore_mem>>)
        } else {
        }
      }
      %scan3A_41 = arith.constant 8 : i32
    }
    %scan3A_11 = arith.constant 5 : i32
    %barrier3A_12 = arith.constant 0 : index
    tpu.barrier barrier_id(%barrier3A_12)
    %lt3A = arith.constant 15 : i32
    %lt3A_13 = arith.cmpi slt, %arg1, %lt3A : i32
    %convert_element_type3A = arith.extui %lt3A_13 : i1 to i32
    %cond3A = arith.constant 0 : i32
    %cond3A_14 = arith.cmpi ne, %convert_element_type3A, %cond3A : i32
    scf.if %cond3A_14 {
      %mul3A_19 = arith.constant 624 : i32
      %mul3A_20 = arith.muli %arg1, %mul3A_19 : i32
      %mul3A_21 = arith.constant 624 : i32
      %mul3A_22 = arith.muli %arg1, %mul3A_21 : i32
      "tpu.region"() ({
        %run_scoped3A = tpu.sem_alloc : memref<!tpu.dma_semaphore, #tpu.memory_space<semaphore_mem>>
        %dma_start3A = arith.constant 0 : i32
        %dma_start3A_23 = tpu.memref_slice %arg6[%arg0, %mul3A_22, %dma_start3A] : memref<2x10000x128xf32, #tpu.memory_space<hbm>> -> memref<1x624x128xf32, #tpu.memory_space<hbm>>
        %dma_start3A_24 = tpu.memref_squeeze %dma_start3A_23 : memref<1x624x128xf32, #tpu.memory_space<hbm>> -> memref<624x128xf32, #tpu.memory_space<hbm>>
        %dma_start3A_25 = arith.constant 0 : i32
        %dma_start3A_26 = tpu.memref_slice %arg11[%mul3A_20, %dma_start3A_25] : memref<10112x128xf32, #tpu.memory_space<vmem_shared>> -> memref<624x128xf32, #tpu.memory_space<vmem_shared>>
        tpu.enqueue_dma source(%dma_start3A_26 : memref<624x128xf32, #tpu.memory_space<vmem_shared>>) target(%dma_start3A_24 : memref<624x128xf32, #tpu.memory_space<hbm>>) target_semaphore(%run_scoped3A : memref<!tpu.dma_semaphore, #tpu.memory_space<semaphore_mem>>)
        %dma_wait3A = arith.constant 0 : i32
        %dma_wait3A_27 = tpu.memref_slice %arg6[%arg0, %mul3A_22, %dma_wait3A] : memref<2x10000x128xf32, #tpu.memory_space<hbm>> -> memref<1x624x128xf32, #tpu.memory_space<hbm>>
        %dma_wait3A_28 = tpu.memref_squeeze %dma_wait3A_27 : memref<1x624x128xf32, #tpu.memory_space<hbm>> -> memref<624x128xf32, #tpu.memory_space<hbm>>
        %dma_wait3A_29 = arith.constant 0 : i32
        %dma_wait3A_30 = tpu.memref_slice %arg11[%mul3A_20, %dma_wait3A_29] : memref<10112x128xf32, #tpu.memory_space<vmem_shared>> -> memref<624x128xf32, #tpu.memory_space<vmem_shared>>
        tpu.wait_dma2 semaphore(%run_scoped3A : memref<!tpu.dma_semaphore, #tpu.memory_space<semaphore_mem>>) src(%dma_wait3A_30 : memref<624x128xf32, #tpu.memory_space<vmem_shared>>) dst(%dma_wait3A_28 : memref<624x128xf32, #tpu.memory_space<hbm>>)
        tpu.yield
      }) : () -> ()
    } else {
    }
    %eq3A = arith.constant 15 : i32
    %eq3A_15 = arith.cmpi eq, %arg1, %eq3A : i32
    %convert_element_type3A_16 = arith.extui %eq3A_15 : i1 to i32
    %cond3A_17 = arith.constant 0 : i32
    %cond3A_18 = arith.cmpi ne, %convert_element_type3A_16, %cond3A_17 : i32
    scf.if %cond3A_18 {
      "tpu.region"() ({
        %run_scoped3A = tpu.sem_alloc : memref<!tpu.dma_semaphore, #tpu.memory_space<semaphore_mem>>
        %dma_start3A = arith.constant 9360 : i32
        %dma_start3A_19 = arith.constant 0 : i32
        %dma_start3A_20 = tpu.memref_slice %arg6[%arg0, %dma_start3A, %dma_start3A_19] : memref<2x10000x128xf32, #tpu.memory_space<hbm>> -> memref<1x640x128xf32, #tpu.memory_space<hbm>>
        %dma_start3A_21 = tpu.memref_squeeze %dma_start3A_20 : memref<1x640x128xf32, #tpu.memory_space<hbm>> -> memref<640x128xf32, #tpu.memory_space<hbm>>
        %dma_start3A_22 = arith.constant 9360 : i32
        %dma_start3A_23 = arith.constant 0 : i32
        %dma_start3A_24 = tpu.memref_slice %arg11[%dma_start3A_22, %dma_start3A_23] : memref<10112x128xf32, #tpu.memory_space<vmem_shared>> -> memref<640x128xf32, #tpu.memory_space<vmem_shared>>
        tpu.enqueue_dma source(%dma_start3A_24 : memref<640x128xf32, #tpu.memory_space<vmem_shared>>) target(%dma_start3A_21 : memref<640x128xf32, #tpu.memory_space<hbm>>) target_semaphore(%run_scoped3A : memref<!tpu.dma_semaphore, #tpu.memory_space<semaphore_mem>>)
        %dma_wait3A = arith.constant 9360 : i32
        %dma_wait3A_25 = arith.constant 0 : i32
        %dma_wait3A_26 = tpu.memref_slice %arg6[%arg0, %dma_wait3A, %dma_wait3A_25] : memref<2x10000x128xf32, #tpu.memory_space<hbm>> -> memref<1x640x128xf32, #tpu.memory_space<hbm>>
        %dma_wait3A_27 = tpu.memref_squeeze %dma_wait3A_26 : memref<1x640x128xf32, #tpu.memory_space<hbm>> -> memref<640x128xf32, #tpu.memory_space<hbm>>
        %dma_wait3A_28 = arith.constant 9360 : i32
        %dma_wait3A_29 = arith.constant 0 : i32
        %dma_wait3A_30 = tpu.memref_slice %arg11[%dma_wait3A_28, %dma_wait3A_29] : memref<10112x128xf32, #tpu.memory_space<vmem_shared>> -> memref<640x128xf32, #tpu.memory_space<vmem_shared>>
        tpu.wait_dma2 semaphore(%run_scoped3A : memref<!tpu.dma_semaphore, #tpu.memory_space<semaphore_mem>>) src(%dma_wait3A_30 : memref<640x128xf32, #tpu.memory_space<vmem_shared>>) dst(%dma_wait3A_27 : memref<640x128xf32, #tpu.memory_space<hbm>>)
        tpu.yield
      }) : () -> ()
    } else {
    }
    return
  }
}

#map = affine_map<(d0, d1) -> (0, 0)>
#map1 = affine_map<(d0, d1) -> (0, 0, 0)>
module attributes {stable_mosaic.version = 14 : i64} {
  func.func @msgpass(%arg0: i32, %arg1: i32, %arg2: memref<40000x128xf32, #tpu.memory_space<hbm>>, %arg3: memref<2560x128xi32, #tpu.memory_space<hbm>>, %arg4: memref<2560x128xi32, #tpu.memory_space<hbm>>, %arg5: memref<10112x128xf32, #tpu.memory_space<hbm>>, %arg6: memref<2x10000x128xf32, #tpu.memory_space<hbm>>, %arg7: memref<16x128xi32, #tpu.memory_space<vmem>>, %arg8: memref<16x128xi32, #tpu.memory_space<vmem>>, %arg9: memref<128x128xf32, #tpu.memory_space<vmem>>, %arg10: memref<128x128xf32, #tpu.memory_space<vmem>>, %arg11: memref<10112x128xf32, #tpu.memory_space<vmem_shared>>, %arg12: memref<!tpu.dma_semaphore, #tpu.memory_space<semaphore_mem>>, %arg13: memref<!tpu.dma_semaphore, #tpu.memory_space<semaphore_mem>>) attributes {dimension_semantics = [#tpu.dimension_semantics<core_parallel>, #tpu.dimension_semantics<subcore_parallel>], iteration_bounds = array<i64: 2, 16>, scalar_prefetch = 0 : i64, scratch_operands = 7 : i64, tpu.core_type = #tpu.core_type<sc_vector_subcore>, window_params = [{transform_indices = #map}, {transform_indices = #map}, {transform_indices = #map}, {transform_indices = #map}, {transform_indices = #map1}]} {
    %mul3A = arith.constant 16 : i32
    %mul3A_0 = arith.muli %arg0, %mul3A : i32
    %add3A = arith.addi %mul3A_0, %arg1 : i32
    %mul3A_1 = arith.constant 632 : i32
    %mul3A_2 = arith.muli %arg1, %mul3A_1 : i32
    %mul3A_3 = arith.constant 632 : i32
    %mul3A_4 = arith.muli %arg1, %mul3A_3 : i32
    "tpu.region"() ({
      %run_scoped3A = tpu.sem_alloc : memref<!tpu.dma_semaphore, #tpu.memory_space<semaphore_mem>>
      %dma_start3A = arith.constant 0 : i32
      %dma_start3A_19 = tpu.memref_slice %arg11[%mul3A_4, %dma_start3A] : memref<10112x128xf32, #tpu.memory_space<vmem_shared>> -> memref<632x128xf32, #tpu.memory_space<vmem_shared>>
      %dma_start3A_20 = arith.constant 0 : i32
      %dma_start3A_21 = tpu.memref_slice %arg5[%mul3A_2, %dma_start3A_20] : memref<10112x128xf32, #tpu.memory_space<hbm>> -> memref<632x128xf32, #tpu.memory_space<hbm>>
      tpu.enqueue_dma source(%dma_start3A_21 : memref<632x128xf32, #tpu.memory_space<hbm>>) target(%dma_start3A_19 : memref<632x128xf32, #tpu.memory_space<vmem_shared>>) target_semaphore(%run_scoped3A : memref<!tpu.dma_semaphore, #tpu.memory_space<semaphore_mem>>)
      %dma_wait3A = arith.constant 0 : i32
      %dma_wait3A_22 = tpu.memref_slice %arg11[%mul3A_4, %dma_wait3A] : memref<10112x128xf32, #tpu.memory_space<vmem_shared>> -> memref<632x128xf32, #tpu.memory_space<vmem_shared>>
      %dma_wait3A_23 = arith.constant 0 : i32
      %dma_wait3A_24 = tpu.memref_slice %arg5[%mul3A_2, %dma_wait3A_23] : memref<10112x128xf32, #tpu.memory_space<hbm>> -> memref<632x128xf32, #tpu.memory_space<hbm>>
      tpu.wait_dma2 semaphore(%run_scoped3A : memref<!tpu.dma_semaphore, #tpu.memory_space<semaphore_mem>>) src(%dma_wait3A_24 : memref<632x128xf32, #tpu.memory_space<hbm>>) dst(%dma_wait3A_22 : memref<632x128xf32, #tpu.memory_space<vmem_shared>>)
      tpu.yield
    }) : () -> ()
    %mul3A_5 = arith.constant 80 : i32
    %mul3A_6 = arith.muli %add3A, %mul3A_5 : i32
    %barrier3A = arith.constant 0 : index
    tpu.barrier barrier_id(%barrier3A)
    %scan3A = arith.constant 0 : i32
    %scan3A_7 = arith.constant 0 : i32
    %scan3A_8 = arith.constant 5 : i32
    %scan3A_9 = arith.addi %scan3A_7, %scan3A_8 : i32
    %scan3A_10 = arith.constant 1 : i32
    scf.for %scan3A_19 = %scan3A_7 to %scan3A_9 step %scan3A_10  : i32 {
      %mul3A_20 = arith.constant 16 : i32
      %mul3A_21 = arith.muli %scan3A_19, %mul3A_20 : i32
      %add3A_22 = arith.addi %mul3A_6, %mul3A_21 : i32
      "tpu.region"() ({
        %run_scoped3A = tpu.sem_alloc : memref<!tpu.dma_semaphore, #tpu.memory_space<semaphore_mem>>
        %dma_start3A_42 = arith.constant 0 : i32
        %dma_start3A_43 = tpu.memref_slice %arg3[%add3A_22, %dma_start3A_42] : memref<2560x128xi32, #tpu.memory_space<hbm>> -> memref<16x128xi32, #tpu.memory_space<hbm>>
        %dma_start3A_44 = arith.constant 0 : i32
        %dma_start3A_45 = tpu.memref_slice %arg3[%add3A_22, %dma_start3A_44] : memref<2560x128xi32, #tpu.memory_space<hbm>> -> memref<16x128xi32, #tpu.memory_space<hbm>>
        tpu.enqueue_dma source(%dma_start3A_45 : memref<16x128xi32, #tpu.memory_space<hbm>>) target(%arg7 : memref<16x128xi32, #tpu.memory_space<vmem>>) target_semaphore(%run_scoped3A : memref<!tpu.dma_semaphore, #tpu.memory_space<semaphore_mem>>)
        %dma_wait3A = arith.constant 0 : i32
        %dma_wait3A_46 = tpu.memref_slice %arg3[%add3A_22, %dma_wait3A] : memref<2560x128xi32, #tpu.memory_space<hbm>> -> memref<16x128xi32, #tpu.memory_space<hbm>>
        %dma_wait3A_47 = arith.constant 0 : i32
        %dma_wait3A_48 = tpu.memref_slice %arg3[%add3A_22, %dma_wait3A_47] : memref<2560x128xi32, #tpu.memory_space<hbm>> -> memref<16x128xi32, #tpu.memory_space<hbm>>
        tpu.wait_dma2 semaphore(%run_scoped3A : memref<!tpu.dma_semaphore, #tpu.memory_space<semaphore_mem>>) src(%dma_wait3A_48 : memref<16x128xi32, #tpu.memory_space<hbm>>) dst(%arg7 : memref<16x128xi32, #tpu.memory_space<vmem>>)
        tpu.yield
      }) : () -> ()
      "tpu.region"() ({
        %run_scoped3A = tpu.sem_alloc : memref<!tpu.dma_semaphore, #tpu.memory_space<semaphore_mem>>
        %dma_start3A_42 = arith.constant 0 : i32
        %dma_start3A_43 = tpu.memref_slice %arg4[%add3A_22, %dma_start3A_42] : memref<2560x128xi32, #tpu.memory_space<hbm>> -> memref<16x128xi32, #tpu.memory_space<hbm>>
        %dma_start3A_44 = arith.constant 0 : i32
        %dma_start3A_45 = tpu.memref_slice %arg4[%add3A_22, %dma_start3A_44] : memref<2560x128xi32, #tpu.memory_space<hbm>> -> memref<16x128xi32, #tpu.memory_space<hbm>>
        tpu.enqueue_dma source(%dma_start3A_45 : memref<16x128xi32, #tpu.memory_space<hbm>>) target(%arg8 : memref<16x128xi32, #tpu.memory_space<vmem>>) target_semaphore(%run_scoped3A : memref<!tpu.dma_semaphore, #tpu.memory_space<semaphore_mem>>)
        %dma_wait3A = arith.constant 0 : i32
        %dma_wait3A_46 = tpu.memref_slice %arg4[%add3A_22, %dma_wait3A] : memref<2560x128xi32, #tpu.memory_space<hbm>> -> memref<16x128xi32, #tpu.memory_space<hbm>>
        %dma_wait3A_47 = arith.constant 0 : i32
        %dma_wait3A_48 = tpu.memref_slice %arg4[%add3A_22, %dma_wait3A_47] : memref<2560x128xi32, #tpu.memory_space<hbm>> -> memref<16x128xi32, #tpu.memory_space<hbm>>
        tpu.wait_dma2 semaphore(%run_scoped3A : memref<!tpu.dma_semaphore, #tpu.memory_space<semaphore_mem>>) src(%dma_wait3A_48 : memref<16x128xi32, #tpu.memory_space<hbm>>) dst(%arg8 : memref<16x128xi32, #tpu.memory_space<vmem>>)
        tpu.yield
      }) : () -> ()
      %dma_start3A = arith.constant 0 : i32
      %dma_start3A_23 = arith.constant 0 : i32
      %dma_start3A_24 = tpu.memref_slice %arg7[%dma_start3A, %dma_start3A_23] : memref<16x128xi32, #tpu.memory_space<vmem>> -> memref<1x128xi32, #tpu.memory_space<vmem>>
      %dma_start3A_25 = tpu.memref_squeeze %dma_start3A_24 : memref<1x128xi32, #tpu.memory_space<vmem>> -> memref<128xi32, #tpu.memory_space<vmem>>
      %dma_start3A_26 = arith.constant 0 : i32
      %dma_start3A_27 = arith.constant 0 : i32
      %dma_start3A_28 = tpu.memref_slice %arg2[%dma_start3A_26, %dma_start3A_27] : memref<40000x128xf32, #tpu.memory_space<hbm>> -> memref<40000x128xf32, #tpu.memory_space<hbm>>
      tpu.enqueue_indirect_dma source(%dma_start3A_28 : memref<40000x128xf32, #tpu.memory_space<hbm>>) target(%arg9 : memref<128x128xf32, #tpu.memory_space<vmem>>) offsets(%dma_start3A_25 : memref<128xi32, #tpu.memory_space<vmem>>) semaphore(%arg12 : memref<!tpu.dma_semaphore, #tpu.memory_space<semaphore_mem>>)
      %dma_start3A_29 = arith.constant 1 : i32
      %dma_start3A_30 = arith.constant 0 : i32
      %dma_start3A_31 = tpu.memref_slice %arg7[%dma_start3A_29, %dma_start3A_30] : memref<16x128xi32, #tpu.memory_space<vmem>> -> memref<1x128xi32, #tpu.memory_space<vmem>>
      %dma_start3A_32 = tpu.memref_squeeze %dma_start3A_31 : memref<1x128xi32, #tpu.memory_space<vmem>> -> memref<128xi32, #tpu.memory_space<vmem>>
      %dma_start3A_33 = arith.constant 0 : i32
      %dma_start3A_34 = arith.constant 0 : i32
      %dma_start3A_35 = tpu.memref_slice %arg2[%dma_start3A_33, %dma_start3A_34] : memref<40000x128xf32, #tpu.memory_space<hbm>> -> memref<40000x128xf32, #tpu.memory_space<hbm>>
      tpu.enqueue_indirect_dma source(%dma_start3A_35 : memref<40000x128xf32, #tpu.memory_space<hbm>>) target(%arg10 : memref<128x128xf32, #tpu.memory_space<vmem>>) offsets(%dma_start3A_32 : memref<128xi32, #tpu.memory_space<vmem>>) semaphore(%arg13 : memref<!tpu.dma_semaphore, #tpu.memory_space<semaphore_mem>>)
      %scan3A_36 = arith.constant 0 : i32
      %scan3A_37 = arith.constant 0 : i32
      %scan3A_38 = arith.constant 8 : i32
      %scan3A_39 = arith.addi %scan3A_37, %scan3A_38 : i32
      %scan3A_40 = arith.constant 1 : i32
      scf.for %scan3A_42 = %scan3A_37 to %scan3A_39 step %scan3A_40  : i32 {
        %mul3A_43 = arith.constant 2 : i32
        %mul3A_44 = arith.muli %mul3A_43, %scan3A_42 : i32
        %dma_wait3A = arith.constant 0 : i32
        %dma_wait3A_45 = arith.constant 0 : i32
        %dma_wait3A_46 = tpu.memref_slice %arg7[%dma_wait3A, %dma_wait3A_45] : memref<16x128xi32, #tpu.memory_space<vmem>> -> memref<1x128xi32, #tpu.memory_space<vmem>>
        %dma_wait3A_47 = tpu.memref_squeeze %dma_wait3A_46 : memref<1x128xi32, #tpu.memory_space<vmem>> -> memref<128xi32, #tpu.memory_space<vmem>>
        %dma_wait3A_48 = arith.constant 0 : i32
        %dma_wait3A_49 = arith.constant 0 : i32
        %dma_wait3A_50 = tpu.memref_slice %arg2[%dma_wait3A_48, %dma_wait3A_49] : memref<40000x128xf32, #tpu.memory_space<hbm>> -> memref<40000x128xf32, #tpu.memory_space<hbm>>
        tpu.wait_indirect_dma semaphore(%arg12 : memref<!tpu.dma_semaphore, #tpu.memory_space<semaphore_mem>>) src(%dma_wait3A_50 : memref<40000x128xf32, #tpu.memory_space<hbm>>) dst(%arg9 : memref<128x128xf32, #tpu.memory_space<vmem>>)
        "tpu.region"() ({
          %run_scoped3A = tpu.sem_alloc : memref<!tpu.dma_semaphore, #tpu.memory_space<semaphore_mem>>
          %dma_start3A_74 = arith.constant 0 : i32
          %dma_start3A_75 = tpu.memref_slice %arg8[%mul3A_44, %dma_start3A_74] : memref<16x128xi32, #tpu.memory_space<vmem>> -> memref<1x128xi32, #tpu.memory_space<vmem>>
          %dma_start3A_76 = tpu.memref_squeeze %dma_start3A_75 : memref<1x128xi32, #tpu.memory_space<vmem>> -> memref<128xi32, #tpu.memory_space<vmem>>
          %dma_start3A_77 = arith.constant 0 : i32
          %dma_start3A_78 = arith.constant 0 : i32
          %dma_start3A_79 = tpu.memref_slice %arg11[%dma_start3A_77, %dma_start3A_78] : memref<10112x128xf32, #tpu.memory_space<vmem_shared>> -> memref<10112x128xf32, #tpu.memory_space<vmem_shared>>
          tpu.enqueue_indirect_dma source(%arg9 : memref<128x128xf32, #tpu.memory_space<vmem>>) target(%dma_start3A_79 : memref<10112x128xf32, #tpu.memory_space<vmem_shared>>) offsets(%dma_start3A_76 : memref<128xi32, #tpu.memory_space<vmem>>) semaphore(%run_scoped3A : memref<!tpu.dma_semaphore, #tpu.memory_space<semaphore_mem>>) {add = true}
          %dma_wait3A_80 = arith.constant 0 : i32
          %dma_wait3A_81 = tpu.memref_slice %arg8[%mul3A_44, %dma_wait3A_80] : memref<16x128xi32, #tpu.memory_space<vmem>> -> memref<1x128xi32, #tpu.memory_space<vmem>>
          %dma_wait3A_82 = tpu.memref_squeeze %dma_wait3A_81 : memref<1x128xi32, #tpu.memory_space<vmem>> -> memref<128xi32, #tpu.memory_space<vmem>>
          %dma_wait3A_83 = arith.constant 0 : i32
          %dma_wait3A_84 = arith.constant 0 : i32
          %dma_wait3A_85 = tpu.memref_slice %arg11[%dma_wait3A_83, %dma_wait3A_84] : memref<10112x128xf32, #tpu.memory_space<vmem_shared>> -> memref<10112x128xf32, #tpu.memory_space<vmem_shared>>
          tpu.wait_indirect_dma semaphore(%run_scoped3A : memref<!tpu.dma_semaphore, #tpu.memory_space<semaphore_mem>>) src(%arg9 : memref<128x128xf32, #tpu.memory_space<vmem>>) dst(%dma_wait3A_85 : memref<10112x128xf32, #tpu.memory_space<vmem_shared>>)
          tpu.yield
        }) : () -> ()
        %add3A_51 = arith.constant 2 : i32
        %add3A_52 = arith.addi %mul3A_44, %add3A_51 : i32
        %lt3A_53 = arith.constant 16 : i32
        %lt3A_54 = arith.cmpi slt, %add3A_52, %lt3A_53 : i32
        %convert_element_type3A_55 = arith.extui %lt3A_54 : i1 to i32
        %cond3A_56 = arith.constant 0 : i32
        %cond3A_57 = arith.cmpi ne, %convert_element_type3A_55, %cond3A_56 : i32
        scf.if %cond3A_57 {
          %add3A_74 = arith.constant 2 : i32
          %add3A_75 = arith.addi %mul3A_44, %add3A_74 : i32
          %dma_start3A_76 = arith.constant 0 : i32
          %dma_start3A_77 = tpu.memref_slice %arg7[%add3A_75, %dma_start3A_76] : memref<16x128xi32, #tpu.memory_space<vmem>> -> memref<1x128xi32, #tpu.memory_space<vmem>>
          %dma_start3A_78 = tpu.memref_squeeze %dma_start3A_77 : memref<1x128xi32, #tpu.memory_space<vmem>> -> memref<128xi32, #tpu.memory_space<vmem>>
          %dma_start3A_79 = arith.constant 0 : i32
          %dma_start3A_80 = arith.constant 0 : i32
          %dma_start3A_81 = tpu.memref_slice %arg2[%dma_start3A_79, %dma_start3A_80] : memref<40000x128xf32, #tpu.memory_space<hbm>> -> memref<40000x128xf32, #tpu.memory_space<hbm>>
          tpu.enqueue_indirect_dma source(%dma_start3A_81 : memref<40000x128xf32, #tpu.memory_space<hbm>>) target(%arg9 : memref<128x128xf32, #tpu.memory_space<vmem>>) offsets(%dma_start3A_78 : memref<128xi32, #tpu.memory_space<vmem>>) semaphore(%arg12 : memref<!tpu.dma_semaphore, #tpu.memory_space<semaphore_mem>>)
        } else {
        }
        %dma_wait3A_58 = arith.constant 1 : i32
        %dma_wait3A_59 = arith.constant 0 : i32
        %dma_wait3A_60 = tpu.memref_slice %arg7[%dma_wait3A_58, %dma_wait3A_59] : memref<16x128xi32, #tpu.memory_space<vmem>> -> memref<1x128xi32, #tpu.memory_space<vmem>>
        %dma_wait3A_61 = tpu.memref_squeeze %dma_wait3A_60 : memref<1x128xi32, #tpu.memory_space<vmem>> -> memref<128xi32, #tpu.memory_space<vmem>>
        %dma_wait3A_62 = arith.constant 0 : i32
        %dma_wait3A_63 = arith.constant 0 : i32
        %dma_wait3A_64 = tpu.memref_slice %arg2[%dma_wait3A_62, %dma_wait3A_63] : memref<40000x128xf32, #tpu.memory_space<hbm>> -> memref<40000x128xf32, #tpu.memory_space<hbm>>
        tpu.wait_indirect_dma semaphore(%arg13 : memref<!tpu.dma_semaphore, #tpu.memory_space<semaphore_mem>>) src(%dma_wait3A_64 : memref<40000x128xf32, #tpu.memory_space<hbm>>) dst(%arg10 : memref<128x128xf32, #tpu.memory_space<vmem>>)
        %add3A_65 = arith.constant 1 : i32
        %add3A_66 = arith.addi %mul3A_44, %add3A_65 : i32
        "tpu.region"() ({
          %run_scoped3A = tpu.sem_alloc : memref<!tpu.dma_semaphore, #tpu.memory_space<semaphore_mem>>
          %dma_start3A_74 = arith.constant 0 : i32
          %dma_start3A_75 = tpu.memref_slice %arg8[%add3A_66, %dma_start3A_74] : memref<16x128xi32, #tpu.memory_space<vmem>> -> memref<1x128xi32, #tpu.memory_space<vmem>>
          %dma_start3A_76 = tpu.memref_squeeze %dma_start3A_75 : memref<1x128xi32, #tpu.memory_space<vmem>> -> memref<128xi32, #tpu.memory_space<vmem>>
          %dma_start3A_77 = arith.constant 0 : i32
          %dma_start3A_78 = arith.constant 0 : i32
          %dma_start3A_79 = tpu.memref_slice %arg11[%dma_start3A_77, %dma_start3A_78] : memref<10112x128xf32, #tpu.memory_space<vmem_shared>> -> memref<10112x128xf32, #tpu.memory_space<vmem_shared>>
          tpu.enqueue_indirect_dma source(%arg10 : memref<128x128xf32, #tpu.memory_space<vmem>>) target(%dma_start3A_79 : memref<10112x128xf32, #tpu.memory_space<vmem_shared>>) offsets(%dma_start3A_76 : memref<128xi32, #tpu.memory_space<vmem>>) semaphore(%run_scoped3A : memref<!tpu.dma_semaphore, #tpu.memory_space<semaphore_mem>>) {add = true}
          %dma_wait3A_80 = arith.constant 0 : i32
          %dma_wait3A_81 = tpu.memref_slice %arg8[%add3A_66, %dma_wait3A_80] : memref<16x128xi32, #tpu.memory_space<vmem>> -> memref<1x128xi32, #tpu.memory_space<vmem>>
          %dma_wait3A_82 = tpu.memref_squeeze %dma_wait3A_81 : memref<1x128xi32, #tpu.memory_space<vmem>> -> memref<128xi32, #tpu.memory_space<vmem>>
          %dma_wait3A_83 = arith.constant 0 : i32
          %dma_wait3A_84 = arith.constant 0 : i32
          %dma_wait3A_85 = tpu.memref_slice %arg11[%dma_wait3A_83, %dma_wait3A_84] : memref<10112x128xf32, #tpu.memory_space<vmem_shared>> -> memref<10112x128xf32, #tpu.memory_space<vmem_shared>>
          tpu.wait_indirect_dma semaphore(%run_scoped3A : memref<!tpu.dma_semaphore, #tpu.memory_space<semaphore_mem>>) src(%arg10 : memref<128x128xf32, #tpu.memory_space<vmem>>) dst(%dma_wait3A_85 : memref<10112x128xf32, #tpu.memory_space<vmem_shared>>)
          tpu.yield
        }) : () -> ()
        %add3A_67 = arith.constant 3 : i32
        %add3A_68 = arith.addi %mul3A_44, %add3A_67 : i32
        %lt3A_69 = arith.constant 16 : i32
        %lt3A_70 = arith.cmpi slt, %add3A_68, %lt3A_69 : i32
        %convert_element_type3A_71 = arith.extui %lt3A_70 : i1 to i32
        %cond3A_72 = arith.constant 0 : i32
        %cond3A_73 = arith.cmpi ne, %convert_element_type3A_71, %cond3A_72 : i32
        scf.if %cond3A_73 {
          %add3A_74 = arith.constant 3 : i32
          %add3A_75 = arith.addi %mul3A_44, %add3A_74 : i32
          %dma_start3A_76 = arith.constant 0 : i32
          %dma_start3A_77 = tpu.memref_slice %arg7[%add3A_75, %dma_start3A_76] : memref<16x128xi32, #tpu.memory_space<vmem>> -> memref<1x128xi32, #tpu.memory_space<vmem>>
          %dma_start3A_78 = tpu.memref_squeeze %dma_start3A_77 : memref<1x128xi32, #tpu.memory_space<vmem>> -> memref<128xi32, #tpu.memory_space<vmem>>
          %dma_start3A_79 = arith.constant 0 : i32
          %dma_start3A_80 = arith.constant 0 : i32
          %dma_start3A_81 = tpu.memref_slice %arg2[%dma_start3A_79, %dma_start3A_80] : memref<40000x128xf32, #tpu.memory_space<hbm>> -> memref<40000x128xf32, #tpu.memory_space<hbm>>
          tpu.enqueue_indirect_dma source(%dma_start3A_81 : memref<40000x128xf32, #tpu.memory_space<hbm>>) target(%arg10 : memref<128x128xf32, #tpu.memory_space<vmem>>) offsets(%dma_start3A_78 : memref<128xi32, #tpu.memory_space<vmem>>) semaphore(%arg13 : memref<!tpu.dma_semaphore, #tpu.memory_space<semaphore_mem>>)
        } else {
        }
      }
      %scan3A_41 = arith.constant 8 : i32
    }
    %scan3A_11 = arith.constant 5 : i32
    %barrier3A_12 = arith.constant 0 : index
    tpu.barrier barrier_id(%barrier3A_12)
    %lt3A = arith.constant 15 : i32
    %lt3A_13 = arith.cmpi slt, %arg1, %lt3A : i32
    %convert_element_type3A = arith.extui %lt3A_13 : i1 to i32
    %cond3A = arith.constant 0 : i32
    %cond3A_14 = arith.cmpi ne, %convert_element_type3A, %cond3A : i32
    scf.if %cond3A_14 {
      %mul3A_19 = arith.constant 624 : i32
      %mul3A_20 = arith.muli %arg1, %mul3A_19 : i32
      %mul3A_21 = arith.constant 624 : i32
      %mul3A_22 = arith.muli %arg1, %mul3A_21 : i32
      "tpu.region"() ({
        %run_scoped3A = tpu.sem_alloc : memref<!tpu.dma_semaphore, #tpu.memory_space<semaphore_mem>>
        %dma_start3A = arith.constant 0 : i32
        %dma_start3A_23 = tpu.memref_slice %arg6[%arg0, %mul3A_22, %dma_start3A] : memref<2x10000x128xf32, #tpu.memory_space<hbm>> -> memref<1x624x128xf32, #tpu.memory_space<hbm>>
        %dma_start3A_24 = tpu.memref_squeeze %dma_start3A_23 : memref<1x624x128xf32, #tpu.memory_space<hbm>> -> memref<624x128xf32, #tpu.memory_space<hbm>>
        %dma_start3A_25 = arith.constant 0 : i32
        %dma_start3A_26 = tpu.memref_slice %arg11[%mul3A_20, %dma_start3A_25] : memref<10112x128xf32, #tpu.memory_space<vmem_shared>> -> memref<624x128xf32, #tpu.memory_space<vmem_shared>>
        tpu.enqueue_dma source(%dma_start3A_26 : memref<624x128xf32, #tpu.memory_space<vmem_shared>>) target(%dma_start3A_24 : memref<624x128xf32, #tpu.memory_space<hbm>>) target_semaphore(%run_scoped3A : memref<!tpu.dma_semaphore, #tpu.memory_space<semaphore_mem>>)
        %dma_wait3A = arith.constant 0 : i32
        %dma_wait3A_27 = tpu.memref_slice %arg6[%arg0, %mul3A_22, %dma_wait3A] : memref<2x10000x128xf32, #tpu.memory_space<hbm>> -> memref<1x624x128xf32, #tpu.memory_space<hbm>>
        %dma_wait3A_28 = tpu.memref_squeeze %dma_wait3A_27 : memref<1x624x128xf32, #tpu.memory_space<hbm>> -> memref<624x128xf32, #tpu.memory_space<hbm>>
        %dma_wait3A_29 = arith.constant 0 : i32
        %dma_wait3A_30 = tpu.memref_slice %arg11[%mul3A_20, %dma_wait3A_29] : memref<10112x128xf32, #tpu.memory_space<vmem_shared>> -> memref<624x128xf32, #tpu.memory_space<vmem_shared>>
        tpu.wait_dma2 semaphore(%run_scoped3A : memref<!tpu.dma_semaphore, #tpu.memory_space<semaphore_mem>>) src(%dma_wait3A_30 : memref<624x128xf32, #tpu.memory_space<vmem_shared>>) dst(%dma_wait3A_28 : memref<624x128xf32, #tpu.memory_space<hbm>>)
        tpu.yield
      }) : () -> ()
    } else {
    }
    %eq3A = arith.constant 15 : i32
    %eq3A_15 = arith.cmpi eq, %arg1, %eq3A : i32
    %convert_element_type3A_16 = arith.extui %eq3A_15 : i1 to i32
    %cond3A_17 = arith.constant 0 : i32
    %cond3A_18 = arith.cmpi ne, %convert_element_type3A_16, %cond3A_17 : i32
    scf.if %cond3A_18 {
      "tpu.region"() ({
        %run_scoped3A = tpu.sem_alloc : memref<!tpu.dma_semaphore, #tpu.memory_space<semaphore_mem>>
        %dma_start3A = arith.constant 9360 : i32
        %dma_start3A_19 = arith.constant 0 : i32
        %dma_start3A_20 = tpu.memref_slice %arg6[%arg0, %dma_start3A, %dma_start3A_19] : memref<2x10000x128xf32, #tpu.memory_space<hbm>> -> memref<1x640x128xf32, #tpu.memory_space<hbm>>
        %dma_start3A_21 = tpu.memref_squeeze %dma_start3A_20 : memref<1x640x128xf32, #tpu.memory_space<hbm>> -> memref<640x128xf32, #tpu.memory_space<hbm>>
        %dma_start3A_22 = arith.constant 9360 : i32
        %dma_start3A_23 = arith.constant 0 : i32
        %dma_start3A_24 = tpu.memref_slice %arg11[%dma_start3A_22, %dma_start3A_23] : memref<10112x128xf32, #tpu.memory_space<vmem_shared>> -> memref<640x128xf32, #tpu.memory_space<vmem_shared>>
        tpu.enqueue_dma source(%dma_start3A_24 : memref<640x128xf32, #tpu.memory_space<vmem_shared>>) target(%dma_start3A_21 : memref<640x128xf32, #tpu.memory_space<hbm>>) target_semaphore(%run_scoped3A : memref<!tpu.dma_semaphore, #tpu.memory_space<semaphore_mem>>)
        %dma_wait3A = arith.constant 9360 : i32
        %dma_wait3A_25 = arith.constant 0 : i32
        %dma_wait3A_26 = tpu.memref_slice %arg6[%arg0, %dma_wait3A, %dma_wait3A_25] : memref<2x10000x128xf32, #tpu.memory_space<hbm>> -> memref<1x640x128xf32, #tpu.memory_space<hbm>>
        %dma_wait3A_27 = tpu.memref_squeeze %dma_wait3A_26 : memref<1x640x128xf32, #tpu.memory_space<hbm>> -> memref<640x128xf32, #tpu.memory_space<hbm>>
        %dma_wait3A_28 = arith.constant 9360 : i32
        %dma_wait3A_29 = arith.constant 0 : i32
        %dma_wait3A_30 = tpu.memref_slice %arg11[%dma_wait3A_28, %dma_wait3A_29] : memref<10112x128xf32, #tpu.memory_space<vmem_shared>> -> memref<640x128xf32, #tpu.memory_space<vmem_shared>>
        tpu.wait_dma2 semaphore(%run_scoped3A : memref<!tpu.dma_semaphore, #tpu.memory_space<semaphore_mem>>) src(%dma_wait3A_30 : memref<640x128xf32, #tpu.memory_space<vmem_shared>>) dst(%dma_wait3A_27 : memref<640x128xf32, #tpu.memory_space<hbm>>)
        tpu.yield
      }) : () -> ()
    } else {
    }
    return
  }
}

#map = affine_map<(d0, d1) -> (0, 0)>
#map1 = affine_map<(d0, d1) -> (0, 0, 0)>
module attributes {stable_mosaic.version = 14 : i64} {
  func.func @msgpass(%arg0: i32, %arg1: i32, %arg2: memref<40000x128xf32, #tpu.memory_space<hbm>>, %arg3: memref<2560x128xi32, #tpu.memory_space<hbm>>, %arg4: memref<2560x128xi32, #tpu.memory_space<hbm>>, %arg5: memref<10112x128xf32, #tpu.memory_space<hbm>>, %arg6: memref<2x10000x128xf32, #tpu.memory_space<hbm>>, %arg7: memref<16x128xi32, #tpu.memory_space<vmem>>, %arg8: memref<16x128xi32, #tpu.memory_space<vmem>>, %arg9: memref<128x128xf32, #tpu.memory_space<vmem>>, %arg10: memref<128x128xf32, #tpu.memory_space<vmem>>, %arg11: memref<10112x128xf32, #tpu.memory_space<vmem_shared>>, %arg12: memref<!tpu.dma_semaphore, #tpu.memory_space<semaphore_mem>>, %arg13: memref<!tpu.dma_semaphore, #tpu.memory_space<semaphore_mem>>) attributes {dimension_semantics = [#tpu.dimension_semantics<core_parallel>, #tpu.dimension_semantics<subcore_parallel>], iteration_bounds = array<i64: 2, 16>, scalar_prefetch = 0 : i64, scratch_operands = 7 : i64, tpu.core_type = #tpu.core_type<sc_vector_subcore>, window_params = [{transform_indices = #map}, {transform_indices = #map}, {transform_indices = #map}, {transform_indices = #map}, {transform_indices = #map1}]} {
    %mul3A = arith.constant 16 : i32
    %mul3A_0 = arith.muli %arg0, %mul3A : i32
    %add3A = arith.addi %mul3A_0, %arg1 : i32
    %mul3A_1 = arith.constant 632 : i32
    %mul3A_2 = arith.muli %arg1, %mul3A_1 : i32
    %mul3A_3 = arith.constant 632 : i32
    %mul3A_4 = arith.muli %arg1, %mul3A_3 : i32
    "tpu.region"() ({
      %run_scoped3A = tpu.sem_alloc : memref<!tpu.dma_semaphore, #tpu.memory_space<semaphore_mem>>
      %dma_start3A = arith.constant 0 : i32
      %dma_start3A_19 = tpu.memref_slice %arg11[%mul3A_4, %dma_start3A] : memref<10112x128xf32, #tpu.memory_space<vmem_shared>> -> memref<632x128xf32, #tpu.memory_space<vmem_shared>>
      %dma_start3A_20 = arith.constant 0 : i32
      %dma_start3A_21 = tpu.memref_slice %arg5[%mul3A_2, %dma_start3A_20] : memref<10112x128xf32, #tpu.memory_space<hbm>> -> memref<632x128xf32, #tpu.memory_space<hbm>>
      tpu.enqueue_dma source(%dma_start3A_21 : memref<632x128xf32, #tpu.memory_space<hbm>>) target(%dma_start3A_19 : memref<632x128xf32, #tpu.memory_space<vmem_shared>>) target_semaphore(%run_scoped3A : memref<!tpu.dma_semaphore, #tpu.memory_space<semaphore_mem>>)
      %dma_wait3A = arith.constant 0 : i32
      %dma_wait3A_22 = tpu.memref_slice %arg11[%mul3A_4, %dma_wait3A] : memref<10112x128xf32, #tpu.memory_space<vmem_shared>> -> memref<632x128xf32, #tpu.memory_space<vmem_shared>>
      %dma_wait3A_23 = arith.constant 0 : i32
      %dma_wait3A_24 = tpu.memref_slice %arg5[%mul3A_2, %dma_wait3A_23] : memref<10112x128xf32, #tpu.memory_space<hbm>> -> memref<632x128xf32, #tpu.memory_space<hbm>>
      tpu.wait_dma2 semaphore(%run_scoped3A : memref<!tpu.dma_semaphore, #tpu.memory_space<semaphore_mem>>) src(%dma_wait3A_24 : memref<632x128xf32, #tpu.memory_space<hbm>>) dst(%dma_wait3A_22 : memref<632x128xf32, #tpu.memory_space<vmem_shared>>)
      tpu.yield
    }) : () -> ()
    %mul3A_5 = arith.constant 80 : i32
    %mul3A_6 = arith.muli %add3A, %mul3A_5 : i32
    %barrier3A = arith.constant 0 : index
    tpu.barrier barrier_id(%barrier3A)
    %scan3A = arith.constant 0 : i32
    %scan3A_7 = arith.constant 0 : i32
    %scan3A_8 = arith.constant 5 : i32
    %scan3A_9 = arith.addi %scan3A_7, %scan3A_8 : i32
    %scan3A_10 = arith.constant 1 : i32
    scf.for %scan3A_19 = %scan3A_7 to %scan3A_9 step %scan3A_10  : i32 {
      %mul3A_20 = arith.constant 16 : i32
      %mul3A_21 = arith.muli %scan3A_19, %mul3A_20 : i32
      %add3A_22 = arith.addi %mul3A_6, %mul3A_21 : i32
      "tpu.region"() ({
        %run_scoped3A = tpu.sem_alloc : memref<!tpu.dma_semaphore, #tpu.memory_space<semaphore_mem>>
        %dma_start3A_42 = arith.constant 0 : i32
        %dma_start3A_43 = tpu.memref_slice %arg3[%add3A_22, %dma_start3A_42] : memref<2560x128xi32, #tpu.memory_space<hbm>> -> memref<16x128xi32, #tpu.memory_space<hbm>>
        %dma_start3A_44 = arith.constant 0 : i32
        %dma_start3A_45 = tpu.memref_slice %arg3[%add3A_22, %dma_start3A_44] : memref<2560x128xi32, #tpu.memory_space<hbm>> -> memref<16x128xi32, #tpu.memory_space<hbm>>
        tpu.enqueue_dma source(%dma_start3A_45 : memref<16x128xi32, #tpu.memory_space<hbm>>) target(%arg7 : memref<16x128xi32, #tpu.memory_space<vmem>>) target_semaphore(%run_scoped3A : memref<!tpu.dma_semaphore, #tpu.memory_space<semaphore_mem>>)
        %dma_wait3A = arith.constant 0 : i32
        %dma_wait3A_46 = tpu.memref_slice %arg3[%add3A_22, %dma_wait3A] : memref<2560x128xi32, #tpu.memory_space<hbm>> -> memref<16x128xi32, #tpu.memory_space<hbm>>
        %dma_wait3A_47 = arith.constant 0 : i32
        %dma_wait3A_48 = tpu.memref_slice %arg3[%add3A_22, %dma_wait3A_47] : memref<2560x128xi32, #tpu.memory_space<hbm>> -> memref<16x128xi32, #tpu.memory_space<hbm>>
        tpu.wait_dma2 semaphore(%run_scoped3A : memref<!tpu.dma_semaphore, #tpu.memory_space<semaphore_mem>>) src(%dma_wait3A_48 : memref<16x128xi32, #tpu.memory_space<hbm>>) dst(%arg7 : memref<16x128xi32, #tpu.memory_space<vmem>>)
        tpu.yield
      }) : () -> ()
      "tpu.region"() ({
        %run_scoped3A = tpu.sem_alloc : memref<!tpu.dma_semaphore, #tpu.memory_space<semaphore_mem>>
        %dma_start3A_42 = arith.constant 0 : i32
        %dma_start3A_43 = tpu.memref_slice %arg4[%add3A_22, %dma_start3A_42] : memref<2560x128xi32, #tpu.memory_space<hbm>> -> memref<16x128xi32, #tpu.memory_space<hbm>>
        %dma_start3A_44 = arith.constant 0 : i32
        %dma_start3A_45 = tpu.memref_slice %arg4[%add3A_22, %dma_start3A_44] : memref<2560x128xi32, #tpu.memory_space<hbm>> -> memref<16x128xi32, #tpu.memory_space<hbm>>
        tpu.enqueue_dma source(%dma_start3A_45 : memref<16x128xi32, #tpu.memory_space<hbm>>) target(%arg8 : memref<16x128xi32, #tpu.memory_space<vmem>>) target_semaphore(%run_scoped3A : memref<!tpu.dma_semaphore, #tpu.memory_space<semaphore_mem>>)
        %dma_wait3A = arith.constant 0 : i32
        %dma_wait3A_46 = tpu.memref_slice %arg4[%add3A_22, %dma_wait3A] : memref<2560x128xi32, #tpu.memory_space<hbm>> -> memref<16x128xi32, #tpu.memory_space<hbm>>
        %dma_wait3A_47 = arith.constant 0 : i32
        %dma_wait3A_48 = tpu.memref_slice %arg4[%add3A_22, %dma_wait3A_47] : memref<2560x128xi32, #tpu.memory_space<hbm>> -> memref<16x128xi32, #tpu.memory_space<hbm>>
        tpu.wait_dma2 semaphore(%run_scoped3A : memref<!tpu.dma_semaphore, #tpu.memory_space<semaphore_mem>>) src(%dma_wait3A_48 : memref<16x128xi32, #tpu.memory_space<hbm>>) dst(%arg8 : memref<16x128xi32, #tpu.memory_space<vmem>>)
        tpu.yield
      }) : () -> ()
      %dma_start3A = arith.constant 0 : i32
      %dma_start3A_23 = arith.constant 0 : i32
      %dma_start3A_24 = tpu.memref_slice %arg7[%dma_start3A, %dma_start3A_23] : memref<16x128xi32, #tpu.memory_space<vmem>> -> memref<1x128xi32, #tpu.memory_space<vmem>>
      %dma_start3A_25 = tpu.memref_squeeze %dma_start3A_24 : memref<1x128xi32, #tpu.memory_space<vmem>> -> memref<128xi32, #tpu.memory_space<vmem>>
      %dma_start3A_26 = arith.constant 0 : i32
      %dma_start3A_27 = arith.constant 0 : i32
      %dma_start3A_28 = tpu.memref_slice %arg2[%dma_start3A_26, %dma_start3A_27] : memref<40000x128xf32, #tpu.memory_space<hbm>> -> memref<40000x128xf32, #tpu.memory_space<hbm>>
      tpu.enqueue_indirect_dma source(%dma_start3A_28 : memref<40000x128xf32, #tpu.memory_space<hbm>>) target(%arg9 : memref<128x128xf32, #tpu.memory_space<vmem>>) offsets(%dma_start3A_25 : memref<128xi32, #tpu.memory_space<vmem>>) semaphore(%arg12 : memref<!tpu.dma_semaphore, #tpu.memory_space<semaphore_mem>>)
      %dma_start3A_29 = arith.constant 1 : i32
      %dma_start3A_30 = arith.constant 0 : i32
      %dma_start3A_31 = tpu.memref_slice %arg7[%dma_start3A_29, %dma_start3A_30] : memref<16x128xi32, #tpu.memory_space<vmem>> -> memref<1x128xi32, #tpu.memory_space<vmem>>
      %dma_start3A_32 = tpu.memref_squeeze %dma_start3A_31 : memref<1x128xi32, #tpu.memory_space<vmem>> -> memref<128xi32, #tpu.memory_space<vmem>>
      %dma_start3A_33 = arith.constant 0 : i32
      %dma_start3A_34 = arith.constant 0 : i32
      %dma_start3A_35 = tpu.memref_slice %arg2[%dma_start3A_33, %dma_start3A_34] : memref<40000x128xf32, #tpu.memory_space<hbm>> -> memref<40000x128xf32, #tpu.memory_space<hbm>>
      tpu.enqueue_indirect_dma source(%dma_start3A_35 : memref<40000x128xf32, #tpu.memory_space<hbm>>) target(%arg10 : memref<128x128xf32, #tpu.memory_space<vmem>>) offsets(%dma_start3A_32 : memref<128xi32, #tpu.memory_space<vmem>>) semaphore(%arg13 : memref<!tpu.dma_semaphore, #tpu.memory_space<semaphore_mem>>)
      %scan3A_36 = arith.constant 0 : i32
      %scan3A_37 = arith.constant 0 : i32
      %scan3A_38 = arith.constant 8 : i32
      %scan3A_39 = arith.addi %scan3A_37, %scan3A_38 : i32
      %scan3A_40 = arith.constant 1 : i32
      scf.for %scan3A_42 = %scan3A_37 to %scan3A_39 step %scan3A_40  : i32 {
        %mul3A_43 = arith.constant 2 : i32
        %mul3A_44 = arith.muli %mul3A_43, %scan3A_42 : i32
        %dma_wait3A = arith.constant 0 : i32
        %dma_wait3A_45 = arith.constant 0 : i32
        %dma_wait3A_46 = tpu.memref_slice %arg7[%dma_wait3A, %dma_wait3A_45] : memref<16x128xi32, #tpu.memory_space<vmem>> -> memref<1x128xi32, #tpu.memory_space<vmem>>
        %dma_wait3A_47 = tpu.memref_squeeze %dma_wait3A_46 : memref<1x128xi32, #tpu.memory_space<vmem>> -> memref<128xi32, #tpu.memory_space<vmem>>
        %dma_wait3A_48 = arith.constant 0 : i32
        %dma_wait3A_49 = arith.constant 0 : i32
        %dma_wait3A_50 = tpu.memref_slice %arg2[%dma_wait3A_48, %dma_wait3A_49] : memref<40000x128xf32, #tpu.memory_space<hbm>> -> memref<40000x128xf32, #tpu.memory_space<hbm>>
        tpu.wait_indirect_dma semaphore(%arg12 : memref<!tpu.dma_semaphore, #tpu.memory_space<semaphore_mem>>) src(%dma_wait3A_50 : memref<40000x128xf32, #tpu.memory_space<hbm>>) dst(%arg9 : memref<128x128xf32, #tpu.memory_space<vmem>>)
        "tpu.region"() ({
          %run_scoped3A = tpu.sem_alloc : memref<!tpu.dma_semaphore, #tpu.memory_space<semaphore_mem>>
          %dma_start3A_74 = arith.constant 0 : i32
          %dma_start3A_75 = tpu.memref_slice %arg8[%mul3A_44, %dma_start3A_74] : memref<16x128xi32, #tpu.memory_space<vmem>> -> memref<1x128xi32, #tpu.memory_space<vmem>>
          %dma_start3A_76 = tpu.memref_squeeze %dma_start3A_75 : memref<1x128xi32, #tpu.memory_space<vmem>> -> memref<128xi32, #tpu.memory_space<vmem>>
          %dma_start3A_77 = arith.constant 0 : i32
          %dma_start3A_78 = arith.constant 0 : i32
          %dma_start3A_79 = tpu.memref_slice %arg11[%dma_start3A_77, %dma_start3A_78] : memref<10112x128xf32, #tpu.memory_space<vmem_shared>> -> memref<10112x128xf32, #tpu.memory_space<vmem_shared>>
          tpu.enqueue_indirect_dma source(%arg9 : memref<128x128xf32, #tpu.memory_space<vmem>>) target(%dma_start3A_79 : memref<10112x128xf32, #tpu.memory_space<vmem_shared>>) offsets(%dma_start3A_76 : memref<128xi32, #tpu.memory_space<vmem>>) semaphore(%run_scoped3A : memref<!tpu.dma_semaphore, #tpu.memory_space<semaphore_mem>>) {add = true}
          %dma_wait3A_80 = arith.constant 0 : i32
          %dma_wait3A_81 = tpu.memref_slice %arg8[%mul3A_44, %dma_wait3A_80] : memref<16x128xi32, #tpu.memory_space<vmem>> -> memref<1x128xi32, #tpu.memory_space<vmem>>
          %dma_wait3A_82 = tpu.memref_squeeze %dma_wait3A_81 : memref<1x128xi32, #tpu.memory_space<vmem>> -> memref<128xi32, #tpu.memory_space<vmem>>
          %dma_wait3A_83 = arith.constant 0 : i32
          %dma_wait3A_84 = arith.constant 0 : i32
          %dma_wait3A_85 = tpu.memref_slice %arg11[%dma_wait3A_83, %dma_wait3A_84] : memref<10112x128xf32, #tpu.memory_space<vmem_shared>> -> memref<10112x128xf32, #tpu.memory_space<vmem_shared>>
          tpu.wait_indirect_dma semaphore(%run_scoped3A : memref<!tpu.dma_semaphore, #tpu.memory_space<semaphore_mem>>) src(%arg9 : memref<128x128xf32, #tpu.memory_space<vmem>>) dst(%dma_wait3A_85 : memref<10112x128xf32, #tpu.memory_space<vmem_shared>>)
          tpu.yield
        }) : () -> ()
        %add3A_51 = arith.constant 2 : i32
        %add3A_52 = arith.addi %mul3A_44, %add3A_51 : i32
        %lt3A_53 = arith.constant 16 : i32
        %lt3A_54 = arith.cmpi slt, %add3A_52, %lt3A_53 : i32
        %convert_element_type3A_55 = arith.extui %lt3A_54 : i1 to i32
        %cond3A_56 = arith.constant 0 : i32
        %cond3A_57 = arith.cmpi ne, %convert_element_type3A_55, %cond3A_56 : i32
        scf.if %cond3A_57 {
          %add3A_74 = arith.constant 2 : i32
          %add3A_75 = arith.addi %mul3A_44, %add3A_74 : i32
          %dma_start3A_76 = arith.constant 0 : i32
          %dma_start3A_77 = tpu.memref_slice %arg7[%add3A_75, %dma_start3A_76] : memref<16x128xi32, #tpu.memory_space<vmem>> -> memref<1x128xi32, #tpu.memory_space<vmem>>
          %dma_start3A_78 = tpu.memref_squeeze %dma_start3A_77 : memref<1x128xi32, #tpu.memory_space<vmem>> -> memref<128xi32, #tpu.memory_space<vmem>>
          %dma_start3A_79 = arith.constant 0 : i32
          %dma_start3A_80 = arith.constant 0 : i32
          %dma_start3A_81 = tpu.memref_slice %arg2[%dma_start3A_79, %dma_start3A_80] : memref<40000x128xf32, #tpu.memory_space<hbm>> -> memref<40000x128xf32, #tpu.memory_space<hbm>>
          tpu.enqueue_indirect_dma source(%dma_start3A_81 : memref<40000x128xf32, #tpu.memory_space<hbm>>) target(%arg9 : memref<128x128xf32, #tpu.memory_space<vmem>>) offsets(%dma_start3A_78 : memref<128xi32, #tpu.memory_space<vmem>>) semaphore(%arg12 : memref<!tpu.dma_semaphore, #tpu.memory_space<semaphore_mem>>)
        } else {
        }
        %dma_wait3A_58 = arith.constant 1 : i32
        %dma_wait3A_59 = arith.constant 0 : i32
        %dma_wait3A_60 = tpu.memref_slice %arg7[%dma_wait3A_58, %dma_wait3A_59] : memref<16x128xi32, #tpu.memory_space<vmem>> -> memref<1x128xi32, #tpu.memory_space<vmem>>
        %dma_wait3A_61 = tpu.memref_squeeze %dma_wait3A_60 : memref<1x128xi32, #tpu.memory_space<vmem>> -> memref<128xi32, #tpu.memory_space<vmem>>
        %dma_wait3A_62 = arith.constant 0 : i32
        %dma_wait3A_63 = arith.constant 0 : i32
        %dma_wait3A_64 = tpu.memref_slice %arg2[%dma_wait3A_62, %dma_wait3A_63] : memref<40000x128xf32, #tpu.memory_space<hbm>> -> memref<40000x128xf32, #tpu.memory_space<hbm>>
        tpu.wait_indirect_dma semaphore(%arg13 : memref<!tpu.dma_semaphore, #tpu.memory_space<semaphore_mem>>) src(%dma_wait3A_64 : memref<40000x128xf32, #tpu.memory_space<hbm>>) dst(%arg10 : memref<128x128xf32, #tpu.memory_space<vmem>>)
        %add3A_65 = arith.constant 1 : i32
        %add3A_66 = arith.addi %mul3A_44, %add3A_65 : i32
        "tpu.region"() ({
          %run_scoped3A = tpu.sem_alloc : memref<!tpu.dma_semaphore, #tpu.memory_space<semaphore_mem>>
          %dma_start3A_74 = arith.constant 0 : i32
          %dma_start3A_75 = tpu.memref_slice %arg8[%add3A_66, %dma_start3A_74] : memref<16x128xi32, #tpu.memory_space<vmem>> -> memref<1x128xi32, #tpu.memory_space<vmem>>
          %dma_start3A_76 = tpu.memref_squeeze %dma_start3A_75 : memref<1x128xi32, #tpu.memory_space<vmem>> -> memref<128xi32, #tpu.memory_space<vmem>>
          %dma_start3A_77 = arith.constant 0 : i32
          %dma_start3A_78 = arith.constant 0 : i32
          %dma_start3A_79 = tpu.memref_slice %arg11[%dma_start3A_77, %dma_start3A_78] : memref<10112x128xf32, #tpu.memory_space<vmem_shared>> -> memref<10112x128xf32, #tpu.memory_space<vmem_shared>>
          tpu.enqueue_indirect_dma source(%arg10 : memref<128x128xf32, #tpu.memory_space<vmem>>) target(%dma_start3A_79 : memref<10112x128xf32, #tpu.memory_space<vmem_shared>>) offsets(%dma_start3A_76 : memref<128xi32, #tpu.memory_space<vmem>>) semaphore(%run_scoped3A : memref<!tpu.dma_semaphore, #tpu.memory_space<semaphore_mem>>) {add = true}
          %dma_wait3A_80 = arith.constant 0 : i32
          %dma_wait3A_81 = tpu.memref_slice %arg8[%add3A_66, %dma_wait3A_80] : memref<16x128xi32, #tpu.memory_space<vmem>> -> memref<1x128xi32, #tpu.memory_space<vmem>>
          %dma_wait3A_82 = tpu.memref_squeeze %dma_wait3A_81 : memref<1x128xi32, #tpu.memory_space<vmem>> -> memref<128xi32, #tpu.memory_space<vmem>>
          %dma_wait3A_83 = arith.constant 0 : i32
          %dma_wait3A_84 = arith.constant 0 : i32
          %dma_wait3A_85 = tpu.memref_slice %arg11[%dma_wait3A_83, %dma_wait3A_84] : memref<10112x128xf32, #tpu.memory_space<vmem_shared>> -> memref<10112x128xf32, #tpu.memory_space<vmem_shared>>
          tpu.wait_indirect_dma semaphore(%run_scoped3A : memref<!tpu.dma_semaphore, #tpu.memory_space<semaphore_mem>>) src(%arg10 : memref<128x128xf32, #tpu.memory_space<vmem>>) dst(%dma_wait3A_85 : memref<10112x128xf32, #tpu.memory_space<vmem_shared>>)
          tpu.yield
        }) : () -> ()
        %add3A_67 = arith.constant 3 : i32
        %add3A_68 = arith.addi %mul3A_44, %add3A_67 : i32
        %lt3A_69 = arith.constant 16 : i32
        %lt3A_70 = arith.cmpi slt, %add3A_68, %lt3A_69 : i32
        %convert_element_type3A_71 = arith.extui %lt3A_70 : i1 to i32
        %cond3A_72 = arith.constant 0 : i32
        %cond3A_73 = arith.cmpi ne, %convert_element_type3A_71, %cond3A_72 : i32
        scf.if %cond3A_73 {
          %add3A_74 = arith.constant 3 : i32
          %add3A_75 = arith.addi %mul3A_44, %add3A_74 : i32
          %dma_start3A_76 = arith.constant 0 : i32
          %dma_start3A_77 = tpu.memref_slice %arg7[%add3A_75, %dma_start3A_76] : memref<16x128xi32, #tpu.memory_space<vmem>> -> memref<1x128xi32, #tpu.memory_space<vmem>>
          %dma_start3A_78 = tpu.memref_squeeze %dma_start3A_77 : memref<1x128xi32, #tpu.memory_space<vmem>> -> memref<128xi32, #tpu.memory_space<vmem>>
          %dma_start3A_79 = arith.constant 0 : i32
          %dma_start3A_80 = arith.constant 0 : i32
          %dma_start3A_81 = tpu.memref_slice %arg2[%dma_start3A_79, %dma_start3A_80] : memref<40000x128xf32, #tpu.memory_space<hbm>> -> memref<40000x128xf32, #tpu.memory_space<hbm>>
          tpu.enqueue_indirect_dma source(%dma_start3A_81 : memref<40000x128xf32, #tpu.memory_space<hbm>>) target(%arg10 : memref<128x128xf32, #tpu.memory_space<vmem>>) offsets(%dma_start3A_78 : memref<128xi32, #tpu.memory_space<vmem>>) semaphore(%arg13 : memref<!tpu.dma_semaphore, #tpu.memory_space<semaphore_mem>>)
        } else {
        }
      }
      %scan3A_41 = arith.constant 8 : i32
    }
    %scan3A_11 = arith.constant 5 : i32
    %barrier3A_12 = arith.constant 0 : index
    tpu.barrier barrier_id(%barrier3A_12)
    %lt3A = arith.constant 15 : i32
    %lt3A_13 = arith.cmpi slt, %arg1, %lt3A : i32
    %convert_element_type3A = arith.extui %lt3A_13 : i1 to i32
    %cond3A = arith.constant 0 : i32
    %cond3A_14 = arith.cmpi ne, %convert_element_type3A, %cond3A : i32
    scf.if %cond3A_14 {
      %mul3A_19 = arith.constant 624 : i32
      %mul3A_20 = arith.muli %arg1, %mul3A_19 : i32
      %mul3A_21 = arith.constant 624 : i32
      %mul3A_22 = arith.muli %arg1, %mul3A_21 : i32
      "tpu.region"() ({
        %run_scoped3A = tpu.sem_alloc : memref<!tpu.dma_semaphore, #tpu.memory_space<semaphore_mem>>
        %dma_start3A = arith.constant 0 : i32
        %dma_start3A_23 = tpu.memref_slice %arg6[%arg0, %mul3A_22, %dma_start3A] : memref<2x10000x128xf32, #tpu.memory_space<hbm>> -> memref<1x624x128xf32, #tpu.memory_space<hbm>>
        %dma_start3A_24 = tpu.memref_squeeze %dma_start3A_23 : memref<1x624x128xf32, #tpu.memory_space<hbm>> -> memref<624x128xf32, #tpu.memory_space<hbm>>
        %dma_start3A_25 = arith.constant 0 : i32
        %dma_start3A_26 = tpu.memref_slice %arg11[%mul3A_20, %dma_start3A_25] : memref<10112x128xf32, #tpu.memory_space<vmem_shared>> -> memref<624x128xf32, #tpu.memory_space<vmem_shared>>
        tpu.enqueue_dma source(%dma_start3A_26 : memref<624x128xf32, #tpu.memory_space<vmem_shared>>) target(%dma_start3A_24 : memref<624x128xf32, #tpu.memory_space<hbm>>) target_semaphore(%run_scoped3A : memref<!tpu.dma_semaphore, #tpu.memory_space<semaphore_mem>>)
        %dma_wait3A = arith.constant 0 : i32
        %dma_wait3A_27 = tpu.memref_slice %arg6[%arg0, %mul3A_22, %dma_wait3A] : memref<2x10000x128xf32, #tpu.memory_space<hbm>> -> memref<1x624x128xf32, #tpu.memory_space<hbm>>
        %dma_wait3A_28 = tpu.memref_squeeze %dma_wait3A_27 : memref<1x624x128xf32, #tpu.memory_space<hbm>> -> memref<624x128xf32, #tpu.memory_space<hbm>>
        %dma_wait3A_29 = arith.constant 0 : i32
        %dma_wait3A_30 = tpu.memref_slice %arg11[%mul3A_20, %dma_wait3A_29] : memref<10112x128xf32, #tpu.memory_space<vmem_shared>> -> memref<624x128xf32, #tpu.memory_space<vmem_shared>>
        tpu.wait_dma2 semaphore(%run_scoped3A : memref<!tpu.dma_semaphore, #tpu.memory_space<semaphore_mem>>) src(%dma_wait3A_30 : memref<624x128xf32, #tpu.memory_space<vmem_shared>>) dst(%dma_wait3A_28 : memref<624x128xf32, #tpu.memory_space<hbm>>)
        tpu.yield
      }) : () -> ()
    } else {
    }
    %eq3A = arith.constant 15 : i32
    %eq3A_15 = arith.cmpi eq, %arg1, %eq3A : i32
    %convert_element_type3A_16 = arith.extui %eq3A_15 : i1 to i32
    %cond3A_17 = arith.constant 0 : i32
    %cond3A_18 = arith.cmpi ne, %convert_element_type3A_16, %cond3A_17 : i32
    scf.if %cond3A_18 {
      "tpu.region"() ({
        %run_scoped3A = tpu.sem_alloc : memref<!tpu.dma_semaphore, #tpu.memory_space<semaphore_mem>>
        %dma_start3A = arith.constant 9360 : i32
        %dma_start3A_19 = arith.constant 0 : i32
        %dma_start3A_20 = tpu.memref_slice %arg6[%arg0, %dma_start3A, %dma_start3A_19] : memref<2x10000x128xf32, #tpu.memory_space<hbm>> -> memref<1x640x128xf32, #tpu.memory_space<hbm>>
        %dma_start3A_21 = tpu.memref_squeeze %dma_start3A_20 : memref<1x640x128xf32, #tpu.memory_space<hbm>> -> memref<640x128xf32, #tpu.memory_space<hbm>>
        %dma_start3A_22 = arith.constant 9360 : i32
        %dma_start3A_23 = arith.constant 0 : i32
        %dma_start3A_24 = tpu.memref_slice %arg11[%dma_start3A_22, %dma_start3A_23] : memref<10112x128xf32, #tpu.memory_space<vmem_shared>> -> memref<640x128xf32, #tpu.memory_space<vmem_shared>>
        tpu.enqueue_dma source(%dma_start3A_24 : memref<640x128xf32, #tpu.memory_space<vmem_shared>>) target(%dma_start3A_21 : memref<640x128xf32, #tpu.memory_space<hbm>>) target_semaphore(%run_scoped3A : memref<!tpu.dma_semaphore, #tpu.memory_space<semaphore_mem>>)
        %dma_wait3A = arith.constant 9360 : i32
        %dma_wait3A_25 = arith.constant 0 : i32
        %dma_wait3A_26 = tpu.memref_slice %arg6[%arg0, %dma_wait3A, %dma_wait3A_25] : memref<2x10000x128xf32, #tpu.memory_space<hbm>> -> memref<1x640x128xf32, #tpu.memory_space<hbm>>
        %dma_wait3A_27 = tpu.memref_squeeze %dma_wait3A_26 : memref<1x640x128xf32, #tpu.memory_space<hbm>> -> memref<640x128xf32, #tpu.memory_space<hbm>>
        %dma_wait3A_28 = arith.constant 9360 : i32
        %dma_wait3A_29 = arith.constant 0 : i32
        %dma_wait3A_30 = tpu.memref_slice %arg11[%dma_wait3A_28, %dma_wait3A_29] : memref<10112x128xf32, #tpu.memory_space<vmem_shared>> -> memref<640x128xf32, #tpu.memory_space<vmem_shared>>
        tpu.wait_dma2 semaphore(%run_scoped3A : memref<!tpu.dma_semaphore, #tpu.memory_space<semaphore_mem>>) src(%dma_wait3A_30 : memref<640x128xf32, #tpu.memory_space<vmem_shared>>) dst(%dma_wait3A_27 : memref<640x128xf32, #tpu.memory_space<hbm>>)
        tpu.yield
      }) : () -> ()
    } else {
    }
    return
  }
}

#map = affine_map<(d0, d1) -> (0, 0)>
#map1 = affine_map<(d0, d1) -> (0, 0, 0)>
module attributes {stable_mosaic.version = 14 : i64} {
  func.func @msgpass(%arg0: i32, %arg1: i32, %arg2: memref<40000x128xf32, #tpu.memory_space<hbm>>, %arg3: memref<2560x128xi32, #tpu.memory_space<hbm>>, %arg4: memref<2560x128xi32, #tpu.memory_space<hbm>>, %arg5: memref<10112x128xf32, #tpu.memory_space<hbm>>, %arg6: memref<2x10000x128xf32, #tpu.memory_space<hbm>>, %arg7: memref<16x128xi32, #tpu.memory_space<vmem>>, %arg8: memref<16x128xi32, #tpu.memory_space<vmem>>, %arg9: memref<128x128xf32, #tpu.memory_space<vmem>>, %arg10: memref<128x128xf32, #tpu.memory_space<vmem>>, %arg11: memref<10112x128xf32, #tpu.memory_space<vmem_shared>>, %arg12: memref<!tpu.dma_semaphore, #tpu.memory_space<semaphore_mem>>, %arg13: memref<!tpu.dma_semaphore, #tpu.memory_space<semaphore_mem>>) attributes {dimension_semantics = [#tpu.dimension_semantics<core_parallel>, #tpu.dimension_semantics<subcore_parallel>], iteration_bounds = array<i64: 2, 16>, scalar_prefetch = 0 : i64, scratch_operands = 7 : i64, tpu.core_type = #tpu.core_type<sc_vector_subcore>, window_params = [{transform_indices = #map}, {transform_indices = #map}, {transform_indices = #map}, {transform_indices = #map}, {transform_indices = #map1}]} {
    %mul3A = arith.constant 16 : i32
    %mul3A_0 = arith.muli %arg0, %mul3A : i32
    %add3A = arith.addi %mul3A_0, %arg1 : i32
    %mul3A_1 = arith.constant 632 : i32
    %mul3A_2 = arith.muli %arg1, %mul3A_1 : i32
    %mul3A_3 = arith.constant 632 : i32
    %mul3A_4 = arith.muli %arg1, %mul3A_3 : i32
    "tpu.region"() ({
      %run_scoped3A = tpu.sem_alloc : memref<!tpu.dma_semaphore, #tpu.memory_space<semaphore_mem>>
      %dma_start3A = arith.constant 0 : i32
      %dma_start3A_19 = tpu.memref_slice %arg11[%mul3A_4, %dma_start3A] : memref<10112x128xf32, #tpu.memory_space<vmem_shared>> -> memref<632x128xf32, #tpu.memory_space<vmem_shared>>
      %dma_start3A_20 = arith.constant 0 : i32
      %dma_start3A_21 = tpu.memref_slice %arg5[%mul3A_2, %dma_start3A_20] : memref<10112x128xf32, #tpu.memory_space<hbm>> -> memref<632x128xf32, #tpu.memory_space<hbm>>
      tpu.enqueue_dma source(%dma_start3A_21 : memref<632x128xf32, #tpu.memory_space<hbm>>) target(%dma_start3A_19 : memref<632x128xf32, #tpu.memory_space<vmem_shared>>) target_semaphore(%run_scoped3A : memref<!tpu.dma_semaphore, #tpu.memory_space<semaphore_mem>>)
      %dma_wait3A = arith.constant 0 : i32
      %dma_wait3A_22 = tpu.memref_slice %arg11[%mul3A_4, %dma_wait3A] : memref<10112x128xf32, #tpu.memory_space<vmem_shared>> -> memref<632x128xf32, #tpu.memory_space<vmem_shared>>
      %dma_wait3A_23 = arith.constant 0 : i32
      %dma_wait3A_24 = tpu.memref_slice %arg5[%mul3A_2, %dma_wait3A_23] : memref<10112x128xf32, #tpu.memory_space<hbm>> -> memref<632x128xf32, #tpu.memory_space<hbm>>
      tpu.wait_dma2 semaphore(%run_scoped3A : memref<!tpu.dma_semaphore, #tpu.memory_space<semaphore_mem>>) src(%dma_wait3A_24 : memref<632x128xf32, #tpu.memory_space<hbm>>) dst(%dma_wait3A_22 : memref<632x128xf32, #tpu.memory_space<vmem_shared>>)
      tpu.yield
    }) : () -> ()
    %mul3A_5 = arith.constant 80 : i32
    %mul3A_6 = arith.muli %add3A, %mul3A_5 : i32
    %barrier3A = arith.constant 0 : index
    tpu.barrier barrier_id(%barrier3A)
    %scan3A = arith.constant 0 : i32
    %scan3A_7 = arith.constant 0 : i32
    %scan3A_8 = arith.constant 5 : i32
    %scan3A_9 = arith.addi %scan3A_7, %scan3A_8 : i32
    %scan3A_10 = arith.constant 1 : i32
    scf.for %scan3A_19 = %scan3A_7 to %scan3A_9 step %scan3A_10  : i32 {
      %mul3A_20 = arith.constant 16 : i32
      %mul3A_21 = arith.muli %scan3A_19, %mul3A_20 : i32
      %add3A_22 = arith.addi %mul3A_6, %mul3A_21 : i32
      "tpu.region"() ({
        %run_scoped3A = tpu.sem_alloc : memref<!tpu.dma_semaphore, #tpu.memory_space<semaphore_mem>>
        %dma_start3A_42 = arith.constant 0 : i32
        %dma_start3A_43 = tpu.memref_slice %arg3[%add3A_22, %dma_start3A_42] : memref<2560x128xi32, #tpu.memory_space<hbm>> -> memref<16x128xi32, #tpu.memory_space<hbm>>
        %dma_start3A_44 = arith.constant 0 : i32
        %dma_start3A_45 = tpu.memref_slice %arg3[%add3A_22, %dma_start3A_44] : memref<2560x128xi32, #tpu.memory_space<hbm>> -> memref<16x128xi32, #tpu.memory_space<hbm>>
        tpu.enqueue_dma source(%dma_start3A_45 : memref<16x128xi32, #tpu.memory_space<hbm>>) target(%arg7 : memref<16x128xi32, #tpu.memory_space<vmem>>) target_semaphore(%run_scoped3A : memref<!tpu.dma_semaphore, #tpu.memory_space<semaphore_mem>>)
        %dma_wait3A = arith.constant 0 : i32
        %dma_wait3A_46 = tpu.memref_slice %arg3[%add3A_22, %dma_wait3A] : memref<2560x128xi32, #tpu.memory_space<hbm>> -> memref<16x128xi32, #tpu.memory_space<hbm>>
        %dma_wait3A_47 = arith.constant 0 : i32
        %dma_wait3A_48 = tpu.memref_slice %arg3[%add3A_22, %dma_wait3A_47] : memref<2560x128xi32, #tpu.memory_space<hbm>> -> memref<16x128xi32, #tpu.memory_space<hbm>>
        tpu.wait_dma2 semaphore(%run_scoped3A : memref<!tpu.dma_semaphore, #tpu.memory_space<semaphore_mem>>) src(%dma_wait3A_48 : memref<16x128xi32, #tpu.memory_space<hbm>>) dst(%arg7 : memref<16x128xi32, #tpu.memory_space<vmem>>)
        tpu.yield
      }) : () -> ()
      "tpu.region"() ({
        %run_scoped3A = tpu.sem_alloc : memref<!tpu.dma_semaphore, #tpu.memory_space<semaphore_mem>>
        %dma_start3A_42 = arith.constant 0 : i32
        %dma_start3A_43 = tpu.memref_slice %arg4[%add3A_22, %dma_start3A_42] : memref<2560x128xi32, #tpu.memory_space<hbm>> -> memref<16x128xi32, #tpu.memory_space<hbm>>
        %dma_start3A_44 = arith.constant 0 : i32
        %dma_start3A_45 = tpu.memref_slice %arg4[%add3A_22, %dma_start3A_44] : memref<2560x128xi32, #tpu.memory_space<hbm>> -> memref<16x128xi32, #tpu.memory_space<hbm>>
        tpu.enqueue_dma source(%dma_start3A_45 : memref<16x128xi32, #tpu.memory_space<hbm>>) target(%arg8 : memref<16x128xi32, #tpu.memory_space<vmem>>) target_semaphore(%run_scoped3A : memref<!tpu.dma_semaphore, #tpu.memory_space<semaphore_mem>>)
        %dma_wait3A = arith.constant 0 : i32
        %dma_wait3A_46 = tpu.memref_slice %arg4[%add3A_22, %dma_wait3A] : memref<2560x128xi32, #tpu.memory_space<hbm>> -> memref<16x128xi32, #tpu.memory_space<hbm>>
        %dma_wait3A_47 = arith.constant 0 : i32
        %dma_wait3A_48 = tpu.memref_slice %arg4[%add3A_22, %dma_wait3A_47] : memref<2560x128xi32, #tpu.memory_space<hbm>> -> memref<16x128xi32, #tpu.memory_space<hbm>>
        tpu.wait_dma2 semaphore(%run_scoped3A : memref<!tpu.dma_semaphore, #tpu.memory_space<semaphore_mem>>) src(%dma_wait3A_48 : memref<16x128xi32, #tpu.memory_space<hbm>>) dst(%arg8 : memref<16x128xi32, #tpu.memory_space<vmem>>)
        tpu.yield
      }) : () -> ()
      %dma_start3A = arith.constant 0 : i32
      %dma_start3A_23 = arith.constant 0 : i32
      %dma_start3A_24 = tpu.memref_slice %arg7[%dma_start3A, %dma_start3A_23] : memref<16x128xi32, #tpu.memory_space<vmem>> -> memref<1x128xi32, #tpu.memory_space<vmem>>
      %dma_start3A_25 = tpu.memref_squeeze %dma_start3A_24 : memref<1x128xi32, #tpu.memory_space<vmem>> -> memref<128xi32, #tpu.memory_space<vmem>>
      %dma_start3A_26 = arith.constant 0 : i32
      %dma_start3A_27 = arith.constant 0 : i32
      %dma_start3A_28 = tpu.memref_slice %arg2[%dma_start3A_26, %dma_start3A_27] : memref<40000x128xf32, #tpu.memory_space<hbm>> -> memref<40000x128xf32, #tpu.memory_space<hbm>>
      tpu.enqueue_indirect_dma source(%dma_start3A_28 : memref<40000x128xf32, #tpu.memory_space<hbm>>) target(%arg9 : memref<128x128xf32, #tpu.memory_space<vmem>>) offsets(%dma_start3A_25 : memref<128xi32, #tpu.memory_space<vmem>>) semaphore(%arg12 : memref<!tpu.dma_semaphore, #tpu.memory_space<semaphore_mem>>)
      %dma_start3A_29 = arith.constant 1 : i32
      %dma_start3A_30 = arith.constant 0 : i32
      %dma_start3A_31 = tpu.memref_slice %arg7[%dma_start3A_29, %dma_start3A_30] : memref<16x128xi32, #tpu.memory_space<vmem>> -> memref<1x128xi32, #tpu.memory_space<vmem>>
      %dma_start3A_32 = tpu.memref_squeeze %dma_start3A_31 : memref<1x128xi32, #tpu.memory_space<vmem>> -> memref<128xi32, #tpu.memory_space<vmem>>
      %dma_start3A_33 = arith.constant 0 : i32
      %dma_start3A_34 = arith.constant 0 : i32
      %dma_start3A_35 = tpu.memref_slice %arg2[%dma_start3A_33, %dma_start3A_34] : memref<40000x128xf32, #tpu.memory_space<hbm>> -> memref<40000x128xf32, #tpu.memory_space<hbm>>
      tpu.enqueue_indirect_dma source(%dma_start3A_35 : memref<40000x128xf32, #tpu.memory_space<hbm>>) target(%arg10 : memref<128x128xf32, #tpu.memory_space<vmem>>) offsets(%dma_start3A_32 : memref<128xi32, #tpu.memory_space<vmem>>) semaphore(%arg13 : memref<!tpu.dma_semaphore, #tpu.memory_space<semaphore_mem>>)
      %scan3A_36 = arith.constant 0 : i32
      %scan3A_37 = arith.constant 0 : i32
      %scan3A_38 = arith.constant 8 : i32
      %scan3A_39 = arith.addi %scan3A_37, %scan3A_38 : i32
      %scan3A_40 = arith.constant 1 : i32
      scf.for %scan3A_42 = %scan3A_37 to %scan3A_39 step %scan3A_40  : i32 {
        %mul3A_43 = arith.constant 2 : i32
        %mul3A_44 = arith.muli %mul3A_43, %scan3A_42 : i32
        %dma_wait3A = arith.constant 0 : i32
        %dma_wait3A_45 = arith.constant 0 : i32
        %dma_wait3A_46 = tpu.memref_slice %arg7[%dma_wait3A, %dma_wait3A_45] : memref<16x128xi32, #tpu.memory_space<vmem>> -> memref<1x128xi32, #tpu.memory_space<vmem>>
        %dma_wait3A_47 = tpu.memref_squeeze %dma_wait3A_46 : memref<1x128xi32, #tpu.memory_space<vmem>> -> memref<128xi32, #tpu.memory_space<vmem>>
        %dma_wait3A_48 = arith.constant 0 : i32
        %dma_wait3A_49 = arith.constant 0 : i32
        %dma_wait3A_50 = tpu.memref_slice %arg2[%dma_wait3A_48, %dma_wait3A_49] : memref<40000x128xf32, #tpu.memory_space<hbm>> -> memref<40000x128xf32, #tpu.memory_space<hbm>>
        tpu.wait_indirect_dma semaphore(%arg12 : memref<!tpu.dma_semaphore, #tpu.memory_space<semaphore_mem>>) src(%dma_wait3A_50 : memref<40000x128xf32, #tpu.memory_space<hbm>>) dst(%arg9 : memref<128x128xf32, #tpu.memory_space<vmem>>)
        "tpu.region"() ({
          %run_scoped3A = tpu.sem_alloc : memref<!tpu.dma_semaphore, #tpu.memory_space<semaphore_mem>>
          %dma_start3A_74 = arith.constant 0 : i32
          %dma_start3A_75 = tpu.memref_slice %arg8[%mul3A_44, %dma_start3A_74] : memref<16x128xi32, #tpu.memory_space<vmem>> -> memref<1x128xi32, #tpu.memory_space<vmem>>
          %dma_start3A_76 = tpu.memref_squeeze %dma_start3A_75 : memref<1x128xi32, #tpu.memory_space<vmem>> -> memref<128xi32, #tpu.memory_space<vmem>>
          %dma_start3A_77 = arith.constant 0 : i32
          %dma_start3A_78 = arith.constant 0 : i32
          %dma_start3A_79 = tpu.memref_slice %arg11[%dma_start3A_77, %dma_start3A_78] : memref<10112x128xf32, #tpu.memory_space<vmem_shared>> -> memref<10112x128xf32, #tpu.memory_space<vmem_shared>>
          tpu.enqueue_indirect_dma source(%arg9 : memref<128x128xf32, #tpu.memory_space<vmem>>) target(%dma_start3A_79 : memref<10112x128xf32, #tpu.memory_space<vmem_shared>>) offsets(%dma_start3A_76 : memref<128xi32, #tpu.memory_space<vmem>>) semaphore(%run_scoped3A : memref<!tpu.dma_semaphore, #tpu.memory_space<semaphore_mem>>) {add = true}
          %dma_wait3A_80 = arith.constant 0 : i32
          %dma_wait3A_81 = tpu.memref_slice %arg8[%mul3A_44, %dma_wait3A_80] : memref<16x128xi32, #tpu.memory_space<vmem>> -> memref<1x128xi32, #tpu.memory_space<vmem>>
          %dma_wait3A_82 = tpu.memref_squeeze %dma_wait3A_81 : memref<1x128xi32, #tpu.memory_space<vmem>> -> memref<128xi32, #tpu.memory_space<vmem>>
          %dma_wait3A_83 = arith.constant 0 : i32
          %dma_wait3A_84 = arith.constant 0 : i32
          %dma_wait3A_85 = tpu.memref_slice %arg11[%dma_wait3A_83, %dma_wait3A_84] : memref<10112x128xf32, #tpu.memory_space<vmem_shared>> -> memref<10112x128xf32, #tpu.memory_space<vmem_shared>>
          tpu.wait_indirect_dma semaphore(%run_scoped3A : memref<!tpu.dma_semaphore, #tpu.memory_space<semaphore_mem>>) src(%arg9 : memref<128x128xf32, #tpu.memory_space<vmem>>) dst(%dma_wait3A_85 : memref<10112x128xf32, #tpu.memory_space<vmem_shared>>)
          tpu.yield
        }) : () -> ()
        %add3A_51 = arith.constant 2 : i32
        %add3A_52 = arith.addi %mul3A_44, %add3A_51 : i32
        %lt3A_53 = arith.constant 16 : i32
        %lt3A_54 = arith.cmpi slt, %add3A_52, %lt3A_53 : i32
        %convert_element_type3A_55 = arith.extui %lt3A_54 : i1 to i32
        %cond3A_56 = arith.constant 0 : i32
        %cond3A_57 = arith.cmpi ne, %convert_element_type3A_55, %cond3A_56 : i32
        scf.if %cond3A_57 {
          %add3A_74 = arith.constant 2 : i32
          %add3A_75 = arith.addi %mul3A_44, %add3A_74 : i32
          %dma_start3A_76 = arith.constant 0 : i32
          %dma_start3A_77 = tpu.memref_slice %arg7[%add3A_75, %dma_start3A_76] : memref<16x128xi32, #tpu.memory_space<vmem>> -> memref<1x128xi32, #tpu.memory_space<vmem>>
          %dma_start3A_78 = tpu.memref_squeeze %dma_start3A_77 : memref<1x128xi32, #tpu.memory_space<vmem>> -> memref<128xi32, #tpu.memory_space<vmem>>
          %dma_start3A_79 = arith.constant 0 : i32
          %dma_start3A_80 = arith.constant 0 : i32
          %dma_start3A_81 = tpu.memref_slice %arg2[%dma_start3A_79, %dma_start3A_80] : memref<40000x128xf32, #tpu.memory_space<hbm>> -> memref<40000x128xf32, #tpu.memory_space<hbm>>
          tpu.enqueue_indirect_dma source(%dma_start3A_81 : memref<40000x128xf32, #tpu.memory_space<hbm>>) target(%arg9 : memref<128x128xf32, #tpu.memory_space<vmem>>) offsets(%dma_start3A_78 : memref<128xi32, #tpu.memory_space<vmem>>) semaphore(%arg12 : memref<!tpu.dma_semaphore, #tpu.memory_space<semaphore_mem>>)
        } else {
        }
        %dma_wait3A_58 = arith.constant 1 : i32
        %dma_wait3A_59 = arith.constant 0 : i32
        %dma_wait3A_60 = tpu.memref_slice %arg7[%dma_wait3A_58, %dma_wait3A_59] : memref<16x128xi32, #tpu.memory_space<vmem>> -> memref<1x128xi32, #tpu.memory_space<vmem>>
        %dma_wait3A_61 = tpu.memref_squeeze %dma_wait3A_60 : memref<1x128xi32, #tpu.memory_space<vmem>> -> memref<128xi32, #tpu.memory_space<vmem>>
        %dma_wait3A_62 = arith.constant 0 : i32
        %dma_wait3A_63 = arith.constant 0 : i32
        %dma_wait3A_64 = tpu.memref_slice %arg2[%dma_wait3A_62, %dma_wait3A_63] : memref<40000x128xf32, #tpu.memory_space<hbm>> -> memref<40000x128xf32, #tpu.memory_space<hbm>>
        tpu.wait_indirect_dma semaphore(%arg13 : memref<!tpu.dma_semaphore, #tpu.memory_space<semaphore_mem>>) src(%dma_wait3A_64 : memref<40000x128xf32, #tpu.memory_space<hbm>>) dst(%arg10 : memref<128x128xf32, #tpu.memory_space<vmem>>)
        %add3A_65 = arith.constant 1 : i32
        %add3A_66 = arith.addi %mul3A_44, %add3A_65 : i32
        "tpu.region"() ({
          %run_scoped3A = tpu.sem_alloc : memref<!tpu.dma_semaphore, #tpu.memory_space<semaphore_mem>>
          %dma_start3A_74 = arith.constant 0 : i32
          %dma_start3A_75 = tpu.memref_slice %arg8[%add3A_66, %dma_start3A_74] : memref<16x128xi32, #tpu.memory_space<vmem>> -> memref<1x128xi32, #tpu.memory_space<vmem>>
          %dma_start3A_76 = tpu.memref_squeeze %dma_start3A_75 : memref<1x128xi32, #tpu.memory_space<vmem>> -> memref<128xi32, #tpu.memory_space<vmem>>
          %dma_start3A_77 = arith.constant 0 : i32
          %dma_start3A_78 = arith.constant 0 : i32
          %dma_start3A_79 = tpu.memref_slice %arg11[%dma_start3A_77, %dma_start3A_78] : memref<10112x128xf32, #tpu.memory_space<vmem_shared>> -> memref<10112x128xf32, #tpu.memory_space<vmem_shared>>
          tpu.enqueue_indirect_dma source(%arg10 : memref<128x128xf32, #tpu.memory_space<vmem>>) target(%dma_start3A_79 : memref<10112x128xf32, #tpu.memory_space<vmem_shared>>) offsets(%dma_start3A_76 : memref<128xi32, #tpu.memory_space<vmem>>) semaphore(%run_scoped3A : memref<!tpu.dma_semaphore, #tpu.memory_space<semaphore_mem>>) {add = true}
          %dma_wait3A_80 = arith.constant 0 : i32
          %dma_wait3A_81 = tpu.memref_slice %arg8[%add3A_66, %dma_wait3A_80] : memref<16x128xi32, #tpu.memory_space<vmem>> -> memref<1x128xi32, #tpu.memory_space<vmem>>
          %dma_wait3A_82 = tpu.memref_squeeze %dma_wait3A_81 : memref<1x128xi32, #tpu.memory_space<vmem>> -> memref<128xi32, #tpu.memory_space<vmem>>
          %dma_wait3A_83 = arith.constant 0 : i32
          %dma_wait3A_84 = arith.constant 0 : i32
          %dma_wait3A_85 = tpu.memref_slice %arg11[%dma_wait3A_83, %dma_wait3A_84] : memref<10112x128xf32, #tpu.memory_space<vmem_shared>> -> memref<10112x128xf32, #tpu.memory_space<vmem_shared>>
          tpu.wait_indirect_dma semaphore(%run_scoped3A : memref<!tpu.dma_semaphore, #tpu.memory_space<semaphore_mem>>) src(%arg10 : memref<128x128xf32, #tpu.memory_space<vmem>>) dst(%dma_wait3A_85 : memref<10112x128xf32, #tpu.memory_space<vmem_shared>>)
          tpu.yield
        }) : () -> ()
        %add3A_67 = arith.constant 3 : i32
        %add3A_68 = arith.addi %mul3A_44, %add3A_67 : i32
        %lt3A_69 = arith.constant 16 : i32
        %lt3A_70 = arith.cmpi slt, %add3A_68, %lt3A_69 : i32
        %convert_element_type3A_71 = arith.extui %lt3A_70 : i1 to i32
        %cond3A_72 = arith.constant 0 : i32
        %cond3A_73 = arith.cmpi ne, %convert_element_type3A_71, %cond3A_72 : i32
        scf.if %cond3A_73 {
          %add3A_74 = arith.constant 3 : i32
          %add3A_75 = arith.addi %mul3A_44, %add3A_74 : i32
          %dma_start3A_76 = arith.constant 0 : i32
          %dma_start3A_77 = tpu.memref_slice %arg7[%add3A_75, %dma_start3A_76] : memref<16x128xi32, #tpu.memory_space<vmem>> -> memref<1x128xi32, #tpu.memory_space<vmem>>
          %dma_start3A_78 = tpu.memref_squeeze %dma_start3A_77 : memref<1x128xi32, #tpu.memory_space<vmem>> -> memref<128xi32, #tpu.memory_space<vmem>>
          %dma_start3A_79 = arith.constant 0 : i32
          %dma_start3A_80 = arith.constant 0 : i32
          %dma_start3A_81 = tpu.memref_slice %arg2[%dma_start3A_79, %dma_start3A_80] : memref<40000x128xf32, #tpu.memory_space<hbm>> -> memref<40000x128xf32, #tpu.memory_space<hbm>>
          tpu.enqueue_indirect_dma source(%dma_start3A_81 : memref<40000x128xf32, #tpu.memory_space<hbm>>) target(%arg10 : memref<128x128xf32, #tpu.memory_space<vmem>>) offsets(%dma_start3A_78 : memref<128xi32, #tpu.memory_space<vmem>>) semaphore(%arg13 : memref<!tpu.dma_semaphore, #tpu.memory_space<semaphore_mem>>)
        } else {
        }
      }
      %scan3A_41 = arith.constant 8 : i32
    }
    %scan3A_11 = arith.constant 5 : i32
    %barrier3A_12 = arith.constant 0 : index
    tpu.barrier barrier_id(%barrier3A_12)
    %lt3A = arith.constant 15 : i32
    %lt3A_13 = arith.cmpi slt, %arg1, %lt3A : i32
    %convert_element_type3A = arith.extui %lt3A_13 : i1 to i32
    %cond3A = arith.constant 0 : i32
    %cond3A_14 = arith.cmpi ne, %convert_element_type3A, %cond3A : i32
    scf.if %cond3A_14 {
      %mul3A_19 = arith.constant 624 : i32
      %mul3A_20 = arith.muli %arg1, %mul3A_19 : i32
      %mul3A_21 = arith.constant 624 : i32
      %mul3A_22 = arith.muli %arg1, %mul3A_21 : i32
      "tpu.region"() ({
        %run_scoped3A = tpu.sem_alloc : memref<!tpu.dma_semaphore, #tpu.memory_space<semaphore_mem>>
        %dma_start3A = arith.constant 0 : i32
        %dma_start3A_23 = tpu.memref_slice %arg6[%arg0, %mul3A_22, %dma_start3A] : memref<2x10000x128xf32, #tpu.memory_space<hbm>> -> memref<1x624x128xf32, #tpu.memory_space<hbm>>
        %dma_start3A_24 = tpu.memref_squeeze %dma_start3A_23 : memref<1x624x128xf32, #tpu.memory_space<hbm>> -> memref<624x128xf32, #tpu.memory_space<hbm>>
        %dma_start3A_25 = arith.constant 0 : i32
        %dma_start3A_26 = tpu.memref_slice %arg11[%mul3A_20, %dma_start3A_25] : memref<10112x128xf32, #tpu.memory_space<vmem_shared>> -> memref<624x128xf32, #tpu.memory_space<vmem_shared>>
        tpu.enqueue_dma source(%dma_start3A_26 : memref<624x128xf32, #tpu.memory_space<vmem_shared>>) target(%dma_start3A_24 : memref<624x128xf32, #tpu.memory_space<hbm>>) target_semaphore(%run_scoped3A : memref<!tpu.dma_semaphore, #tpu.memory_space<semaphore_mem>>)
        %dma_wait3A = arith.constant 0 : i32
        %dma_wait3A_27 = tpu.memref_slice %arg6[%arg0, %mul3A_22, %dma_wait3A] : memref<2x10000x128xf32, #tpu.memory_space<hbm>> -> memref<1x624x128xf32, #tpu.memory_space<hbm>>
        %dma_wait3A_28 = tpu.memref_squeeze %dma_wait3A_27 : memref<1x624x128xf32, #tpu.memory_space<hbm>> -> memref<624x128xf32, #tpu.memory_space<hbm>>
        %dma_wait3A_29 = arith.constant 0 : i32
        %dma_wait3A_30 = tpu.memref_slice %arg11[%mul3A_20, %dma_wait3A_29] : memref<10112x128xf32, #tpu.memory_space<vmem_shared>> -> memref<624x128xf32, #tpu.memory_space<vmem_shared>>
        tpu.wait_dma2 semaphore(%run_scoped3A : memref<!tpu.dma_semaphore, #tpu.memory_space<semaphore_mem>>) src(%dma_wait3A_30 : memref<624x128xf32, #tpu.memory_space<vmem_shared>>) dst(%dma_wait3A_28 : memref<624x128xf32, #tpu.memory_space<hbm>>)
        tpu.yield
      }) : () -> ()
    } else {
    }
    %eq3A = arith.constant 15 : i32
    %eq3A_15 = arith.cmpi eq, %arg1, %eq3A : i32
    %convert_element_type3A_16 = arith.extui %eq3A_15 : i1 to i32
    %cond3A_17 = arith.constant 0 : i32
    %cond3A_18 = arith.cmpi ne, %convert_element_type3A_16, %cond3A_17 : i32
    scf.if %cond3A_18 {
      "tpu.region"() ({
        %run_scoped3A = tpu.sem_alloc : memref<!tpu.dma_semaphore, #tpu.memory_space<semaphore_mem>>
        %dma_start3A = arith.constant 9360 : i32
        %dma_start3A_19 = arith.constant 0 : i32
        %dma_start3A_20 = tpu.memref_slice %arg6[%arg0, %dma_start3A, %dma_start3A_19] : memref<2x10000x128xf32, #tpu.memory_space<hbm>> -> memref<1x640x128xf32, #tpu.memory_space<hbm>>
        %dma_start3A_21 = tpu.memref_squeeze %dma_start3A_20 : memref<1x640x128xf32, #tpu.memory_space<hbm>> -> memref<640x128xf32, #tpu.memory_space<hbm>>
        %dma_start3A_22 = arith.constant 9360 : i32
        %dma_start3A_23 = arith.constant 0 : i32
        %dma_start3A_24 = tpu.memref_slice %arg11[%dma_start3A_22, %dma_start3A_23] : memref<10112x128xf32, #tpu.memory_space<vmem_shared>> -> memref<640x128xf32, #tpu.memory_space<vmem_shared>>
        tpu.enqueue_dma source(%dma_start3A_24 : memref<640x128xf32, #tpu.memory_space<vmem_shared>>) target(%dma_start3A_21 : memref<640x128xf32, #tpu.memory_space<hbm>>) target_semaphore(%run_scoped3A : memref<!tpu.dma_semaphore, #tpu.memory_space<semaphore_mem>>)
        %dma_wait3A = arith.constant 9360 : i32
        %dma_wait3A_25 = arith.constant 0 : i32
        %dma_wait3A_26 = tpu.memref_slice %arg6[%arg0, %dma_wait3A, %dma_wait3A_25] : memref<2x10000x128xf32, #tpu.memory_space<hbm>> -> memref<1x640x128xf32, #tpu.memory_space<hbm>>
        %dma_wait3A_27 = tpu.memref_squeeze %dma_wait3A_26 : memref<1x640x128xf32, #tpu.memory_space<hbm>> -> memref<640x128xf32, #tpu.memory_space<hbm>>
        %dma_wait3A_28 = arith.constant 9360 : i32
        %dma_wait3A_29 = arith.constant 0 : i32
        %dma_wait3A_30 = tpu.memref_slice %arg11[%dma_wait3A_28, %dma_wait3A_29] : memref<10112x128xf32, #tpu.memory_space<vmem_shared>> -> memref<640x128xf32, #tpu.memory_space<vmem_shared>>
        tpu.wait_dma2 semaphore(%run_scoped3A : memref<!tpu.dma_semaphore, #tpu.memory_space<semaphore_mem>>) src(%dma_wait3A_30 : memref<640x128xf32, #tpu.memory_space<vmem_shared>>) dst(%dma_wait3A_27 : memref<640x128xf32, #tpu.memory_space<hbm>>)
        tpu.yield
      }) : () -> ()
    } else {
    }
    return
  }
}

#map = affine_map<(d0, d1) -> (0, 0)>
#map1 = affine_map<(d0, d1) -> (0, 0, 0)>
module attributes {stable_mosaic.version = 14 : i64} {
  func.func @msgpass(%arg0: i32, %arg1: i32, %arg2: memref<40000x128xf32, #tpu.memory_space<hbm>>, %arg3: memref<2560x128xi32, #tpu.memory_space<hbm>>, %arg4: memref<2560x128xi32, #tpu.memory_space<hbm>>, %arg5: memref<10112x128xf32, #tpu.memory_space<hbm>>, %arg6: memref<2x10000x128xf32, #tpu.memory_space<hbm>>, %arg7: memref<16x128xi32, #tpu.memory_space<vmem>>, %arg8: memref<16x128xi32, #tpu.memory_space<vmem>>, %arg9: memref<128x128xf32, #tpu.memory_space<vmem>>, %arg10: memref<128x128xf32, #tpu.memory_space<vmem>>, %arg11: memref<10112x128xf32, #tpu.memory_space<vmem_shared>>, %arg12: memref<!tpu.dma_semaphore, #tpu.memory_space<semaphore_mem>>, %arg13: memref<!tpu.dma_semaphore, #tpu.memory_space<semaphore_mem>>) attributes {dimension_semantics = [#tpu.dimension_semantics<core_parallel>, #tpu.dimension_semantics<subcore_parallel>], iteration_bounds = array<i64: 2, 16>, scalar_prefetch = 0 : i64, scratch_operands = 7 : i64, tpu.core_type = #tpu.core_type<sc_vector_subcore>, window_params = [{transform_indices = #map}, {transform_indices = #map}, {transform_indices = #map}, {transform_indices = #map}, {transform_indices = #map1}]} {
    %mul3A = arith.constant 16 : i32
    %mul3A_0 = arith.muli %arg0, %mul3A : i32
    %add3A = arith.addi %mul3A_0, %arg1 : i32
    %mul3A_1 = arith.constant 632 : i32
    %mul3A_2 = arith.muli %arg1, %mul3A_1 : i32
    %mul3A_3 = arith.constant 632 : i32
    %mul3A_4 = arith.muli %arg1, %mul3A_3 : i32
    "tpu.region"() ({
      %run_scoped3A = tpu.sem_alloc : memref<!tpu.dma_semaphore, #tpu.memory_space<semaphore_mem>>
      %dma_start3A = arith.constant 0 : i32
      %dma_start3A_19 = tpu.memref_slice %arg11[%mul3A_4, %dma_start3A] : memref<10112x128xf32, #tpu.memory_space<vmem_shared>> -> memref<632x128xf32, #tpu.memory_space<vmem_shared>>
      %dma_start3A_20 = arith.constant 0 : i32
      %dma_start3A_21 = tpu.memref_slice %arg5[%mul3A_2, %dma_start3A_20] : memref<10112x128xf32, #tpu.memory_space<hbm>> -> memref<632x128xf32, #tpu.memory_space<hbm>>
      tpu.enqueue_dma source(%dma_start3A_21 : memref<632x128xf32, #tpu.memory_space<hbm>>) target(%dma_start3A_19 : memref<632x128xf32, #tpu.memory_space<vmem_shared>>) target_semaphore(%run_scoped3A : memref<!tpu.dma_semaphore, #tpu.memory_space<semaphore_mem>>)
      %dma_wait3A = arith.constant 0 : i32
      %dma_wait3A_22 = tpu.memref_slice %arg11[%mul3A_4, %dma_wait3A] : memref<10112x128xf32, #tpu.memory_space<vmem_shared>> -> memref<632x128xf32, #tpu.memory_space<vmem_shared>>
      %dma_wait3A_23 = arith.constant 0 : i32
      %dma_wait3A_24 = tpu.memref_slice %arg5[%mul3A_2, %dma_wait3A_23] : memref<10112x128xf32, #tpu.memory_space<hbm>> -> memref<632x128xf32, #tpu.memory_space<hbm>>
      tpu.wait_dma2 semaphore(%run_scoped3A : memref<!tpu.dma_semaphore, #tpu.memory_space<semaphore_mem>>) src(%dma_wait3A_24 : memref<632x128xf32, #tpu.memory_space<hbm>>) dst(%dma_wait3A_22 : memref<632x128xf32, #tpu.memory_space<vmem_shared>>)
      tpu.yield
    }) : () -> ()
    %mul3A_5 = arith.constant 80 : i32
    %mul3A_6 = arith.muli %add3A, %mul3A_5 : i32
    %barrier3A = arith.constant 0 : index
    tpu.barrier barrier_id(%barrier3A)
    %scan3A = arith.constant 0 : i32
    %scan3A_7 = arith.constant 0 : i32
    %scan3A_8 = arith.constant 5 : i32
    %scan3A_9 = arith.addi %scan3A_7, %scan3A_8 : i32
    %scan3A_10 = arith.constant 1 : i32
    scf.for %scan3A_19 = %scan3A_7 to %scan3A_9 step %scan3A_10  : i32 {
      %mul3A_20 = arith.constant 16 : i32
      %mul3A_21 = arith.muli %scan3A_19, %mul3A_20 : i32
      %add3A_22 = arith.addi %mul3A_6, %mul3A_21 : i32
      "tpu.region"() ({
        %run_scoped3A = tpu.sem_alloc : memref<!tpu.dma_semaphore, #tpu.memory_space<semaphore_mem>>
        %dma_start3A_42 = arith.constant 0 : i32
        %dma_start3A_43 = tpu.memref_slice %arg3[%add3A_22, %dma_start3A_42] : memref<2560x128xi32, #tpu.memory_space<hbm>> -> memref<16x128xi32, #tpu.memory_space<hbm>>
        %dma_start3A_44 = arith.constant 0 : i32
        %dma_start3A_45 = tpu.memref_slice %arg3[%add3A_22, %dma_start3A_44] : memref<2560x128xi32, #tpu.memory_space<hbm>> -> memref<16x128xi32, #tpu.memory_space<hbm>>
        tpu.enqueue_dma source(%dma_start3A_45 : memref<16x128xi32, #tpu.memory_space<hbm>>) target(%arg7 : memref<16x128xi32, #tpu.memory_space<vmem>>) target_semaphore(%run_scoped3A : memref<!tpu.dma_semaphore, #tpu.memory_space<semaphore_mem>>)
        %dma_wait3A = arith.constant 0 : i32
        %dma_wait3A_46 = tpu.memref_slice %arg3[%add3A_22, %dma_wait3A] : memref<2560x128xi32, #tpu.memory_space<hbm>> -> memref<16x128xi32, #tpu.memory_space<hbm>>
        %dma_wait3A_47 = arith.constant 0 : i32
        %dma_wait3A_48 = tpu.memref_slice %arg3[%add3A_22, %dma_wait3A_47] : memref<2560x128xi32, #tpu.memory_space<hbm>> -> memref<16x128xi32, #tpu.memory_space<hbm>>
        tpu.wait_dma2 semaphore(%run_scoped3A : memref<!tpu.dma_semaphore, #tpu.memory_space<semaphore_mem>>) src(%dma_wait3A_48 : memref<16x128xi32, #tpu.memory_space<hbm>>) dst(%arg7 : memref<16x128xi32, #tpu.memory_space<vmem>>)
        tpu.yield
      }) : () -> ()
      "tpu.region"() ({
        %run_scoped3A = tpu.sem_alloc : memref<!tpu.dma_semaphore, #tpu.memory_space<semaphore_mem>>
        %dma_start3A_42 = arith.constant 0 : i32
        %dma_start3A_43 = tpu.memref_slice %arg4[%add3A_22, %dma_start3A_42] : memref<2560x128xi32, #tpu.memory_space<hbm>> -> memref<16x128xi32, #tpu.memory_space<hbm>>
        %dma_start3A_44 = arith.constant 0 : i32
        %dma_start3A_45 = tpu.memref_slice %arg4[%add3A_22, %dma_start3A_44] : memref<2560x128xi32, #tpu.memory_space<hbm>> -> memref<16x128xi32, #tpu.memory_space<hbm>>
        tpu.enqueue_dma source(%dma_start3A_45 : memref<16x128xi32, #tpu.memory_space<hbm>>) target(%arg8 : memref<16x128xi32, #tpu.memory_space<vmem>>) target_semaphore(%run_scoped3A : memref<!tpu.dma_semaphore, #tpu.memory_space<semaphore_mem>>)
        %dma_wait3A = arith.constant 0 : i32
        %dma_wait3A_46 = tpu.memref_slice %arg4[%add3A_22, %dma_wait3A] : memref<2560x128xi32, #tpu.memory_space<hbm>> -> memref<16x128xi32, #tpu.memory_space<hbm>>
        %dma_wait3A_47 = arith.constant 0 : i32
        %dma_wait3A_48 = tpu.memref_slice %arg4[%add3A_22, %dma_wait3A_47] : memref<2560x128xi32, #tpu.memory_space<hbm>> -> memref<16x128xi32, #tpu.memory_space<hbm>>
        tpu.wait_dma2 semaphore(%run_scoped3A : memref<!tpu.dma_semaphore, #tpu.memory_space<semaphore_mem>>) src(%dma_wait3A_48 : memref<16x128xi32, #tpu.memory_space<hbm>>) dst(%arg8 : memref<16x128xi32, #tpu.memory_space<vmem>>)
        tpu.yield
      }) : () -> ()
      %dma_start3A = arith.constant 0 : i32
      %dma_start3A_23 = arith.constant 0 : i32
      %dma_start3A_24 = tpu.memref_slice %arg7[%dma_start3A, %dma_start3A_23] : memref<16x128xi32, #tpu.memory_space<vmem>> -> memref<1x128xi32, #tpu.memory_space<vmem>>
      %dma_start3A_25 = tpu.memref_squeeze %dma_start3A_24 : memref<1x128xi32, #tpu.memory_space<vmem>> -> memref<128xi32, #tpu.memory_space<vmem>>
      %dma_start3A_26 = arith.constant 0 : i32
      %dma_start3A_27 = arith.constant 0 : i32
      %dma_start3A_28 = tpu.memref_slice %arg2[%dma_start3A_26, %dma_start3A_27] : memref<40000x128xf32, #tpu.memory_space<hbm>> -> memref<40000x128xf32, #tpu.memory_space<hbm>>
      tpu.enqueue_indirect_dma source(%dma_start3A_28 : memref<40000x128xf32, #tpu.memory_space<hbm>>) target(%arg9 : memref<128x128xf32, #tpu.memory_space<vmem>>) offsets(%dma_start3A_25 : memref<128xi32, #tpu.memory_space<vmem>>) semaphore(%arg12 : memref<!tpu.dma_semaphore, #tpu.memory_space<semaphore_mem>>)
      %dma_start3A_29 = arith.constant 1 : i32
      %dma_start3A_30 = arith.constant 0 : i32
      %dma_start3A_31 = tpu.memref_slice %arg7[%dma_start3A_29, %dma_start3A_30] : memref<16x128xi32, #tpu.memory_space<vmem>> -> memref<1x128xi32, #tpu.memory_space<vmem>>
      %dma_start3A_32 = tpu.memref_squeeze %dma_start3A_31 : memref<1x128xi32, #tpu.memory_space<vmem>> -> memref<128xi32, #tpu.memory_space<vmem>>
      %dma_start3A_33 = arith.constant 0 : i32
      %dma_start3A_34 = arith.constant 0 : i32
      %dma_start3A_35 = tpu.memref_slice %arg2[%dma_start3A_33, %dma_start3A_34] : memref<40000x128xf32, #tpu.memory_space<hbm>> -> memref<40000x128xf32, #tpu.memory_space<hbm>>
      tpu.enqueue_indirect_dma source(%dma_start3A_35 : memref<40000x128xf32, #tpu.memory_space<hbm>>) target(%arg10 : memref<128x128xf32, #tpu.memory_space<vmem>>) offsets(%dma_start3A_32 : memref<128xi32, #tpu.memory_space<vmem>>) semaphore(%arg13 : memref<!tpu.dma_semaphore, #tpu.memory_space<semaphore_mem>>)
      %scan3A_36 = arith.constant 0 : i32
      %scan3A_37 = arith.constant 0 : i32
      %scan3A_38 = arith.constant 8 : i32
      %scan3A_39 = arith.addi %scan3A_37, %scan3A_38 : i32
      %scan3A_40 = arith.constant 1 : i32
      scf.for %scan3A_42 = %scan3A_37 to %scan3A_39 step %scan3A_40  : i32 {
        %mul3A_43 = arith.constant 2 : i32
        %mul3A_44 = arith.muli %mul3A_43, %scan3A_42 : i32
        %dma_wait3A = arith.constant 0 : i32
        %dma_wait3A_45 = arith.constant 0 : i32
        %dma_wait3A_46 = tpu.memref_slice %arg7[%dma_wait3A, %dma_wait3A_45] : memref<16x128xi32, #tpu.memory_space<vmem>> -> memref<1x128xi32, #tpu.memory_space<vmem>>
        %dma_wait3A_47 = tpu.memref_squeeze %dma_wait3A_46 : memref<1x128xi32, #tpu.memory_space<vmem>> -> memref<128xi32, #tpu.memory_space<vmem>>
        %dma_wait3A_48 = arith.constant 0 : i32
        %dma_wait3A_49 = arith.constant 0 : i32
        %dma_wait3A_50 = tpu.memref_slice %arg2[%dma_wait3A_48, %dma_wait3A_49] : memref<40000x128xf32, #tpu.memory_space<hbm>> -> memref<40000x128xf32, #tpu.memory_space<hbm>>
        tpu.wait_indirect_dma semaphore(%arg12 : memref<!tpu.dma_semaphore, #tpu.memory_space<semaphore_mem>>) src(%dma_wait3A_50 : memref<40000x128xf32, #tpu.memory_space<hbm>>) dst(%arg9 : memref<128x128xf32, #tpu.memory_space<vmem>>)
        "tpu.region"() ({
          %run_scoped3A = tpu.sem_alloc : memref<!tpu.dma_semaphore, #tpu.memory_space<semaphore_mem>>
          %dma_start3A_74 = arith.constant 0 : i32
          %dma_start3A_75 = tpu.memref_slice %arg8[%mul3A_44, %dma_start3A_74] : memref<16x128xi32, #tpu.memory_space<vmem>> -> memref<1x128xi32, #tpu.memory_space<vmem>>
          %dma_start3A_76 = tpu.memref_squeeze %dma_start3A_75 : memref<1x128xi32, #tpu.memory_space<vmem>> -> memref<128xi32, #tpu.memory_space<vmem>>
          %dma_start3A_77 = arith.constant 0 : i32
          %dma_start3A_78 = arith.constant 0 : i32
          %dma_start3A_79 = tpu.memref_slice %arg11[%dma_start3A_77, %dma_start3A_78] : memref<10112x128xf32, #tpu.memory_space<vmem_shared>> -> memref<10112x128xf32, #tpu.memory_space<vmem_shared>>
          tpu.enqueue_indirect_dma source(%arg9 : memref<128x128xf32, #tpu.memory_space<vmem>>) target(%dma_start3A_79 : memref<10112x128xf32, #tpu.memory_space<vmem_shared>>) offsets(%dma_start3A_76 : memref<128xi32, #tpu.memory_space<vmem>>) semaphore(%run_scoped3A : memref<!tpu.dma_semaphore, #tpu.memory_space<semaphore_mem>>) {add = true}
          %dma_wait3A_80 = arith.constant 0 : i32
          %dma_wait3A_81 = tpu.memref_slice %arg8[%mul3A_44, %dma_wait3A_80] : memref<16x128xi32, #tpu.memory_space<vmem>> -> memref<1x128xi32, #tpu.memory_space<vmem>>
          %dma_wait3A_82 = tpu.memref_squeeze %dma_wait3A_81 : memref<1x128xi32, #tpu.memory_space<vmem>> -> memref<128xi32, #tpu.memory_space<vmem>>
          %dma_wait3A_83 = arith.constant 0 : i32
          %dma_wait3A_84 = arith.constant 0 : i32
          %dma_wait3A_85 = tpu.memref_slice %arg11[%dma_wait3A_83, %dma_wait3A_84] : memref<10112x128xf32, #tpu.memory_space<vmem_shared>> -> memref<10112x128xf32, #tpu.memory_space<vmem_shared>>
          tpu.wait_indirect_dma semaphore(%run_scoped3A : memref<!tpu.dma_semaphore, #tpu.memory_space<semaphore_mem>>) src(%arg9 : memref<128x128xf32, #tpu.memory_space<vmem>>) dst(%dma_wait3A_85 : memref<10112x128xf32, #tpu.memory_space<vmem_shared>>)
          tpu.yield
        }) : () -> ()
        %add3A_51 = arith.constant 2 : i32
        %add3A_52 = arith.addi %mul3A_44, %add3A_51 : i32
        %lt3A_53 = arith.constant 16 : i32
        %lt3A_54 = arith.cmpi slt, %add3A_52, %lt3A_53 : i32
        %convert_element_type3A_55 = arith.extui %lt3A_54 : i1 to i32
        %cond3A_56 = arith.constant 0 : i32
        %cond3A_57 = arith.cmpi ne, %convert_element_type3A_55, %cond3A_56 : i32
        scf.if %cond3A_57 {
          %add3A_74 = arith.constant 2 : i32
          %add3A_75 = arith.addi %mul3A_44, %add3A_74 : i32
          %dma_start3A_76 = arith.constant 0 : i32
          %dma_start3A_77 = tpu.memref_slice %arg7[%add3A_75, %dma_start3A_76] : memref<16x128xi32, #tpu.memory_space<vmem>> -> memref<1x128xi32, #tpu.memory_space<vmem>>
          %dma_start3A_78 = tpu.memref_squeeze %dma_start3A_77 : memref<1x128xi32, #tpu.memory_space<vmem>> -> memref<128xi32, #tpu.memory_space<vmem>>
          %dma_start3A_79 = arith.constant 0 : i32
          %dma_start3A_80 = arith.constant 0 : i32
          %dma_start3A_81 = tpu.memref_slice %arg2[%dma_start3A_79, %dma_start3A_80] : memref<40000x128xf32, #tpu.memory_space<hbm>> -> memref<40000x128xf32, #tpu.memory_space<hbm>>
          tpu.enqueue_indirect_dma source(%dma_start3A_81 : memref<40000x128xf32, #tpu.memory_space<hbm>>) target(%arg9 : memref<128x128xf32, #tpu.memory_space<vmem>>) offsets(%dma_start3A_78 : memref<128xi32, #tpu.memory_space<vmem>>) semaphore(%arg12 : memref<!tpu.dma_semaphore, #tpu.memory_space<semaphore_mem>>)
        } else {
        }
        %dma_wait3A_58 = arith.constant 1 : i32
        %dma_wait3A_59 = arith.constant 0 : i32
        %dma_wait3A_60 = tpu.memref_slice %arg7[%dma_wait3A_58, %dma_wait3A_59] : memref<16x128xi32, #tpu.memory_space<vmem>> -> memref<1x128xi32, #tpu.memory_space<vmem>>
        %dma_wait3A_61 = tpu.memref_squeeze %dma_wait3A_60 : memref<1x128xi32, #tpu.memory_space<vmem>> -> memref<128xi32, #tpu.memory_space<vmem>>
        %dma_wait3A_62 = arith.constant 0 : i32
        %dma_wait3A_63 = arith.constant 0 : i32
        %dma_wait3A_64 = tpu.memref_slice %arg2[%dma_wait3A_62, %dma_wait3A_63] : memref<40000x128xf32, #tpu.memory_space<hbm>> -> memref<40000x128xf32, #tpu.memory_space<hbm>>
        tpu.wait_indirect_dma semaphore(%arg13 : memref<!tpu.dma_semaphore, #tpu.memory_space<semaphore_mem>>) src(%dma_wait3A_64 : memref<40000x128xf32, #tpu.memory_space<hbm>>) dst(%arg10 : memref<128x128xf32, #tpu.memory_space<vmem>>)
        %add3A_65 = arith.constant 1 : i32
        %add3A_66 = arith.addi %mul3A_44, %add3A_65 : i32
        "tpu.region"() ({
          %run_scoped3A = tpu.sem_alloc : memref<!tpu.dma_semaphore, #tpu.memory_space<semaphore_mem>>
          %dma_start3A_74 = arith.constant 0 : i32
          %dma_start3A_75 = tpu.memref_slice %arg8[%add3A_66, %dma_start3A_74] : memref<16x128xi32, #tpu.memory_space<vmem>> -> memref<1x128xi32, #tpu.memory_space<vmem>>
          %dma_start3A_76 = tpu.memref_squeeze %dma_start3A_75 : memref<1x128xi32, #tpu.memory_space<vmem>> -> memref<128xi32, #tpu.memory_space<vmem>>
          %dma_start3A_77 = arith.constant 0 : i32
          %dma_start3A_78 = arith.constant 0 : i32
          %dma_start3A_79 = tpu.memref_slice %arg11[%dma_start3A_77, %dma_start3A_78] : memref<10112x128xf32, #tpu.memory_space<vmem_shared>> -> memref<10112x128xf32, #tpu.memory_space<vmem_shared>>
          tpu.enqueue_indirect_dma source(%arg10 : memref<128x128xf32, #tpu.memory_space<vmem>>) target(%dma_start3A_79 : memref<10112x128xf32, #tpu.memory_space<vmem_shared>>) offsets(%dma_start3A_76 : memref<128xi32, #tpu.memory_space<vmem>>) semaphore(%run_scoped3A : memref<!tpu.dma_semaphore, #tpu.memory_space<semaphore_mem>>) {add = true}
          %dma_wait3A_80 = arith.constant 0 : i32
          %dma_wait3A_81 = tpu.memref_slice %arg8[%add3A_66, %dma_wait3A_80] : memref<16x128xi32, #tpu.memory_space<vmem>> -> memref<1x128xi32, #tpu.memory_space<vmem>>
          %dma_wait3A_82 = tpu.memref_squeeze %dma_wait3A_81 : memref<1x128xi32, #tpu.memory_space<vmem>> -> memref<128xi32, #tpu.memory_space<vmem>>
          %dma_wait3A_83 = arith.constant 0 : i32
          %dma_wait3A_84 = arith.constant 0 : i32
          %dma_wait3A_85 = tpu.memref_slice %arg11[%dma_wait3A_83, %dma_wait3A_84] : memref<10112x128xf32, #tpu.memory_space<vmem_shared>> -> memref<10112x128xf32, #tpu.memory_space<vmem_shared>>
          tpu.wait_indirect_dma semaphore(%run_scoped3A : memref<!tpu.dma_semaphore, #tpu.memory_space<semaphore_mem>>) src(%arg10 : memref<128x128xf32, #tpu.memory_space<vmem>>) dst(%dma_wait3A_85 : memref<10112x128xf32, #tpu.memory_space<vmem_shared>>)
          tpu.yield
        }) : () -> ()
        %add3A_67 = arith.constant 3 : i32
        %add3A_68 = arith.addi %mul3A_44, %add3A_67 : i32
        %lt3A_69 = arith.constant 16 : i32
        %lt3A_70 = arith.cmpi slt, %add3A_68, %lt3A_69 : i32
        %convert_element_type3A_71 = arith.extui %lt3A_70 : i1 to i32
        %cond3A_72 = arith.constant 0 : i32
        %cond3A_73 = arith.cmpi ne, %convert_element_type3A_71, %cond3A_72 : i32
        scf.if %cond3A_73 {
          %add3A_74 = arith.constant 3 : i32
          %add3A_75 = arith.addi %mul3A_44, %add3A_74 : i32
          %dma_start3A_76 = arith.constant 0 : i32
          %dma_start3A_77 = tpu.memref_slice %arg7[%add3A_75, %dma_start3A_76] : memref<16x128xi32, #tpu.memory_space<vmem>> -> memref<1x128xi32, #tpu.memory_space<vmem>>
          %dma_start3A_78 = tpu.memref_squeeze %dma_start3A_77 : memref<1x128xi32, #tpu.memory_space<vmem>> -> memref<128xi32, #tpu.memory_space<vmem>>
          %dma_start3A_79 = arith.constant 0 : i32
          %dma_start3A_80 = arith.constant 0 : i32
          %dma_start3A_81 = tpu.memref_slice %arg2[%dma_start3A_79, %dma_start3A_80] : memref<40000x128xf32, #tpu.memory_space<hbm>> -> memref<40000x128xf32, #tpu.memory_space<hbm>>
          tpu.enqueue_indirect_dma source(%dma_start3A_81 : memref<40000x128xf32, #tpu.memory_space<hbm>>) target(%arg10 : memref<128x128xf32, #tpu.memory_space<vmem>>) offsets(%dma_start3A_78 : memref<128xi32, #tpu.memory_space<vmem>>) semaphore(%arg13 : memref<!tpu.dma_semaphore, #tpu.memory_space<semaphore_mem>>)
        } else {
        }
      }
      %scan3A_41 = arith.constant 8 : i32
    }
    %scan3A_11 = arith.constant 5 : i32
    %barrier3A_12 = arith.constant 0 : index
    tpu.barrier barrier_id(%barrier3A_12)
    %lt3A = arith.constant 15 : i32
    %lt3A_13 = arith.cmpi slt, %arg1, %lt3A : i32
    %convert_element_type3A = arith.extui %lt3A_13 : i1 to i32
    %cond3A = arith.constant 0 : i32
    %cond3A_14 = arith.cmpi ne, %convert_element_type3A, %cond3A : i32
    scf.if %cond3A_14 {
      %mul3A_19 = arith.constant 624 : i32
      %mul3A_20 = arith.muli %arg1, %mul3A_19 : i32
      %mul3A_21 = arith.constant 624 : i32
      %mul3A_22 = arith.muli %arg1, %mul3A_21 : i32
      "tpu.region"() ({
        %run_scoped3A = tpu.sem_alloc : memref<!tpu.dma_semaphore, #tpu.memory_space<semaphore_mem>>
        %dma_start3A = arith.constant 0 : i32
        %dma_start3A_23 = tpu.memref_slice %arg6[%arg0, %mul3A_22, %dma_start3A] : memref<2x10000x128xf32, #tpu.memory_space<hbm>> -> memref<1x624x128xf32, #tpu.memory_space<hbm>>
        %dma_start3A_24 = tpu.memref_squeeze %dma_start3A_23 : memref<1x624x128xf32, #tpu.memory_space<hbm>> -> memref<624x128xf32, #tpu.memory_space<hbm>>
        %dma_start3A_25 = arith.constant 0 : i32
        %dma_start3A_26 = tpu.memref_slice %arg11[%mul3A_20, %dma_start3A_25] : memref<10112x128xf32, #tpu.memory_space<vmem_shared>> -> memref<624x128xf32, #tpu.memory_space<vmem_shared>>
        tpu.enqueue_dma source(%dma_start3A_26 : memref<624x128xf32, #tpu.memory_space<vmem_shared>>) target(%dma_start3A_24 : memref<624x128xf32, #tpu.memory_space<hbm>>) target_semaphore(%run_scoped3A : memref<!tpu.dma_semaphore, #tpu.memory_space<semaphore_mem>>)
        %dma_wait3A = arith.constant 0 : i32
        %dma_wait3A_27 = tpu.memref_slice %arg6[%arg0, %mul3A_22, %dma_wait3A] : memref<2x10000x128xf32, #tpu.memory_space<hbm>> -> memref<1x624x128xf32, #tpu.memory_space<hbm>>
        %dma_wait3A_28 = tpu.memref_squeeze %dma_wait3A_27 : memref<1x624x128xf32, #tpu.memory_space<hbm>> -> memref<624x128xf32, #tpu.memory_space<hbm>>
        %dma_wait3A_29 = arith.constant 0 : i32
        %dma_wait3A_30 = tpu.memref_slice %arg11[%mul3A_20, %dma_wait3A_29] : memref<10112x128xf32, #tpu.memory_space<vmem_shared>> -> memref<624x128xf32, #tpu.memory_space<vmem_shared>>
        tpu.wait_dma2 semaphore(%run_scoped3A : memref<!tpu.dma_semaphore, #tpu.memory_space<semaphore_mem>>) src(%dma_wait3A_30 : memref<624x128xf32, #tpu.memory_space<vmem_shared>>) dst(%dma_wait3A_28 : memref<624x128xf32, #tpu.memory_space<hbm>>)
        tpu.yield
      }) : () -> ()
    } else {
    }
    %eq3A = arith.constant 15 : i32
    %eq3A_15 = arith.cmpi eq, %arg1, %eq3A : i32
    %convert_element_type3A_16 = arith.extui %eq3A_15 : i1 to i32
    %cond3A_17 = arith.constant 0 : i32
    %cond3A_18 = arith.cmpi ne, %convert_element_type3A_16, %cond3A_17 : i32
    scf.if %cond3A_18 {
      "tpu.region"() ({
        %run_scoped3A = tpu.sem_alloc : memref<!tpu.dma_semaphore, #tpu.memory_space<semaphore_mem>>
        %dma_start3A = arith.constant 9360 : i32
        %dma_start3A_19 = arith.constant 0 : i32
        %dma_start3A_20 = tpu.memref_slice %arg6[%arg0, %dma_start3A, %dma_start3A_19] : memref<2x10000x128xf32, #tpu.memory_space<hbm>> -> memref<1x640x128xf32, #tpu.memory_space<hbm>>
        %dma_start3A_21 = tpu.memref_squeeze %dma_start3A_20 : memref<1x640x128xf32, #tpu.memory_space<hbm>> -> memref<640x128xf32, #tpu.memory_space<hbm>>
        %dma_start3A_22 = arith.constant 9360 : i32
        %dma_start3A_23 = arith.constant 0 : i32
        %dma_start3A_24 = tpu.memref_slice %arg11[%dma_start3A_22, %dma_start3A_23] : memref<10112x128xf32, #tpu.memory_space<vmem_shared>> -> memref<640x128xf32, #tpu.memory_space<vmem_shared>>
        tpu.enqueue_dma source(%dma_start3A_24 : memref<640x128xf32, #tpu.memory_space<vmem_shared>>) target(%dma_start3A_21 : memref<640x128xf32, #tpu.memory_space<hbm>>) target_semaphore(%run_scoped3A : memref<!tpu.dma_semaphore, #tpu.memory_space<semaphore_mem>>)
        %dma_wait3A = arith.constant 9360 : i32
        %dma_wait3A_25 = arith.constant 0 : i32
        %dma_wait3A_26 = tpu.memref_slice %arg6[%arg0, %dma_wait3A, %dma_wait3A_25] : memref<2x10000x128xf32, #tpu.memory_space<hbm>> -> memref<1x640x128xf32, #tpu.memory_space<hbm>>
        %dma_wait3A_27 = tpu.memref_squeeze %dma_wait3A_26 : memref<1x640x128xf32, #tpu.memory_space<hbm>> -> memref<640x128xf32, #tpu.memory_space<hbm>>
        %dma_wait3A_28 = arith.constant 9360 : i32
        %dma_wait3A_29 = arith.constant 0 : i32
        %dma_wait3A_30 = tpu.memref_slice %arg11[%dma_wait3A_28, %dma_wait3A_29] : memref<10112x128xf32, #tpu.memory_space<vmem_shared>> -> memref<640x128xf32, #tpu.memory_space<vmem_shared>>
        tpu.wait_dma2 semaphore(%run_scoped3A : memref<!tpu.dma_semaphore, #tpu.memory_space<semaphore_mem>>) src(%dma_wait3A_30 : memref<640x128xf32, #tpu.memory_space<vmem_shared>>) dst(%dma_wait3A_27 : memref<640x128xf32, #tpu.memory_space<hbm>>)
        tpu.yield
      }) : () -> ()
    } else {
    }
    return
  }
}

module attributes {stable_mosaic.version = 14 : i64} {
  func.func @_trans_body(%arg0: i32, %arg1: i32, %arg2: memref<2000x128xf32, #tpu.memory_space<vmem>>, %arg3: memref<1x128x128xf32, #tpu.memory_space<vmem>>, %arg4: memref<1x1x128xf32, #tpu.memory_space<vmem>>, %arg5: memref<1x2000x128xf32, #tpu.memory_space<vmem>>) attributes {dimension_semantics = [#tpu.dimension_semantics<arbitrary>, #tpu.dimension_semantics<arbitrary>], iteration_bounds = array<i64: 4, 5>, scalar_prefetch = 0 : i64, scratch_operands = 0 : i64, tpu.core_type = #tpu.core_type<tc>, window_params = [{transform_indices = @transform_0, window_bounds = array<i64: 2000, 128>}, {transform_indices = @transform_1, window_bounds = array<i64: 1, 128, 128>}, {transform_indices = @transform_2, window_bounds = array<i64: 1, 1, 128>}, {transform_indices = @transform_3, window_bounds = array<i64: 1, 2000, 128>}]} {
    %get3A = arith.constant 0 : index
    %get3A_0 = arith.constant 0 : index
    %get3A_1 = vector.load %arg2[%get3A, %get3A_0] : memref<2000x128xf32, #tpu.memory_space<vmem>>, vector<2000x128xf32>
    %get3A_2 = arith.constant 0 : index
    %get3A_3 = arith.constant 0 : index
    %get3A_4 = arith.constant 0 : index
    %get3A_5 = vector.load %arg3[%get3A_2, %get3A_3, %get3A_4] : memref<1x128x128xf32, #tpu.memory_space<vmem>>, vector<1x128x128xf32>
    %get3A_6 = vector.shape_cast %get3A_5 : vector<1x128x128xf32> to vector<128x128xf32>
    %dot_general3A = arith.constant dense<0.000000e+00> : vector<2000x128xf32>
    %dot_general3A_7 = tpu.matmul %get3A_1, %get3A_6, %dot_general3A {dimension_numbers = #tpu.dot_dimension_numbers<[1], [0], [0], [1], [0, 0, 1, 1], [], []>, transpose_lhs_hint = false} : vector<2000x128xf32>, vector<128x128xf32>, vector<2000x128xf32> -> vector<2000x128xf32>
    %get3A_8 = arith.constant 0 : index
    %get3A_9 = arith.constant 0 : index
    %get3A_10 = arith.constant 0 : index
    %get3A_11 = vector.load %arg4[%get3A_8, %get3A_9, %get3A_10] : memref<1x1x128xf32, #tpu.memory_space<vmem>>, vector<1x1x128xf32>
    %get3A_12 = vector.shape_cast %get3A_11 : vector<1x1x128xf32> to vector<1x128xf32>
    %add3A = vector.broadcast %get3A_12 : vector<1x128xf32> to vector<2000x128xf32>
    %add3A_13 = arith.addf %dot_general3A_7, %add3A : vector<2000x128xf32>
    %swap3A = arith.constant 0 : index
    %swap3A_14 = arith.constant 0 : index
    %swap3A_15 = arith.constant 0 : index
    %swap3A_16 = vector.load %arg5[%swap3A, %swap3A_14, %swap3A_15] : memref<1x2000x128xf32, #tpu.memory_space<vmem>>, vector<1x2000x128xf32>
    %swap3A_17 = vector.shape_cast %swap3A_16 : vector<1x2000x128xf32> to vector<2000x128xf32>
    %swap3A_18 = vector.shape_cast %add3A_13 : vector<2000x128xf32> to vector<1x2000x128xf32>
    tpu.vector_store %arg5[%swap3A, %swap3A_14, %swap3A_15], %swap3A_18 {strides = array<i32>} : memref<1x2000x128xf32, #tpu.memory_space<vmem>>, vector<1x2000x128xf32>,
    return
  }
  func.func @transform_0(%arg0: i32, %arg1: i32) -> (i32, i32) {
    %c0_i32 = arith.constant 0 : i32
    %c0_i32_0 = arith.constant 0 : i32
    return %arg1, %c0_i32 : i32, i32
  }
  func.func @transform_1(%arg0: i32, %arg1: i32) -> (i32, i32, i32) {
    %c0_i32 = arith.constant 0 : i32
    %c0_i32_0 = arith.constant 0 : i32
    %c0_i32_1 = arith.constant 0 : i32
    return %arg0, %c0_i32, %c0_i32_0 : i32, i32, i32
  }
  func.func @transform_2(%arg0: i32, %arg1: i32) -> (i32, i32, i32) {
    %c0_i32 = arith.constant 0 : i32
    %c0_i32_0 = arith.constant 0 : i32
    %c0_i32_1 = arith.constant 0 : i32
    return %arg0, %c0_i32, %c0_i32_0 : i32, i32, i32
  }
  func.func @transform_3(%arg0: i32, %arg1: i32) -> (i32, i32, i32) {
    %c0_i32 = arith.constant 0 : i32
    %c0_i32_0 = arith.constant 0 : i32
    return %arg0, %arg1, %c0_i32 : i32, i32, i32
  }
}

module attributes {stable_mosaic.version = 14 : i64} {
  func.func @_gru_body(%arg0: i32, %arg1: memref<2x2000x128xf32, #tpu.memory_space<vmem>>, %arg2: memref<2000x128xf32, #tpu.memory_space<vmem>>, %arg3: memref<128x384xf32, #tpu.memory_space<vmem>>, %arg4: memref<128x384xf32, #tpu.memory_space<vmem>>, %arg5: memref<1x384xf32, #tpu.memory_space<vmem>>, %arg6: memref<1x384xf32, #tpu.memory_space<vmem>>, %arg7: memref<2000x128xf32, #tpu.memory_space<vmem>>) attributes {dimension_semantics = [#tpu.dimension_semantics<arbitrary>], iteration_bounds = array<i64: 5>, scalar_prefetch = 0 : i64, scratch_operands = 0 : i64, tpu.core_type = #tpu.core_type<tc>, window_params = [{transform_indices = @transform_0, window_bounds = array<i64: 2, 2000, 128>}, {transform_indices = @transform_1, window_bounds = array<i64: 2000, 128>}, {pipeline_mode = #tpu.pipeline_mode<synchronous>, transform_indices = @transform_2, window_bounds = array<i64: 128, 384>}, {pipeline_mode = #tpu.pipeline_mode<synchronous>, transform_indices = @transform_3, window_bounds = array<i64: 128, 384>}, {pipeline_mode = #tpu.pipeline_mode<synchronous>, transform_indices = @transform_4, window_bounds = array<i64: 1, 384>}, {pipeline_mode = #tpu.pipeline_mode<synchronous>, transform_indices = @transform_5, window_bounds = array<i64: 1, 384>}, {transform_indices = @transform_6, window_bounds = array<i64: 2000, 128>}]} {
    %get3A = arith.constant 0 : index
    %get3A_0 = arith.constant 0 : index
    %get3A_1 = arith.constant 0 : index
    %get3A_2 = vector.load %arg1[%get3A, %get3A_0, %get3A_1] : memref<2x2000x128xf32, #tpu.memory_space<vmem>>, vector<1x2000x128xf32>
    %get3A_3 = vector.shape_cast %get3A_2 : vector<1x2000x128xf32> to vector<2000x128xf32>
    %get3A_4 = arith.constant 1 : index
    %get3A_5 = arith.constant 0 : index
    %get3A_6 = arith.constant 0 : index
    %get3A_7 = vector.load %arg1[%get3A_4, %get3A_5, %get3A_6] : memref<2x2000x128xf32, #tpu.memory_space<vmem>>, vector<1x2000x128xf32>
    %get3A_8 = vector.shape_cast %get3A_7 : vector<1x2000x128xf32> to vector<2000x128xf32>
    %add3A = arith.addf %get3A_3, %get3A_8 : vector<2000x128xf32>
    %get3A_9 = arith.constant 0 : index
    %get3A_10 = arith.constant 0 : index
    %get3A_11 = vector.load %arg2[%get3A_9, %get3A_10] : memref<2000x128xf32, #tpu.memory_space<vmem>>, vector<2000x128xf32>
    %get3A_12 = arith.constant 0 : index
    %get3A_13 = arith.constant 0 : index
    %get3A_14 = vector.load %arg3[%get3A_12, %get3A_13] : memref<128x384xf32, #tpu.memory_space<vmem>>, vector<128x384xf32>
    %dot_general3A = arith.constant dense<0.000000e+00> : vector<2000x384xf32>
    %dot_general3A_15 = tpu.matmul %add3A, %get3A_14, %dot_general3A {dimension_numbers = #tpu.dot_dimension_numbers<[1], [0], [0], [1], [0, 0, 1, 1], [], []>, transpose_lhs_hint = false} : vector<2000x128xf32>, vector<128x384xf32>, vector<2000x384xf32> -> vector<2000x384xf32>
    %get3A_16 = arith.constant 0 : index
    %get3A_17 = arith.constant 0 : index
    %get3A_18 = vector.load %arg5[%get3A_16, %get3A_17] : memref<1x384xf32, #tpu.memory_space<vmem>>, vector<1x384xf32>
    %add3A_19 = vector.broadcast %get3A_18 : vector<1x384xf32> to vector<2000x384xf32>
    %add3A_20 = arith.addf %dot_general3A_15, %add3A_19 : vector<2000x384xf32>
    %get3A_21 = arith.constant 0 : index
    %get3A_22 = arith.constant 0 : index
    %get3A_23 = vector.load %arg4[%get3A_21, %get3A_22] : memref<128x384xf32, #tpu.memory_space<vmem>>, vector<128x384xf32>
    %dot_general3A_24 = arith.constant dense<0.000000e+00> : vector<2000x384xf32>
    %dot_general3A_25 = tpu.matmul %get3A_11, %get3A_23, %dot_general3A_24 {dimension_numbers = #tpu.dot_dimension_numbers<[1], [0], [0], [1], [0, 0, 1, 1], [], []>, transpose_lhs_hint = false} : vector<2000x128xf32>, vector<128x384xf32>, vector<2000x384xf32> -> vector<2000x384xf32>
    %get3A_26 = arith.constant 0 : index
    %get3A_27 = arith.constant 0 : index
    %get3A_28 = vector.load %arg6[%get3A_26, %get3A_27] : memref<1x384xf32, #tpu.memory_space<vmem>>, vector<1x384xf32>
    %add3A_29 = vector.broadcast %get3A_28 : vector<1x384xf32> to vector<2000x384xf32>
    %add3A_30 = arith.addf %dot_general3A_25, %add3A_29 : vector<2000x384xf32>
    %slice3A = vector.extract_strided_slice %add3A_20 {offsets = [0, 0], sizes = [2000, 128], strides = [1, 1]} : vector<2000x384xf32> to vector<2000x128xf32>
    %slice3A_31 = vector.extract_strided_slice %add3A_30 {offsets = [0, 0], sizes = [2000, 128], strides = [1, 1]} : vector<2000x384xf32> to vector<2000x128xf32>
    %add3A_32 = arith.addf %slice3A, %slice3A_31 : vector<2000x128xf32>
    %logistic3A = arith.negf %add3A_32 : vector<2000x128xf32>
    %logistic3A_33 = math.exp %logistic3A : vector<2000x128xf32>
    %logistic3A_34 = arith.constant 1.000000e+00 : f32
    %logistic3A_35 = vector.broadcast %logistic3A_34 : f32 to vector<2000x128xf32>
    %logistic3A_36 = arith.addf %logistic3A_35, %logistic3A_33 : vector<2000x128xf32>
    %logistic3A_37 = arith.divf %logistic3A_35, %logistic3A_36 : vector<2000x128xf32>
    %slice3A_38 = vector.extract_strided_slice %add3A_20 {offsets = [0, 128], sizes = [2000, 128], strides = [1, 1]} : vector<2000x384xf32> to vector<2000x128xf32>
    %slice3A_39 = vector.extract_strided_slice %add3A_30 {offsets = [0, 128], sizes = [2000, 128], strides = [1, 1]} : vector<2000x384xf32> to vector<2000x128xf32>
    %add3A_40 = arith.addf %slice3A_38, %slice3A_39 : vector<2000x128xf32>
    %logistic3A_41 = arith.negf %add3A_40 : vector<2000x128xf32>
    %logistic3A_42 = math.exp %logistic3A_41 : vector<2000x128xf32>
    %logistic3A_43 = arith.constant 1.000000e+00 : f32
    %logistic3A_44 = vector.broadcast %logistic3A_43 : f32 to vector<2000x128xf32>
    %logistic3A_45 = arith.addf %logistic3A_44, %logistic3A_42 : vector<2000x128xf32>
    %logistic3A_46 = arith.divf %logistic3A_44, %logistic3A_45 : vector<2000x128xf32>
    %slice3A_47 = vector.extract_strided_slice %add3A_20 {offsets = [0, 256], sizes = [2000, 128], strides = [1, 1]} : vector<2000x384xf32> to vector<2000x128xf32>
    %slice3A_48 = vector.extract_strided_slice %add3A_30 {offsets = [0, 256], sizes = [2000, 128], strides = [1, 1]} : vector<2000x384xf32> to vector<2000x128xf32>
    %mul3A = arith.mulf %logistic3A_37, %slice3A_48 : vector<2000x128xf32>
    %add3A_49 = arith.addf %slice3A_47, %mul3A : vector<2000x128xf32>
    %tanh3A = math.tanh %add3A_49 : vector<2000x128xf32>
    %sub3A = arith.constant 1.000000e+00 : f32
    %sub3A_50 = vector.broadcast %sub3A : f32 to vector<2000x128xf32>
    %sub3A_51 = arith.subf %sub3A_50, %logistic3A_46 : vector<2000x128xf32>
    %mul3A_52 = arith.mulf %sub3A_51, %tanh3A : vector<2000x128xf32>
    %mul3A_53 = arith.mulf %logistic3A_46, %get3A_11 : vector<2000x128xf32>
    %add3A_54 = arith.addf %mul3A_52, %mul3A_53 : vector<2000x128xf32>
    %swap3A = arith.constant 0 : index
    %swap3A_55 = arith.constant 0 : index
    %swap3A_56 = vector.load %arg7[%swap3A, %swap3A_55] : memref<2000x128xf32, #tpu.memory_space<vmem>>, vector<2000x128xf32>
    tpu.vector_store %arg7[%swap3A, %swap3A_55], %add3A_54 {strides = array<i32>} : memref<2000x128xf32, #tpu.memory_space<vmem>>, vector<2000x128xf32>,
    return
  }
  func.func @transform_0(%arg0: i32) -> (i32, i32, i32) {
    %c0_i32 = arith.constant 0 : i32
    %c0_i32_0 = arith.constant 0 : i32
    %c0_i32_1 = arith.constant 0 : i32
    return %c0_i32, %arg0, %c0_i32_0 : i32, i32, i32
  }
  func.func @transform_1(%arg0: i32) -> (i32, i32) {
    %c0_i32 = arith.constant 0 : i32
    %c0_i32_0 = arith.constant 0 : i32
    return %arg0, %c0_i32 : i32, i32
  }
  func.func @transform_2(%arg0: i32) -> (i32, i32) {
    %c0_i32 = arith.constant 0 : i32
    %c0_i32_0 = arith.constant 0 : i32
    %c0_i32_1 = arith.constant 0 : i32
    return %c0_i32, %c0_i32_0 : i32, i32
  }
  func.func @transform_3(%arg0: i32) -> (i32, i32) {
    %c0_i32 = arith.constant 0 : i32
    %c0_i32_0 = arith.constant 0 : i32
    %c0_i32_1 = arith.constant 0 : i32
    return %c0_i32, %c0_i32_0 : i32, i32
  }
  func.func @transform_4(%arg0: i32) -> (i32, i32) {
    %c0_i32 = arith.constant 0 : i32
    %c0_i32_0 = arith.constant 0 : i32
    %c0_i32_1 = arith.constant 0 : i32
    return %c0_i32, %c0_i32_0 : i32, i32
  }
  func.func @transform_5(%arg0: i32) -> (i32, i32) {
    %c0_i32 = arith.constant 0 : i32
    %c0_i32_0 = arith.constant 0 : i32
    %c0_i32_1 = arith.constant 0 : i32
    return %c0_i32, %c0_i32_0 : i32, i32
  }
  func.func @transform_6(%arg0: i32) -> (i32, i32) {
    %c0_i32 = arith.constant 0 : i32
    %c0_i32_0 = arith.constant 0 : i32
    return %arg0, %c0_i32 : i32, i32
  }
}

module attributes {stable_mosaic.version = 14 : i64} {
  func.func @_gru_body(%arg0: i32, %arg1: memref<2x2000x128xf32, #tpu.memory_space<vmem>>, %arg2: memref<2000x128xf32, #tpu.memory_space<vmem>>, %arg3: memref<128x384xf32, #tpu.memory_space<vmem>>, %arg4: memref<128x384xf32, #tpu.memory_space<vmem>>, %arg5: memref<1x384xf32, #tpu.memory_space<vmem>>, %arg6: memref<1x384xf32, #tpu.memory_space<vmem>>, %arg7: memref<2000x128xf32, #tpu.memory_space<vmem>>) attributes {dimension_semantics = [#tpu.dimension_semantics<arbitrary>], iteration_bounds = array<i64: 5>, scalar_prefetch = 0 : i64, scratch_operands = 0 : i64, tpu.core_type = #tpu.core_type<tc>, window_params = [{transform_indices = @transform_0, window_bounds = array<i64: 2, 2000, 128>}, {transform_indices = @transform_1, window_bounds = array<i64: 2000, 128>}, {pipeline_mode = #tpu.pipeline_mode<synchronous>, transform_indices = @transform_2, window_bounds = array<i64: 128, 384>}, {pipeline_mode = #tpu.pipeline_mode<synchronous>, transform_indices = @transform_3, window_bounds = array<i64: 128, 384>}, {pipeline_mode = #tpu.pipeline_mode<synchronous>, transform_indices = @transform_4, window_bounds = array<i64: 1, 384>}, {pipeline_mode = #tpu.pipeline_mode<synchronous>, transform_indices = @transform_5, window_bounds = array<i64: 1, 384>}, {transform_indices = @transform_6, window_bounds = array<i64: 2000, 128>}]} {
    %get3A = arith.constant 0 : index
    %get3A_0 = arith.constant 0 : index
    %get3A_1 = arith.constant 0 : index
    %get3A_2 = vector.load %arg1[%get3A, %get3A_0, %get3A_1] : memref<2x2000x128xf32, #tpu.memory_space<vmem>>, vector<1x2000x128xf32>
    %get3A_3 = vector.shape_cast %get3A_2 : vector<1x2000x128xf32> to vector<2000x128xf32>
    %get3A_4 = arith.constant 1 : index
    %get3A_5 = arith.constant 0 : index
    %get3A_6 = arith.constant 0 : index
    %get3A_7 = vector.load %arg1[%get3A_4, %get3A_5, %get3A_6] : memref<2x2000x128xf32, #tpu.memory_space<vmem>>, vector<1x2000x128xf32>
    %get3A_8 = vector.shape_cast %get3A_7 : vector<1x2000x128xf32> to vector<2000x128xf32>
    %add3A = arith.addf %get3A_3, %get3A_8 : vector<2000x128xf32>
    %get3A_9 = arith.constant 0 : index
    %get3A_10 = arith.constant 0 : index
    %get3A_11 = vector.load %arg2[%get3A_9, %get3A_10] : memref<2000x128xf32, #tpu.memory_space<vmem>>, vector<2000x128xf32>
    %get3A_12 = arith.constant 0 : index
    %get3A_13 = arith.constant 0 : index
    %get3A_14 = vector.load %arg3[%get3A_12, %get3A_13] : memref<128x384xf32, #tpu.memory_space<vmem>>, vector<128x384xf32>
    %dot_general3A = arith.constant dense<0.000000e+00> : vector<2000x384xf32>
    %dot_general3A_15 = tpu.matmul %add3A, %get3A_14, %dot_general3A {dimension_numbers = #tpu.dot_dimension_numbers<[1], [0], [0], [1], [0, 0, 1, 1], [], []>, transpose_lhs_hint = false} : vector<2000x128xf32>, vector<128x384xf32>, vector<2000x384xf32> -> vector<2000x384xf32>
    %get3A_16 = arith.constant 0 : index
    %get3A_17 = arith.constant 0 : index
    %get3A_18 = vector.load %arg5[%get3A_16, %get3A_17] : memref<1x384xf32, #tpu.memory_space<vmem>>, vector<1x384xf32>
    %add3A_19 = vector.broadcast %get3A_18 : vector<1x384xf32> to vector<2000x384xf32>
    %add3A_20 = arith.addf %dot_general3A_15, %add3A_19 : vector<2000x384xf32>
    %get3A_21 = arith.constant 0 : index
    %get3A_22 = arith.constant 0 : index
    %get3A_23 = vector.load %arg4[%get3A_21, %get3A_22] : memref<128x384xf32, #tpu.memory_space<vmem>>, vector<128x384xf32>
    %dot_general3A_24 = arith.constant dense<0.000000e+00> : vector<2000x384xf32>
    %dot_general3A_25 = tpu.matmul %get3A_11, %get3A_23, %dot_general3A_24 {dimension_numbers = #tpu.dot_dimension_numbers<[1], [0], [0], [1], [0, 0, 1, 1], [], []>, transpose_lhs_hint = false} : vector<2000x128xf32>, vector<128x384xf32>, vector<2000x384xf32> -> vector<2000x384xf32>
    %get3A_26 = arith.constant 0 : index
    %get3A_27 = arith.constant 0 : index
    %get3A_28 = vector.load %arg6[%get3A_26, %get3A_27] : memref<1x384xf32, #tpu.memory_space<vmem>>, vector<1x384xf32>
    %add3A_29 = vector.broadcast %get3A_28 : vector<1x384xf32> to vector<2000x384xf32>
    %add3A_30 = arith.addf %dot_general3A_25, %add3A_29 : vector<2000x384xf32>
    %slice3A = vector.extract_strided_slice %add3A_20 {offsets = [0, 0], sizes = [2000, 128], strides = [1, 1]} : vector<2000x384xf32> to vector<2000x128xf32>
    %slice3A_31 = vector.extract_strided_slice %add3A_30 {offsets = [0, 0], sizes = [2000, 128], strides = [1, 1]} : vector<2000x384xf32> to vector<2000x128xf32>
    %add3A_32 = arith.addf %slice3A, %slice3A_31 : vector<2000x128xf32>
    %logistic3A = arith.negf %add3A_32 : vector<2000x128xf32>
    %logistic3A_33 = math.exp %logistic3A : vector<2000x128xf32>
    %logistic3A_34 = arith.constant 1.000000e+00 : f32
    %logistic3A_35 = vector.broadcast %logistic3A_34 : f32 to vector<2000x128xf32>
    %logistic3A_36 = arith.addf %logistic3A_35, %logistic3A_33 : vector<2000x128xf32>
    %logistic3A_37 = arith.divf %logistic3A_35, %logistic3A_36 : vector<2000x128xf32>
    %slice3A_38 = vector.extract_strided_slice %add3A_20 {offsets = [0, 128], sizes = [2000, 128], strides = [1, 1]} : vector<2000x384xf32> to vector<2000x128xf32>
    %slice3A_39 = vector.extract_strided_slice %add3A_30 {offsets = [0, 128], sizes = [2000, 128], strides = [1, 1]} : vector<2000x384xf32> to vector<2000x128xf32>
    %add3A_40 = arith.addf %slice3A_38, %slice3A_39 : vector<2000x128xf32>
    %logistic3A_41 = arith.negf %add3A_40 : vector<2000x128xf32>
    %logistic3A_42 = math.exp %logistic3A_41 : vector<2000x128xf32>
    %logistic3A_43 = arith.constant 1.000000e+00 : f32
    %logistic3A_44 = vector.broadcast %logistic3A_43 : f32 to vector<2000x128xf32>
    %logistic3A_45 = arith.addf %logistic3A_44, %logistic3A_42 : vector<2000x128xf32>
    %logistic3A_46 = arith.divf %logistic3A_44, %logistic3A_45 : vector<2000x128xf32>
    %slice3A_47 = vector.extract_strided_slice %add3A_20 {offsets = [0, 256], sizes = [2000, 128], strides = [1, 1]} : vector<2000x384xf32> to vector<2000x128xf32>
    %slice3A_48 = vector.extract_strided_slice %add3A_30 {offsets = [0, 256], sizes = [2000, 128], strides = [1, 1]} : vector<2000x384xf32> to vector<2000x128xf32>
    %mul3A = arith.mulf %logistic3A_37, %slice3A_48 : vector<2000x128xf32>
    %add3A_49 = arith.addf %slice3A_47, %mul3A : vector<2000x128xf32>
    %tanh3A = math.tanh %add3A_49 : vector<2000x128xf32>
    %sub3A = arith.constant 1.000000e+00 : f32
    %sub3A_50 = vector.broadcast %sub3A : f32 to vector<2000x128xf32>
    %sub3A_51 = arith.subf %sub3A_50, %logistic3A_46 : vector<2000x128xf32>
    %mul3A_52 = arith.mulf %sub3A_51, %tanh3A : vector<2000x128xf32>
    %mul3A_53 = arith.mulf %logistic3A_46, %get3A_11 : vector<2000x128xf32>
    %add3A_54 = arith.addf %mul3A_52, %mul3A_53 : vector<2000x128xf32>
    %swap3A = arith.constant 0 : index
    %swap3A_55 = arith.constant 0 : index
    %swap3A_56 = vector.load %arg7[%swap3A, %swap3A_55] : memref<2000x128xf32, #tpu.memory_space<vmem>>, vector<2000x128xf32>
    tpu.vector_store %arg7[%swap3A, %swap3A_55], %add3A_54 {strides = array<i32>} : memref<2000x128xf32, #tpu.memory_space<vmem>>, vector<2000x128xf32>,
    return
  }
  func.func @transform_0(%arg0: i32) -> (i32, i32, i32) {
    %c0_i32 = arith.constant 0 : i32
    %c0_i32_0 = arith.constant 0 : i32
    %c0_i32_1 = arith.constant 0 : i32
    return %c0_i32, %arg0, %c0_i32_0 : i32, i32, i32
  }
  func.func @transform_1(%arg0: i32) -> (i32, i32) {
    %c0_i32 = arith.constant 0 : i32
    %c0_i32_0 = arith.constant 0 : i32
    return %arg0, %c0_i32 : i32, i32
  }
  func.func @transform_2(%arg0: i32) -> (i32, i32) {
    %c0_i32 = arith.constant 0 : i32
    %c0_i32_0 = arith.constant 0 : i32
    %c0_i32_1 = arith.constant 0 : i32
    return %c0_i32, %c0_i32_0 : i32, i32
  }
  func.func @transform_3(%arg0: i32) -> (i32, i32) {
    %c0_i32 = arith.constant 0 : i32
    %c0_i32_0 = arith.constant 0 : i32
    %c0_i32_1 = arith.constant 0 : i32
    return %c0_i32, %c0_i32_0 : i32, i32
  }
  func.func @transform_4(%arg0: i32) -> (i32, i32) {
    %c0_i32 = arith.constant 0 : i32
    %c0_i32_0 = arith.constant 0 : i32
    %c0_i32_1 = arith.constant 0 : i32
    return %c0_i32, %c0_i32_0 : i32, i32
  }
  func.func @transform_5(%arg0: i32) -> (i32, i32) {
    %c0_i32 = arith.constant 0 : i32
    %c0_i32_0 = arith.constant 0 : i32
    %c0_i32_1 = arith.constant 0 : i32
    return %c0_i32, %c0_i32_0 : i32, i32
  }
  func.func @transform_6(%arg0: i32) -> (i32, i32) {
    %c0_i32 = arith.constant 0 : i32
    %c0_i32_0 = arith.constant 0 : i32
    return %arg0, %c0_i32 : i32, i32
  }
}

</mosaic_0001>

<sc_bundles>
// kernel: kernel.20.cloned.1.call-start
scs
__scs_entry_jumppad:
0x0: {  	(pc) =	sbr.rel $0x88, $3  }
0x1: {  	(tag) =	ssettag $0x0;
	lr =	simm.s32 $0x1  }
0x2: {  	[smem:$0x3F98] =	sst lr;
	_ =	strace $0xD0000000  }
0x3: {  	_ = 	snop  }
0x4: {  	_ = 	snop  }
0x5: {  	_ = 	snop  }
0x6: {  	_ = 	snop  }
0x7: {  	_ = 	snop  }
__scs_overlays_trampoline_lowered:
0x8: {  	[smem:$0x3FA7] =	sst s0  }
0x9: {  	[smem:$0x3FA8] =	sst s1  }
0xa: {  	[smem:$0x3FA9] =	sst s2  }
0xb: {  	[smem:$0x3FAA] =	sst s3  }
0xc: {  	[smem:$0x3FAB] =	sst s4  }
0xd: {  	[smem:$0x3FAC] =	sst s5  }
0xe: {  	[smem:$0x3FAD] =	sst s6  }
0xf: {  	[smem:$0x3FAE] =	sst s7  }
0x10: {  	[smem:$0x3FAF] =	sst s8  }
0x11: {  	[smem:$0x3FB0] =	sst s9;
	s0 =	simm.s32 @!p0 $0x0  }
0x12: {  	s1 =	sld [smem:$0x3F96];
	s0 =	simm.s32 @p0 $0x1  }
0x13: {  	[smem:$0x3FB1] =	sst s0;
	s0 =	simm.s32 @!p1 $0x0  }
0x14: {  	s2 =	sld [smem:$0x3F95];
	s0 =	simm.s32 @p1 $0x1  }
0x15: {  	[smem:$0x3FB2] =	sst s0;
	s0 =	simm.s32 @!p2 $0x0  }
0x16: {  	s3 =	sld [smem:$0x3FDB];
	s0 =	simm.s32 @p2 $0x1  }
0x17: {  	s4 =	simm.s32 $0x1BF5;
	[smem:$0x3FB4] =	sst s0  }
0x18: {  	s0 =	sld [smem:$0x3F97];
	_ =	swait.ge [sflag:s4], $0x0  }
0x19: {  	s7 =	sld [smem:$0x3F98]  }
0x1a: {  	s8 =	sadd.s32 $0xFFFFE003, lr  }
0x1b: {  	s9 =	sadd.s32 $0xFFFFFEF7, lr;
	s5 =	simm.s32 $0xFFFFFFFF;
	p2 =	slt.u32 s8, $0xFFFFF086  }
0x1c: {  	p1 =	slt.u32 s9, $0xF7A;
	s5 =	simm.s32 @!p2 $0x0  }
0x1d: {  	s5 =	simm.s32 @p1 $0x1;
	p0 =	seq.s32 s7, s2  }
0x1e: {  	s7 =	smul.u32 @!p0 $0xF7A, s2;
	p2 =	seq.s32 @!p0 s5, $0x0  }
0x1f: {  	s9 =	smul.u32 $0xF7A, s1;
	s8 =	simm.s32 @!p0 $0x1BF5;
	p2 =	por !p2, p0  }
0x20: {  	[sflag:s8] =	ssyncset.s32 @!p0 $0xFFFFF086;
	s6 =	sadd.s32 @!p0 s3, s7;
	s7 =	simm.s32 @!p0 $0x108  }
0x21: {  	s3 =	sadd.s32 s3, s9;
	s6 =	sadd.s32 @!p0 $0x88, s6;
	s7 =	simm.s32 @p2 $0x1082  }
0x22: {  	[simem:s7], [sflag:s8] =	dma.local @!p0 [hbm:s6], $0xF7A  }
0x23: {  	s9 =	sor.u32 $0xD0000000, s2;
	s6 =	simm.s32 $0x108;
	_ =	swait.ge @!p0 [sflag:s8], $0x0  }
0x24: {  	s3 =	sadd.s32 $0x88, s3;
	s6 =	simm.s32 @!p1 $0x1082;
	[sflag:s4] =	ssyncset.s32 $0xFFFFF086  }
0x25: {  	[simem:s6], [sflag:s4] =	dma.local [hbm:s3], $0xF7A  }
0x26: {  	[smem:$0x3F98] =	sst s1;
	(tag) =	ssettag s2;
	_ =	strace s9  }
0x27: {  	s1 =	sld [smem:$0x3FA8]  }
0x28: {  	s2 =	sld [smem:$0x3FA9]  }
0x29: {  	s4 =	sld [smem:$0x3FAB]  }
0x2a: {  	p0 =	seq.s32 s5, $0x0;
	s5 =	sld [smem:$0x3FAC]  }
0x2b: {  	s6 =	sld [smem:$0x3FAD]  }
0x2c: {  	s7 =	sld [smem:$0x3FAE]  }
0x2d: {  	s3 =	simm.s32 $0x108;
	s8 =	sld [smem:$0x3FAF]  }
0x2e: {  	s3 =	simm.s32 @!p0 $0x1082;
	s9 =	sld [smem:$0x3FB0]  }
0x2f: {  	lr =	sadd.s32 s0, s3;
	s0 =	sld [smem:$0x3FA7]  }
0x30: {  	s3 =	sld [smem:$0x3FAA]  }
0x31: {  	[smem:$0x3FB3] =	sst s10  }
0x32: {  	s10 =	sld [smem:$0x3FB1];
	_ =	sdelay $0x3  }
0x33: {  	p0 =	seq.s32 s10, $0x1;
	s10 =	sld [smem:$0x3FB3];
	_ =	sdelay $0x3  }
0x34: {  	[smem:$0x3FB3] =	sst s10  }
0x35: {  	s10 =	sld [smem:$0x3FB2];
	_ =	sdelay $0x3  }
0x36: {  	p1 =	seq.s32 s10, $0x1;
	s10 =	sld [smem:$0x3FB3];
	_ =	sdelay $0x3  }
0x37: {  	[smem:$0x3FB3] =	sst s10  }
0x38: {  	s10 =	sld [smem:$0x3FB4]  }
0x39: {  	_ = 	snop;
	(pc) =	sbr.ind lr, $3  }
0x3a: {  	_ = 	snop  }
0x3b: {  	_ = 	snop  }
0x3c: {  	p2 =	seq.s32 s10, $0x1;
	s10 =	sld [smem:$0x3FB3]  }
0x3d: {  	_ =	shalt  }
0x3e: {  	_ =	shalt  }
0x3f: {  	_ =	shalt  }
0x40: {  	_ =	shalt  }
0x41: {  	_ =	shalt  }
0x42: {  	_ =	shalt  }
0x43: {  	_ =	shalt  }
0x44: {  	_ =	shalt  }
0x45: {  	_ =	shalt  }
0x46: {  	_ =	shalt  }
0x47: {  	_ =	shalt  }
0x48: {  	_ =	shalt  }
0x49: {  	_ =	shalt  }
0x4a: {  	_ =	shalt  }
0x4b: {  	_ =	shalt  }
0x4c: {  	_ =	shalt  }
0x4d: {  	_ =	shalt  }
0x4e: {  	_ =	shalt  }
0x4f: {  	_ =	shalt  }
0x50: {  	_ =	shalt  }
0x51: {  	_ =	shalt  }
0x52: {  	_ =	shalt  }
0x53: {  	_ =	shalt  }
0x54: {  	_ =	shalt  }
0x55: {  	_ =	shalt  }
0x56: {  	_ =	shalt  }
0x57: {  	_ =	shalt  }
0x58: {  	_ =	shalt  }
0x59: {  	_ =	shalt  }
0x5a: {  	_ =	shalt  }
0x5b: {  	_ =	shalt  }
0x5c: {  	_ =	shalt  }
0x5d: {  	_ =	shalt  }
0x5e: {  	_ =	shalt  }
0x5f: {  	_ =	shalt  }
0x60: {  	_ =	shalt  }
0x61: {  	_ =	shalt  }
0x62: {  	_ =	shalt  }
0x63: {  	_ =	shalt  }
0x64: {  	_ =	shalt  }
0x65: {  	_ =	shalt  }
0x66: {  	_ =	shalt  }
0x67: {  	_ =	shalt  }
0x68: {  	_ =	shalt  }
0x69: {  	_ =	shalt  }
0x6a: {  	_ =	shalt  }
0x6b: {  	_ =	shalt  }
0x6c: {  	_ =	shalt  }
0x6d: {  	_ =	shalt  }
0x6e: {  	_ =	shalt  }
0x6f: {  	_ =	shalt  }
0x70: {  	_ =	shalt  }
0x71: {  	_ =	shalt  }
0x72: {  	_ =	shalt  }
0x73: {  	_ =	shalt  }
0x74: {  	_ =	shalt  }
0x75: {  	_ =	shalt  }
0x76: {  	_ =	shalt  }
0x77: {  	_ =	shalt  }
0x78: {  	_ =	shalt  }
0x79: {  	_ =	shalt  }
0x7a: {  	_ =	shalt  }
0x7b: {  	_ =	shalt  }
0x7c: {  	_ =	shalt  }
0x7d: {  	_ =	shalt  }
0x7e: {  	_ =	shalt  }
0x7f: {  	_ =	shalt  }
0x80: {  	_ =	shalt  }
0x81: {  	_ =	shalt  }
0x82: {  	_ =	shalt  }
0x83: {  	_ =	shalt  }
0x84: {  	_ =	shalt  }
0x85: {  	_ =	shalt  }
0x86: {  	_ =	shalt  }
0x87: {  	_ =	shalt  }
.Lfunc_end0:
.L_simem_size_0:
called_computation_lowered:
.L_overlay_start_0:
0x88: {  	s2 =	sld [smem:$0x3FD9]  }
0x89: {  	s3 =	sld [smem:$0x3FFE];
	_ =	sdelay $0x1  }
0x8a: {  	s1 =	srdreg.scid  }
0x8b: {  	s0 =	sand.u32 $0x1, s1  }
0x8c: {  	s17 =	sshll.u32 s0, $0xA;
	s2 =	sadd.s32 s3, s2  }
0x8d: {  	s2 =	sadd.s32 s2, s17  }
0x8e: {  	[smem:$0x3FBF] =	sst s2  }
0x8f: {  	_ = 	snop  }
0x90: {  	s2 =	sld [smem:$0x3FD0];
	(tm) =	ssettm $0x1  }
0x91: {  	s18 =	sld [smem:$0x3FFB];
	_ =	sdelay $0x3  }
0x92: {  	_ =	strace s18  }
0x93: {  	s3 =	sld [smem:$0x3FFC];
	_ =	sdelay $0x3  }
0x94: {  	_ =	strace s3  }
0x95: {  	s3 =	sld [smem:$0x3FFD];
	_ =	sdelay $0x3  }
0x96: {  	_ =	strace s3  }
0x97: {  	_ =	strace $0x8FFFFFFF  }
0x98: {  	s19 =	sld [smem:$0x3FDB];
	_ =	sdelay $0x1  }
0x99: {  	s4 =	simm.s32 $_scs_section_size  }
0x9a: {  	s5 =	simm.s32 $_size__tile_overlayer_lowered;
	s6 =	simm.s32 $_tile_overlayer_lowered  }
0x9b: {  	s22 =	simm.s32 $0x1BFF;
	s21 =	sshll.u32 s6, $0x1;
	s3 =	sadd.s32 s4, s19  }
0x9c: {  	s7 =	simm.s32 $0x0;
	s20 =	sshll.u32 s5, $0x1;
	s5 =	sadd.s32 s21, s3  }
0x9d: {  	[timem:s7], [sflag:s22] =	dma.local [hbm:s5], s20  }
0x9e: {  	_ =	swait.ge [sflag:s22], s20  }
0x9f: {  	s4 =	ssub.s32 $0x0, s20;
	[sflag:s22] =	ssyncset.done $0x0  }
0xa0: {  	[sflag:s22] =	ssyncadd.s32 s4;
	_ =	sdelay $0x1  }
0xa1: {  	s23 =	simm.s32 $0x1B8B  }
0xa2: {  	_ =	swait.ge [sflag:s23], $0x1  }
0xa3: {  	[sflag:s23] =	ssyncset.done $0x0  }
0xa4: {  	s25 =	simm.s32 $0x1B8E;
	s24 =	sld [smem:$0x3FFE];
	[sflag:s23] =	ssyncadd.s32 $0xFFFFFFFF  }
0xa5: {  	s26 =	simm.s32 $execute0_lowered;
	[smem:$0x3FD2] =	sst s25  }
0xa6: {  	s5 =	sshll.u32 s26, $0x1;
	_ =	strace $0x80000046;
	[dreg:$0x1] =	wrdreg $0xFFFFFFFF  }
0xa7: {  	s28 =	simm.s32 $_size_execute0_lowered;
	s3 =	sadd.s32 s3, s5;
	[dreg:$0x0] =	wrdreg $0x0  }
0xa8: {  	s5 =	sshll.u32 s28, $0x1;
	[dreg:$0x2] =	wrdreg s3  }
0xa9: {  	[dreg:$0x3] =	wrdreg s5  }
0xaa: {  	[dreg:$0x4] =	wrdreg $0xC0  }
0xab: {  	_ =	task [dreg:s7], $0x5FFFF  }
0xac: {  	[dreg:$0x1] =	wrdreg $0xFFFFFFFF  }
0xad: {  	[dreg:$0x0] =	wrdreg $0x60  }
0xae: {  	[dreg:$0x2] =	wrdreg s24  }
0xaf: {  	[dreg:$0x3] =	wrdreg s2  }
0xb0: {  	[dreg:$0x4] =	wrdreg $0x90000  }
0xb1: {  	[dreg:$0x5] =	wrdreg $0x9  }
0xb2: {  	_ =	task.clear_ibuf [dreg:s7], $0x6FFFF;
	_ =	strace $0x90000046  }
0xb3: {  	s29 =	simm.s32 $0x9;
	_ =	strace $0x80000048  }
0xb4: {  	_ =	swait.ge [sflag:s29], $0x1  }
0xb5: {  	[sflag:s29] =	ssyncadd.s32 $0xFFFFFFFF  }
0xb6: {  	_ =	strace $0x90000048  }
0xb7: {  	_ =	sfence  }
0xb8: {  	s30 =	sld [smem:$0x0];
	_ =	sdelay $0x2  }
0xb9: {  	s31 =	sshll.u32 s1, $0xD;
	s1 =	sshrl.u32 s1, $0x2  }
0xba: {  	s3 =	sand.u32 $0x4000, s31;
	s1 =	sadd.s32 s1, s30  }
0xbb: {  	s0 =	sor.u32 s3, s0;
	s1 =	sshll.u32 s1, $0x11  }
0xbc: {  	s0 =	sor.u32 s1, s0  }
0xbd: {  	s0 =	sadd.s32 $0x8F2B, s0  }
0xbe: {  	[sflag:s0] =	ssyncadd.remote.s32 $0x1  }
0xbf: {  	_ =	sfence.sel $0xFFFF  }
0xc0: {  	[dreg:$0x0] =	wrdreg $0xFFFFFFFF;
	(pc) =	sbr.abs _section_cstart, $3  }
0xc1: {  	[dreg:$0x1] =	wrdreg $0xFFFFFFFF  }
0xc2: {  	_ =	task.clear_ibuf [dreg:s7], $0x2FFFF;
	_ =	strace $0x9FFFFFFF  }
0xc3: {  	(tm) =	ssettm $0x7FFFFFFF  }
tec
execute0_lowered:
.L_overlay_start_1:
0x0: {  	(tag) =	ssettag $0x1  }
0x1: {  	s0 =	rddreg [dreg:$0x0]  }
0x2: {  	s1 =	rddreg [dreg:$0x1];
	s3 =	srdreg.scid  }
0x3: {  	s2 =	rddreg [dreg:$0x2];
	s23 =	stileid.u32;
	s13 =	simm.s32 $0x180  }
0x4: {  	s14 =	simm.s32 $0x900;
	s15 =	simm.s32 $0x200;
	s17 =	simm.s32 $0x980  }
0x5: {  	s19 =	simm.s32 $0x280;
	s20 =	simm.s32 $0xA00;
	s21 =	simm.s32 $0x300  }
0x6: {  	s22 =	simm.s32 $0xA80;
	s28 =	simm.s32 $0xD00;
	s29 =	simm.s32 $0x600  }
0x7: {  	s5 =	sand.u32 $0x1, s3;
	s3 =	simm.s32 $0x0;
	s6 =	smul.u32 $0x2800, s23  }
0x8: {  	s30 =	simm.s32 $0xD80;
	s7 =	smul.u32 $0x2780, s23;
	[smem:$0x7FF] =	sst s3  }
0x9: {  	s8 =	smul.u32 $0x4F000, s23;
	_ =	strace $0x80000047;
	[dreg:$0x8] =	wrdreg s13  }
0xa: {  	s31 =	simm.s32 $0x680;
	s12 =	smul.u32 $0x13800, s23;
	[dreg:$0x9] =	wrdreg s14  }
0xb: {  	s25 =	sshll.u32 s23, $0x6;
	s26 =	smul.u32 $0x4E000, s23;
	[dreg:$0xa] =	wrdreg s15  }
0xc: {  	p0 =	seq.s32 s23, $0xF;
	s23 =	simm.s32 $0xC80;
	[dreg:$0xb] =	wrdreg s17  }
0xd: {  	s4 =	smul.u32 $0x28000, s5;
	s10 =	ssub.s32 $0x2, s5;
	[dreg:$0xc] =	wrdreg s19  }
0xe: {  	s5 =	smul.u32 $0x138800, s5;
	s7 =	sadd.s32 s7, s0;
	[dreg:$0xd] =	wrdreg s20  }
0xf: {  	s11 =	sshrl.u32 s10, $0x1;
	s8 =	sshrl.u32 s8, $0x2;
	[dreg:$0xe] =	wrdreg s21  }
0x10: {  	s13 =	simm.s32 $0x80;
	s14 =	simm.s32 $0x1000;
	[dreg:$0xf] =	wrdreg s22  }
0x11: {  	s15 =	simm.s32 $0x5000;
	s17 =	simm.s32 $0x2;
	s19 =	simm.s32 $0xB80  }
0x12: {  	s20 =	simm.s32 $0x480;
	s21 =	simm.s32 $0xC00;
	s22 =	simm.s32 $0x500  }
0x13: {  	s6 =	sadd.s32 s6, s4;
	s4 =	sadd.s32 $0xDC00, s0;
	s10 =	ssub.s32 s10, s11  }
0x14: {  	s8 =	sadd.s32 s8, s2;
	s7 =	sadd.s32 $0xAA000, s7;
	s24 =	sadd.s32 s12, s5  }
0x15: {  	s11 =	simm.s32 $0x100;
	s5 =	sshrl.u32 s5, $0x3;
	[dreg:$0x12] =	wrdreg s7  }
0x16: {  	s12 =	simm.s32 $0x880;
	s6 =	sshrl.u32 s6, $0x3;
	[dreg:$0x6] =	wrdreg s11  }
0x17: {  	s7 =	sshrl.u32 s24, $0x3;
	s24 =	sor.u32 $0x1C03, s25;
	[dreg:$0x7] =	wrdreg s12  }
0x18: {  	s16 =	smax.u32 s10, $0x1;
	s18 =	sshrl.u32 s8, $0x3;
	s11 =	simm.s32 $0x3  }
0x19: {  	s12 =	simm.s32 $0x800;
	s25 =	simm.s32 $0x380;
	[dreg:$0x16] =	wrdreg s16  }
0x1a: {  	s8 =	simm.s32 $0xF00;
	s9 =	sadd.s32 s6, s0;
	[dreg:$0x17] =	wrdreg s18  }
0x1b: {  	s0 =	sadd.s32 $0xD1800, s0;
	s1 =	sadd.s32 s6, s1;
	[dreg:$0x10] =	wrdreg s25  }
0x1c: {  	s16 =	simm.s32 $0x1;
	s18 =	simm.s32 $0x400;
	[dreg:$0x13] =	wrdreg s24  }
0x1d: {  	s25 =	simm.s32 $0x0;
	s7 =	sadd.s32 s0, s7;
	[dreg:$0x4] =	wrdreg s1  }
0x1e: {  	s9 =	sadd.s32 $0x3C00, s9;
	s0 =	sadd.s32 s0, s5;
	s1 =	sadd.s32 $0x124800, s2  }
0x1f: {  	s5 =	simm.s32 $0xE80;
	[dreg:$0x14] =	wrdreg s7;
	s7 =	sshrl.u32 s26, $0x2  }
0x20: {  	[dreg:$0x5] =	wrdreg s9;
	s0 =	sadd.s32 $0x24900, s0;
	s26 =	simm.s32 $0xB00  }
0x21: {  	s9 =	simm.s32 $0xF80;
	s6 =	sadd.s32 s7, s2;
	[dreg:$0x15] =	wrdreg s0  }
0x22: {  	[dreg:$0x11] =	wrdreg s26;
	s0 =	sshrl.u32 @p0 s1, $0x3;
	s26 =	simm.s32 $0x580  }
0x23: {  	s1 =	simm.s32 $0x700;
	[dreg:$0x18] =	wrdreg s0;
	s0 =	sshrl.u32 @!p0 s6, $0x3  }
0x24: {  	s7 =	simm.s32 $0x780;
	[dreg:$0x19] =	wrdreg s0;
	s0 =	simm.s32 $0xE00  }
.LBB2_1:
0x25: {  	[dreg:$0x1a] =	wrdreg s25  }
0x26: {  	s6 =	rddreg [dreg:$0x12]  }
0x27: {  	s10 =	rddreg [dreg:$0x17]  }
0x28: {  	[spmem:s10], [sflag:s24] =	dma.local [hbm:s6], $0x2780  }
0x29: {  	_ =	swait.ge [sflag:s11], $0x2780  }
0x2a: {  	[sflag:s11] =	ssyncset.done $0x0  }
0x2b: {  	[sflag:s11] =	ssyncadd.s32 $0xFFFFD880  }
0x2c: {  	[bflag:$0x0] =	sbarrier.arrive $0xFFFF  }
0x2d: {  	s24 =	rddreg [dreg:$0x5]  }
0x2e: {  	s6 =	sadd.s32 $0x0, s24  }
0x2f: {  	[tilespmem:s3], [sflag:$0x3] =	stream.linear.gather [hbm4b:s6+s3], $0x800, $0x38;
	[tilespmem:$0x1CC00] =	vst v63  }
0x30: {  	_ =	swait.ge [sflag:s11], $0x800  }
0x31: {  	s25 =	rddreg [dreg:$0x4];
	[sflag:s11] =	ssyncset.done $0x0  }
0x32: {  	[sflag:s11] =	ssyncadd.s32 $0xFFFFF800;
	s6 =	sadd.s32 $0x0, s25  }
0x33: {  	[tilespmem:s12], [sflag:$0x3] =	stream.linear.gather [hbm4b:s6+s3], $0x800, $0x38;
	[tilespmem:$0x1CC00] =	vst v63  }
0x34: {  	_ =	swait.ge [sflag:s11], $0x800  }
0x35: {  	[sflag:s11] =	ssyncset.done $0x0  }
0x36: {  	[sflag:s11] =	ssyncadd.s32 $0xFFFFF800  }
0x37: {  	[tilespmem:s14], [sflag:$0x1] =	stream.indirect.gather [hbm4b:s4+s13], $0x80, s3, s13, $0xb8;
	[tilespmem:$0x1CC00] =	vst v63  }
0x38: {  	_ = 	snop  }
0x39: {  	[tilespmem:s15], [sflag:$0x2] =	stream.indirect.gather [hbm4b:s4+s13], $0x80, s13, s13, $0xb8;
	[tilespmem:$0x1CC00] =	vst v63  }
0x3a: {  	_ =	swait.ge [sflag:s16], $0x4000  }
0x3b: {  	[sflag:s16] =	ssyncset.done $0x0  }
0x3c: {  	[sflag:s16] =	ssyncadd.s32 $0xFFFFC000  }
0x3d: {  	[spmem:s2] =	stream.indirect.scatter.add.f32 [tilespmem:s14], [sflag:$0x3], $0x80, s12, s13, $0xb8;
	[tilespmem:$0x1CC00] =	vst v63  }
0x3e: {  	_ =	swait.ge [sflag:s11], $0x4000  }
0x3f: {  	[sflag:s11] =	ssyncset.done $0x0  }
0x40: {  	s10 =	rddreg [dreg:$0x6];
	[sflag:s11] =	ssyncadd.s32 $0xFFFFC000  }
0x41: {  	[tilespmem:s14], [sflag:$0x1] =	stream.indirect.gather [hbm4b:s4+s13], $0x80, s10, s13, $0xb8;
	[tilespmem:$0x1CC00] =	vst v63  }
0x42: {  	_ =	swait.ge [sflag:s17], $0x4000  }
0x43: {  	[sflag:s17] =	ssyncset.done $0x0  }
0x44: {  	s24 =	rddreg [dreg:$0x7];
	[sflag:s17] =	ssyncadd.s32 $0xFFFFC000  }
0x45: {  	[spmem:s2] =	stream.indirect.scatter.add.f32 [tilespmem:s15], [sflag:$0x3], $0x80, s24, s13, $0xb8;
	[tilespmem:$0x1CC00] =	vst v63  }
0x46: {  	_ =	swait.ge [sflag:s11], $0x4000  }
0x47: {  	[sflag:s11] =	ssyncset.done $0x0  }
0x48: {  	s25 =	rddreg [dreg:$0x8];
	[sflag:s11] =	ssyncadd.s32 $0xFFFFC000  }
0x49: {  	[tilespmem:s15], [sflag:$0x2] =	stream.indirect.gather [hbm4b:s4+s13], $0x80, s25, s13, $0xb8;
	[tilespmem:$0x1CC00] =	vst v63  }
0x4a: {  	_ =	swait.ge [sflag:s16], $0x4000  }
0x4b: {  	[sflag:s16] =	ssyncset.done $0x0  }
0x4c: {  	s10 =	rddreg [dreg:$0x9];
	[sflag:s16] =	ssyncadd.s32 $0xFFFFC000  }
0x4d: {  	[spmem:s2] =	stream.indirect.scatter.add.f32 [tilespmem:s14], [sflag:$0x3], $0x80, s10, s13, $0xb8;
	[tilespmem:$0x1CC00] =	vst v63  }
0x4e: {  	_ =	swait.ge [sflag:s11], $0x4000  }
0x4f: {  	[sflag:s11] =	ssyncset.done $0x0  }
0x50: {  	s24 =	rddreg [dreg:$0xa];
	[sflag:s11] =	ssyncadd.s32 $0xFFFFC000  }
0x51: {  	[tilespmem:s14], [sflag:$0x1] =	stream.indirect.gather [hbm4b:s4+s13], $0x80, s24, s13, $0xb8;
	[tilespmem:$0x1CC00] =	vst v63  }
0x52: {  	_ =	swait.ge [sflag:s17], $0x4000  }
0x53: {  	[sflag:s17] =	ssyncset.done $0x0  }
0x54: {  	s25 =	rddreg [dreg:$0xb];
	[sflag:s17] =	ssyncadd.s32 $0xFFFFC000  }
0x55: {  	[spmem:s2] =	stream.indirect.scatter.add.f32 [tilespmem:s15], [sflag:$0x3], $0x80, s25, s13, $0xb8;
	[tilespmem:$0x1CC00] =	vst v63  }
0x56: {  	_ =	swait.ge [sflag:s11], $0x4000  }
0x57: {  	[sflag:s11] =	ssyncset.done $0x0  }
0x58: {  	s10 =	rddreg [dreg:$0xc];
	[sflag:s11] =	ssyncadd.s32 $0xFFFFC000  }
0x59: {  	[tilespmem:s15], [sflag:$0x2] =	stream.indirect.gather [hbm4b:s4+s13], $0x80, s10, s13, $0xb8;
	[tilespmem:$0x1CC00] =	vst v63  }
0x5a: {  	_ =	swait.ge [sflag:s16], $0x4000  }
0x5b: {  	[sflag:s16] =	ssyncset.done $0x0  }
0x5c: {  	s24 =	rddreg [dreg:$0xd];
	[sflag:s16] =	ssyncadd.s32 $0xFFFFC000  }
0x5d: {  	[spmem:s2] =	stream.indirect.scatter.add.f32 [tilespmem:s14], [sflag:$0x3], $0x80, s24, s13, $0xb8;
	[tilespmem:$0x1CC00] =	vst v63  }
0x5e: {  	_ =	swait.ge [sflag:s11], $0x4000  }
0x5f: {  	[sflag:s11] =	ssyncset.done $0x0  }
0x60: {  	s25 =	rddreg [dreg:$0xe];
	[sflag:s11] =	ssyncadd.s32 $0xFFFFC000  }
0x61: {  	[tilespmem:s14], [sflag:$0x1] =	stream.indirect.gather [hbm4b:s4+s13], $0x80, s25, s13, $0xb8;
	[tilespmem:$0x1CC00] =	vst v63  }
0x62: {  	_ =	swait.ge [sflag:s17], $0x4000  }
0x63: {  	[sflag:s17] =	ssyncset.done $0x0  }
0x64: {  	s10 =	rddreg [dreg:$0xf];
	[sflag:s17] =	ssyncadd.s32 $0xFFFFC000  }
0x65: {  	[spmem:s2] =	stream.indirect.scatter.add.f32 [tilespmem:s15], [sflag:$0x3], $0x80, s10, s13, $0xb8;
	[tilespmem:$0x1CC00] =	vst v63  }
0x66: {  	_ =	swait.ge [sflag:s11], $0x4000  }
0x67: {  	[sflag:s11] =	ssyncset.done $0x0  }
0x68: {  	s24 =	rddreg [dreg:$0x10];
	[sflag:s11] =	ssyncadd.s32 $0xFFFFC000  }
0x69: {  	[tilespmem:s15], [sflag:$0x2] =	stream.indirect.gather [hbm4b:s4+s13], $0x80, s24, s13, $0xb8;
	[tilespmem:$0x1CC00] =	vst v63  }
0x6a: {  	_ =	swait.ge [sflag:s16], $0x4000  }
0x6b: {  	[sflag:s16] =	ssyncset.done $0x0  }
0x6c: {  	s25 =	rddreg [dreg:$0x11];
	[sflag:s16] =	ssyncadd.s32 $0xFFFFC000  }
0x6d: {  	[spmem:s2] =	stream.indirect.scatter.add.f32 [tilespmem:s14], [sflag:$0x3], $0x80, s25, s13, $0xb8;
	[tilespmem:$0x1CC00] =	vst v63  }
0x6e: {  	_ =	swait.ge [sflag:s11], $0x4000  }
0x6f: {  	[sflag:s11] =	ssyncset.done $0x0  }
0x70: {  	[sflag:s11] =	ssyncadd.s32 $0xFFFFC000  }
0x71: {  	[tilespmem:s14], [sflag:$0x1] =	stream.indirect.gather [hbm4b:s4+s13], $0x80, s18, s13, $0xb8;
	[tilespmem:$0x1CC00] =	vst v63  }
0x72: {  	_ =	swait.ge [sflag:s17], $0x4000  }
0x73: {  	[sflag:s17] =	ssyncset.done $0x0  }
0x74: {  	[sflag:s17] =	ssyncadd.s32 $0xFFFFC000  }
0x75: {  	[spmem:s2] =	stream.indirect.scatter.add.f32 [tilespmem:s15], [sflag:$0x3], $0x80, s19, s13, $0xb8;
	[tilespmem:$0x1CC00] =	vst v63  }
0x76: {  	_ =	swait.ge [sflag:s11], $0x4000  }
0x77: {  	[sflag:s11] =	ssyncset.done $0x0  }
0x78: {  	[sflag:s11] =	ssyncadd.s32 $0xFFFFC000  }
0x79: {  	[tilespmem:s15], [sflag:$0x2] =	stream.indirect.gather [hbm4b:s4+s13], $0x80, s20, s13, $0xb8;
	[tilespmem:$0x1CC00] =	vst v63  }
0x7a: {  	_ =	swait.ge [sflag:s16], $0x4000  }
0x7b: {  	[sflag:s16] =	ssyncset.done $0x0  }
0x7c: {  	[sflag:s16] =	ssyncadd.s32 $0xFFFFC000  }
0x7d: {  	[spmem:s2] =	stream.indirect.scatter.add.f32 [tilespmem:s14], [sflag:$0x3], $0x80, s21, s13, $0xb8;
	[tilespmem:$0x1CC00] =	vst v63  }
0x7e: {  	_ =	swait.ge [sflag:s11], $0x4000  }
0x7f: {  	[sflag:s11] =	ssyncset.done $0x0  }
0x80: {  	[sflag:s11] =	ssyncadd.s32 $0xFFFFC000  }
0x81: {  	[tilespmem:s14], [sflag:$0x1] =	stream.indirect.gather [hbm4b:s4+s13], $0x80, s22, s13, $0xb8;
	[tilespmem:$0x1CC00] =	vst v63  }
0x82: {  	_ =	swait.ge [sflag:s17], $0x4000  }
0x83: {  	[sflag:s17] =	ssyncset.done $0x0  }
0x84: {  	[sflag:s17] =	ssyncadd.s32 $0xFFFFC000  }
0x85: {  	[spmem:s2] =	stream.indirect.scatter.add.f32 [tilespmem:s15], [sflag:$0x3], $0x80, s23, s13, $0xb8;
	[tilespmem:$0x1CC00] =	vst v63  }
0x86: {  	_ =	swait.ge [sflag:s11], $0x4000  }
0x87: {  	[sflag:s11] =	ssyncset.done $0x0  }
0x88: {  	[sflag:s11] =	ssyncadd.s32 $0xFFFFC000  }
0x89: {  	[tilespmem:s15], [sflag:$0x2] =	stream.indirect.gather [hbm4b:s4+s13], $0x80, s26, s13, $0xb8;
	[tilespmem:$0x1CC00] =	vst v63  }
0x8a: {  	_ =	swait.ge [sflag:s16], $0x4000  }
0x8b: {  	[sflag:s16] =	ssyncset.done $0x0  }
0x8c: {  	[sflag:s16] =	ssyncadd.s32 $0xFFFFC000  }
0x8d: {  	[spmem:s2] =	stream.indirect.scatter.add.f32 [tilespmem:s14], [sflag:$0x3], $0x80, s28, s13, $0xb8;
	[tilespmem:$0x1CC00] =	vst v63  }
0x8e: {  	_ =	swait.ge [sflag:s11], $0x4000  }
0x8f: {  	[sflag:s11] =	ssyncset.done $0x0  }
0x90: {  	[sflag:s11] =	ssyncadd.s32 $0xFFFFC000  }
0x91: {  	[tilespmem:s14], [sflag:$0x1] =	stream.indirect.gather [hbm4b:s4+s13], $0x80, s29, s13, $0xb8;
	[tilespmem:$0x1CC00] =	vst v63  }
0x92: {  	_ =	swait.ge [sflag:s17], $0x4000  }
0x93: {  	[sflag:s17] =	ssyncset.done $0x0  }
0x94: {  	[sflag:s17] =	ssyncadd.s32 $0xFFFFC000  }
0x95: {  	[spmem:s2] =	stream.indirect.scatter.add.f32 [tilespmem:s15], [sflag:$0x3], $0x80, s30, s13, $0xb8;
	[tilespmem:$0x1CC00] =	vst v63  }
0x96: {  	_ =	swait.ge [sflag:s11], $0x4000  }
0x97: {  	[sflag:s11] =	ssyncset.done $0x0  }
0x98: {  	[sflag:s11] =	ssyncadd.s32 $0xFFFFC000  }
0x99: {  	[tilespmem:s15], [sflag:$0x2] =	stream.indirect.gather [hbm4b:s4+s13], $0x80, s31, s13, $0xb8;
	[tilespmem:$0x1CC00] =	vst v63  }
0x9a: {  	_ =	swait.ge [sflag:s16], $0x4000  }
0x9b: {  	[sflag:s16] =	ssyncset.done $0x0  }
0x9c: {  	[sflag:s16] =	ssyncadd.s32 $0xFFFFC000  }
0x9d: {  	[spmem:s2] =	stream.indirect.scatter.add.f32 [tilespmem:s14], [sflag:$0x3], $0x80, s0, s13, $0xb8;
	[tilespmem:$0x1CC00] =	vst v63  }
0x9e: {  	_ =	swait.ge [sflag:s11], $0x4000  }
0x9f: {  	[sflag:s11] =	ssyncset.done $0x0  }
0xa0: {  	[sflag:s11] =	ssyncadd.s32 $0xFFFFC000  }
0xa1: {  	[tilespmem:s14], [sflag:$0x1] =	stream.indirect.gather [hbm4b:s4+s13], $0x80, s1, s13, $0xb8;
	[tilespmem:$0x1CC00] =	vst v63  }
0xa2: {  	_ =	swait.ge [sflag:s17], $0x4000  }
0xa3: {  	[sflag:s17] =	ssyncset.done $0x0  }
0xa4: {  	[sflag:s17] =	ssyncadd.s32 $0xFFFFC000  }
0xa5: {  	[spmem:s2] =	stream.indirect.scatter.add.f32 [tilespmem:s15], [sflag:$0x3], $0x80, s5, s13, $0xb8;
	[tilespmem:$0x1CC00] =	vst v63  }
0xa6: {  	_ =	swait.ge [sflag:s11], $0x4000  }
0xa7: {  	[sflag:s11] =	ssyncset.done $0x0  }
0xa8: {  	[sflag:s11] =	ssyncadd.s32 $0xFFFFC000  }
0xa9: {  	[tilespmem:s15], [sflag:$0x2] =	stream.indirect.gather [hbm4b:s4+s13], $0x80, s7, s13, $0xb8;
	[tilespmem:$0x1CC00] =	vst v63  }
0xaa: {  	_ =	swait.ge [sflag:s16], $0x4000  }
0xab: {  	[sflag:s16] =	ssyncset.done $0x0  }
0xac: {  	[sflag:s16] =	ssyncadd.s32 $0xFFFFC000  }
0xad: {  	[spmem:s2] =	stream.indirect.scatter.add.f32 [tilespmem:s14], [sflag:$0x3], $0x80, s8, s13, $0xb8;
	[tilespmem:$0x1CC00] =	vst v63  }
0xae: {  	_ =	swait.ge [sflag:s11], $0x4000  }
0xaf: {  	[sflag:s11] =	ssyncset.done $0x0  }
0xb0: {  	[sflag:s11] =	ssyncadd.s32 $0xFFFFC000  }
0xb1: {  	_ =	swait.ge [sflag:s17], $0x4000  }
0xb2: {  	[sflag:s17] =	ssyncset.done $0x0  }
0xb3: {  	[sflag:s17] =	ssyncadd.s32 $0xFFFFC000  }
0xb4: {  	[spmem:s2] =	stream.indirect.scatter.add.f32 [tilespmem:s15], [sflag:$0x3], $0x80, s9, s13, $0xb8;
	[tilespmem:$0x1CC00] =	vst v63  }
0xb5: {  	s24 =	simm.s32 $0x100;
	_ =	swait.ge [sflag:s11], $0x4000  }
0xb6: {  	s25 =	simm.s32 $0x200;
	s6 =	rddreg [dreg:$0x5];
	[sflag:s11] =	ssyncset.done $0x0  }
.LBB2_2:
0xb7: {  	[sflag:s11] =	ssyncadd.s32 $0xFFFFC000;
	s6 =	sadd.s32 s24, s6  }
0xb8: {  	[tilespmem:s3], [sflag:$0x3] =	stream.linear.gather [hbm4b:s6+s3], $0x800, $0x38;
	[tilespmem:$0x1CC00] =	vst v63  }
0xb9: {  	_ =	swait.ge [sflag:s11], $0x800  }
0xba: {  	s6 =	rddreg [dreg:$0x4];
	[sflag:s11] =	ssyncset.done $0x0  }
0xbb: {  	[sflag:s11] =	ssyncadd.s32 $0xFFFFF800;
	s6 =	sadd.s32 s24, s6  }
0xbc: {  	[tilespmem:s12], [sflag:$0x3] =	stream.linear.gather [hbm4b:s6+s3], $0x800, $0x38;
	[tilespmem:$0x1CC00] =	vst v63  }
0xbd: {  	_ =	swait.ge [sflag:s11], $0x800  }
0xbe: {  	[sflag:s11] =	ssyncset.done $0x0  }
0xbf: {  	[sflag:s11] =	ssyncadd.s32 $0xFFFFF800  }
0xc0: {  	[tilespmem:s14], [sflag:$0x1] =	stream.indirect.gather [hbm4b:s4+s13], $0x80, s3, s13, $0xb8;
	[tilespmem:$0x1CC00] =	vst v63  }
0xc1: {  	_ = 	snop  }
0xc2: {  	[tilespmem:s15], [sflag:$0x2] =	stream.indirect.gather [hbm4b:s4+s13], $0x80, s13, s13, $0xb8;
	[tilespmem:$0x1CC00] =	vst v63  }
0xc3: {  	_ =	swait.ge [sflag:s16], $0x4000  }
0xc4: {  	[sflag:s16] =	ssyncset.done $0x0  }
0xc5: {  	[sflag:s16] =	ssyncadd.s32 $0xFFFFC000  }
0xc6: {  	[spmem:s2] =	stream.indirect.scatter.add.f32 [tilespmem:s14], [sflag:$0x3], $0x80, s12, s13, $0xb8;
	[tilespmem:$0x1CC00] =	vst v63  }
0xc7: {  	_ =	swait.ge [sflag:s11], $0x4000  }
0xc8: {  	s10 =	smov.u32 s25;
	[sflag:s11] =	ssyncset.done $0x0  }
0xc9: {  	s24 =	smov.u32 s10;
	s10 =	rddreg [dreg:$0x6];
	[sflag:s11] =	ssyncadd.s32 $0xFFFFC000  }
0xca: {  	[tilespmem:s14], [sflag:$0x1] =	stream.indirect.gather [hbm4b:s4+s13], $0x80, s10, s13, $0xb8;
	[tilespmem:$0x1CC00] =	vst v63  }
0xcb: {  	_ =	swait.ge [sflag:s17], $0x4000  }
0xcc: {  	[sflag:s17] =	ssyncset.done $0x0  }
0xcd: {  	s10 =	rddreg [dreg:$0x7];
	[sflag:s17] =	ssyncadd.s32 $0xFFFFC000  }
0xce: {  	[spmem:s2] =	stream.indirect.scatter.add.f32 [tilespmem:s15], [sflag:$0x3], $0x80, s10, s13, $0xb8;
	[tilespmem:$0x1CC00] =	vst v63  }
0xcf: {  	_ =	swait.ge [sflag:s11], $0x4000  }
0xd0: {  	[sflag:s11] =	ssyncset.done $0x0  }
0xd1: {  	s10 =	rddreg [dreg:$0x8];
	[sflag:s11] =	ssyncadd.s32 $0xFFFFC000  }
0xd2: {  	[tilespmem:s15], [sflag:$0x2] =	stream.indirect.gather [hbm4b:s4+s13], $0x80, s10, s13, $0xb8;
	[tilespmem:$0x1CC00] =	vst v63  }
0xd3: {  	_ =	swait.ge [sflag:s16], $0x4000  }
0xd4: {  	[sflag:s16] =	ssyncset.done $0x0  }
0xd5: {  	s10 =	rddreg [dreg:$0x9];
	[sflag:s16] =	ssyncadd.s32 $0xFFFFC000  }
0xd6: {  	[spmem:s2] =	stream.indirect.scatter.add.f32 [tilespmem:s14], [sflag:$0x3], $0x80, s10, s13, $0xb8;
	[tilespmem:$0x1CC00] =	vst v63  }
0xd7: {  	_ =	swait.ge [sflag:s11], $0x4000  }
0xd8: {  	[sflag:s11] =	ssyncset.done $0x0  }
0xd9: {  	s10 =	rddreg [dreg:$0xa];
	[sflag:s11] =	ssyncadd.s32 $0xFFFFC000  }
0xda: {  	[tilespmem:s14], [sflag:$0x1] =	stream.indirect.gather [hbm4b:s4+s13], $0x80, s10, s13, $0xb8;
	[tilespmem:$0x1CC00] =	vst v63  }
0xdb: {  	_ =	swait.ge [sflag:s17], $0x4000  }
0xdc: {  	[sflag:s17] =	ssyncset.done $0x0  }
0xdd: {  	s10 =	rddreg [dreg:$0xb];
	[sflag:s17] =	ssyncadd.s32 $0xFFFFC000  }
0xde: {  	[spmem:s2] =	stream.indirect.scatter.add.f32 [tilespmem:s15], [sflag:$0x3], $0x80, s10, s13, $0xb8;
	[tilespmem:$0x1CC00] =	vst v63  }
0xdf: {  	_ =	swait.ge [sflag:s11], $0x4000  }
0xe0: {  	[sflag:s11] =	ssyncset.done $0x0  }
0xe1: {  	s10 =	rddreg [dreg:$0xc];
	[sflag:s11] =	ssyncadd.s32 $0xFFFFC000  }
0xe2: {  	[tilespmem:s15], [sflag:$0x2] =	stream.indirect.gather [hbm4b:s4+s13], $0x80, s10, s13, $0xb8;
	[tilespmem:$0x1CC00] =	vst v63  }
0xe3: {  	_ =	swait.ge [sflag:s16], $0x4000  }
0xe4: {  	[sflag:s16] =	ssyncset.done $0x0  }
0xe5: {  	s10 =	rddreg [dreg:$0xd];
	[sflag:s16] =	ssyncadd.s32 $0xFFFFC000  }
0xe6: {  	[spmem:s2] =	stream.indirect.scatter.add.f32 [tilespmem:s14], [sflag:$0x3], $0x80, s10, s13, $0xb8;
	[tilespmem:$0x1CC00] =	vst v63  }
0xe7: {  	_ =	swait.ge [sflag:s11], $0x4000  }
0xe8: {  	[sflag:s11] =	ssyncset.done $0x0  }
0xe9: {  	s10 =	rddreg [dreg:$0xe];
	[sflag:s11] =	ssyncadd.s32 $0xFFFFC000  }
0xea: {  	[tilespmem:s14], [sflag:$0x1] =	stream.indirect.gather [hbm4b:s4+s13], $0x80, s10, s13, $0xb8;
	[tilespmem:$0x1CC00] =	vst v63  }
0xeb: {  	_ =	swait.ge [sflag:s17], $0x4000  }
0xec: {  	[sflag:s17] =	ssyncset.done $0x0  }
0xed: {  	s10 =	rddreg [dreg:$0xf];
	[sflag:s17] =	ssyncadd.s32 $0xFFFFC000  }
0xee: {  	[spmem:s2] =	stream.indirect.scatter.add.f32 [tilespmem:s15], [sflag:$0x3], $0x80, s10, s13, $0xb8;
	[tilespmem:$0x1CC00] =	vst v63  }
0xef: {  	_ =	swait.ge [sflag:s11], $0x4000  }
0xf0: {  	[sflag:s11] =	ssyncset.done $0x0  }
0xf1: {  	s10 =	rddreg [dreg:$0x10];
	[sflag:s11] =	ssyncadd.s32 $0xFFFFC000  }
0xf2: {  	[tilespmem:s15], [sflag:$0x2] =	stream.indirect.gather [hbm4b:s4+s13], $0x80, s10, s13, $0xb8;
	[tilespmem:$0x1CC00] =	vst v63  }
0xf3: {  	_ =	swait.ge [sflag:s16], $0x4000  }
0xf4: {  	[sflag:s16] =	ssyncset.done $0x0  }
0xf5: {  	s10 =	rddreg [dreg:$0x11];
	[sflag:s16] =	ssyncadd.s32 $0xFFFFC000  }
0xf6: {  	[spmem:s2] =	stream.indirect.scatter.add.f32 [tilespmem:s14], [sflag:$0x3], $0x80, s10, s13, $0xb8;
	[tilespmem:$0x1CC00] =	vst v63  }
0xf7: {  	_ =	swait.ge [sflag:s11], $0x4000  }
0xf8: {  	[sflag:s11] =	ssyncset.done $0x0  }
0xf9: {  	[sflag:s11] =	ssyncadd.s32 $0xFFFFC000  }
0xfa: {  	[tilespmem:s14], [sflag:$0x1] =	stream.indirect.gather [hbm4b:s4+s13], $0x80, s18, s13, $0xb8;
	[tilespmem:$0x1CC00] =	vst v63  }
0xfb: {  	_ =	swait.ge [sflag:s17], $0x4000  }
0xfc: {  	[sflag:s17] =	ssyncset.done $0x0  }
0xfd: {  	[sflag:s17] =	ssyncadd.s32 $0xFFFFC000  }
0xfe: {  	[spmem:s2] =	stream.indirect.scatter.add.f32 [tilespmem:s15], [sflag:$0x3], $0x80, s19, s13, $0xb8;
	[tilespmem:$0x1CC00] =	vst v63  }
0xff: {  	_ =	swait.ge [sflag:s11], $0x4000  }
0x100: {  	[sflag:s11] =	ssyncset.done $0x0  }
0x101: {  	[sflag:s11] =	ssyncadd.s32 $0xFFFFC000  }
0x102: {  	[tilespmem:s15], [sflag:$0x2] =	stream.indirect.gather [hbm4b:s4+s13], $0x80, s20, s13, $0xb8;
	[tilespmem:$0x1CC00] =	vst v63  }
0x103: {  	_ =	swait.ge [sflag:s16], $0x4000  }
0x104: {  	[sflag:s16] =	ssyncset.done $0x0  }
0x105: {  	[sflag:s16] =	ssyncadd.s32 $0xFFFFC000  }
0x106: {  	[spmem:s2] =	stream.indirect.scatter.add.f32 [tilespmem:s14], [sflag:$0x3], $0x80, s21, s13, $0xb8;
	[tilespmem:$0x1CC00] =	vst v63  }
0x107: {  	_ =	swait.ge [sflag:s11], $0x4000  }
0x108: {  	[sflag:s11] =	ssyncset.done $0x0  }
0x109: {  	[sflag:s11] =	ssyncadd.s32 $0xFFFFC000  }
0x10a: {  	[tilespmem:s14], [sflag:$0x1] =	stream.indirect.gather [hbm4b:s4+s13], $0x80, s22, s13, $0xb8;
	[tilespmem:$0x1CC00] =	vst v63  }
0x10b: {  	_ =	swait.ge [sflag:s17], $0x4000  }
0x10c: {  	[sflag:s17] =	ssyncset.done $0x0  }
0x10d: {  	[sflag:s17] =	ssyncadd.s32 $0xFFFFC000  }
0x10e: {  	[spmem:s2] =	stream.indirect.scatter.add.f32 [tilespmem:s15], [sflag:$0x3], $0x80, s23, s13, $0xb8;
	[tilespmem:$0x1CC00] =	vst v63  }
0x10f: {  	_ =	swait.ge [sflag:s11], $0x4000  }
0x110: {  	[sflag:s11] =	ssyncset.done $0x0  }
0x111: {  	[sflag:s11] =	ssyncadd.s32 $0xFFFFC000  }
0x112: {  	[tilespmem:s15], [sflag:$0x2] =	stream.indirect.gather [hbm4b:s4+s13], $0x80, s26, s13, $0xb8;
	[tilespmem:$0x1CC00] =	vst v63  }
0x113: {  	_ =	swait.ge [sflag:s16], $0x4000  }
0x114: {  	[sflag:s16] =	ssyncset.done $0x0  }
0x115: {  	[sflag:s16] =	ssyncadd.s32 $0xFFFFC000  }
0x116: {  	[spmem:s2] =	stream.indirect.scatter.add.f32 [tilespmem:s14], [sflag:$0x3], $0x80, s28, s13, $0xb8;
	[tilespmem:$0x1CC00] =	vst v63  }
0x117: {  	_ =	swait.ge [sflag:s11], $0x4000  }
0x118: {  	[sflag:s11] =	ssyncset.done $0x0  }
0x119: {  	[sflag:s11] =	ssyncadd.s32 $0xFFFFC000  }
0x11a: {  	[tilespmem:s14], [sflag:$0x1] =	stream.indirect.gather [hbm4b:s4+s13], $0x80, s29, s13, $0xb8;
	[tilespmem:$0x1CC00] =	vst v63  }
0x11b: {  	_ =	swait.ge [sflag:s17], $0x4000  }
0x11c: {  	[sflag:s17] =	ssyncset.done $0x0  }
0x11d: {  	[sflag:s17] =	ssyncadd.s32 $0xFFFFC000  }
0x11e: {  	[spmem:s2] =	stream.indirect.scatter.add.f32 [tilespmem:s15], [sflag:$0x3], $0x80, s30, s13, $0xb8;
	[tilespmem:$0x1CC00] =	vst v63  }
0x11f: {  	_ =	swait.ge [sflag:s11], $0x4000  }
0x120: {  	[sflag:s11] =	ssyncset.done $0x0  }
0x121: {  	[sflag:s11] =	ssyncadd.s32 $0xFFFFC000  }
0x122: {  	[tilespmem:s15], [sflag:$0x2] =	stream.indirect.gather [hbm4b:s4+s13], $0x80, s31, s13, $0xb8;
	[tilespmem:$0x1CC00] =	vst v63  }
0x123: {  	_ =	swait.ge [sflag:s16], $0x4000  }
0x124: {  	[sflag:s16] =	ssyncset.done $0x0  }
0x125: {  	[sflag:s16] =	ssyncadd.s32 $0xFFFFC000  }
0x126: {  	[spmem:s2] =	stream.indirect.scatter.add.f32 [tilespmem:s14], [sflag:$0x3], $0x80, s0, s13, $0xb8;
	[tilespmem:$0x1CC00] =	vst v63  }
0x127: {  	_ =	swait.ge [sflag:s11], $0x4000  }
0x128: {  	[sflag:s11] =	ssyncset.done $0x0  }
0x129: {  	[sflag:s11] =	ssyncadd.s32 $0xFFFFC000  }
0x12a: {  	[tilespmem:s14], [sflag:$0x1] =	stream.indirect.gather [hbm4b:s4+s13], $0x80, s1, s13, $0xb8;
	[tilespmem:$0x1CC00] =	vst v63  }
0x12b: {  	_ =	swait.ge [sflag:s17], $0x4000  }
0x12c: {  	[sflag:s17] =	ssyncset.done $0x0  }
0x12d: {  	[sflag:s17] =	ssyncadd.s32 $0xFFFFC000  }
0x12e: {  	[spmem:s2] =	stream.indirect.scatter.add.f32 [tilespmem:s15], [sflag:$0x3], $0x80, s5, s13, $0xb8;
	[tilespmem:$0x1CC00] =	vst v63  }
0x12f: {  	_ =	swait.ge [sflag:s11], $0x4000  }
0x130: {  	[sflag:s11] =	ssyncset.done $0x0  }
0x131: {  	[sflag:s11] =	ssyncadd.s32 $0xFFFFC000  }
0x132: {  	[tilespmem:s15], [sflag:$0x2] =	stream.indirect.gather [hbm4b:s4+s13], $0x80, s7, s13, $0xb8;
	[tilespmem:$0x1CC00] =	vst v63  }
0x133: {  	_ =	swait.ge [sflag:s16], $0x4000  }
0x134: {  	[sflag:s16] =	ssyncset.done $0x0  }
0x135: {  	[sflag:s16] =	ssyncadd.s32 $0xFFFFC000  }
0x136: {  	[spmem:s2] =	stream.indirect.scatter.add.f32 [tilespmem:s14], [sflag:$0x3], $0x80, s8, s13, $0xb8;
	[tilespmem:$0x1CC00] =	vst v63  }
0x137: {  	_ =	swait.ge [sflag:s11], $0x4000  }
0x138: {  	[sflag:s11] =	ssyncset.done $0x0  }
0x139: {  	[sflag:s11] =	ssyncadd.s32 $0xFFFFC000  }
0x13a: {  	p1 =	sne.s32 s25, $0x400;
	_ =	swait.ge [sflag:s17], $0x4000  }
.Ltmp0:
0x13b: {  	[sflag:s17] =	ssyncset.done $0x0;
	(pc) =	sbr.rel @p1 .LBB2_2-.Ltmp0, $4  }
0x13c: {  	[sflag:s17] =	ssyncadd.s32 $0xFFFFC000  }
0x13d: {  	[spmem:s2] =	stream.indirect.scatter.add.f32 [tilespmem:s15], [sflag:$0x3], $0x80, s9, s13, $0xb8;
	[tilespmem:$0x1CC00] =	vst v63  }
0x13e: {  	_ =	swait.ge [sflag:s11], $0x4000  }
0x13f: {  	s25 =	sadd.s32 $0x100, s25;
	s6 =	rddreg [dreg:$0x5];
	[sflag:s11] =	ssyncset.done $0x0  }
0x140: {  	[sflag:s11] =	ssyncadd.s32 $0xFFFFC000;
	s6 =	sadd.s32 s24, s6  }
0x141: {  	[tilespmem:s3], [sflag:$0x3] =	stream.linear.gather [hbm4b:s6+s3], $0x800, $0x38;
	[tilespmem:$0x1CC00] =	vst v63  }
0x142: {  	_ =	swait.ge [sflag:s11], $0x800  }
0x143: {  	s25 =	rddreg [dreg:$0x4];
	[sflag:s11] =	ssyncset.done $0x0  }
0x144: {  	s6 =	sadd.s32 s24, s25;
	[sflag:s11] =	ssyncadd.s32 $0xFFFFF800  }
0x145: {  	[tilespmem:s12], [sflag:$0x3] =	stream.linear.gather [hbm4b:s6+s3], $0x800, $0x38;
	[tilespmem:$0x1CC00] =	vst v63  }
0x146: {  	_ =	swait.ge [sflag:s11], $0x800  }
0x147: {  	[sflag:s11] =	ssyncset.done $0x0  }
0x148: {  	[sflag:s11] =	ssyncadd.s32 $0xFFFFF800  }
0x149: {  	[tilespmem:s14], [sflag:$0x1] =	stream.indirect.gather [hbm4b:s4+s13], $0x80, s3, s13, $0xb8;
	[tilespmem:$0x1CC00] =	vst v63  }
0x14a: {  	_ = 	snop  }
0x14b: {  	[tilespmem:s15], [sflag:$0x2] =	stream.indirect.gather [hbm4b:s4+s13], $0x80, s13, s13, $0xb8;
	[tilespmem:$0x1CC00] =	vst v63  }
0x14c: {  	_ =	swait.ge [sflag:s16], $0x4000  }
0x14d: {  	[sflag:s16] =	ssyncset.done $0x0  }
0x14e: {  	[sflag:s16] =	ssyncadd.s32 $0xFFFFC000  }
0x14f: {  	[spmem:s2] =	stream.indirect.scatter.add.f32 [tilespmem:s14], [sflag:$0x3], $0x80, s12, s13, $0xb8;
	[tilespmem:$0x1CC00] =	vst v63  }
0x150: {  	_ =	swait.ge [sflag:s11], $0x4000  }
0x151: {  	[sflag:s11] =	ssyncset.done $0x0  }
0x152: {  	s10 =	rddreg [dreg:$0x6];
	[sflag:s11] =	ssyncadd.s32 $0xFFFFC000  }
0x153: {  	[tilespmem:s14], [sflag:$0x1] =	stream.indirect.gather [hbm4b:s4+s13], $0x80, s10, s13, $0xb8;
	[tilespmem:$0x1CC00] =	vst v63  }
0x154: {  	_ =	swait.ge [sflag:s17], $0x4000  }
0x155: {  	[sflag:s17] =	ssyncset.done $0x0  }
0x156: {  	s24 =	rddreg [dreg:$0x7];
	[sflag:s17] =	ssyncadd.s32 $0xFFFFC000  }
0x157: {  	[spmem:s2] =	stream.indirect.scatter.add.f32 [tilespmem:s15], [sflag:$0x3], $0x80, s24, s13, $0xb8;
	[tilespmem:$0x1CC00] =	vst v63  }
0x158: {  	_ =	swait.ge [sflag:s11], $0x4000  }
0x159: {  	[sflag:s11] =	ssyncset.done $0x0  }
0x15a: {  	s25 =	rddreg [dreg:$0x8];
	[sflag:s11] =	ssyncadd.s32 $0xFFFFC000  }
0x15b: {  	[tilespmem:s15], [sflag:$0x2] =	stream.indirect.gather [hbm4b:s4+s13], $0x80, s25, s13, $0xb8;
	[tilespmem:$0x1CC00] =	vst v63  }
0x15c: {  	_ =	swait.ge [sflag:s16], $0x4000  }
0x15d: {  	[sflag:s16] =	ssyncset.done $0x0  }
0x15e: {  	s10 =	rddreg [dreg:$0x9];
	[sflag:s16] =	ssyncadd.s32 $0xFFFFC000  }
0x15f: {  	[spmem:s2] =	stream.indirect.scatter.add.f32 [tilespmem:s14], [sflag:$0x3], $0x80, s10, s13, $0xb8;
	[tilespmem:$0x1CC00] =	vst v63  }
0x160: {  	_ =	swait.ge [sflag:s11], $0x4000  }
0x161: {  	[sflag:s11] =	ssyncset.done $0x0  }
0x162: {  	s24 =	rddreg [dreg:$0xa];
	[sflag:s11] =	ssyncadd.s32 $0xFFFFC000  }
0x163: {  	[tilespmem:s14], [sflag:$0x1] =	stream.indirect.gather [hbm4b:s4+s13], $0x80, s24, s13, $0xb8;
	[tilespmem:$0x1CC00] =	vst v63  }
0x164: {  	_ =	swait.ge [sflag:s17], $0x4000  }
0x165: {  	[sflag:s17] =	ssyncset.done $0x0  }
0x166: {  	s25 =	rddreg [dreg:$0xb];
	[sflag:s17] =	ssyncadd.s32 $0xFFFFC000  }
0x167: {  	[spmem:s2] =	stream.indirect.scatter.add.f32 [tilespmem:s15], [sflag:$0x3], $0x80, s25, s13, $0xb8;
	[tilespmem:$0x1CC00] =	vst v63  }
0x168: {  	_ =	swait.ge [sflag:s11], $0x4000  }
0x169: {  	[sflag:s11] =	ssyncset.done $0x0  }
0x16a: {  	s10 =	rddreg [dreg:$0xc];
	[sflag:s11] =	ssyncadd.s32 $0xFFFFC000  }
0x16b: {  	[tilespmem:s15], [sflag:$0x2] =	stream.indirect.gather [hbm4b:s4+s13], $0x80, s10, s13, $0xb8;
	[tilespmem:$0x1CC00] =	vst v63  }
0x16c: {  	_ =	swait.ge [sflag:s16], $0x4000  }
0x16d: {  	[sflag:s16] =	ssyncset.done $0x0  }
0x16e: {  	s24 =	rddreg [dreg:$0xd];
	[sflag:s16] =	ssyncadd.s32 $0xFFFFC000  }
0x16f: {  	[spmem:s2] =	stream.indirect.scatter.add.f32 [tilespmem:s14], [sflag:$0x3], $0x80, s24, s13, $0xb8;
	[tilespmem:$0x1CC00] =	vst v63  }
0x170: {  	_ =	swait.ge [sflag:s11], $0x4000  }
0x171: {  	[sflag:s11] =	ssyncset.done $0x0  }
0x172: {  	s25 =	rddreg [dreg:$0xe];
	[sflag:s11] =	ssyncadd.s32 $0xFFFFC000  }
0x173: {  	[tilespmem:s14], [sflag:$0x1] =	stream.indirect.gather [hbm4b:s4+s13], $0x80, s25, s13, $0xb8;
	[tilespmem:$0x1CC00] =	vst v63  }
0x174: {  	_ =	swait.ge [sflag:s17], $0x4000  }
0x175: {  	[sflag:s17] =	ssyncset.done $0x0  }
0x176: {  	s10 =	rddreg [dreg:$0xf];
	[sflag:s17] =	ssyncadd.s32 $0xFFFFC000  }
0x177: {  	[spmem:s2] =	stream.indirect.scatter.add.f32 [tilespmem:s15], [sflag:$0x3], $0x80, s10, s13, $0xb8;
	[tilespmem:$0x1CC00] =	vst v63  }
0x178: {  	_ =	swait.ge [sflag:s11], $0x4000  }
0x179: {  	[sflag:s11] =	ssyncset.done $0x0  }
0x17a: {  	s24 =	rddreg [dreg:$0x10];
	[sflag:s11] =	ssyncadd.s32 $0xFFFFC000  }
0x17b: {  	[tilespmem:s15], [sflag:$0x2] =	stream.indirect.gather [hbm4b:s4+s13], $0x80, s24, s13, $0xb8;
	[tilespmem:$0x1CC00] =	vst v63  }
0x17c: {  	_ =	swait.ge [sflag:s16], $0x4000  }
0x17d: {  	[sflag:s16] =	ssyncset.done $0x0  }
0x17e: {  	s25 =	rddreg [dreg:$0x11];
	[sflag:s16] =	ssyncadd.s32 $0xFFFFC000  }
0x17f: {  	[spmem:s2] =	stream.indirect.scatter.add.f32 [tilespmem:s14], [sflag:$0x3], $0x80, s25, s13, $0xb8;
	[tilespmem:$0x1CC00] =	vst v63  }
0x180: {  	_ =	swait.ge [sflag:s11], $0x4000  }
0x181: {  	[sflag:s11] =	ssyncset.done $0x0  }
0x182: {  	[sflag:s11] =	ssyncadd.s32 $0xFFFFC000  }
0x183: {  	[tilespmem:s14], [sflag:$0x1] =	stream.indirect.gather [hbm4b:s4+s13], $0x80, s18, s13, $0xb8;
	[tilespmem:$0x1CC00] =	vst v63  }
0x184: {  	_ =	swait.ge [sflag:s17], $0x4000  }
0x185: {  	[sflag:s17] =	ssyncset.done $0x0  }
0x186: {  	[sflag:s17] =	ssyncadd.s32 $0xFFFFC000  }
0x187: {  	[spmem:s2] =	stream.indirect.scatter.add.f32 [tilespmem:s15], [sflag:$0x3], $0x80, s19, s13, $0xb8;
	[tilespmem:$0x1CC00] =	vst v63  }
0x188: {  	_ =	swait.ge [sflag:s11], $0x4000  }
0x189: {  	[sflag:s11] =	ssyncset.done $0x0  }
0x18a: {  	[sflag:s11] =	ssyncadd.s32 $0xFFFFC000  }
0x18b: {  	[tilespmem:s15], [sflag:$0x2] =	stream.indirect.gather [hbm4b:s4+s13], $0x80, s20, s13, $0xb8;
	[tilespmem:$0x1CC00] =	vst v63  }
0x18c: {  	_ =	swait.ge [sflag:s16], $0x4000  }
0x18d: {  	[sflag:s16] =	ssyncset.done $0x0  }
0x18e: {  	[sflag:s16] =	ssyncadd.s32 $0xFFFFC000  }
0x18f: {  	[spmem:s2] =	stream.indirect.scatter.add.f32 [tilespmem:s14], [sflag:$0x3], $0x80, s21, s13, $0xb8;
	[tilespmem:$0x1CC00] =	vst v63  }
0x190: {  	_ =	swait.ge [sflag:s11], $0x4000  }
0x191: {  	[sflag:s11] =	ssyncset.done $0x0  }
0x192: {  	[sflag:s11] =	ssyncadd.s32 $0xFFFFC000  }
0x193: {  	[tilespmem:s14], [sflag:$0x1] =	stream.indirect.gather [hbm4b:s4+s13], $0x80, s22, s13, $0xb8;
	[tilespmem:$0x1CC00] =	vst v63  }
0x194: {  	_ =	swait.ge [sflag:s17], $0x4000  }
0x195: {  	[sflag:s17] =	ssyncset.done $0x0  }
0x196: {  	[sflag:s17] =	ssyncadd.s32 $0xFFFFC000  }
0x197: {  	[spmem:s2] =	stream.indirect.scatter.add.f32 [tilespmem:s15], [sflag:$0x3], $0x80, s23, s13, $0xb8;
	[tilespmem:$0x1CC00] =	vst v63  }
0x198: {  	_ =	swait.ge [sflag:s11], $0x4000  }
0x199: {  	[sflag:s11] =	ssyncset.done $0x0  }
0x19a: {  	[sflag:s11] =	ssyncadd.s32 $0xFFFFC000  }
0x19b: {  	[tilespmem:s15], [sflag:$0x2] =	stream.indirect.gather [hbm4b:s4+s13], $0x80, s26, s13, $0xb8;
	[tilespmem:$0x1CC00] =	vst v63  }
0x19c: {  	_ =	swait.ge [sflag:s16], $0x4000  }
0x19d: {  	[sflag:s16] =	ssyncset.done $0x0  }
0x19e: {  	[sflag:s16] =	ssyncadd.s32 $0xFFFFC000  }
0x19f: {  	[spmem:s2] =	stream.indirect.scatter.add.f32 [tilespmem:s14], [sflag:$0x3], $0x80, s28, s13, $0xb8;
	[tilespmem:$0x1CC00] =	vst v63  }
0x1a0: {  	_ =	swait.ge [sflag:s11], $0x4000  }
0x1a1: {  	[sflag:s11] =	ssyncset.done $0x0  }
0x1a2: {  	[sflag:s11] =	ssyncadd.s32 $0xFFFFC000  }
0x1a3: {  	[tilespmem:s14], [sflag:$0x1] =	stream.indirect.gather [hbm4b:s4+s13], $0x80, s29, s13, $0xb8;
	[tilespmem:$0x1CC00] =	vst v63  }
0x1a4: {  	_ =	swait.ge [sflag:s17], $0x4000  }
0x1a5: {  	[sflag:s17] =	ssyncset.done $0x0  }
0x1a6: {  	[sflag:s17] =	ssyncadd.s32 $0xFFFFC000  }
0x1a7: {  	[spmem:s2] =	stream.indirect.scatter.add.f32 [tilespmem:s15], [sflag:$0x3], $0x80, s30, s13, $0xb8;
	[tilespmem:$0x1CC00] =	vst v63  }
0x1a8: {  	_ =	swait.ge [sflag:s11], $0x4000  }
0x1a9: {  	[sflag:s11] =	ssyncset.done $0x0  }
0x1aa: {  	[sflag:s11] =	ssyncadd.s32 $0xFFFFC000  }
0x1ab: {  	[tilespmem:s15], [sflag:$0x2] =	stream.indirect.gather [hbm4b:s4+s13], $0x80, s31, s13, $0xb8;
	[tilespmem:$0x1CC00] =	vst v63  }
0x1ac: {  	_ =	swait.ge [sflag:s16], $0x4000  }
0x1ad: {  	[sflag:s16] =	ssyncset.done $0x0  }
0x1ae: {  	[sflag:s16] =	ssyncadd.s32 $0xFFFFC000  }
0x1af: {  	[spmem:s2] =	stream.indirect.scatter.add.f32 [tilespmem:s14], [sflag:$0x3], $0x80, s0, s13, $0xb8;
	[tilespmem:$0x1CC00] =	vst v63  }
0x1b0: {  	_ =	swait.ge [sflag:s11], $0x4000  }
0x1b1: {  	[sflag:s11] =	ssyncset.done $0x0  }
0x1b2: {  	[sflag:s11] =	ssyncadd.s32 $0xFFFFC000  }
0x1b3: {  	[tilespmem:s14], [sflag:$0x1] =	stream.indirect.gather [hbm4b:s4+s13], $0x80, s1, s13, $0xb8;
	[tilespmem:$0x1CC00] =	vst v63  }
0x1b4: {  	_ =	swait.ge [sflag:s17], $0x4000  }
0x1b5: {  	[sflag:s17] =	ssyncset.done $0x0  }
0x1b6: {  	[sflag:s17] =	ssyncadd.s32 $0xFFFFC000  }
0x1b7: {  	[spmem:s2] =	stream.indirect.scatter.add.f32 [tilespmem:s15], [sflag:$0x3], $0x80, s5, s13, $0xb8;
	[tilespmem:$0x1CC00] =	vst v63  }
0x1b8: {  	_ =	swait.ge [sflag:s11], $0x4000  }
0x1b9: {  	[sflag:s11] =	ssyncset.done $0x0  }
0x1ba: {  	[sflag:s11] =	ssyncadd.s32 $0xFFFFC000  }
0x1bb: {  	[tilespmem:s15], [sflag:$0x2] =	stream.indirect.gather [hbm4b:s4+s13], $0x80, s7, s13, $0xb8;
	[tilespmem:$0x1CC00] =	vst v63  }
0x1bc: {  	_ =	swait.ge [sflag:s16], $0x4000  }
0x1bd: {  	[sflag:s16] =	ssyncset.done $0x0  }
0x1be: {  	[sflag:s16] =	ssyncadd.s32 $0xFFFFC000  }
0x1bf: {  	[spmem:s2] =	stream.indirect.scatter.add.f32 [tilespmem:s14], [sflag:$0x3], $0x80, s8, s13, $0xb8;
	[tilespmem:$0x1CC00] =	vst v63  }
0x1c0: {  	_ =	swait.ge [sflag:s11], $0x4000  }
0x1c1: {  	[sflag:s11] =	ssyncset.done $0x0  }
0x1c2: {  	[sflag:s11] =	ssyncadd.s32 $0xFFFFC000  }
0x1c3: {  	_ =	swait.ge [sflag:s17], $0x4000  }
0x1c4: {  	[sflag:s17] =	ssyncset.done $0x0  }
0x1c5: {  	[sflag:s17] =	ssyncadd.s32 $0xFFFFC000  }
0x1c6: {  	[spmem:s2] =	stream.indirect.scatter.add.f32 [tilespmem:s15], [sflag:$0x3], $0x80, s9, s13, $0xb8;
	[tilespmem:$0x1CC00] =	vst v63  }
0x1c7: {  	_ =	swait.ge [sflag:s11], $0x4000  }
0x1c8: {  	[sflag:s11] =	ssyncset.done $0x0  }
0x1c9: {  	[sflag:s11] =	ssyncadd.s32 $0xFFFFC000  }
0x1ca: {  	[bflag:$0x0] =	sbarrier.arrive $0xFFFF  }
0x1cb: {  	s24 =	rddreg [dreg:$0x13]  }
0x1cc: {  	s6 =	rddreg [dreg:$0x15]  }
0x1cd: {  	s10 =	rddreg [dreg:$0x18]  }
0x1ce: {  	[hbm:s6], [sflag:s24] =	dma.local @p0 [spmem:s10], $0x2800  }
0x1cf: {  	s6 =	simm.s32 @p0 $0x3  }
0x1d0: {  	_ =	swait.ge @p0 [sflag:s6], $0x2800  }
0x1d1: {  	[sflag:s6] =	ssyncset.done @p0 $0x0;
	s10 =	rddreg [dreg:$0x19]  }
0x1d2: {  	[sflag:s6] =	ssyncadd.s32 @p0 $0xFFFFD800;
	s6 =	rddreg [dreg:$0x14]  }
0x1d3: {  	[hbm:s6], [sflag:s24] =	dma.local @!p0 [spmem:s10], $0x2700  }
0x1d4: {  	s6 =	simm.s32 @!p0 $0x3  }
0x1d5: {  	_ =	swait.ge @!p0 [sflag:s6], $0x2700  }
0x1d6: {  	s25 =	rddreg [dreg:$0x1a]  }
0x1d7: {  	s10 =	rddreg [dreg:$0x16];
	s25 =	sadd.s32 $0x1, s25  }
0x1d8: {  	p1 =	sne.s32 s25, s10  }
.Ltmp1:
0x1d9: {  	_ = 	snop;
	(pc) =	sbr.rel @p1 .LBB2_1-.Ltmp1, $3  }
0x1da: {  	_ =	sdelay $0x1  }
0x1db: {  	[sflag:s6] =	ssyncset.done @!p0 $0x0  }
0x1dc: {  	[sflag:s6] =	ssyncadd.s32 @!p0 $0xFFFFD900  }
0x1dd: {  	_ =	sfence.sel $0x180000  }
0x1de: {  	[bflag:$0x0] =	sbarrier.arrive $0xFFFF  }
0x1df: {  	_ =	strace $0x90000047  }
0x1e0: {  	s0 =	stileid.u32;
	[bflag:$0x2] =	sbarrier.arrive $0xFFFF  }
0x1e1: {  	p0 =	sne.s32 s0, $0x0;
	s0 =	rddreg [dreg:$0x3]  }
0x1e2: {  	s0 =	sadd.s32 @!p0 $0x100000, s0  }
0x1e3: {  	[sflag:s0] =	ssyncadd.tile.s32 @!p0 $0x1;
	_ =	shalt  }
.Lfunc_end2:
_tile_overlayer_lowered:
.L_overlay_start_2:
0x1e4: {  	(tag) =	ssettag $0x2  }
0x1e5: {  	s0 =	rddreg [dreg:$0x0];
	s2 =	stileid.u32  }
0x1e6: {  	s1 =	rddreg [dreg:$0x1];
	p0 =	sne.s32 s2, $0x0  }
0x1e7: {  	s3 =	rddreg [dreg:$0x2];
	[bflag:$0x3] =	sbarrier.arrive $0xFFFF;
	s2 =	simm.s32 @!p0 $0x1C03  }
0x1e8: {  	[timem:s3], [sflag:s2] =	dma.local @!p0 [hbm:s0], s1  }
0x1e9: {  	s0 =	simm.s32 @!p0 $0x3  }
0x1ea: {  	_ =	swait.ge @!p0 [sflag:s0], s1  }
0x1eb: {  	s1 =	ssub.s32 @!p0 $0x0, s1;
	[sflag:s0] =	ssyncset.done @!p0 $0x0  }
0x1ec: {  	[sflag:s0] =	ssyncadd.s32 @!p0 s1  }
0x1ed: {  	[bflag:$0x3] =	sbarrier.arrive $0xFFFF  }
0x1ee: {  	_ =	shalt  }

// kernel: kernel.23.cloned.1.call-start
scs
__scs_entry_jumppad:
0x0: {  	(pc) =	sbr.rel $0x88, $3  }
0x1: {  	(tag) =	ssettag $0x0;
	lr =	simm.s32 $0x1  }
0x2: {  	[smem:$0x3F98] =	sst lr;
	_ =	strace $0xD0000000  }
0x3: {  	_ = 	snop  }
0x4: {  	_ = 	snop  }
0x5: {  	_ = 	snop  }
0x6: {  	_ = 	snop  }
0x7: {  	_ = 	snop  }
__scs_overlays_trampoline_lowered:
0x8: {  	[smem:$0x3FA7] =	sst s0  }
0x9: {  	[smem:$0x3FA8] =	sst s1  }
0xa: {  	[smem:$0x3FA9] =	sst s2  }
0xb: {  	[smem:$0x3FAA] =	sst s3  }
0xc: {  	[smem:$0x3FAB] =	sst s4  }
0xd: {  	[smem:$0x3FAC] =	sst s5  }
0xe: {  	[smem:$0x3FAD] =	sst s6  }
0xf: {  	[smem:$0x3FAE] =	sst s7  }
0x10: {  	[smem:$0x3FAF] =	sst s8  }
0x11: {  	[smem:$0x3FB0] =	sst s9;
	s0 =	simm.s32 @!p0 $0x0  }
0x12: {  	s1 =	sld [smem:$0x3F96];
	s0 =	simm.s32 @p0 $0x1  }
0x13: {  	[smem:$0x3FB1] =	sst s0;
	s0 =	simm.s32 @!p1 $0x0  }
0x14: {  	s2 =	sld [smem:$0x3F95];
	s0 =	simm.s32 @p1 $0x1  }
0x15: {  	[smem:$0x3FB2] =	sst s0;
	s0 =	simm.s32 @!p2 $0x0  }
0x16: {  	s3 =	sld [smem:$0x3FDB];
	s0 =	simm.s32 @p2 $0x1  }
0x17: {  	s4 =	simm.s32 $0x1BF5;
	[smem:$0x3FB4] =	sst s0  }
0x18: {  	s0 =	sld [smem:$0x3F97];
	_ =	swait.ge [sflag:s4], $0x0  }
0x19: {  	s7 =	sld [smem:$0x3F98]  }
0x1a: {  	s8 =	sadd.s32 $0xFFFFE003, lr  }
0x1b: {  	s9 =	sadd.s32 $0xFFFFFEF7, lr;
	s5 =	simm.s32 $0xFFFFFFFF;
	p2 =	slt.u32 s8, $0xFFFFF086  }
0x1c: {  	p1 =	slt.u32 s9, $0xF7A;
	s5 =	simm.s32 @!p2 $0x0  }
0x1d: {  	s5 =	simm.s32 @p1 $0x1;
	p0 =	seq.s32 s7, s2  }
0x1e: {  	s7 =	smul.u32 @!p0 $0xF7A, s2;
	p2 =	seq.s32 @!p0 s5, $0x0  }
0x1f: {  	s9 =	smul.u32 $0xF7A, s1;
	s8 =	simm.s32 @!p0 $0x1BF5;
	p2 =	por !p2, p0  }
0x20: {  	[sflag:s8] =	ssyncset.s32 @!p0 $0xFFFFF086;
	s6 =	sadd.s32 @!p0 s3, s7;
	s7 =	simm.s32 @!p0 $0x108  }
0x21: {  	s3 =	sadd.s32 s3, s9;
	s6 =	sadd.s32 @!p0 $0x88, s6;
	s7 =	simm.s32 @p2 $0x1082  }
0x22: {  	[simem:s7], [sflag:s8] =	dma.local @!p0 [hbm:s6], $0xF7A  }
0x23: {  	s9 =	sor.u32 $0xD0000000, s2;
	s6 =	simm.s32 $0x108;
	_ =	swait.ge @!p0 [sflag:s8], $0x0  }
0x24: {  	s3 =	sadd.s32 $0x88, s3;
	s6 =	simm.s32 @!p1 $0x1082;
	[sflag:s4] =	ssyncset.s32 $0xFFFFF086  }
0x25: {  	[simem:s6], [sflag:s4] =	dma.local [hbm:s3], $0xF7A  }
0x26: {  	[smem:$0x3F98] =	sst s1;
	(tag) =	ssettag s2;
	_ =	strace s9  }
0x27: {  	s1 =	sld [smem:$0x3FA8]  }
0x28: {  	s2 =	sld [smem:$0x3FA9]  }
0x29: {  	s4 =	sld [smem:$0x3FAB]  }
0x2a: {  	p0 =	seq.s32 s5, $0x0;
	s5 =	sld [smem:$0x3FAC]  }
0x2b: {  	s6 =	sld [smem:$0x3FAD]  }
0x2c: {  	s7 =	sld [smem:$0x3FAE]  }
0x2d: {  	s3 =	simm.s32 $0x108;
	s8 =	sld [smem:$0x3FAF]  }
0x2e: {  	s3 =	simm.s32 @!p0 $0x1082;
	s9 =	sld [smem:$0x3FB0]  }
0x2f: {  	lr =	sadd.s32 s0, s3;
	s0 =	sld [smem:$0x3FA7]  }
0x30: {  	s3 =	sld [smem:$0x3FAA]  }
0x31: {  	[smem:$0x3FB3] =	sst s10  }
0x32: {  	s10 =	sld [smem:$0x3FB1];
	_ =	sdelay $0x3  }
0x33: {  	p0 =	seq.s32 s10, $0x1;
	s10 =	sld [smem:$0x3FB3];
	_ =	sdelay $0x3  }
0x34: {  	[smem:$0x3FB3] =	sst s10  }
0x35: {  	s10 =	sld [smem:$0x3FB2];
	_ =	sdelay $0x3  }
0x36: {  	p1 =	seq.s32 s10, $0x1;
	s10 =	sld [smem:$0x3FB3];
	_ =	sdelay $0x3  }
0x37: {  	[smem:$0x3FB3] =	sst s10  }
0x38: {  	s10 =	sld [smem:$0x3FB4]  }
0x39: {  	_ = 	snop;
	(pc) =	sbr.ind lr, $3  }
0x3a: {  	_ = 	snop  }
0x3b: {  	_ = 	snop  }
0x3c: {  	p2 =	seq.s32 s10, $0x1;
	s10 =	sld [smem:$0x3FB3]  }
0x3d: {  	_ =	shalt  }
0x3e: {  	_ =	shalt  }
0x3f: {  	_ =	shalt  }
0x40: {  	_ =	shalt  }
0x41: {  	_ =	shalt  }
0x42: {  	_ =	shalt  }
0x43: {  	_ =	shalt  }
0x44: {  	_ =	shalt  }
0x45: {  	_ =	shalt  }
0x46: {  	_ =	shalt  }
0x47: {  	_ =	shalt  }
0x48: {  	_ =	shalt  }
0x49: {  	_ =	shalt  }
0x4a: {  	_ =	shalt  }
0x4b: {  	_ =	shalt  }
0x4c: {  	_ =	shalt  }
0x4d: {  	_ =	shalt  }
0x4e: {  	_ =	shalt  }
0x4f: {  	_ =	shalt  }
0x50: {  	_ =	shalt  }
0x51: {  	_ =	shalt  }
0x52: {  	_ =	shalt  }
0x53: {  	_ =	shalt  }
0x54: {  	_ =	shalt  }
0x55: {  	_ =	shalt  }
0x56: {  	_ =	shalt  }
0x57: {  	_ =	shalt  }
0x58: {  	_ =	shalt  }
0x59: {  	_ =	shalt  }
0x5a: {  	_ =	shalt  }
0x5b: {  	_ =	shalt  }
0x5c: {  	_ =	shalt  }
0x5d: {  	_ =	shalt  }
0x5e: {  	_ =	shalt  }
0x5f: {  	_ =	shalt  }
0x60: {  	_ =	shalt  }
0x61: {  	_ =	shalt  }
0x62: {  	_ =	shalt  }
0x63: {  	_ =	shalt  }
0x64: {  	_ =	shalt  }
0x65: {  	_ =	shalt  }
0x66: {  	_ =	shalt  }
0x67: {  	_ =	shalt  }
0x68: {  	_ =	shalt  }
0x69: {  	_ =	shalt  }
0x6a: {  	_ =	shalt  }
0x6b: {  	_ =	shalt  }
0x6c: {  	_ =	shalt  }
0x6d: {  	_ =	shalt  }
0x6e: {  	_ =	shalt  }
0x6f: {  	_ =	shalt  }
0x70: {  	_ =	shalt  }
0x71: {  	_ =	shalt  }
0x72: {  	_ =	shalt  }
0x73: {  	_ =	shalt  }
0x74: {  	_ =	shalt  }
0x75: {  	_ =	shalt  }
0x76: {  	_ =	shalt  }
0x77: {  	_ =	shalt  }
0x78: {  	_ =	shalt  }
0x79: {  	_ =	shalt  }
0x7a: {  	_ =	shalt  }
0x7b: {  	_ =	shalt  }
0x7c: {  	_ =	shalt  }
0x7d: {  	_ =	shalt  }
0x7e: {  	_ =	shalt  }
0x7f: {  	_ =	shalt  }
0x80: {  	_ =	shalt  }
0x81: {  	_ =	shalt  }
0x82: {  	_ =	shalt  }
0x83: {  	_ =	shalt  }
0x84: {  	_ =	shalt  }
0x85: {  	_ =	shalt  }
0x86: {  	_ =	shalt  }
0x87: {  	_ =	shalt  }
.Lfunc_end0:
.L_simem_size_0:
called_computation.1_lowered:
.L_overlay_start_0:
0x88: {  	s2 =	sld [smem:$0x3FD9]  }
0x89: {  	s3 =	sld [smem:$0x3FFE];
	_ =	sdelay $0x1  }
0x8a: {  	s1 =	srdreg.scid  }
0x8b: {  	s0 =	sand.u32 $0x1, s1  }
0x8c: {  	s17 =	sshll.u32 s0, $0xA;
	s2 =	sadd.s32 s3, s2  }
0x8d: {  	s2 =	sadd.s32 s2, s17  }
0x8e: {  	[smem:$0x3FBF] =	sst s2  }
0x8f: {  	_ = 	snop  }
0x90: {  	s2 =	sld [smem:$0x3FD0];
	(tm) =	ssettm $0x1  }
0x91: {  	s18 =	sld [smem:$0x3FFB];
	_ =	sdelay $0x3  }
0x92: {  	_ =	strace s18  }
0x93: {  	s3 =	sld [smem:$0x3FFC];
	_ =	sdelay $0x3  }
0x94: {  	_ =	strace s3  }
0x95: {  	s3 =	sld [smem:$0x3FFD];
	_ =	sdelay $0x3  }
0x96: {  	_ =	strace s3  }
0x97: {  	_ =	strace $0x8FFFFFFF  }
0x98: {  	s19 =	sld [smem:$0x3FDB];
	_ =	sdelay $0x1  }
0x99: {  	s4 =	simm.s32 $_scs_section_size  }
0x9a: {  	s5 =	simm.s32 $_size__tile_overlayer_lowered;
	s6 =	simm.s32 $_tile_overlayer_lowered  }
0x9b: {  	s22 =	simm.s32 $0x1BFF;
	s21 =	sshll.u32 s6, $0x1;
	s3 =	sadd.s32 s4, s19  }
0x9c: {  	s7 =	simm.s32 $0x0;
	s20 =	sshll.u32 s5, $0x1;
	s5 =	sadd.s32 s21, s3  }
0x9d: {  	[timem:s7], [sflag:s22] =	dma.local [hbm:s5], s20  }
0x9e: {  	_ =	swait.ge [sflag:s22], s20  }
0x9f: {  	s4 =	ssub.s32 $0x0, s20;
	[sflag:s22] =	ssyncset.done $0x0  }
0xa0: {  	[sflag:s22] =	ssyncadd.s32 s4;
	_ =	sdelay $0x1  }
0xa1: {  	s23 =	simm.s32 $0x1B8B  }
0xa2: {  	_ =	swait.ge [sflag:s23], $0x1  }
0xa3: {  	[sflag:s23] =	ssyncset.done $0x0  }
0xa4: {  	s25 =	simm.s32 $0x1B8E;
	s24 =	sld [smem:$0x3FFE];
	[sflag:s23] =	ssyncadd.s32 $0xFFFFFFFF  }
0xa5: {  	s26 =	simm.s32 $execute0_lowered;
	[smem:$0x3FD2] =	sst s25  }
0xa6: {  	s5 =	sshll.u32 s26, $0x1;
	_ =	strace $0x80000049;
	[dreg:$0x1] =	wrdreg $0xFFFFFFFF  }
0xa7: {  	s28 =	simm.s32 $_size_execute0_lowered;
	s3 =	sadd.s32 s3, s5;
	[dreg:$0x0] =	wrdreg $0x0  }
0xa8: {  	s5 =	sshll.u32 s28, $0x1;
	[dreg:$0x2] =	wrdreg s3  }
0xa9: {  	[dreg:$0x3] =	wrdreg s5  }
0xaa: {  	[dreg:$0x4] =	wrdreg $0xC0  }
0xab: {  	_ =	task [dreg:s7], $0x5FFFF  }
0xac: {  	[dreg:$0x1] =	wrdreg $0xFFFFFFFF  }
0xad: {  	[dreg:$0x0] =	wrdreg $0x60  }
0xae: {  	[dreg:$0x2] =	wrdreg s24  }
0xaf: {  	[dreg:$0x3] =	wrdreg s2  }
0xb0: {  	[dreg:$0x4] =	wrdreg $0x90000  }
0xb1: {  	[dreg:$0x5] =	wrdreg $0x9  }
0xb2: {  	_ =	task.clear_ibuf [dreg:s7], $0x6FFFF;
	_ =	strace $0x90000049  }
0xb3: {  	s29 =	simm.s32 $0x9;
	_ =	strace $0x8000004B  }
0xb4: {  	_ =	swait.ge [sflag:s29], $0x1  }
0xb5: {  	[sflag:s29] =	ssyncadd.s32 $0xFFFFFFFF  }
0xb6: {  	_ =	strace $0x9000004B  }
0xb7: {  	_ =	sfence  }
0xb8: {  	s30 =	sld [smem:$0x0];
	_ =	sdelay $0x2  }
0xb9: {  	s31 =	sshll.u32 s1, $0xD;
	s1 =	sshrl.u32 s1, $0x2  }
0xba: {  	s3 =	sand.u32 $0x4000, s31;
	s1 =	sadd.s32 s1, s30  }
0xbb: {  	s0 =	sor.u32 s3, s0;
	s1 =	sshll.u32 s1, $0x11  }
0xbc: {  	s0 =	sor.u32 s1, s0  }
0xbd: {  	s0 =	sadd.s32 $0x8F2B, s0  }
0xbe: {  	[sflag:s0] =	ssyncadd.remote.s32 $0x1  }
0xbf: {  	_ =	sfence.sel $0xFFFF  }
0xc0: {  	[dreg:$0x0] =	wrdreg $0xFFFFFFFF;
	(pc) =	sbr.abs _section_cstart, $3  }
0xc1: {  	[dreg:$0x1] =	wrdreg $0xFFFFFFFF  }
0xc2: {  	_ =	task.clear_ibuf [dreg:s7], $0x2FFFF;
	_ =	strace $0x9FFFFFFF  }
0xc3: {  	(tm) =	ssettm $0x7FFFFFFF  }
tec
execute0_lowered:
.L_overlay_start_1:
0x0: {  	(tag) =	ssettag $0x1  }
0x1: {  	s0 =	rddreg [dreg:$0x0]  }
0x2: {  	s1 =	rddreg [dreg:$0x1];
	s3 =	srdreg.scid  }
0x3: {  	s2 =	rddreg [dreg:$0x2];
	s23 =	stileid.u32;
	s13 =	simm.s32 $0x180  }
0x4: {  	s14 =	simm.s32 $0x900;
	s15 =	simm.s32 $0x200;
	s17 =	simm.s32 $0x980  }
0x5: {  	s19 =	simm.s32 $0x280;
	s20 =	simm.s32 $0xA00;
	s21 =	simm.s32 $0x300  }
0x6: {  	s22 =	simm.s32 $0xA80;
	s28 =	simm.s32 $0xD00;
	s29 =	simm.s32 $0x600  }
0x7: {  	s5 =	sand.u32 $0x1, s3;
	s3 =	simm.s32 $0x0;
	s6 =	smul.u32 $0x2800, s23  }
0x8: {  	s30 =	simm.s32 $0xD80;
	s7 =	smul.u32 $0x2780, s23;
	[smem:$0x7FF] =	sst s3  }
0x9: {  	s8 =	smul.u32 $0x4F000, s23;
	_ =	strace $0x8000004A;
	[dreg:$0x8] =	wrdreg s13  }
0xa: {  	s31 =	simm.s32 $0x680;
	s12 =	smul.u32 $0x13800, s23;
	[dreg:$0x9] =	wrdreg s14  }
0xb: {  	s25 =	sshll.u32 s23, $0x6;
	s26 =	smul.u32 $0x4E000, s23;
	[dreg:$0xa] =	wrdreg s15  }
0xc: {  	p0 =	seq.s32 s23, $0xF;
	s23 =	simm.s32 $0xC80;
	[dreg:$0xb] =	wrdreg s17  }
0xd: {  	s4 =	smul.u32 $0x28000, s5;
	s10 =	ssub.s32 $0x2, s5;
	[dreg:$0xc] =	wrdreg s19  }
0xe: {  	s5 =	smul.u32 $0x138800, s5;
	s7 =	sadd.s32 s7, s0;
	[dreg:$0xd] =	wrdreg s20  }
0xf: {  	s11 =	sshrl.u32 s10, $0x1;
	s8 =	sshrl.u32 s8, $0x2;
	[dreg:$0xe] =	wrdreg s21  }
0x10: {  	s13 =	simm.s32 $0x80;
	s14 =	simm.s32 $0x1000;
	[dreg:$0xf] =	wrdreg s22  }
0x11: {  	s15 =	simm.s32 $0x5000;
	s17 =	simm.s32 $0x2;
	s19 =	simm.s32 $0xB80  }
0x12: {  	s20 =	simm.s32 $0x480;
	s21 =	simm.s32 $0xC00;
	s22 =	simm.s32 $0x500  }
0x13: {  	s6 =	sadd.s32 s6, s4;
	s4 =	sadd.s32 $0xDC00, s0;
	s10 =	ssub.s32 s10, s11  }
0x14: {  	s8 =	sadd.s32 s8, s2;
	s7 =	sadd.s32 $0xAA000, s7;
	s24 =	sadd.s32 s12, s5  }
0x15: {  	s11 =	simm.s32 $0x100;
	s5 =	sshrl.u32 s5, $0x3;
	[dreg:$0x12] =	wrdreg s7  }
0x16: {  	s12 =	simm.s32 $0x880;
	s6 =	sshrl.u32 s6, $0x3;
	[dreg:$0x6] =	wrdreg s11  }
0x17: {  	s7 =	sshrl.u32 s24, $0x3;
	s24 =	sor.u32 $0x1C03, s25;
	[dreg:$0x7] =	wrdreg s12  }
0x18: {  	s16 =	smax.u32 s10, $0x1;
	s18 =	sshrl.u32 s8, $0x3;
	s11 =	simm.s32 $0x3  }
0x19: {  	s12 =	simm.s32 $0x800;
	s25 =	simm.s32 $0x380;
	[dreg:$0x16] =	wrdreg s16  }
0x1a: {  	s8 =	simm.s32 $0xF00;
	s9 =	sadd.s32 s6, s0;
	[dreg:$0x17] =	wrdreg s18  }
0x1b: {  	s0 =	sadd.s32 $0xD1800, s0;
	s1 =	sadd.s32 s6, s1;
	[dreg:$0x10] =	wrdreg s25  }
0x1c: {  	s16 =	simm.s32 $0x1;
	s18 =	simm.s32 $0x400;
	[dreg:$0x13] =	wrdreg s24  }
0x1d: {  	s25 =	simm.s32 $0x0;
	s7 =	sadd.s32 s0, s7;
	[dreg:$0x4] =	wrdreg s1  }
0x1e: {  	s9 =	sadd.s32 $0x3C00, s9;
	s0 =	sadd.s32 s0, s5;
	s1 =	sadd.s32 $0x124800, s2  }
0x1f: {  	s5 =	simm.s32 $0xE80;
	[dreg:$0x14] =	wrdreg s7;
	s7 =	sshrl.u32 s26, $0x2  }
0x20: {  	[dreg:$0x5] =	wrdreg s9;
	s0 =	sadd.s32 $0x24900, s0;
	s26 =	simm.s32 $0xB00  }
0x21: {  	s9 =	simm.s32 $0xF80;
	s6 =	sadd.s32 s7, s2;
	[dreg:$0x15] =	wrdreg s0  }
0x22: {  	[dreg:$0x11] =	wrdreg s26;
	s0 =	sshrl.u32 @p0 s1, $0x3;
	s26 =	simm.s32 $0x580  }
0x23: {  	s1 =	simm.s32 $0x700;
	[dreg:$0x18] =	wrdreg s0;
	s0 =	sshrl.u32 @!p0 s6, $0x3  }
0x24: {  	s7 =	simm.s32 $0x780;
	[dreg:$0x19] =	wrdreg s0;
	s0 =	simm.s32 $0xE00  }
.LBB2_1:
0x25: {  	[dreg:$0x1a] =	wrdreg s25  }
0x26: {  	s6 =	rddreg [dreg:$0x12]  }
0x27: {  	s10 =	rddreg [dreg:$0x17]  }
0x28: {  	[spmem:s10], [sflag:s24] =	dma.local [hbm:s6], $0x2780  }
0x29: {  	_ =	swait.ge [sflag:s11], $0x2780  }
0x2a: {  	[sflag:s11] =	ssyncset.done $0x0  }
0x2b: {  	[sflag:s11] =	ssyncadd.s32 $0xFFFFD880  }
0x2c: {  	[bflag:$0x0] =	sbarrier.arrive $0xFFFF  }
0x2d: {  	s24 =	rddreg [dreg:$0x5]  }
0x2e: {  	s6 =	sadd.s32 $0x0, s24  }
0x2f: {  	[tilespmem:s3], [sflag:$0x3] =	stream.linear.gather [hbm4b:s6+s3], $0x800, $0x38;
	[tilespmem:$0x1CC00] =	vst v63  }
0x30: {  	_ =	swait.ge [sflag:s11], $0x800  }
0x31: {  	s25 =	rddreg [dreg:$0x4];
	[sflag:s11] =	ssyncset.done $0x0  }
0x32: {  	[sflag:s11] =	ssyncadd.s32 $0xFFFFF800;
	s6 =	sadd.s32 $0x0, s25  }
0x33: {  	[tilespmem:s12], [sflag:$0x3] =	stream.linear.gather [hbm4b:s6+s3], $0x800, $0x38;
	[tilespmem:$0x1CC00] =	vst v63  }
0x34: {  	_ =	swait.ge [sflag:s11], $0x800  }
0x35: {  	[sflag:s11] =	ssyncset.done $0x0  }
0x36: {  	[sflag:s11] =	ssyncadd.s32 $0xFFFFF800  }
0x37: {  	[tilespmem:s14], [sflag:$0x1] =	stream.indirect.gather [hbm4b:s4+s13], $0x80, s3, s13, $0xb8;
	[tilespmem:$0x1CC00] =	vst v63  }
0x38: {  	_ = 	snop  }
0x39: {  	[tilespmem:s15], [sflag:$0x2] =	stream.indirect.gather [hbm4b:s4+s13], $0x80, s13, s13, $0xb8;
	[tilespmem:$0x1CC00] =	vst v63  }
0x3a: {  	_ =	swait.ge [sflag:s16], $0x4000  }
0x3b: {  	[sflag:s16] =	ssyncset.done $0x0  }
0x3c: {  	[sflag:s16] =	ssyncadd.s32 $0xFFFFC000  }
0x3d: {  	[spmem:s2] =	stream.indirect.scatter.add.f32 [tilespmem:s14], [sflag:$0x3], $0x80, s12, s13, $0xb8;
	[tilespmem:$0x1CC00] =	vst v63  }
0x3e: {  	_ =	swait.ge [sflag:s11], $0x4000  }
0x3f: {  	[sflag:s11] =	ssyncset.done $0x0  }
0x40: {  	s10 =	rddreg [dreg:$0x6];
	[sflag:s11] =	ssyncadd.s32 $0xFFFFC000  }
0x41: {  	[tilespmem:s14], [sflag:$0x1] =	stream.indirect.gather [hbm4b:s4+s13], $0x80, s10, s13, $0xb8;
	[tilespmem:$0x1CC00] =	vst v63  }
0x42: {  	_ =	swait.ge [sflag:s17], $0x4000  }
0x43: {  	[sflag:s17] =	ssyncset.done $0x0  }
0x44: {  	s24 =	rddreg [dreg:$0x7];
	[sflag:s17] =	ssyncadd.s32 $0xFFFFC000  }
0x45: {  	[spmem:s2] =	stream.indirect.scatter.add.f32 [tilespmem:s15], [sflag:$0x3], $0x80, s24, s13, $0xb8;
	[tilespmem:$0x1CC00] =	vst v63  }
0x46: {  	_ =	swait.ge [sflag:s11], $0x4000  }
0x47: {  	[sflag:s11] =	ssyncset.done $0x0  }
0x48: {  	s25 =	rddreg [dreg:$0x8];
	[sflag:s11] =	ssyncadd.s32 $0xFFFFC000  }
0x49: {  	[tilespmem:s15], [sflag:$0x2] =	stream.indirect.gather [hbm4b:s4+s13], $0x80, s25, s13, $0xb8;
	[tilespmem:$0x1CC00] =	vst v63  }
0x4a: {  	_ =	swait.ge [sflag:s16], $0x4000  }
0x4b: {  	[sflag:s16] =	ssyncset.done $0x0  }
0x4c: {  	s10 =	rddreg [dreg:$0x9];
	[sflag:s16] =	ssyncadd.s32 $0xFFFFC000  }
0x4d: {  	[spmem:s2] =	stream.indirect.scatter.add.f32 [tilespmem:s14], [sflag:$0x3], $0x80, s10, s13, $0xb8;
	[tilespmem:$0x1CC00] =	vst v63  }
0x4e: {  	_ =	swait.ge [sflag:s11], $0x4000  }
0x4f: {  	[sflag:s11] =	ssyncset.done $0x0  }
0x50: {  	s24 =	rddreg [dreg:$0xa];
	[sflag:s11] =	ssyncadd.s32 $0xFFFFC000  }
0x51: {  	[tilespmem:s14], [sflag:$0x1] =	stream.indirect.gather [hbm4b:s4+s13], $0x80, s24, s13, $0xb8;
	[tilespmem:$0x1CC00] =	vst v63  }
0x52: {  	_ =	swait.ge [sflag:s17], $0x4000  }
0x53: {  	[sflag:s17] =	ssyncset.done $0x0  }
0x54: {  	s25 =	rddreg [dreg:$0xb];
	[sflag:s17] =	ssyncadd.s32 $0xFFFFC000  }
0x55: {  	[spmem:s2] =	stream.indirect.scatter.add.f32 [tilespmem:s15], [sflag:$0x3], $0x80, s25, s13, $0xb8;
	[tilespmem:$0x1CC00] =	vst v63  }
0x56: {  	_ =	swait.ge [sflag:s11], $0x4000  }
0x57: {  	[sflag:s11] =	ssyncset.done $0x0  }
0x58: {  	s10 =	rddreg [dreg:$0xc];
	[sflag:s11] =	ssyncadd.s32 $0xFFFFC000  }
0x59: {  	[tilespmem:s15], [sflag:$0x2] =	stream.indirect.gather [hbm4b:s4+s13], $0x80, s10, s13, $0xb8;
	[tilespmem:$0x1CC00] =	vst v63  }
0x5a: {  	_ =	swait.ge [sflag:s16], $0x4000  }
0x5b: {  	[sflag:s16] =	ssyncset.done $0x0  }
0x5c: {  	s24 =	rddreg [dreg:$0xd];
	[sflag:s16] =	ssyncadd.s32 $0xFFFFC000  }
0x5d: {  	[spmem:s2] =	stream.indirect.scatter.add.f32 [tilespmem:s14], [sflag:$0x3], $0x80, s24, s13, $0xb8;
	[tilespmem:$0x1CC00] =	vst v63  }
0x5e: {  	_ =	swait.ge [sflag:s11], $0x4000  }
0x5f: {  	[sflag:s11] =	ssyncset.done $0x0  }
0x60: {  	s25 =	rddreg [dreg:$0xe];
	[sflag:s11] =	ssyncadd.s32 $0xFFFFC000  }
0x61: {  	[tilespmem:s14], [sflag:$0x1] =	stream.indirect.gather [hbm4b:s4+s13], $0x80, s25, s13, $0xb8;
	[tilespmem:$0x1CC00] =	vst v63  }
0x62: {  	_ =	swait.ge [sflag:s17], $0x4000  }
0x63: {  	[sflag:s17] =	ssyncset.done $0x0  }
0x64: {  	s10 =	rddreg [dreg:$0xf];
	[sflag:s17] =	ssyncadd.s32 $0xFFFFC000  }
0x65: {  	[spmem:s2] =	stream.indirect.scatter.add.f32 [tilespmem:s15], [sflag:$0x3], $0x80, s10, s13, $0xb8;
	[tilespmem:$0x1CC00] =	vst v63  }
0x66: {  	_ =	swait.ge [sflag:s11], $0x4000  }
0x67: {  	[sflag:s11] =	ssyncset.done $0x0  }
0x68: {  	s24 =	rddreg [dreg:$0x10];
	[sflag:s11] =	ssyncadd.s32 $0xFFFFC000  }
0x69: {  	[tilespmem:s15], [sflag:$0x2] =	stream.indirect.gather [hbm4b:s4+s13], $0x80, s24, s13, $0xb8;
	[tilespmem:$0x1CC00] =	vst v63  }
0x6a: {  	_ =	swait.ge [sflag:s16], $0x4000  }
0x6b: {  	[sflag:s16] =	ssyncset.done $0x0  }
0x6c: {  	s25 =	rddreg [dreg:$0x11];
	[sflag:s16] =	ssyncadd.s32 $0xFFFFC000  }
0x6d: {  	[spmem:s2] =	stream.indirect.scatter.add.f32 [tilespmem:s14], [sflag:$0x3], $0x80, s25, s13, $0xb8;
	[tilespmem:$0x1CC00] =	vst v63  }
0x6e: {  	_ =	swait.ge [sflag:s11], $0x4000  }
0x6f: {  	[sflag:s11] =	ssyncset.done $0x0  }
0x70: {  	[sflag:s11] =	ssyncadd.s32 $0xFFFFC000  }
0x71: {  	[tilespmem:s14], [sflag:$0x1] =	stream.indirect.gather [hbm4b:s4+s13], $0x80, s18, s13, $0xb8;
	[tilespmem:$0x1CC00] =	vst v63  }
0x72: {  	_ =	swait.ge [sflag:s17], $0x4000  }
0x73: {  	[sflag:s17] =	ssyncset.done $0x0  }
0x74: {  	[sflag:s17] =	ssyncadd.s32 $0xFFFFC000  }
0x75: {  	[spmem:s2] =	stream.indirect.scatter.add.f32 [tilespmem:s15], [sflag:$0x3], $0x80, s19, s13, $0xb8;
	[tilespmem:$0x1CC00] =	vst v63  }
0x76: {  	_ =	swait.ge [sflag:s11], $0x4000  }
0x77: {  	[sflag:s11] =	ssyncset.done $0x0  }
0x78: {  	[sflag:s11] =	ssyncadd.s32 $0xFFFFC000  }
0x79: {  	[tilespmem:s15], [sflag:$0x2] =	stream.indirect.gather [hbm4b:s4+s13], $0x80, s20, s13, $0xb8;
	[tilespmem:$0x1CC00] =	vst v63  }
0x7a: {  	_ =	swait.ge [sflag:s16], $0x4000  }
0x7b: {  	[sflag:s16] =	ssyncset.done $0x0  }
0x7c: {  	[sflag:s16] =	ssyncadd.s32 $0xFFFFC000  }
0x7d: {  	[spmem:s2] =	stream.indirect.scatter.add.f32 [tilespmem:s14], [sflag:$0x3], $0x80, s21, s13, $0xb8;
	[tilespmem:$0x1CC00] =	vst v63  }
0x7e: {  	_ =	swait.ge [sflag:s11], $0x4000  }
0x7f: {  	[sflag:s11] =	ssyncset.done $0x0  }
0x80: {  	[sflag:s11] =	ssyncadd.s32 $0xFFFFC000  }
0x81: {  	[tilespmem:s14], [sflag:$0x1] =	stream.indirect.gather [hbm4b:s4+s13], $0x80, s22, s13, $0xb8;
	[tilespmem:$0x1CC00] =	vst v63  }
0x82: {  	_ =	swait.ge [sflag:s17], $0x4000  }
0x83: {  	[sflag:s17] =	ssyncset.done $0x0  }
0x84: {  	[sflag:s17] =	ssyncadd.s32 $0xFFFFC000  }
0x85: {  	[spmem:s2] =	stream.indirect.scatter.add.f32 [tilespmem:s15], [sflag:$0x3], $0x80, s23, s13, $0xb8;
	[tilespmem:$0x1CC00] =	vst v63  }
0x86: {  	_ =	swait.ge [sflag:s11], $0x4000  }
0x87: {  	[sflag:s11] =	ssyncset.done $0x0  }
0x88: {  	[sflag:s11] =	ssyncadd.s32 $0xFFFFC000  }
0x89: {  	[tilespmem:s15], [sflag:$0x2] =	stream.indirect.gather [hbm4b:s4+s13], $0x80, s26, s13, $0xb8;
	[tilespmem:$0x1CC00] =	vst v63  }
0x8a: {  	_ =	swait.ge [sflag:s16], $0x4000  }
0x8b: {  	[sflag:s16] =	ssyncset.done $0x0  }
0x8c: {  	[sflag:s16] =	ssyncadd.s32 $0xFFFFC000  }
0x8d: {  	[spmem:s2] =	stream.indirect.scatter.add.f32 [tilespmem:s14], [sflag:$0x3], $0x80, s28, s13, $0xb8;
	[tilespmem:$0x1CC00] =	vst v63  }
0x8e: {  	_ =	swait.ge [sflag:s11], $0x4000  }
0x8f: {  	[sflag:s11] =	ssyncset.done $0x0  }
0x90: {  	[sflag:s11] =	ssyncadd.s32 $0xFFFFC000  }
0x91: {  	[tilespmem:s14], [sflag:$0x1] =	stream.indirect.gather [hbm4b:s4+s13], $0x80, s29, s13, $0xb8;
	[tilespmem:$0x1CC00] =	vst v63  }
0x92: {  	_ =	swait.ge [sflag:s17], $0x4000  }
0x93: {  	[sflag:s17] =	ssyncset.done $0x0  }
0x94: {  	[sflag:s17] =	ssyncadd.s32 $0xFFFFC000  }
0x95: {  	[spmem:s2] =	stream.indirect.scatter.add.f32 [tilespmem:s15], [sflag:$0x3], $0x80, s30, s13, $0xb8;
	[tilespmem:$0x1CC00] =	vst v63  }
0x96: {  	_ =	swait.ge [sflag:s11], $0x4000  }
0x97: {  	[sflag:s11] =	ssyncset.done $0x0  }
0x98: {  	[sflag:s11] =	ssyncadd.s32 $0xFFFFC000  }
0x99: {  	[tilespmem:s15], [sflag:$0x2] =	stream.indirect.gather [hbm4b:s4+s13], $0x80, s31, s13, $0xb8;
	[tilespmem:$0x1CC00] =	vst v63  }
0x9a: {  	_ =	swait.ge [sflag:s16], $0x4000  }
0x9b: {  	[sflag:s16] =	ssyncset.done $0x0  }
0x9c: {  	[sflag:s16] =	ssyncadd.s32 $0xFFFFC000  }
0x9d: {  	[spmem:s2] =	stream.indirect.scatter.add.f32 [tilespmem:s14], [sflag:$0x3], $0x80, s0, s13, $0xb8;
	[tilespmem:$0x1CC00] =	vst v63  }
0x9e: {  	_ =	swait.ge [sflag:s11], $0x4000  }
0x9f: {  	[sflag:s11] =	ssyncset.done $0x0  }
0xa0: {  	[sflag:s11] =	ssyncadd.s32 $0xFFFFC000  }
0xa1: {  	[tilespmem:s14], [sflag:$0x1] =	stream.indirect.gather [hbm4b:s4+s13], $0x80, s1, s13, $0xb8;
	[tilespmem:$0x1CC00] =	vst v63  }
0xa2: {  	_ =	swait.ge [sflag:s17], $0x4000  }
0xa3: {  	[sflag:s17] =	ssyncset.done $0x0  }
0xa4: {  	[sflag:s17] =	ssyncadd.s32 $0xFFFFC000  }
0xa5: {  	[spmem:s2] =	stream.indirect.scatter.add.f32 [tilespmem:s15], [sflag:$0x3], $0x80, s5, s13, $0xb8;
	[tilespmem:$0x1CC00] =	vst v63  }
0xa6: {  	_ =	swait.ge [sflag:s11], $0x4000  }
0xa7: {  	[sflag:s11] =	ssyncset.done $0x0  }
0xa8: {  	[sflag:s11] =	ssyncadd.s32 $0xFFFFC000  }
0xa9: {  	[tilespmem:s15], [sflag:$0x2] =	stream.indirect.gather [hbm4b:s4+s13], $0x80, s7, s13, $0xb8;
	[tilespmem:$0x1CC00] =	vst v63  }
0xaa: {  	_ =	swait.ge [sflag:s16], $0x4000  }
0xab: {  	[sflag:s16] =	ssyncset.done $0x0  }
0xac: {  	[sflag:s16] =	ssyncadd.s32 $0xFFFFC000  }
0xad: {  	[spmem:s2] =	stream.indirect.scatter.add.f32 [tilespmem:s14], [sflag:$0x3], $0x80, s8, s13, $0xb8;
	[tilespmem:$0x1CC00] =	vst v63  }
0xae: {  	_ =	swait.ge [sflag:s11], $0x4000  }
0xaf: {  	[sflag:s11] =	ssyncset.done $0x0  }
0xb0: {  	[sflag:s11] =	ssyncadd.s32 $0xFFFFC000  }
0xb1: {  	_ =	swait.ge [sflag:s17], $0x4000  }
0xb2: {  	[sflag:s17] =	ssyncset.done $0x0  }
0xb3: {  	[sflag:s17] =	ssyncadd.s32 $0xFFFFC000  }
0xb4: {  	[spmem:s2] =	stream.indirect.scatter.add.f32 [tilespmem:s15], [sflag:$0x3], $0x80, s9, s13, $0xb8;
	[tilespmem:$0x1CC00] =	vst v63  }
0xb5: {  	s24 =	simm.s32 $0x100;
	_ =	swait.ge [sflag:s11], $0x4000  }
0xb6: {  	s25 =	simm.s32 $0x200;
	s6 =	rddreg [dreg:$0x5];
	[sflag:s11] =	ssyncset.done $0x0  }
.LBB2_2:
0xb7: {  	[sflag:s11] =	ssyncadd.s32 $0xFFFFC000;
	s6 =	sadd.s32 s24, s6  }
0xb8: {  	[tilespmem:s3], [sflag:$0x3] =	stream.linear.gather [hbm4b:s6+s3], $0x800, $0x38;
	[tilespmem:$0x1CC00] =	vst v63  }
0xb9: {  	_ =	swait.ge [sflag:s11], $0x800  }
0xba: {  	s6 =	rddreg [dreg:$0x4];
	[sflag:s11] =	ssyncset.done $0x0  }
0xbb: {  	[sflag:s11] =	ssyncadd.s32 $0xFFFFF800;
	s6 =	sadd.s32 s24, s6  }
0xbc: {  	[tilespmem:s12], [sflag:$0x3] =	stream.linear.gather [hbm4b:s6+s3], $0x800, $0x38;
	[tilespmem:$0x1CC00] =	vst v63  }
0xbd: {  	_ =	swait.ge [sflag:s11], $0x800  }
0xbe: {  	[sflag:s11] =	ssyncset.done $0x0  }
0xbf: {  	[sflag:s11] =	ssyncadd.s32 $0xFFFFF800  }
0xc0: {  	[tilespmem:s14], [sflag:$0x1] =	stream.indirect.gather [hbm4b:s4+s13], $0x80, s3, s13, $0xb8;
	[tilespmem:$0x1CC00] =	vst v63  }
0xc1: {  	_ = 	snop  }
0xc2: {  	[tilespmem:s15], [sflag:$0x2] =	stream.indirect.gather [hbm4b:s4+s13], $0x80, s13, s13, $0xb8;
	[tilespmem:$0x1CC00] =	vst v63  }
0xc3: {  	_ =	swait.ge [sflag:s16], $0x4000  }
0xc4: {  	[sflag:s16] =	ssyncset.done $0x0  }
0xc5: {  	[sflag:s16] =	ssyncadd.s32 $0xFFFFC000  }
0xc6: {  	[spmem:s2] =	stream.indirect.scatter.add.f32 [tilespmem:s14], [sflag:$0x3], $0x80, s12, s13, $0xb8;
	[tilespmem:$0x1CC00] =	vst v63  }
0xc7: {  	_ =	swait.ge [sflag:s11], $0x4000  }
0xc8: {  	s10 =	smov.u32 s25;
	[sflag:s11] =	ssyncset.done $0x0  }
0xc9: {  	s24 =	smov.u32 s10;
	s10 =	rddreg [dreg:$0x6];
	[sflag:s11] =	ssyncadd.s32 $0xFFFFC000  }
0xca: {  	[tilespmem:s14], [sflag:$0x1] =	stream.indirect.gather [hbm4b:s4+s13], $0x80, s10, s13, $0xb8;
	[tilespmem:$0x1CC00] =	vst v63  }
0xcb: {  	_ =	swait.ge [sflag:s17], $0x4000  }
0xcc: {  	[sflag:s17] =	ssyncset.done $0x0  }
0xcd: {  	s10 =	rddreg [dreg:$0x7];
	[sflag:s17] =	ssyncadd.s32 $0xFFFFC000  }
0xce: {  	[spmem:s2] =	stream.indirect.scatter.add.f32 [tilespmem:s15], [sflag:$0x3], $0x80, s10, s13, $0xb8;
	[tilespmem:$0x1CC00] =	vst v63  }
0xcf: {  	_ =	swait.ge [sflag:s11], $0x4000  }
0xd0: {  	[sflag:s11] =	ssyncset.done $0x0  }
0xd1: {  	s10 =	rddreg [dreg:$0x8];
	[sflag:s11] =	ssyncadd.s32 $0xFFFFC000  }
0xd2: {  	[tilespmem:s15], [sflag:$0x2] =	stream.indirect.gather [hbm4b:s4+s13], $0x80, s10, s13, $0xb8;
	[tilespmem:$0x1CC00] =	vst v63  }
0xd3: {  	_ =	swait.ge [sflag:s16], $0x4000  }
0xd4: {  	[sflag:s16] =	ssyncset.done $0x0  }
0xd5: {  	s10 =	rddreg [dreg:$0x9];
	[sflag:s16] =	ssyncadd.s32 $0xFFFFC000  }
0xd6: {  	[spmem:s2] =	stream.indirect.scatter.add.f32 [tilespmem:s14], [sflag:$0x3], $0x80, s10, s13, $0xb8;
	[tilespmem:$0x1CC00] =	vst v63  }
0xd7: {  	_ =	swait.ge [sflag:s11], $0x4000  }
0xd8: {  	[sflag:s11] =	ssyncset.done $0x0  }
0xd9: {  	s10 =	rddreg [dreg:$0xa];
	[sflag:s11] =	ssyncadd.s32 $0xFFFFC000  }
0xda: {  	[tilespmem:s14], [sflag:$0x1] =	stream.indirect.gather [hbm4b:s4+s13], $0x80, s10, s13, $0xb8;
	[tilespmem:$0x1CC00] =	vst v63  }
0xdb: {  	_ =	swait.ge [sflag:s17], $0x4000  }
0xdc: {  	[sflag:s17] =	ssyncset.done $0x0  }
0xdd: {  	s10 =	rddreg [dreg:$0xb];
	[sflag:s17] =	ssyncadd.s32 $0xFFFFC000  }
0xde: {  	[spmem:s2] =	stream.indirect.scatter.add.f32 [tilespmem:s15], [sflag:$0x3], $0x80, s10, s13, $0xb8;
	[tilespmem:$0x1CC00] =	vst v63  }
0xdf: {  	_ =	swait.ge [sflag:s11], $0x4000  }
0xe0: {  	[sflag:s11] =	ssyncset.done $0x0  }
0xe1: {  	s10 =	rddreg [dreg:$0xc];
	[sflag:s11] =	ssyncadd.s32 $0xFFFFC000  }
0xe2: {  	[tilespmem:s15], [sflag:$0x2] =	stream.indirect.gather [hbm4b:s4+s13], $0x80, s10, s13, $0xb8;
	[tilespmem:$0x1CC00] =	vst v63  }
0xe3: {  	_ =	swait.ge [sflag:s16], $0x4000  }
0xe4: {  	[sflag:s16] =	ssyncset.done $0x0  }
0xe5: {  	s10 =	rddreg [dreg:$0xd];
	[sflag:s16] =	ssyncadd.s32 $0xFFFFC000  }
0xe6: {  	[spmem:s2] =	stream.indirect.scatter.add.f32 [tilespmem:s14], [sflag:$0x3], $0x80, s10, s13, $0xb8;
	[tilespmem:$0x1CC00] =	vst v63  }
0xe7: {  	_ =	swait.ge [sflag:s11], $0x4000  }
0xe8: {  	[sflag:s11] =	ssyncset.done $0x0  }
0xe9: {  	s10 =	rddreg [dreg:$0xe];
	[sflag:s11] =	ssyncadd.s32 $0xFFFFC000  }
0xea: {  	[tilespmem:s14], [sflag:$0x1] =	stream.indirect.gather [hbm4b:s4+s13], $0x80, s10, s13, $0xb8;
	[tilespmem:$0x1CC00] =	vst v63  }
0xeb: {  	_ =	swait.ge [sflag:s17], $0x4000  }
0xec: {  	[sflag:s17] =	ssyncset.done $0x0  }
0xed: {  	s10 =	rddreg [dreg:$0xf];
	[sflag:s17] =	ssyncadd.s32 $0xFFFFC000  }
0xee: {  	[spmem:s2] =	stream.indirect.scatter.add.f32 [tilespmem:s15], [sflag:$0x3], $0x80, s10, s13, $0xb8;
	[tilespmem:$0x1CC00] =	vst v63  }
0xef: {  	_ =	swait.ge [sflag:s11], $0x4000  }
0xf0: {  	[sflag:s11] =	ssyncset.done $0x0  }
0xf1: {  	s10 =	rddreg [dreg:$0x10];
	[sflag:s11] =	ssyncadd.s32 $0xFFFFC000  }
0xf2: {  	[tilespmem:s15], [sflag:$0x2] =	stream.indirect.gather [hbm4b:s4+s13], $0x80, s10, s13, $0xb8;
	[tilespmem:$0x1CC00] =	vst v63  }
0xf3: {  	_ =	swait.ge [sflag:s16], $0x4000  }
0xf4: {  	[sflag:s16] =	ssyncset.done $0x0  }
0xf5: {  	s10 =	rddreg [dreg:$0x11];
	[sflag:s16] =	ssyncadd.s32 $0xFFFFC000  }
0xf6: {  	[spmem:s2] =	stream.indirect.scatter.add.f32 [tilespmem:s14], [sflag:$0x3], $0x80, s10, s13, $0xb8;
	[tilespmem:$0x1CC00] =	vst v63  }
0xf7: {  	_ =	swait.ge [sflag:s11], $0x4000  }
0xf8: {  	[sflag:s11] =	ssyncset.done $0x0  }
0xf9: {  	[sflag:s11] =	ssyncadd.s32 $0xFFFFC000  }
0xfa: {  	[tilespmem:s14], [sflag:$0x1] =	stream.indirect.gather [hbm4b:s4+s13], $0x80, s18, s13, $0xb8;
	[tilespmem:$0x1CC00] =	vst v63  }
0xfb: {  	_ =	swait.ge [sflag:s17], $0x4000  }
0xfc: {  	[sflag:s17] =	ssyncset.done $0x0  }
0xfd: {  	[sflag:s17] =	ssyncadd.s32 $0xFFFFC000  }
0xfe: {  	[spmem:s2] =	stream.indirect.scatter.add.f32 [tilespmem:s15], [sflag:$0x3], $0x80, s19, s13, $0xb8;
	[tilespmem:$0x1CC00] =	vst v63  }
0xff: {  	_ =	swait.ge [sflag:s11], $0x4000  }
0x100: {  	[sflag:s11] =	ssyncset.done $0x0  }
0x101: {  	[sflag:s11] =	ssyncadd.s32 $0xFFFFC000  }
0x102: {  	[tilespmem:s15], [sflag:$0x2] =	stream.indirect.gather [hbm4b:s4+s13], $0x80, s20, s13, $0xb8;
	[tilespmem:$0x1CC00] =	vst v63  }
0x103: {  	_ =	swait.ge [sflag:s16], $0x4000  }
0x104: {  	[sflag:s16] =	ssyncset.done $0x0  }
0x105: {  	[sflag:s16] =	ssyncadd.s32 $0xFFFFC000  }
0x106: {  	[spmem:s2] =	stream.indirect.scatter.add.f32 [tilespmem:s14], [sflag:$0x3], $0x80, s21, s13, $0xb8;
	[tilespmem:$0x1CC00] =	vst v63  }
0x107: {  	_ =	swait.ge [sflag:s11], $0x4000  }
0x108: {  	[sflag:s11] =	ssyncset.done $0x0  }
0x109: {  	[sflag:s11] =	ssyncadd.s32 $0xFFFFC000  }
0x10a: {  	[tilespmem:s14], [sflag:$0x1] =	stream.indirect.gather [hbm4b:s4+s13], $0x80, s22, s13, $0xb8;
	[tilespmem:$0x1CC00] =	vst v63  }
0x10b: {  	_ =	swait.ge [sflag:s17], $0x4000  }
0x10c: {  	[sflag:s17] =	ssyncset.done $0x0  }
0x10d: {  	[sflag:s17] =	ssyncadd.s32 $0xFFFFC000  }
0x10e: {  	[spmem:s2] =	stream.indirect.scatter.add.f32 [tilespmem:s15], [sflag:$0x3], $0x80, s23, s13, $0xb8;
	[tilespmem:$0x1CC00] =	vst v63  }
0x10f: {  	_ =	swait.ge [sflag:s11], $0x4000  }
0x110: {  	[sflag:s11] =	ssyncset.done $0x0  }
0x111: {  	[sflag:s11] =	ssyncadd.s32 $0xFFFFC000  }
0x112: {  	[tilespmem:s15], [sflag:$0x2] =	stream.indirect.gather [hbm4b:s4+s13], $0x80, s26, s13, $0xb8;
	[tilespmem:$0x1CC00] =	vst v63  }
0x113: {  	_ =	swait.ge [sflag:s16], $0x4000  }
0x114: {  	[sflag:s16] =	ssyncset.done $0x0  }
0x115: {  	[sflag:s16] =	ssyncadd.s32 $0xFFFFC000  }
0x116: {  	[spmem:s2] =	stream.indirect.scatter.add.f32 [tilespmem:s14], [sflag:$0x3], $0x80, s28, s13, $0xb8;
	[tilespmem:$0x1CC00] =	vst v63  }
0x117: {  	_ =	swait.ge [sflag:s11], $0x4000  }
0x118: {  	[sflag:s11] =	ssyncset.done $0x0  }
0x119: {  	[sflag:s11] =	ssyncadd.s32 $0xFFFFC000  }
0x11a: {  	[tilespmem:s14], [sflag:$0x1] =	stream.indirect.gather [hbm4b:s4+s13], $0x80, s29, s13, $0xb8;
	[tilespmem:$0x1CC00] =	vst v63  }
0x11b: {  	_ =	swait.ge [sflag:s17], $0x4000  }
0x11c: {  	[sflag:s17] =	ssyncset.done $0x0  }
0x11d: {  	[sflag:s17] =	ssyncadd.s32 $0xFFFFC000  }
0x11e: {  	[spmem:s2] =	stream.indirect.scatter.add.f32 [tilespmem:s15], [sflag:$0x3], $0x80, s30, s13, $0xb8;
	[tilespmem:$0x1CC00] =	vst v63  }
0x11f: {  	_ =	swait.ge [sflag:s11], $0x4000  }
0x120: {  	[sflag:s11] =	ssyncset.done $0x0  }
0x121: {  	[sflag:s11] =	ssyncadd.s32 $0xFFFFC000  }
0x122: {  	[tilespmem:s15], [sflag:$0x2] =	stream.indirect.gather [hbm4b:s4+s13], $0x80, s31, s13, $0xb8;
	[tilespmem:$0x1CC00] =	vst v63  }
0x123: {  	_ =	swait.ge [sflag:s16], $0x4000  }
0x124: {  	[sflag:s16] =	ssyncset.done $0x0  }
0x125: {  	[sflag:s16] =	ssyncadd.s32 $0xFFFFC000  }
0x126: {  	[spmem:s2] =	stream.indirect.scatter.add.f32 [tilespmem:s14], [sflag:$0x3], $0x80, s0, s13, $0xb8;
	[tilespmem:$0x1CC00] =	vst v63  }
0x127: {  	_ =	swait.ge [sflag:s11], $0x4000  }
0x128: {  	[sflag:s11] =	ssyncset.done $0x0  }
0x129: {  	[sflag:s11] =	ssyncadd.s32 $0xFFFFC000  }
0x12a: {  	[tilespmem:s14], [sflag:$0x1] =	stream.indirect.gather [hbm4b:s4+s13], $0x80, s1, s13, $0xb8;
	[tilespmem:$0x1CC00] =	vst v63  }
0x12b: {  	_ =	swait.ge [sflag:s17], $0x4000  }
0x12c: {  	[sflag:s17] =	ssyncset.done $0x0  }
0x12d: {  	[sflag:s17] =	ssyncadd.s32 $0xFFFFC000  }
0x12e: {  	[spmem:s2] =	stream.indirect.scatter.add.f32 [tilespmem:s15], [sflag:$0x3], $0x80, s5, s13, $0xb8;
	[tilespmem:$0x1CC00] =	vst v63  }
0x12f: {  	_ =	swait.ge [sflag:s11], $0x4000  }
0x130: {  	[sflag:s11] =	ssyncset.done $0x0  }
0x131: {  	[sflag:s11] =	ssyncadd.s32 $0xFFFFC000  }
0x132: {  	[tilespmem:s15], [sflag:$0x2] =	stream.indirect.gather [hbm4b:s4+s13], $0x80, s7, s13, $0xb8;
	[tilespmem:$0x1CC00] =	vst v63  }
0x133: {  	_ =	swait.ge [sflag:s16], $0x4000  }
0x134: {  	[sflag:s16] =	ssyncset.done $0x0  }
0x135: {  	[sflag:s16] =	ssyncadd.s32 $0xFFFFC000  }
0x136: {  	[spmem:s2] =	stream.indirect.scatter.add.f32 [tilespmem:s14], [sflag:$0x3], $0x80, s8, s13, $0xb8;
	[tilespmem:$0x1CC00] =	vst v63  }
0x137: {  	_ =	swait.ge [sflag:s11], $0x4000  }
0x138: {  	[sflag:s11] =	ssyncset.done $0x0  }
0x139: {  	[sflag:s11] =	ssyncadd.s32 $0xFFFFC000  }
0x13a: {  	p1 =	sne.s32 s25, $0x400;
	_ =	swait.ge [sflag:s17], $0x4000  }
.Ltmp0:
0x13b: {  	[sflag:s17] =	ssyncset.done $0x0;
	(pc) =	sbr.rel @p1 .LBB2_2-.Ltmp0, $4  }
0x13c: {  	[sflag:s17] =	ssyncadd.s32 $0xFFFFC000  }
0x13d: {  	[spmem:s2] =	stream.indirect.scatter.add.f32 [tilespmem:s15], [sflag:$0x3], $0x80, s9, s13, $0xb8;
	[tilespmem:$0x1CC00] =	vst v63  }
0x13e: {  	_ =	swait.ge [sflag:s11], $0x4000  }
0x13f: {  	s25 =	sadd.s32 $0x100, s25;
	s6 =	rddreg [dreg:$0x5];
	[sflag:s11] =	ssyncset.done $0x0  }
0x140: {  	[sflag:s11] =	ssyncadd.s32 $0xFFFFC000;
	s6 =	sadd.s32 s24, s6  }
0x141: {  	[tilespmem:s3], [sflag:$0x3] =	stream.linear.gather [hbm4b:s6+s3], $0x800, $0x38;
	[tilespmem:$0x1CC00] =	vst v63  }
0x142: {  	_ =	swait.ge [sflag:s11], $0x800  }
0x143: {  	s25 =	rddreg [dreg:$0x4];
	[sflag:s11] =	ssyncset.done $0x0  }
0x144: {  	s6 =	sadd.s32 s24, s25;
	[sflag:s11] =	ssyncadd.s32 $0xFFFFF800  }
0x145: {  	[tilespmem:s12], [sflag:$0x3] =	stream.linear.gather [hbm4b:s6+s3], $0x800, $0x38;
	[tilespmem:$0x1CC00] =	vst v63  }
0x146: {  	_ =	swait.ge [sflag:s11], $0x800  }
0x147: {  	[sflag:s11] =	ssyncset.done $0x0  }
0x148: {  	[sflag:s11] =	ssyncadd.s32 $0xFFFFF800  }
0x149: {  	[tilespmem:s14], [sflag:$0x1] =	stream.indirect.gather [hbm4b:s4+s13], $0x80, s3, s13, $0xb8;
	[tilespmem:$0x1CC00] =	vst v63  }
0x14a: {  	_ = 	snop  }
0x14b: {  	[tilespmem:s15], [sflag:$0x2] =	stream.indirect.gather [hbm4b:s4+s13], $0x80, s13, s13, $0xb8;
	[tilespmem:$0x1CC00] =	vst v63  }
0x14c: {  	_ =	swait.ge [sflag:s16], $0x4000  }
0x14d: {  	[sflag:s16] =	ssyncset.done $0x0  }
0x14e: {  	[sflag:s16] =	ssyncadd.s32 $0xFFFFC000  }
0x14f: {  	[spmem:s2] =	stream.indirect.scatter.add.f32 [tilespmem:s14], [sflag:$0x3], $0x80, s12, s13, $0xb8;
	[tilespmem:$0x1CC00] =	vst v63  }
0x150: {  	_ =	swait.ge [sflag:s11], $0x4000  }
0x151: {  	[sflag:s11] =	ssyncset.done $0x0  }
0x152: {  	s10 =	rddreg [dreg:$0x6];
	[sflag:s11] =	ssyncadd.s32 $0xFFFFC000  }
0x153: {  	[tilespmem:s14], [sflag:$0x1] =	stream.indirect.gather [hbm4b:s4+s13], $0x80, s10, s13, $0xb8;
	[tilespmem:$0x1CC00] =	vst v63  }
0x154: {  	_ =	swait.ge [sflag:s17], $0x4000  }
0x155: {  	[sflag:s17] =	ssyncset.done $0x0  }
0x156: {  	s24 =	rddreg [dreg:$0x7];
	[sflag:s17] =	ssyncadd.s32 $0xFFFFC000  }
0x157: {  	[spmem:s2] =	stream.indirect.scatter.add.f32 [tilespmem:s15], [sflag:$0x3], $0x80, s24, s13, $0xb8;
	[tilespmem:$0x1CC00] =	vst v63  }
0x158: {  	_ =	swait.ge [sflag:s11], $0x4000  }
0x159: {  	[sflag:s11] =	ssyncset.done $0x0  }
0x15a: {  	s25 =	rddreg [dreg:$0x8];
	[sflag:s11] =	ssyncadd.s32 $0xFFFFC000  }
0x15b: {  	[tilespmem:s15], [sflag:$0x2] =	stream.indirect.gather [hbm4b:s4+s13], $0x80, s25, s13, $0xb8;
	[tilespmem:$0x1CC00] =	vst v63  }
0x15c: {  	_ =	swait.ge [sflag:s16], $0x4000  }
0x15d: {  	[sflag:s16] =	ssyncset.done $0x0  }
0x15e: {  	s10 =	rddreg [dreg:$0x9];
	[sflag:s16] =	ssyncadd.s32 $0xFFFFC000  }
0x15f: {  	[spmem:s2] =	stream.indirect.scatter.add.f32 [tilespmem:s14], [sflag:$0x3], $0x80, s10, s13, $0xb8;
	[tilespmem:$0x1CC00] =	vst v63  }
0x160: {  	_ =	swait.ge [sflag:s11], $0x4000  }
0x161: {  	[sflag:s11] =	ssyncset.done $0x0  }
0x162: {  	s24 =	rddreg [dreg:$0xa];
	[sflag:s11] =	ssyncadd.s32 $0xFFFFC000  }
0x163: {  	[tilespmem:s14], [sflag:$0x1] =	stream.indirect.gather [hbm4b:s4+s13], $0x80, s24, s13, $0xb8;
	[tilespmem:$0x1CC00] =	vst v63  }
0x164: {  	_ =	swait.ge [sflag:s17], $0x4000  }
0x165: {  	[sflag:s17] =	ssyncset.done $0x0  }
0x166: {  	s25 =	rddreg [dreg:$0xb];
	[sflag:s17] =	ssyncadd.s32 $0xFFFFC000  }
0x167: {  	[spmem:s2] =	stream.indirect.scatter.add.f32 [tilespmem:s15], [sflag:$0x3], $0x80, s25, s13, $0xb8;
	[tilespmem:$0x1CC00] =	vst v63  }
0x168: {  	_ =	swait.ge [sflag:s11], $0x4000  }
0x169: {  	[sflag:s11] =	ssyncset.done $0x0  }
0x16a: {  	s10 =	rddreg [dreg:$0xc];
	[sflag:s11] =	ssyncadd.s32 $0xFFFFC000  }
0x16b: {  	[tilespmem:s15], [sflag:$0x2] =	stream.indirect.gather [hbm4b:s4+s13], $0x80, s10, s13, $0xb8;
	[tilespmem:$0x1CC00] =	vst v63  }
0x16c: {  	_ =	swait.ge [sflag:s16], $0x4000  }
0x16d: {  	[sflag:s16] =	ssyncset.done $0x0  }
0x16e: {  	s24 =	rddreg [dreg:$0xd];
	[sflag:s16] =	ssyncadd.s32 $0xFFFFC000  }
0x16f: {  	[spmem:s2] =	stream.indirect.scatter.add.f32 [tilespmem:s14], [sflag:$0x3], $0x80, s24, s13, $0xb8;
	[tilespmem:$0x1CC00] =	vst v63  }
0x170: {  	_ =	swait.ge [sflag:s11], $0x4000  }
0x171: {  	[sflag:s11] =	ssyncset.done $0x0  }
0x172: {  	s25 =	rddreg [dreg:$0xe];
	[sflag:s11] =	ssyncadd.s32 $0xFFFFC000  }
0x173: {  	[tilespmem:s14], [sflag:$0x1] =	stream.indirect.gather [hbm4b:s4+s13], $0x80, s25, s13, $0xb8;
	[tilespmem:$0x1CC00] =	vst v63  }
0x174: {  	_ =	swait.ge [sflag:s17], $0x4000  }
0x175: {  	[sflag:s17] =	ssyncset.done $0x0  }
0x176: {  	s10 =	rddreg [dreg:$0xf];
	[sflag:s17] =	ssyncadd.s32 $0xFFFFC000  }
0x177: {  	[spmem:s2] =	stream.indirect.scatter.add.f32 [tilespmem:s15], [sflag:$0x3], $0x80, s10, s13, $0xb8;
	[tilespmem:$0x1CC00] =	vst v63  }
0x178: {  	_ =	swait.ge [sflag:s11], $0x4000  }
0x179: {  	[sflag:s11] =	ssyncset.done $0x0  }
0x17a: {  	s24 =	rddreg [dreg:$0x10];
	[sflag:s11] =	ssyncadd.s32 $0xFFFFC000  }
0x17b: {  	[tilespmem:s15], [sflag:$0x2] =	stream.indirect.gather [hbm4b:s4+s13], $0x80, s24, s13, $0xb8;
	[tilespmem:$0x1CC00] =	vst v63  }
0x17c: {  	_ =	swait.ge [sflag:s16], $0x4000  }
0x17d: {  	[sflag:s16] =	ssyncset.done $0x0  }
0x17e: {  	s25 =	rddreg [dreg:$0x11];
	[sflag:s16] =	ssyncadd.s32 $0xFFFFC000  }
0x17f: {  	[spmem:s2] =	stream.indirect.scatter.add.f32 [tilespmem:s14], [sflag:$0x3], $0x80, s25, s13, $0xb8;
	[tilespmem:$0x1CC00] =	vst v63  }
0x180: {  	_ =	swait.ge [sflag:s11], $0x4000  }
0x181: {  	[sflag:s11] =	ssyncset.done $0x0  }
0x182: {  	[sflag:s11] =	ssyncadd.s32 $0xFFFFC000  }
0x183: {  	[tilespmem:s14], [sflag:$0x1] =	stream.indirect.gather [hbm4b:s4+s13], $0x80, s18, s13, $0xb8;
	[tilespmem:$0x1CC00] =	vst v63  }
0x184: {  	_ =	swait.ge [sflag:s17], $0x4000  }
0x185: {  	[sflag:s17] =	ssyncset.done $0x0  }
0x186: {  	[sflag:s17] =	ssyncadd.s32 $0xFFFFC000  }
0x187: {  	[spmem:s2] =	stream.indirect.scatter.add.f32 [tilespmem:s15], [sflag:$0x3], $0x80, s19, s13, $0xb8;
	[tilespmem:$0x1CC00] =	vst v63  }
0x188: {  	_ =	swait.ge [sflag:s11], $0x4000  }
0x189: {  	[sflag:s11] =	ssyncset.done $0x0  }
0x18a: {  	[sflag:s11] =	ssyncadd.s32 $0xFFFFC000  }
0x18b: {  	[tilespmem:s15], [sflag:$0x2] =	stream.indirect.gather [hbm4b:s4+s13], $0x80, s20, s13, $0xb8;
	[tilespmem:$0x1CC00] =	vst v63  }
0x18c: {  	_ =	swait.ge [sflag:s16], $0x4000  }
0x18d: {  	[sflag:s16] =	ssyncset.done $0x0  }
0x18e: {  	[sflag:s16] =	ssyncadd.s32 $0xFFFFC000  }
0x18f: {  	[spmem:s2] =	stream.indirect.scatter.add.f32 [tilespmem:s14], [sflag:$0x3], $0x80, s21, s13, $0xb8;
	[tilespmem:$0x1CC00] =	vst v63  }
0x190: {  	_ =	swait.ge [sflag:s11], $0x4000  }
0x191: {  	[sflag:s11] =	ssyncset.done $0x0  }
0x192: {  	[sflag:s11] =	ssyncadd.s32 $0xFFFFC000  }
0x193: {  	[tilespmem:s14], [sflag:$0x1] =	stream.indirect.gather [hbm4b:s4+s13], $0x80, s22, s13, $0xb8;
	[tilespmem:$0x1CC00] =	vst v63  }
0x194: {  	_ =	swait.ge [sflag:s17], $0x4000  }
0x195: {  	[sflag:s17] =	ssyncset.done $0x0  }
0x196: {  	[sflag:s17] =	ssyncadd.s32 $0xFFFFC000  }
0x197: {  	[spmem:s2] =	stream.indirect.scatter.add.f32 [tilespmem:s15], [sflag:$0x3], $0x80, s23, s13, $0xb8;
	[tilespmem:$0x1CC00] =	vst v63  }
0x198: {  	_ =	swait.ge [sflag:s11], $0x4000  }
0x199: {  	[sflag:s11] =	ssyncset.done $0x0  }
0x19a: {  	[sflag:s11] =	ssyncadd.s32 $0xFFFFC000  }
0x19b: {  	[tilespmem:s15], [sflag:$0x2] =	stream.indirect.gather [hbm4b:s4+s13], $0x80, s26, s13, $0xb8;
	[tilespmem:$0x1CC00] =	vst v63  }
0x19c: {  	_ =	swait.ge [sflag:s16], $0x4000  }
0x19d: {  	[sflag:s16] =	ssyncset.done $0x0  }
0x19e: {  	[sflag:s16] =	ssyncadd.s32 $0xFFFFC000  }
0x19f: {  	[spmem:s2] =	stream.indirect.scatter.add.f32 [tilespmem:s14], [sflag:$0x3], $0x80, s28, s13, $0xb8;
	[tilespmem:$0x1CC00] =	vst v63  }
0x1a0: {  	_ =	swait.ge [sflag:s11], $0x4000  }
0x1a1: {  	[sflag:s11] =	ssyncset.done $0x0  }
0x1a2: {  	[sflag:s11] =	ssyncadd.s32 $0xFFFFC000  }
0x1a3: {  	[tilespmem:s14], [sflag:$0x1] =	stream.indirect.gather [hbm4b:s4+s13], $0x80, s29, s13, $0xb8;
	[tilespmem:$0x1CC00] =	vst v63  }
0x1a4: {  	_ =	swait.ge [sflag:s17], $0x4000  }
0x1a5: {  	[sflag:s17] =	ssyncset.done $0x0  }
0x1a6: {  	[sflag:s17] =	ssyncadd.s32 $0xFFFFC000  }
0x1a7: {  	[spmem:s2] =	stream.indirect.scatter.add.f32 [tilespmem:s15], [sflag:$0x3], $0x80, s30, s13, $0xb8;
	[tilespmem:$0x1CC00] =	vst v63  }
0x1a8: {  	_ =	swait.ge [sflag:s11], $0x4000  }
0x1a9: {  	[sflag:s11] =	ssyncset.done $0x0  }
0x1aa: {  	[sflag:s11] =	ssyncadd.s32 $0xFFFFC000  }
0x1ab: {  	[tilespmem:s15], [sflag:$0x2] =	stream.indirect.gather [hbm4b:s4+s13], $0x80, s31, s13, $0xb8;
	[tilespmem:$0x1CC00] =	vst v63  }
0x1ac: {  	_ =	swait.ge [sflag:s16], $0x4000  }
0x1ad: {  	[sflag:s16] =	ssyncset.done $0x0  }
0x1ae: {  	[sflag:s16] =	ssyncadd.s32 $0xFFFFC000  }
0x1af: {  	[spmem:s2] =	stream.indirect.scatter.add.f32 [tilespmem:s14], [sflag:$0x3], $0x80, s0, s13, $0xb8;
	[tilespmem:$0x1CC00] =	vst v63  }
0x1b0: {  	_ =	swait.ge [sflag:s11], $0x4000  }
0x1b1: {  	[sflag:s11] =	ssyncset.done $0x0  }
0x1b2: {  	[sflag:s11] =	ssyncadd.s32 $0xFFFFC000  }
0x1b3: {  	[tilespmem:s14], [sflag:$0x1] =	stream.indirect.gather [hbm4b:s4+s13], $0x80, s1, s13, $0xb8;
	[tilespmem:$0x1CC00] =	vst v63  }
0x1b4: {  	_ =	swait.ge [sflag:s17], $0x4000  }
0x1b5: {  	[sflag:s17] =	ssyncset.done $0x0  }
0x1b6: {  	[sflag:s17] =	ssyncadd.s32 $0xFFFFC000  }
0x1b7: {  	[spmem:s2] =	stream.indirect.scatter.add.f32 [tilespmem:s15], [sflag:$0x3], $0x80, s5, s13, $0xb8;
	[tilespmem:$0x1CC00] =	vst v63  }
0x1b8: {  	_ =	swait.ge [sflag:s11], $0x4000  }
0x1b9: {  	[sflag:s11] =	ssyncset.done $0x0  }
0x1ba: {  	[sflag:s11] =	ssyncadd.s32 $0xFFFFC000  }
0x1bb: {  	[tilespmem:s15], [sflag:$0x2] =	stream.indirect.gather [hbm4b:s4+s13], $0x80, s7, s13, $0xb8;
	[tilespmem:$0x1CC00] =	vst v63  }
0x1bc: {  	_ =	swait.ge [sflag:s16], $0x4000  }
0x1bd: {  	[sflag:s16] =	ssyncset.done $0x0  }
0x1be: {  	[sflag:s16] =	ssyncadd.s32 $0xFFFFC000  }
0x1bf: {  	[spmem:s2] =	stream.indirect.scatter.add.f32 [tilespmem:s14], [sflag:$0x3], $0x80, s8, s13, $0xb8;
	[tilespmem:$0x1CC00] =	vst v63  }
0x1c0: {  	_ =	swait.ge [sflag:s11], $0x4000  }
0x1c1: {  	[sflag:s11] =	ssyncset.done $0x0  }
0x1c2: {  	[sflag:s11] =	ssyncadd.s32 $0xFFFFC000  }
0x1c3: {  	_ =	swait.ge [sflag:s17], $0x4000  }
0x1c4: {  	[sflag:s17] =	ssyncset.done $0x0  }
0x1c5: {  	[sflag:s17] =	ssyncadd.s32 $0xFFFFC000  }
0x1c6: {  	[spmem:s2] =	stream.indirect.scatter.add.f32 [tilespmem:s15], [sflag:$0x3], $0x80, s9, s13, $0xb8;
	[tilespmem:$0x1CC00] =	vst v63  }
0x1c7: {  	_ =	swait.ge [sflag:s11], $0x4000  }
0x1c8: {  	[sflag:s11] =	ssyncset.done $0x0  }
0x1c9: {  	[sflag:s11] =	ssyncadd.s32 $0xFFFFC000  }
0x1ca: {  	[bflag:$0x0] =	sbarrier.arrive $0xFFFF  }
0x1cb: {  	s24 =	rddreg [dreg:$0x13]  }
0x1cc: {  	s6 =	rddreg [dreg:$0x15]  }
0x1cd: {  	s10 =	rddreg [dreg:$0x18]  }
0x1ce: {  	[hbm:s6], [sflag:s24] =	dma.local @p0 [spmem:s10], $0x2800  }
0x1cf: {  	s6 =	simm.s32 @p0 $0x3  }
0x1d0: {  	_ =	swait.ge @p0 [sflag:s6], $0x2800  }
0x1d1: {  	[sflag:s6] =	ssyncset.done @p0 $0x0;
	s10 =	rddreg [dreg:$0x19]  }
0x1d2: {  	[sflag:s6] =	ssyncadd.s32 @p0 $0xFFFFD800;
	s6 =	rddreg [dreg:$0x14]  }
0x1d3: {  	[hbm:s6], [sflag:s24] =	dma.local @!p0 [spmem:s10], $0x2700  }
0x1d4: {  	s6 =	simm.s32 @!p0 $0x3  }
0x1d5: {  	_ =	swait.ge @!p0 [sflag:s6], $0x2700  }
0x1d6: {  	s25 =	rddreg [dreg:$0x1a]  }
0x1d7: {  	s10 =	rddreg [dreg:$0x16];
	s25 =	sadd.s32 $0x1, s25  }
0x1d8: {  	p1 =	sne.s32 s25, s10  }
.Ltmp1:
0x1d9: {  	_ = 	snop;
	(pc) =	sbr.rel @p1 .LBB2_1-.Ltmp1, $3  }
0x1da: {  	_ =	sdelay $0x1  }
0x1db: {  	[sflag:s6] =	ssyncset.done @!p0 $0x0  }
0x1dc: {  	[sflag:s6] =	ssyncadd.s32 @!p0 $0xFFFFD900  }
0x1dd: {  	_ =	sfence.sel $0x180000  }
0x1de: {  	[bflag:$0x0] =	sbarrier.arrive $0xFFFF  }
0x1df: {  	_ =	strace $0x9000004A  }
0x1e0: {  	s0 =	stileid.u32;
	[bflag:$0x2] =	sbarrier.arrive $0xFFFF  }
0x1e1: {  	p0 =	sne.s32 s0, $0x0;
	s0 =	rddreg [dreg:$0x3]  }
0x1e2: {  	s0 =	sadd.s32 @!p0 $0x100000, s0  }
0x1e3: {  	[sflag:s0] =	ssyncadd.tile.s32 @!p0 $0x1;
	_ =	shalt  }
.Lfunc_end2:
_tile_overlayer_lowered:
.L_overlay_start_2:
0x1e4: {  	(tag) =	ssettag $0x2  }
0x1e5: {  	s0 =	rddreg [dreg:$0x0];
	s2 =	stileid.u32  }
0x1e6: {  	s1 =	rddreg [dreg:$0x1];
	p0 =	sne.s32 s2, $0x0  }
0x1e7: {  	s3 =	rddreg [dreg:$0x2];
	[bflag:$0x3] =	sbarrier.arrive $0xFFFF;
	s2 =	simm.s32 @!p0 $0x1C03  }
0x1e8: {  	[timem:s3], [sflag:s2] =	dma.local @!p0 [hbm:s0], s1  }
0x1e9: {  	s0 =	simm.s32 @!p0 $0x3  }
0x1ea: {  	_ =	swait.ge @!p0 [sflag:s0], s1  }
0x1eb: {  	s1 =	ssub.s32 @!p0 $0x0, s1;
	[sflag:s0] =	ssyncset.done @!p0 $0x0  }
0x1ec: {  	[sflag:s0] =	ssyncadd.s32 @!p0 s1  }
0x1ed: {  	[bflag:$0x3] =	sbarrier.arrive $0xFFFF  }
0x1ee: {  	_ =	shalt  }

// kernel: kernel.26.cloned.1.call-start
scs
__scs_entry_jumppad:
0x0: {  	(pc) =	sbr.rel $0x88, $3  }
0x1: {  	(tag) =	ssettag $0x0;
	lr =	simm.s32 $0x1  }
0x2: {  	[smem:$0x3F98] =	sst lr;
	_ =	strace $0xD0000000  }
0x3: {  	_ = 	snop  }
0x4: {  	_ = 	snop  }
0x5: {  	_ = 	snop  }
0x6: {  	_ = 	snop  }
0x7: {  	_ = 	snop  }
__scs_overlays_trampoline_lowered:
0x8: {  	[smem:$0x3FA7] =	sst s0  }
0x9: {  	[smem:$0x3FA8] =	sst s1  }
0xa: {  	[smem:$0x3FA9] =	sst s2  }
0xb: {  	[smem:$0x3FAA] =	sst s3  }
0xc: {  	[smem:$0x3FAB] =	sst s4  }
0xd: {  	[smem:$0x3FAC] =	sst s5  }
0xe: {  	[smem:$0x3FAD] =	sst s6  }
0xf: {  	[smem:$0x3FAE] =	sst s7  }
0x10: {  	[smem:$0x3FAF] =	sst s8  }
0x11: {  	[smem:$0x3FB0] =	sst s9;
	s0 =	simm.s32 @!p0 $0x0  }
0x12: {  	s1 =	sld [smem:$0x3F96];
	s0 =	simm.s32 @p0 $0x1  }
0x13: {  	[smem:$0x3FB1] =	sst s0;
	s0 =	simm.s32 @!p1 $0x0  }
0x14: {  	s2 =	sld [smem:$0x3F95];
	s0 =	simm.s32 @p1 $0x1  }
0x15: {  	[smem:$0x3FB2] =	sst s0;
	s0 =	simm.s32 @!p2 $0x0  }
0x16: {  	s3 =	sld [smem:$0x3FDB];
	s0 =	simm.s32 @p2 $0x1  }
0x17: {  	s4 =	simm.s32 $0x1BF5;
	[smem:$0x3FB4] =	sst s0  }
0x18: {  	s0 =	sld [smem:$0x3F97];
	_ =	swait.ge [sflag:s4], $0x0  }
0x19: {  	s7 =	sld [smem:$0x3F98]  }
0x1a: {  	s8 =	sadd.s32 $0xFFFFE003, lr  }
0x1b: {  	s9 =	sadd.s32 $0xFFFFFEF7, lr;
	s5 =	simm.s32 $0xFFFFFFFF;
	p2 =	slt.u32 s8, $0xFFFFF086  }
0x1c: {  	p1 =	slt.u32 s9, $0xF7A;
	s5 =	simm.s32 @!p2 $0x0  }
0x1d: {  	s5 =	simm.s32 @p1 $0x1;
	p0 =	seq.s32 s7, s2  }
0x1e: {  	s7 =	smul.u32 @!p0 $0xF7A, s2;
	p2 =	seq.s32 @!p0 s5, $0x0  }
0x1f: {  	s9 =	smul.u32 $0xF7A, s1;
	s8 =	simm.s32 @!p0 $0x1BF5;
	p2 =	por !p2, p0  }
0x20: {  	[sflag:s8] =	ssyncset.s32 @!p0 $0xFFFFF086;
	s6 =	sadd.s32 @!p0 s3, s7;
	s7 =	simm.s32 @!p0 $0x108  }
0x21: {  	s3 =	sadd.s32 s3, s9;
	s6 =	sadd.s32 @!p0 $0x88, s6;
	s7 =	simm.s32 @p2 $0x1082  }
0x22: {  	[simem:s7], [sflag:s8] =	dma.local @!p0 [hbm:s6], $0xF7A  }
0x23: {  	s9 =	sor.u32 $0xD0000000, s2;
	s6 =	simm.s32 $0x108;
	_ =	swait.ge @!p0 [sflag:s8], $0x0  }
0x24: {  	s3 =	sadd.s32 $0x88, s3;
	s6 =	simm.s32 @!p1 $0x1082;
	[sflag:s4] =	ssyncset.s32 $0xFFFFF086  }
0x25: {  	[simem:s6], [sflag:s4] =	dma.local [hbm:s3], $0xF7A  }
0x26: {  	[smem:$0x3F98] =	sst s1;
	(tag) =	ssettag s2;
	_ =	strace s9  }
0x27: {  	s1 =	sld [smem:$0x3FA8]  }
0x28: {  	s2 =	sld [smem:$0x3FA9]  }
0x29: {  	s4 =	sld [smem:$0x3FAB]  }
0x2a: {  	p0 =	seq.s32 s5, $0x0;
	s5 =	sld [smem:$0x3FAC]  }
0x2b: {  	s6 =	sld [smem:$0x3FAD]  }
0x2c: {  	s7 =	sld [smem:$0x3FAE]  }
0x2d: {  	s3 =	simm.s32 $0x108;
	s8 =	sld [smem:$0x3FAF]  }
0x2e: {  	s3 =	simm.s32 @!p0 $0x1082;
	s9 =	sld [smem:$0x3FB0]  }
0x2f: {  	lr =	sadd.s32 s0, s3;
	s0 =	sld [smem:$0x3FA7]  }
0x30: {  	s3 =	sld [smem:$0x3FAA]  }
0x31: {  	[smem:$0x3FB3] =	sst s10  }
0x32: {  	s10 =	sld [smem:$0x3FB1];
	_ =	sdelay $0x3  }
0x33: {  	p0 =	seq.s32 s10, $0x1;
	s10 =	sld [smem:$0x3FB3];
	_ =	sdelay $0x3  }
0x34: {  	[smem:$0x3FB3] =	sst s10  }
0x35: {  	s10 =	sld [smem:$0x3FB2];
	_ =	sdelay $0x3  }
0x36: {  	p1 =	seq.s32 s10, $0x1;
	s10 =	sld [smem:$0x3FB3];
	_ =	sdelay $0x3  }
0x37: {  	[smem:$0x3FB3] =	sst s10  }
0x38: {  	s10 =	sld [smem:$0x3FB4]  }
0x39: {  	_ = 	snop;
	(pc) =	sbr.ind lr, $3  }
0x3a: {  	_ = 	snop  }
0x3b: {  	_ = 	snop  }
0x3c: {  	p2 =	seq.s32 s10, $0x1;
	s10 =	sld [smem:$0x3FB3]  }
0x3d: {  	_ =	shalt  }
0x3e: {  	_ =	shalt  }
0x3f: {  	_ =	shalt  }
0x40: {  	_ =	shalt  }
0x41: {  	_ =	shalt  }
0x42: {  	_ =	shalt  }
0x43: {  	_ =	shalt  }
0x44: {  	_ =	shalt  }
0x45: {  	_ =	shalt  }
0x46: {  	_ =	shalt  }
0x47: {  	_ =	shalt  }
0x48: {  	_ =	shalt  }
0x49: {  	_ =	shalt  }
0x4a: {  	_ =	shalt  }
0x4b: {  	_ =	shalt  }
0x4c: {  	_ =	shalt  }
0x4d: {  	_ =	shalt  }
0x4e: {  	_ =	shalt  }
0x4f: {  	_ =	shalt  }
0x50: {  	_ =	shalt  }
0x51: {  	_ =	shalt  }
0x52: {  	_ =	shalt  }
0x53: {  	_ =	shalt  }
0x54: {  	_ =	shalt  }
0x55: {  	_ =	shalt  }
0x56: {  	_ =	shalt  }
0x57: {  	_ =	shalt  }
0x58: {  	_ =	shalt  }
0x59: {  	_ =	shalt  }
0x5a: {  	_ =	shalt  }
0x5b: {  	_ =	shalt  }
0x5c: {  	_ =	shalt  }
0x5d: {  	_ =	shalt  }
0x5e: {  	_ =	shalt  }
0x5f: {  	_ =	shalt  }
0x60: {  	_ =	shalt  }
0x61: {  	_ =	shalt  }
0x62: {  	_ =	shalt  }
0x63: {  	_ =	shalt  }
0x64: {  	_ =	shalt  }
0x65: {  	_ =	shalt  }
0x66: {  	_ =	shalt  }
0x67: {  	_ =	shalt  }
0x68: {  	_ =	shalt  }
0x69: {  	_ =	shalt  }
0x6a: {  	_ =	shalt  }
0x6b: {  	_ =	shalt  }
0x6c: {  	_ =	shalt  }
0x6d: {  	_ =	shalt  }
0x6e: {  	_ =	shalt  }
0x6f: {  	_ =	shalt  }
0x70: {  	_ =	shalt  }
0x71: {  	_ =	shalt  }
0x72: {  	_ =	shalt  }
0x73: {  	_ =	shalt  }
0x74: {  	_ =	shalt  }
0x75: {  	_ =	shalt  }
0x76: {  	_ =	shalt  }
0x77: {  	_ =	shalt  }
0x78: {  	_ =	shalt  }
0x79: {  	_ =	shalt  }
0x7a: {  	_ =	shalt  }
0x7b: {  	_ =	shalt  }
0x7c: {  	_ =	shalt  }
0x7d: {  	_ =	shalt  }
0x7e: {  	_ =	shalt  }
0x7f: {  	_ =	shalt  }
0x80: {  	_ =	shalt  }
0x81: {  	_ =	shalt  }
0x82: {  	_ =	shalt  }
0x83: {  	_ =	shalt  }
0x84: {  	_ =	shalt  }
0x85: {  	_ =	shalt  }
0x86: {  	_ =	shalt  }
0x87: {  	_ =	shalt  }
.Lfunc_end0:
.L_simem_size_0:
called_computation.2_lowered:
.L_overlay_start_0:
0x88: {  	s2 =	sld [smem:$0x3FD9]  }
0x89: {  	s3 =	sld [smem:$0x3FFE];
	_ =	sdelay $0x1  }
0x8a: {  	s1 =	srdreg.scid  }
0x8b: {  	s0 =	sand.u32 $0x1, s1  }
0x8c: {  	s17 =	sshll.u32 s0, $0xA;
	s2 =	sadd.s32 s3, s2  }
0x8d: {  	s2 =	sadd.s32 s2, s17  }
0x8e: {  	[smem:$0x3FBF] =	sst s2  }
0x8f: {  	_ = 	snop  }
0x90: {  	s2 =	sld [smem:$0x3FD0];
	(tm) =	ssettm $0x1  }
0x91: {  	s18 =	sld [smem:$0x3FFB];
	_ =	sdelay $0x3  }
0x92: {  	_ =	strace s18  }
0x93: {  	s3 =	sld [smem:$0x3FFC];
	_ =	sdelay $0x3  }
0x94: {  	_ =	strace s3  }
0x95: {  	s3 =	sld [smem:$0x3FFD];
	_ =	sdelay $0x3  }
0x96: {  	_ =	strace s3  }
0x97: {  	_ =	strace $0x8FFFFFFF  }
0x98: {  	s19 =	sld [smem:$0x3FDB];
	_ =	sdelay $0x1  }
0x99: {  	s4 =	simm.s32 $_scs_section_size  }
0x9a: {  	s5 =	simm.s32 $_size__tile_overlayer_lowered;
	s6 =	simm.s32 $_tile_overlayer_lowered  }
0x9b: {  	s22 =	simm.s32 $0x1BFF;
	s21 =	sshll.u32 s6, $0x1;
	s3 =	sadd.s32 s4, s19  }
0x9c: {  	s7 =	simm.s32 $0x0;
	s20 =	sshll.u32 s5, $0x1;
	s5 =	sadd.s32 s21, s3  }
0x9d: {  	[timem:s7], [sflag:s22] =	dma.local [hbm:s5], s20  }
0x9e: {  	_ =	swait.ge [sflag:s22], s20  }
0x9f: {  	s4 =	ssub.s32 $0x0, s20;
	[sflag:s22] =	ssyncset.done $0x0  }
0xa0: {  	[sflag:s22] =	ssyncadd.s32 s4;
	_ =	sdelay $0x1  }
0xa1: {  	s23 =	simm.s32 $0x1B8B  }
0xa2: {  	_ =	swait.ge [sflag:s23], $0x1  }
0xa3: {  	[sflag:s23] =	ssyncset.done $0x0  }
0xa4: {  	s25 =	simm.s32 $0x1B8E;
	s24 =	sld [smem:$0x3FFE];
	[sflag:s23] =	ssyncadd.s32 $0xFFFFFFFF  }
0xa5: {  	s26 =	simm.s32 $execute0_lowered;
	[smem:$0x3FD2] =	sst s25  }
0xa6: {  	s5 =	sshll.u32 s26, $0x1;
	_ =	strace $0x8000004C;
	[dreg:$0x1] =	wrdreg $0xFFFFFFFF  }
0xa7: {  	s28 =	simm.s32 $_size_execute0_lowered;
	s3 =	sadd.s32 s3, s5;
	[dreg:$0x0] =	wrdreg $0x0  }
0xa8: {  	s5 =	sshll.u32 s28, $0x1;
	[dreg:$0x2] =	wrdreg s3  }
0xa9: {  	[dreg:$0x3] =	wrdreg s5  }
0xaa: {  	[dreg:$0x4] =	wrdreg $0xC0  }
0xab: {  	_ =	task [dreg:s7], $0x5FFFF  }
0xac: {  	[dreg:$0x1] =	wrdreg $0xFFFFFFFF  }
0xad: {  	[dreg:$0x0] =	wrdreg $0x60  }
0xae: {  	[dreg:$0x2] =	wrdreg s24  }
0xaf: {  	[dreg:$0x3] =	wrdreg s2  }
0xb0: {  	[dreg:$0x4] =	wrdreg $0x90000  }
0xb1: {  	[dreg:$0x5] =	wrdreg $0x9  }
0xb2: {  	_ =	task.clear_ibuf [dreg:s7], $0x6FFFF;
	_ =	strace $0x9000004C  }
0xb3: {  	s29 =	simm.s32 $0x9;
	_ =	strace $0x8000004E  }
0xb4: {  	_ =	swait.ge [sflag:s29], $0x1  }
0xb5: {  	[sflag:s29] =	ssyncadd.s32 $0xFFFFFFFF  }
0xb6: {  	_ =	strace $0x9000004E  }
0xb7: {  	_ =	sfence  }
0xb8: {  	s30 =	sld [smem:$0x0];
	_ =	sdelay $0x2  }
0xb9: {  	s31 =	sshll.u32 s1, $0xD;
	s1 =	sshrl.u32 s1, $0x2  }
0xba: {  	s3 =	sand.u32 $0x4000, s31;
	s1 =	sadd.s32 s1, s30  }
0xbb: {  	s0 =	sor.u32 s3, s0;
	s1 =	sshll.u32 s1, $0x11  }
0xbc: {  	s0 =	sor.u32 s1, s0  }
0xbd: {  	s0 =	sadd.s32 $0x8F2B, s0  }
0xbe: {  	[sflag:s0] =	ssyncadd.remote.s32 $0x1  }
0xbf: {  	_ =	sfence.sel $0xFFFF  }
0xc0: {  	[dreg:$0x0] =	wrdreg $0xFFFFFFFF;
	(pc) =	sbr.abs _section_cstart, $3  }
0xc1: {  	[dreg:$0x1] =	wrdreg $0xFFFFFFFF  }
0xc2: {  	_ =	task.clear_ibuf [dreg:s7], $0x2FFFF;
	_ =	strace $0x9FFFFFFF  }
0xc3: {  	(tm) =	ssettm $0x7FFFFFFF  }
tec
execute0_lowered:
.L_overlay_start_1:
0x0: {  	(tag) =	ssettag $0x1  }
0x1: {  	s0 =	rddreg [dreg:$0x0]  }
0x2: {  	s1 =	rddreg [dreg:$0x1];
	s3 =	srdreg.scid  }
0x3: {  	s2 =	rddreg [dreg:$0x2];
	s23 =	stileid.u32;
	s13 =	simm.s32 $0x180  }
0x4: {  	s14 =	simm.s32 $0x900;
	s15 =	simm.s32 $0x200;
	s17 =	simm.s32 $0x980  }
0x5: {  	s19 =	simm.s32 $0x280;
	s20 =	simm.s32 $0xA00;
	s21 =	simm.s32 $0x300  }
0x6: {  	s22 =	simm.s32 $0xA80;
	s28 =	simm.s32 $0xD00;
	s29 =	simm.s32 $0x600  }
0x7: {  	s5 =	sand.u32 $0x1, s3;
	s3 =	simm.s32 $0x0;
	s6 =	smul.u32 $0x2800, s23  }
0x8: {  	s30 =	simm.s32 $0xD80;
	s7 =	smul.u32 $0x2780, s23;
	[smem:$0x7FF] =	sst s3  }
0x9: {  	s8 =	smul.u32 $0x4F000, s23;
	_ =	strace $0x8000004D;
	[dreg:$0x8] =	wrdreg s13  }
0xa: {  	s31 =	simm.s32 $0x680;
	s12 =	smul.u32 $0x13800, s23;
	[dreg:$0x9] =	wrdreg s14  }
0xb: {  	s25 =	sshll.u32 s23, $0x6;
	s26 =	smul.u32 $0x4E000, s23;
	[dreg:$0xa] =	wrdreg s15  }
0xc: {  	p0 =	seq.s32 s23, $0xF;
	s23 =	simm.s32 $0xC80;
	[dreg:$0xb] =	wrdreg s17  }
0xd: {  	s4 =	smul.u32 $0x28000, s5;
	s10 =	ssub.s32 $0x2, s5;
	[dreg:$0xc] =	wrdreg s19  }
0xe: {  	s5 =	smul.u32 $0x138800, s5;
	s7 =	sadd.s32 s7, s0;
	[dreg:$0xd] =	wrdreg s20  }
0xf: {  	s11 =	sshrl.u32 s10, $0x1;
	s8 =	sshrl.u32 s8, $0x2;
	[dreg:$0xe] =	wrdreg s21  }
0x10: {  	s13 =	simm.s32 $0x80;
	s14 =	simm.s32 $0x1000;
	[dreg:$0xf] =	wrdreg s22  }
0x11: {  	s15 =	simm.s32 $0x5000;
	s17 =	simm.s32 $0x2;
	s19 =	simm.s32 $0xB80  }
0x12: {  	s20 =	simm.s32 $0x480;
	s21 =	simm.s32 $0xC00;
	s22 =	simm.s32 $0x500  }
0x13: {  	s6 =	sadd.s32 s6, s4;
	s4 =	sadd.s32 $0xDC00, s0;
	s10 =	ssub.s32 s10, s11  }
0x14: {  	s8 =	sadd.s32 s8, s2;
	s7 =	sadd.s32 $0xAA000, s7;
	s24 =	sadd.s32 s12, s5  }
0x15: {  	s11 =	simm.s32 $0x100;
	s5 =	sshrl.u32 s5, $0x3;
	[dreg:$0x12] =	wrdreg s7  }
0x16: {  	s12 =	simm.s32 $0x880;
	s6 =	sshrl.u32 s6, $0x3;
	[dreg:$0x6] =	wrdreg s11  }
0x17: {  	s7 =	sshrl.u32 s24, $0x3;
	s24 =	sor.u32 $0x1C03, s25;
	[dreg:$0x7] =	wrdreg s12  }
0x18: {  	s16 =	smax.u32 s10, $0x1;
	s18 =	sshrl.u32 s8, $0x3;
	s11 =	simm.s32 $0x3  }
0x19: {  	s12 =	simm.s32 $0x800;
	s25 =	simm.s32 $0x380;
	[dreg:$0x16] =	wrdreg s16  }
0x1a: {  	s8 =	simm.s32 $0xF00;
	s9 =	sadd.s32 s6, s0;
	[dreg:$0x17] =	wrdreg s18  }
0x1b: {  	s0 =	sadd.s32 $0xD1800, s0;
	s1 =	sadd.s32 s6, s1;
	[dreg:$0x10] =	wrdreg s25  }
0x1c: {  	s16 =	simm.s32 $0x1;
	s18 =	simm.s32 $0x400;
	[dreg:$0x13] =	wrdreg s24  }
0x1d: {  	s25 =	simm.s32 $0x0;
	s7 =	sadd.s32 s0, s7;
	[dreg:$0x4] =	wrdreg s1  }
0x1e: {  	s9 =	sadd.s32 $0x3C00, s9;
	s0 =	sadd.s32 s0, s5;
	s1 =	sadd.s32 $0x124800, s2  }
0x1f: {  	s5 =	simm.s32 $0xE80;
	[dreg:$0x14] =	wrdreg s7;
	s7 =	sshrl.u32 s26, $0x2  }
0x20: {  	[dreg:$0x5] =	wrdreg s9;
	s0 =	sadd.s32 $0x24900, s0;
	s26 =	simm.s32 $0xB00  }
0x21: {  	s9 =	simm.s32 $0xF80;
	s6 =	sadd.s32 s7, s2;
	[dreg:$0x15] =	wrdreg s0  }
0x22: {  	[dreg:$0x11] =	wrdreg s26;
	s0 =	sshrl.u32 @p0 s1, $0x3;
	s26 =	simm.s32 $0x580  }
0x23: {  	s1 =	simm.s32 $0x700;
	[dreg:$0x18] =	wrdreg s0;
	s0 =	sshrl.u32 @!p0 s6, $0x3  }
0x24: {  	s7 =	simm.s32 $0x780;
	[dreg:$0x19] =	wrdreg s0;
	s0 =	simm.s32 $0xE00  }
.LBB2_1:
0x25: {  	[dreg:$0x1a] =	wrdreg s25  }
0x26: {  	s6 =	rddreg [dreg:$0x12]  }
0x27: {  	s10 =	rddreg [dreg:$0x17]  }
0x28: {  	[spmem:s10], [sflag:s24] =	dma.local [hbm:s6], $0x2780  }
0x29: {  	_ =	swait.ge [sflag:s11], $0x2780  }
0x2a: {  	[sflag:s11] =	ssyncset.done $0x0  }
0x2b: {  	[sflag:s11] =	ssyncadd.s32 $0xFFFFD880  }
0x2c: {  	[bflag:$0x0] =	sbarrier.arrive $0xFFFF  }
0x2d: {  	s24 =	rddreg [dreg:$0x5]  }
0x2e: {  	s6 =	sadd.s32 $0x0, s24  }
0x2f: {  	[tilespmem:s3], [sflag:$0x3] =	stream.linear.gather [hbm4b:s6+s3], $0x800, $0x38;
	[tilespmem:$0x1CC00] =	vst v63  }
0x30: {  	_ =	swait.ge [sflag:s11], $0x800  }
0x31: {  	s25 =	rddreg [dreg:$0x4];
	[sflag:s11] =	ssyncset.done $0x0  }
0x32: {  	[sflag:s11] =	ssyncadd.s32 $0xFFFFF800;
	s6 =	sadd.s32 $0x0, s25  }
0x33: {  	[tilespmem:s12], [sflag:$0x3] =	stream.linear.gather [hbm4b:s6+s3], $0x800, $0x38;
	[tilespmem:$0x1CC00] =	vst v63  }
0x34: {  	_ =	swait.ge [sflag:s11], $0x800  }
0x35: {  	[sflag:s11] =	ssyncset.done $0x0  }
0x36: {  	[sflag:s11] =	ssyncadd.s32 $0xFFFFF800  }
0x37: {  	[tilespmem:s14], [sflag:$0x1] =	stream.indirect.gather [hbm4b:s4+s13], $0x80, s3, s13, $0xb8;
	[tilespmem:$0x1CC00] =	vst v63  }
0x38: {  	_ = 	snop  }
0x39: {  	[tilespmem:s15], [sflag:$0x2] =	stream.indirect.gather [hbm4b:s4+s13], $0x80, s13, s13, $0xb8;
	[tilespmem:$0x1CC00] =	vst v63  }
0x3a: {  	_ =	swait.ge [sflag:s16], $0x4000  }
0x3b: {  	[sflag:s16] =	ssyncset.done $0x0  }
0x3c: {  	[sflag:s16] =	ssyncadd.s32 $0xFFFFC000  }
0x3d: {  	[spmem:s2] =	stream.indirect.scatter.add.f32 [tilespmem:s14], [sflag:$0x3], $0x80, s12, s13, $0xb8;
	[tilespmem:$0x1CC00] =	vst v63  }
0x3e: {  	_ =	swait.ge [sflag:s11], $0x4000  }
0x3f: {  	[sflag:s11] =	ssyncset.done $0x0  }
0x40: {  	s10 =	rddreg [dreg:$0x6];
	[sflag:s11] =	ssyncadd.s32 $0xFFFFC000  }
0x41: {  	[tilespmem:s14], [sflag:$0x1] =	stream.indirect.gather [hbm4b:s4+s13], $0x80, s10, s13, $0xb8;
	[tilespmem:$0x1CC00] =	vst v63  }
0x42: {  	_ =	swait.ge [sflag:s17], $0x4000  }
0x43: {  	[sflag:s17] =	ssyncset.done $0x0  }
0x44: {  	s24 =	rddreg [dreg:$0x7];
	[sflag:s17] =	ssyncadd.s32 $0xFFFFC000  }
0x45: {  	[spmem:s2] =	stream.indirect.scatter.add.f32 [tilespmem:s15], [sflag:$0x3], $0x80, s24, s13, $0xb8;
	[tilespmem:$0x1CC00] =	vst v63  }
0x46: {  	_ =	swait.ge [sflag:s11], $0x4000  }
0x47: {  	[sflag:s11] =	ssyncset.done $0x0  }
0x48: {  	s25 =	rddreg [dreg:$0x8];
	[sflag:s11] =	ssyncadd.s32 $0xFFFFC000  }
0x49: {  	[tilespmem:s15], [sflag:$0x2] =	stream.indirect.gather [hbm4b:s4+s13], $0x80, s25, s13, $0xb8;
	[tilespmem:$0x1CC00] =	vst v63  }
0x4a: {  	_ =	swait.ge [sflag:s16], $0x4000  }
0x4b: {  	[sflag:s16] =	ssyncset.done $0x0  }
0x4c: {  	s10 =	rddreg [dreg:$0x9];
	[sflag:s16] =	ssyncadd.s32 $0xFFFFC000  }
0x4d: {  	[spmem:s2] =	stream.indirect.scatter.add.f32 [tilespmem:s14], [sflag:$0x3], $0x80, s10, s13, $0xb8;
	[tilespmem:$0x1CC00] =	vst v63  }
0x4e: {  	_ =	swait.ge [sflag:s11], $0x4000  }
0x4f: {  	[sflag:s11] =	ssyncset.done $0x0  }
0x50: {  	s24 =	rddreg [dreg:$0xa];
	[sflag:s11] =	ssyncadd.s32 $0xFFFFC000  }
0x51: {  	[tilespmem:s14], [sflag:$0x1] =	stream.indirect.gather [hbm4b:s4+s13], $0x80, s24, s13, $0xb8;
	[tilespmem:$0x1CC00] =	vst v63  }
0x52: {  	_ =	swait.ge [sflag:s17], $0x4000  }
0x53: {  	[sflag:s17] =	ssyncset.done $0x0  }
0x54: {  	s25 =	rddreg [dreg:$0xb];
	[sflag:s17] =	ssyncadd.s32 $0xFFFFC000  }
0x55: {  	[spmem:s2] =	stream.indirect.scatter.add.f32 [tilespmem:s15], [sflag:$0x3], $0x80, s25, s13, $0xb8;
	[tilespmem:$0x1CC00] =	vst v63  }
0x56: {  	_ =	swait.ge [sflag:s11], $0x4000  }
0x57: {  	[sflag:s11] =	ssyncset.done $0x0  }
0x58: {  	s10 =	rddreg [dreg:$0xc];
	[sflag:s11] =	ssyncadd.s32 $0xFFFFC000  }
0x59: {  	[tilespmem:s15], [sflag:$0x2] =	stream.indirect.gather [hbm4b:s4+s13], $0x80, s10, s13, $0xb8;
	[tilespmem:$0x1CC00] =	vst v63  }
0x5a: {  	_ =	swait.ge [sflag:s16], $0x4000  }
0x5b: {  	[sflag:s16] =	ssyncset.done $0x0  }
0x5c: {  	s24 =	rddreg [dreg:$0xd];
	[sflag:s16] =	ssyncadd.s32 $0xFFFFC000  }
0x5d: {  	[spmem:s2] =	stream.indirect.scatter.add.f32 [tilespmem:s14], [sflag:$0x3], $0x80, s24, s13, $0xb8;
	[tilespmem:$0x1CC00] =	vst v63  }
0x5e: {  	_ =	swait.ge [sflag:s11], $0x4000  }
0x5f: {  	[sflag:s11] =	ssyncset.done $0x0  }
0x60: {  	s25 =	rddreg [dreg:$0xe];
	[sflag:s11] =	ssyncadd.s32 $0xFFFFC000  }
0x61: {  	[tilespmem:s14], [sflag:$0x1] =	stream.indirect.gather [hbm4b:s4+s13], $0x80, s25, s13, $0xb8;
	[tilespmem:$0x1CC00] =	vst v63  }
0x62: {  	_ =	swait.ge [sflag:s17], $0x4000  }
0x63: {  	[sflag:s17] =	ssyncset.done $0x0  }
0x64: {  	s10 =	rddreg [dreg:$0xf];
	[sflag:s17] =	ssyncadd.s32 $0xFFFFC000  }
0x65: {  	[spmem:s2] =	stream.indirect.scatter.add.f32 [tilespmem:s15], [sflag:$0x3], $0x80, s10, s13, $0xb8;
	[tilespmem:$0x1CC00] =	vst v63  }
0x66: {  	_ =	swait.ge [sflag:s11], $0x4000  }
0x67: {  	[sflag:s11] =	ssyncset.done $0x0  }
0x68: {  	s24 =	rddreg [dreg:$0x10];
	[sflag:s11] =	ssyncadd.s32 $0xFFFFC000  }
0x69: {  	[tilespmem:s15], [sflag:$0x2] =	stream.indirect.gather [hbm4b:s4+s13], $0x80, s24, s13, $0xb8;
	[tilespmem:$0x1CC00] =	vst v63  }
0x6a: {  	_ =	swait.ge [sflag:s16], $0x4000  }
0x6b: {  	[sflag:s16] =	ssyncset.done $0x0  }
0x6c: {  	s25 =	rddreg [dreg:$0x11];
	[sflag:s16] =	ssyncadd.s32 $0xFFFFC000  }
0x6d: {  	[spmem:s2] =	stream.indirect.scatter.add.f32 [tilespmem:s14], [sflag:$0x3], $0x80, s25, s13, $0xb8;
	[tilespmem:$0x1CC00] =	vst v63  }
0x6e: {  	_ =	swait.ge [sflag:s11], $0x4000  }
0x6f: {  	[sflag:s11] =	ssyncset.done $0x0  }
0x70: {  	[sflag:s11] =	ssyncadd.s32 $0xFFFFC000  }
0x71: {  	[tilespmem:s14], [sflag:$0x1] =	stream.indirect.gather [hbm4b:s4+s13], $0x80, s18, s13, $0xb8;
	[tilespmem:$0x1CC00] =	vst v63  }
0x72: {  	_ =	swait.ge [sflag:s17], $0x4000  }
0x73: {  	[sflag:s17] =	ssyncset.done $0x0  }
0x74: {  	[sflag:s17] =	ssyncadd.s32 $0xFFFFC000  }
0x75: {  	[spmem:s2] =	stream.indirect.scatter.add.f32 [tilespmem:s15], [sflag:$0x3], $0x80, s19, s13, $0xb8;
	[tilespmem:$0x1CC00] =	vst v63  }
0x76: {  	_ =	swait.ge [sflag:s11], $0x4000  }
0x77: {  	[sflag:s11] =	ssyncset.done $0x0  }
0x78: {  	[sflag:s11] =	ssyncadd.s32 $0xFFFFC000  }
0x79: {  	[tilespmem:s15], [sflag:$0x2] =	stream.indirect.gather [hbm4b:s4+s13], $0x80, s20, s13, $0xb8;
	[tilespmem:$0x1CC00] =	vst v63  }
0x7a: {  	_ =	swait.ge [sflag:s16], $0x4000  }
0x7b: {  	[sflag:s16] =	ssyncset.done $0x0  }
0x7c: {  	[sflag:s16] =	ssyncadd.s32 $0xFFFFC000  }
0x7d: {  	[spmem:s2] =	stream.indirect.scatter.add.f32 [tilespmem:s14], [sflag:$0x3], $0x80, s21, s13, $0xb8;
	[tilespmem:$0x1CC00] =	vst v63  }
0x7e: {  	_ =	swait.ge [sflag:s11], $0x4000  }
0x7f: {  	[sflag:s11] =	ssyncset.done $0x0  }
0x80: {  	[sflag:s11] =	ssyncadd.s32 $0xFFFFC000  }
0x81: {  	[tilespmem:s14], [sflag:$0x1] =	stream.indirect.gather [hbm4b:s4+s13], $0x80, s22, s13, $0xb8;
	[tilespmem:$0x1CC00] =	vst v63  }
0x82: {  	_ =	swait.ge [sflag:s17], $0x4000  }
0x83: {  	[sflag:s17] =	ssyncset.done $0x0  }
0x84: {  	[sflag:s17] =	ssyncadd.s32 $0xFFFFC000  }
0x85: {  	[spmem:s2] =	stream.indirect.scatter.add.f32 [tilespmem:s15], [sflag:$0x3], $0x80, s23, s13, $0xb8;
	[tilespmem:$0x1CC00] =	vst v63  }
0x86: {  	_ =	swait.ge [sflag:s11], $0x4000  }
0x87: {  	[sflag:s11] =	ssyncset.done $0x0  }
0x88: {  	[sflag:s11] =	ssyncadd.s32 $0xFFFFC000  }
0x89: {  	[tilespmem:s15], [sflag:$0x2] =	stream.indirect.gather [hbm4b:s4+s13], $0x80, s26, s13, $0xb8;
	[tilespmem:$0x1CC00] =	vst v63  }
0x8a: {  	_ =	swait.ge [sflag:s16], $0x4000  }
0x8b: {  	[sflag:s16] =	ssyncset.done $0x0  }
0x8c: {  	[sflag:s16] =	ssyncadd.s32 $0xFFFFC000  }
0x8d: {  	[spmem:s2] =	stream.indirect.scatter.add.f32 [tilespmem:s14], [sflag:$0x3], $0x80, s28, s13, $0xb8;
	[tilespmem:$0x1CC00] =	vst v63  }
0x8e: {  	_ =	swait.ge [sflag:s11], $0x4000  }
0x8f: {  	[sflag:s11] =	ssyncset.done $0x0  }
0x90: {  	[sflag:s11] =	ssyncadd.s32 $0xFFFFC000  }
0x91: {  	[tilespmem:s14], [sflag:$0x1] =	stream.indirect.gather [hbm4b:s4+s13], $0x80, s29, s13, $0xb8;
	[tilespmem:$0x1CC00] =	vst v63  }
0x92: {  	_ =	swait.ge [sflag:s17], $0x4000  }
0x93: {  	[sflag:s17] =	ssyncset.done $0x0  }
0x94: {  	[sflag:s17] =	ssyncadd.s32 $0xFFFFC000  }
0x95: {  	[spmem:s2] =	stream.indirect.scatter.add.f32 [tilespmem:s15], [sflag:$0x3], $0x80, s30, s13, $0xb8;
	[tilespmem:$0x1CC00] =	vst v63  }
0x96: {  	_ =	swait.ge [sflag:s11], $0x4000  }
0x97: {  	[sflag:s11] =	ssyncset.done $0x0  }
0x98: {  	[sflag:s11] =	ssyncadd.s32 $0xFFFFC000  }
0x99: {  	[tilespmem:s15], [sflag:$0x2] =	stream.indirect.gather [hbm4b:s4+s13], $0x80, s31, s13, $0xb8;
	[tilespmem:$0x1CC00] =	vst v63  }
0x9a: {  	_ =	swait.ge [sflag:s16], $0x4000  }
0x9b: {  	[sflag:s16] =	ssyncset.done $0x0  }
0x9c: {  	[sflag:s16] =	ssyncadd.s32 $0xFFFFC000  }
0x9d: {  	[spmem:s2] =	stream.indirect.scatter.add.f32 [tilespmem:s14], [sflag:$0x3], $0x80, s0, s13, $0xb8;
	[tilespmem:$0x1CC00] =	vst v63  }
0x9e: {  	_ =	swait.ge [sflag:s11], $0x4000  }
0x9f: {  	[sflag:s11] =	ssyncset.done $0x0  }
0xa0: {  	[sflag:s11] =	ssyncadd.s32 $0xFFFFC000  }
0xa1: {  	[tilespmem:s14], [sflag:$0x1] =	stream.indirect.gather [hbm4b:s4+s13], $0x80, s1, s13, $0xb8;
	[tilespmem:$0x1CC00] =	vst v63  }
0xa2: {  	_ =	swait.ge [sflag:s17], $0x4000  }
0xa3: {  	[sflag:s17] =	ssyncset.done $0x0  }
0xa4: {  	[sflag:s17] =	ssyncadd.s32 $0xFFFFC000  }
0xa5: {  	[spmem:s2] =	stream.indirect.scatter.add.f32 [tilespmem:s15], [sflag:$0x3], $0x80, s5, s13, $0xb8;
	[tilespmem:$0x1CC00] =	vst v63  }
0xa6: {  	_ =	swait.ge [sflag:s11], $0x4000  }
0xa7: {  	[sflag:s11] =	ssyncset.done $0x0  }
0xa8: {  	[sflag:s11] =	ssyncadd.s32 $0xFFFFC000  }
0xa9: {  	[tilespmem:s15], [sflag:$0x2] =	stream.indirect.gather [hbm4b:s4+s13], $0x80, s7, s13, $0xb8;
	[tilespmem:$0x1CC00] =	vst v63  }
0xaa: {  	_ =	swait.ge [sflag:s16], $0x4000  }
0xab: {  	[sflag:s16] =	ssyncset.done $0x0  }
0xac: {  	[sflag:s16] =	ssyncadd.s32 $0xFFFFC000  }
0xad: {  	[spmem:s2] =	stream.indirect.scatter.add.f32 [tilespmem:s14], [sflag:$0x3], $0x80, s8, s13, $0xb8;
	[tilespmem:$0x1CC00] =	vst v63  }
0xae: {  	_ =	swait.ge [sflag:s11], $0x4000  }
0xaf: {  	[sflag:s11] =	ssyncset.done $0x0  }
0xb0: {  	[sflag:s11] =	ssyncadd.s32 $0xFFFFC000  }
0xb1: {  	_ =	swait.ge [sflag:s17], $0x4000  }
0xb2: {  	[sflag:s17] =	ssyncset.done $0x0  }
0xb3: {  	[sflag:s17] =	ssyncadd.s32 $0xFFFFC000  }
0xb4: {  	[spmem:s2] =	stream.indirect.scatter.add.f32 [tilespmem:s15], [sflag:$0x3], $0x80, s9, s13, $0xb8;
	[tilespmem:$0x1CC00] =	vst v63  }
0xb5: {  	s24 =	simm.s32 $0x100;
	_ =	swait.ge [sflag:s11], $0x4000  }
0xb6: {  	s25 =	simm.s32 $0x200;
	s6 =	rddreg [dreg:$0x5];
	[sflag:s11] =	ssyncset.done $0x0  }
.LBB2_2:
0xb7: {  	[sflag:s11] =	ssyncadd.s32 $0xFFFFC000;
	s6 =	sadd.s32 s24, s6  }
0xb8: {  	[tilespmem:s3], [sflag:$0x3] =	stream.linear.gather [hbm4b:s6+s3], $0x800, $0x38;
	[tilespmem:$0x1CC00] =	vst v63  }
0xb9: {  	_ =	swait.ge [sflag:s11], $0x800  }
0xba: {  	s6 =	rddreg [dreg:$0x4];
	[sflag:s11] =	ssyncset.done $0x0  }
0xbb: {  	[sflag:s11] =	ssyncadd.s32 $0xFFFFF800;
	s6 =	sadd.s32 s24, s6  }
0xbc: {  	[tilespmem:s12], [sflag:$0x3] =	stream.linear.gather [hbm4b:s6+s3], $0x800, $0x38;
	[tilespmem:$0x1CC00] =	vst v63  }
0xbd: {  	_ =	swait.ge [sflag:s11], $0x800  }
0xbe: {  	[sflag:s11] =	ssyncset.done $0x0  }
0xbf: {  	[sflag:s11] =	ssyncadd.s32 $0xFFFFF800  }
0xc0: {  	[tilespmem:s14], [sflag:$0x1] =	stream.indirect.gather [hbm4b:s4+s13], $0x80, s3, s13, $0xb8;
	[tilespmem:$0x1CC00] =	vst v63  }
0xc1: {  	_ = 	snop  }
0xc2: {  	[tilespmem:s15], [sflag:$0x2] =	stream.indirect.gather [hbm4b:s4+s13], $0x80, s13, s13, $0xb8;
	[tilespmem:$0x1CC00] =	vst v63  }
0xc3: {  	_ =	swait.ge [sflag:s16], $0x4000  }
0xc4: {  	[sflag:s16] =	ssyncset.done $0x0  }
0xc5: {  	[sflag:s16] =	ssyncadd.s32 $0xFFFFC000  }
0xc6: {  	[spmem:s2] =	stream.indirect.scatter.add.f32 [tilespmem:s14], [sflag:$0x3], $0x80, s12, s13, $0xb8;
	[tilespmem:$0x1CC00] =	vst v63  }
0xc7: {  	_ =	swait.ge [sflag:s11], $0x4000  }
0xc8: {  	s10 =	smov.u32 s25;
	[sflag:s11] =	ssyncset.done $0x0  }
0xc9: {  	s24 =	smov.u32 s10;
	s10 =	rddreg [dreg:$0x6];
	[sflag:s11] =	ssyncadd.s32 $0xFFFFC000  }
0xca: {  	[tilespmem:s14], [sflag:$0x1] =	stream.indirect.gather [hbm4b:s4+s13], $0x80, s10, s13, $0xb8;
	[tilespmem:$0x1CC00] =	vst v63  }
0xcb: {  	_ =	swait.ge [sflag:s17], $0x4000  }
0xcc: {  	[sflag:s17] =	ssyncset.done $0x0  }
0xcd: {  	s10 =	rddreg [dreg:$0x7];
	[sflag:s17] =	ssyncadd.s32 $0xFFFFC000  }
0xce: {  	[spmem:s2] =	stream.indirect.scatter.add.f32 [tilespmem:s15], [sflag:$0x3], $0x80, s10, s13, $0xb8;
	[tilespmem:$0x1CC00] =	vst v63  }
0xcf: {  	_ =	swait.ge [sflag:s11], $0x4000  }
0xd0: {  	[sflag:s11] =	ssyncset.done $0x0  }
0xd1: {  	s10 =	rddreg [dreg:$0x8];
	[sflag:s11] =	ssyncadd.s32 $0xFFFFC000  }
0xd2: {  	[tilespmem:s15], [sflag:$0x2] =	stream.indirect.gather [hbm4b:s4+s13], $0x80, s10, s13, $0xb8;
	[tilespmem:$0x1CC00] =	vst v63  }
0xd3: {  	_ =	swait.ge [sflag:s16], $0x4000  }
0xd4: {  	[sflag:s16] =	ssyncset.done $0x0  }
0xd5: {  	s10 =	rddreg [dreg:$0x9];
	[sflag:s16] =	ssyncadd.s32 $0xFFFFC000  }
0xd6: {  	[spmem:s2] =	stream.indirect.scatter.add.f32 [tilespmem:s14], [sflag:$0x3], $0x80, s10, s13, $0xb8;
	[tilespmem:$0x1CC00] =	vst v63  }
0xd7: {  	_ =	swait.ge [sflag:s11], $0x4000  }
0xd8: {  	[sflag:s11] =	ssyncset.done $0x0  }
0xd9: {  	s10 =	rddreg [dreg:$0xa];
	[sflag:s11] =	ssyncadd.s32 $0xFFFFC000  }
0xda: {  	[tilespmem:s14], [sflag:$0x1] =	stream.indirect.gather [hbm4b:s4+s13], $0x80, s10, s13, $0xb8;
	[tilespmem:$0x1CC00] =	vst v63  }
0xdb: {  	_ =	swait.ge [sflag:s17], $0x4000  }
0xdc: {  	[sflag:s17] =	ssyncset.done $0x0  }
0xdd: {  	s10 =	rddreg [dreg:$0xb];
	[sflag:s17] =	ssyncadd.s32 $0xFFFFC000  }
0xde: {  	[spmem:s2] =	stream.indirect.scatter.add.f32 [tilespmem:s15], [sflag:$0x3], $0x80, s10, s13, $0xb8;
	[tilespmem:$0x1CC00] =	vst v63  }
0xdf: {  	_ =	swait.ge [sflag:s11], $0x4000  }
0xe0: {  	[sflag:s11] =	ssyncset.done $0x0  }
0xe1: {  	s10 =	rddreg [dreg:$0xc];
	[sflag:s11] =	ssyncadd.s32 $0xFFFFC000  }
0xe2: {  	[tilespmem:s15], [sflag:$0x2] =	stream.indirect.gather [hbm4b:s4+s13], $0x80, s10, s13, $0xb8;
	[tilespmem:$0x1CC00] =	vst v63  }
0xe3: {  	_ =	swait.ge [sflag:s16], $0x4000  }
0xe4: {  	[sflag:s16] =	ssyncset.done $0x0  }
0xe5: {  	s10 =	rddreg [dreg:$0xd];
	[sflag:s16] =	ssyncadd.s32 $0xFFFFC000  }
0xe6: {  	[spmem:s2] =	stream.indirect.scatter.add.f32 [tilespmem:s14], [sflag:$0x3], $0x80, s10, s13, $0xb8;
	[tilespmem:$0x1CC00] =	vst v63  }
0xe7: {  	_ =	swait.ge [sflag:s11], $0x4000  }
0xe8: {  	[sflag:s11] =	ssyncset.done $0x0  }
0xe9: {  	s10 =	rddreg [dreg:$0xe];
	[sflag:s11] =	ssyncadd.s32 $0xFFFFC000  }
0xea: {  	[tilespmem:s14], [sflag:$0x1] =	stream.indirect.gather [hbm4b:s4+s13], $0x80, s10, s13, $0xb8;
	[tilespmem:$0x1CC00] =	vst v63  }
0xeb: {  	_ =	swait.ge [sflag:s17], $0x4000  }
0xec: {  	[sflag:s17] =	ssyncset.done $0x0  }
0xed: {  	s10 =	rddreg [dreg:$0xf];
	[sflag:s17] =	ssyncadd.s32 $0xFFFFC000  }
0xee: {  	[spmem:s2] =	stream.indirect.scatter.add.f32 [tilespmem:s15], [sflag:$0x3], $0x80, s10, s13, $0xb8;
	[tilespmem:$0x1CC00] =	vst v63  }
0xef: {  	_ =	swait.ge [sflag:s11], $0x4000  }
0xf0: {  	[sflag:s11] =	ssyncset.done $0x0  }
0xf1: {  	s10 =	rddreg [dreg:$0x10];
	[sflag:s11] =	ssyncadd.s32 $0xFFFFC000  }
0xf2: {  	[tilespmem:s15], [sflag:$0x2] =	stream.indirect.gather [hbm4b:s4+s13], $0x80, s10, s13, $0xb8;
	[tilespmem:$0x1CC00] =	vst v63  }
0xf3: {  	_ =	swait.ge [sflag:s16], $0x4000  }
0xf4: {  	[sflag:s16] =	ssyncset.done $0x0  }
0xf5: {  	s10 =	rddreg [dreg:$0x11];
	[sflag:s16] =	ssyncadd.s32 $0xFFFFC000  }
0xf6: {  	[spmem:s2] =	stream.indirect.scatter.add.f32 [tilespmem:s14], [sflag:$0x3], $0x80, s10, s13, $0xb8;
	[tilespmem:$0x1CC00] =	vst v63  }
0xf7: {  	_ =	swait.ge [sflag:s11], $0x4000  }
0xf8: {  	[sflag:s11] =	ssyncset.done $0x0  }
0xf9: {  	[sflag:s11] =	ssyncadd.s32 $0xFFFFC000  }
0xfa: {  	[tilespmem:s14], [sflag:$0x1] =	stream.indirect.gather [hbm4b:s4+s13], $0x80, s18, s13, $0xb8;
	[tilespmem:$0x1CC00] =	vst v63  }
0xfb: {  	_ =	swait.ge [sflag:s17], $0x4000  }
0xfc: {  	[sflag:s17] =	ssyncset.done $0x0  }
0xfd: {  	[sflag:s17] =	ssyncadd.s32 $0xFFFFC000  }
0xfe: {  	[spmem:s2] =	stream.indirect.scatter.add.f32 [tilespmem:s15], [sflag:$0x3], $0x80, s19, s13, $0xb8;
	[tilespmem:$0x1CC00] =	vst v63  }
0xff: {  	_ =	swait.ge [sflag:s11], $0x4000  }
0x100: {  	[sflag:s11] =	ssyncset.done $0x0  }
0x101: {  	[sflag:s11] =	ssyncadd.s32 $0xFFFFC000  }
0x102: {  	[tilespmem:s15], [sflag:$0x2] =	stream.indirect.gather [hbm4b:s4+s13], $0x80, s20, s13, $0xb8;
	[tilespmem:$0x1CC00] =	vst v63  }
0x103: {  	_ =	swait.ge [sflag:s16], $0x4000  }
0x104: {  	[sflag:s16] =	ssyncset.done $0x0  }
0x105: {  	[sflag:s16] =	ssyncadd.s32 $0xFFFFC000  }
0x106: {  	[spmem:s2] =	stream.indirect.scatter.add.f32 [tilespmem:s14], [sflag:$0x3], $0x80, s21, s13, $0xb8;
	[tilespmem:$0x1CC00] =	vst v63  }
0x107: {  	_ =	swait.ge [sflag:s11], $0x4000  }
0x108: {  	[sflag:s11] =	ssyncset.done $0x0  }
0x109: {  	[sflag:s11] =	ssyncadd.s32 $0xFFFFC000  }
0x10a: {  	[tilespmem:s14], [sflag:$0x1] =	stream.indirect.gather [hbm4b:s4+s13], $0x80, s22, s13, $0xb8;
	[tilespmem:$0x1CC00] =	vst v63  }
0x10b: {  	_ =	swait.ge [sflag:s17], $0x4000  }
0x10c: {  	[sflag:s17] =	ssyncset.done $0x0  }
0x10d: {  	[sflag:s17] =	ssyncadd.s32 $0xFFFFC000  }
0x10e: {  	[spmem:s2] =	stream.indirect.scatter.add.f32 [tilespmem:s15], [sflag:$0x3], $0x80, s23, s13, $0xb8;
	[tilespmem:$0x1CC00] =	vst v63  }
0x10f: {  	_ =	swait.ge [sflag:s11], $0x4000  }
0x110: {  	[sflag:s11] =	ssyncset.done $0x0  }
0x111: {  	[sflag:s11] =	ssyncadd.s32 $0xFFFFC000  }
0x112: {  	[tilespmem:s15], [sflag:$0x2] =	stream.indirect.gather [hbm4b:s4+s13], $0x80, s26, s13, $0xb8;
	[tilespmem:$0x1CC00] =	vst v63  }
0x113: {  	_ =	swait.ge [sflag:s16], $0x4000  }
0x114: {  	[sflag:s16] =	ssyncset.done $0x0  }
0x115: {  	[sflag:s16] =	ssyncadd.s32 $0xFFFFC000  }
0x116: {  	[spmem:s2] =	stream.indirect.scatter.add.f32 [tilespmem:s14], [sflag:$0x3], $0x80, s28, s13, $0xb8;
	[tilespmem:$0x1CC00] =	vst v63  }
0x117: {  	_ =	swait.ge [sflag:s11], $0x4000  }
0x118: {  	[sflag:s11] =	ssyncset.done $0x0  }
0x119: {  	[sflag:s11] =	ssyncadd.s32 $0xFFFFC000  }
0x11a: {  	[tilespmem:s14], [sflag:$0x1] =	stream.indirect.gather [hbm4b:s4+s13], $0x80, s29, s13, $0xb8;
	[tilespmem:$0x1CC00] =	vst v63  }
0x11b: {  	_ =	swait.ge [sflag:s17], $0x4000  }
0x11c: {  	[sflag:s17] =	ssyncset.done $0x0  }
0x11d: {  	[sflag:s17] =	ssyncadd.s32 $0xFFFFC000  }
0x11e: {  	[spmem:s2] =	stream.indirect.scatter.add.f32 [tilespmem:s15], [sflag:$0x3], $0x80, s30, s13, $0xb8;
	[tilespmem:$0x1CC00] =	vst v63  }
0x11f: {  	_ =	swait.ge [sflag:s11], $0x4000  }
0x120: {  	[sflag:s11] =	ssyncset.done $0x0  }
0x121: {  	[sflag:s11] =	ssyncadd.s32 $0xFFFFC000  }
0x122: {  	[tilespmem:s15], [sflag:$0x2] =	stream.indirect.gather [hbm4b:s4+s13], $0x80, s31, s13, $0xb8;
	[tilespmem:$0x1CC00] =	vst v63  }
0x123: {  	_ =	swait.ge [sflag:s16], $0x4000  }
0x124: {  	[sflag:s16] =	ssyncset.done $0x0  }
0x125: {  	[sflag:s16] =	ssyncadd.s32 $0xFFFFC000  }
0x126: {  	[spmem:s2] =	stream.indirect.scatter.add.f32 [tilespmem:s14], [sflag:$0x3], $0x80, s0, s13, $0xb8;
	[tilespmem:$0x1CC00] =	vst v63  }
0x127: {  	_ =	swait.ge [sflag:s11], $0x4000  }
0x128: {  	[sflag:s11] =	ssyncset.done $0x0  }
0x129: {  	[sflag:s11] =	ssyncadd.s32 $0xFFFFC000  }
0x12a: {  	[tilespmem:s14], [sflag:$0x1] =	stream.indirect.gather [hbm4b:s4+s13], $0x80, s1, s13, $0xb8;
	[tilespmem:$0x1CC00] =	vst v63  }
0x12b: {  	_ =	swait.ge [sflag:s17], $0x4000  }
0x12c: {  	[sflag:s17] =	ssyncset.done $0x0  }
0x12d: {  	[sflag:s17] =	ssyncadd.s32 $0xFFFFC000  }
0x12e: {  	[spmem:s2] =	stream.indirect.scatter.add.f32 [tilespmem:s15], [sflag:$0x3], $0x80, s5, s13, $0xb8;
	[tilespmem:$0x1CC00] =	vst v63  }
0x12f: {  	_ =	swait.ge [sflag:s11], $0x4000  }
0x130: {  	[sflag:s11] =	ssyncset.done $0x0  }
0x131: {  	[sflag:s11] =	ssyncadd.s32 $0xFFFFC000  }
0x132: {  	[tilespmem:s15], [sflag:$0x2] =	stream.indirect.gather [hbm4b:s4+s13], $0x80, s7, s13, $0xb8;
	[tilespmem:$0x1CC00] =	vst v63  }
0x133: {  	_ =	swait.ge [sflag:s16], $0x4000  }
0x134: {  	[sflag:s16] =	ssyncset.done $0x0  }
0x135: {  	[sflag:s16] =	ssyncadd.s32 $0xFFFFC000  }
0x136: {  	[spmem:s2] =	stream.indirect.scatter.add.f32 [tilespmem:s14], [sflag:$0x3], $0x80, s8, s13, $0xb8;
	[tilespmem:$0x1CC00] =	vst v63  }
0x137: {  	_ =	swait.ge [sflag:s11], $0x4000  }
0x138: {  	[sflag:s11] =	ssyncset.done $0x0  }
0x139: {  	[sflag:s11] =	ssyncadd.s32 $0xFFFFC000  }
0x13a: {  	p1 =	sne.s32 s25, $0x400;
	_ =	swait.ge [sflag:s17], $0x4000  }
.Ltmp0:
0x13b: {  	[sflag:s17] =	ssyncset.done $0x0;
	(pc) =	sbr.rel @p1 .LBB2_2-.Ltmp0, $4  }
0x13c: {  	[sflag:s17] =	ssyncadd.s32 $0xFFFFC000  }
0x13d: {  	[spmem:s2] =	stream.indirect.scatter.add.f32 [tilespmem:s15], [sflag:$0x3], $0x80, s9, s13, $0xb8;
	[tilespmem:$0x1CC00] =	vst v63  }
0x13e: {  	_ =	swait.ge [sflag:s11], $0x4000  }
0x13f: {  	s25 =	sadd.s32 $0x100, s25;
	s6 =	rddreg [dreg:$0x5];
	[sflag:s11] =	ssyncset.done $0x0  }
0x140: {  	[sflag:s11] =	ssyncadd.s32 $0xFFFFC000;
	s6 =	sadd.s32 s24, s6  }
0x141: {  	[tilespmem:s3], [sflag:$0x3] =	stream.linear.gather [hbm4b:s6+s3], $0x800, $0x38;
	[tilespmem:$0x1CC00] =	vst v63  }
0x142: {  	_ =	swait.ge [sflag:s11], $0x800  }
0x143: {  	s25 =	rddreg [dreg:$0x4];
	[sflag:s11] =	ssyncset.done $0x0  }
0x144: {  	s6 =	sadd.s32 s24, s25;
	[sflag:s11] =	ssyncadd.s32 $0xFFFFF800  }
0x145: {  	[tilespmem:s12], [sflag:$0x3] =	stream.linear.gather [hbm4b:s6+s3], $0x800, $0x38;
	[tilespmem:$0x1CC00] =	vst v63  }
0x146: {  	_ =	swait.ge [sflag:s11], $0x800  }
0x147: {  	[sflag:s11] =	ssyncset.done $0x0  }
0x148: {  	[sflag:s11] =	ssyncadd.s32 $0xFFFFF800  }
0x149: {  	[tilespmem:s14], [sflag:$0x1] =	stream.indirect.gather [hbm4b:s4+s13], $0x80, s3, s13, $0xb8;
	[tilespmem:$0x1CC00] =	vst v63  }
0x14a: {  	_ = 	snop  }
0x14b: {  	[tilespmem:s15], [sflag:$0x2] =	stream.indirect.gather [hbm4b:s4+s13], $0x80, s13, s13, $0xb8;
	[tilespmem:$0x1CC00] =	vst v63  }
0x14c: {  	_ =	swait.ge [sflag:s16], $0x4000  }
0x14d: {  	[sflag:s16] =	ssyncset.done $0x0  }
0x14e: {  	[sflag:s16] =	ssyncadd.s32 $0xFFFFC000  }
0x14f: {  	[spmem:s2] =	stream.indirect.scatter.add.f32 [tilespmem:s14], [sflag:$0x3], $0x80, s12, s13, $0xb8;
	[tilespmem:$0x1CC00] =	vst v63  }
0x150: {  	_ =	swait.ge [sflag:s11], $0x4000  }
0x151: {  	[sflag:s11] =	ssyncset.done $0x0  }
0x152: {  	s10 =	rddreg [dreg:$0x6];
	[sflag:s11] =	ssyncadd.s32 $0xFFFFC000  }
0x153: {  	[tilespmem:s14], [sflag:$0x1] =	stream.indirect.gather [hbm4b:s4+s13], $0x80, s10, s13, $0xb8;
	[tilespmem:$0x1CC00] =	vst v63  }
0x154: {  	_ =	swait.ge [sflag:s17], $0x4000  }
0x155: {  	[sflag:s17] =	ssyncset.done $0x0  }
0x156: {  	s24 =	rddreg [dreg:$0x7];
	[sflag:s17] =	ssyncadd.s32 $0xFFFFC000  }
0x157: {  	[spmem:s2] =	stream.indirect.scatter.add.f32 [tilespmem:s15], [sflag:$0x3], $0x80, s24, s13, $0xb8;
	[tilespmem:$0x1CC00] =	vst v63  }
0x158: {  	_ =	swait.ge [sflag:s11], $0x4000  }
0x159: {  	[sflag:s11] =	ssyncset.done $0x0  }
0x15a: {  	s25 =	rddreg [dreg:$0x8];
	[sflag:s11] =	ssyncadd.s32 $0xFFFFC000  }
0x15b: {  	[tilespmem:s15], [sflag:$0x2] =	stream.indirect.gather [hbm4b:s4+s13], $0x80, s25, s13, $0xb8;
	[tilespmem:$0x1CC00] =	vst v63  }
0x15c: {  	_ =	swait.ge [sflag:s16], $0x4000  }
0x15d: {  	[sflag:s16] =	ssyncset.done $0x0  }
0x15e: {  	s10 =	rddreg [dreg:$0x9];
	[sflag:s16] =	ssyncadd.s32 $0xFFFFC000  }
0x15f: {  	[spmem:s2] =	stream.indirect.scatter.add.f32 [tilespmem:s14], [sflag:$0x3], $0x80, s10, s13, $0xb8;
	[tilespmem:$0x1CC00] =	vst v63  }
0x160: {  	_ =	swait.ge [sflag:s11], $0x4000  }
0x161: {  	[sflag:s11] =	ssyncset.done $0x0  }
0x162: {  	s24 =	rddreg [dreg:$0xa];
	[sflag:s11] =	ssyncadd.s32 $0xFFFFC000  }
0x163: {  	[tilespmem:s14], [sflag:$0x1] =	stream.indirect.gather [hbm4b:s4+s13], $0x80, s24, s13, $0xb8;
	[tilespmem:$0x1CC00] =	vst v63  }
0x164: {  	_ =	swait.ge [sflag:s17], $0x4000  }
0x165: {  	[sflag:s17] =	ssyncset.done $0x0  }
0x166: {  	s25 =	rddreg [dreg:$0xb];
	[sflag:s17] =	ssyncadd.s32 $0xFFFFC000  }
0x167: {  	[spmem:s2] =	stream.indirect.scatter.add.f32 [tilespmem:s15], [sflag:$0x3], $0x80, s25, s13, $0xb8;
	[tilespmem:$0x1CC00] =	vst v63  }
0x168: {  	_ =	swait.ge [sflag:s11], $0x4000  }
0x169: {  	[sflag:s11] =	ssyncset.done $0x0  }
0x16a: {  	s10 =	rddreg [dreg:$0xc];
	[sflag:s11] =	ssyncadd.s32 $0xFFFFC000  }
0x16b: {  	[tilespmem:s15], [sflag:$0x2] =	stream.indirect.gather [hbm4b:s4+s13], $0x80, s10, s13, $0xb8;
	[tilespmem:$0x1CC00] =	vst v63  }
0x16c: {  	_ =	swait.ge [sflag:s16], $0x4000  }
0x16d: {  	[sflag:s16] =	ssyncset.done $0x0  }
0x16e: {  	s24 =	rddreg [dreg:$0xd];
	[sflag:s16] =	ssyncadd.s32 $0xFFFFC000  }
0x16f: {  	[spmem:s2] =	stream.indirect.scatter.add.f32 [tilespmem:s14], [sflag:$0x3], $0x80, s24, s13, $0xb8;
	[tilespmem:$0x1CC00] =	vst v63  }
0x170: {  	_ =	swait.ge [sflag:s11], $0x4000  }
0x171: {  	[sflag:s11] =	ssyncset.done $0x0  }
0x172: {  	s25 =	rddreg [dreg:$0xe];
	[sflag:s11] =	ssyncadd.s32 $0xFFFFC000  }
0x173: {  	[tilespmem:s14], [sflag:$0x1] =	stream.indirect.gather [hbm4b:s4+s13], $0x80, s25, s13, $0xb8;
	[tilespmem:$0x1CC00] =	vst v63  }
0x174: {  	_ =	swait.ge [sflag:s17], $0x4000  }
0x175: {  	[sflag:s17] =	ssyncset.done $0x0  }
0x176: {  	s10 =	rddreg [dreg:$0xf];
	[sflag:s17] =	ssyncadd.s32 $0xFFFFC000  }
0x177: {  	[spmem:s2] =	stream.indirect.scatter.add.f32 [tilespmem:s15], [sflag:$0x3], $0x80, s10, s13, $0xb8;
	[tilespmem:$0x1CC00] =	vst v63  }
0x178: {  	_ =	swait.ge [sflag:s11], $0x4000  }
0x179: {  	[sflag:s11] =	ssyncset.done $0x0  }
0x17a: {  	s24 =	rddreg [dreg:$0x10];
	[sflag:s11] =	ssyncadd.s32 $0xFFFFC000  }
0x17b: {  	[tilespmem:s15], [sflag:$0x2] =	stream.indirect.gather [hbm4b:s4+s13], $0x80, s24, s13, $0xb8;
	[tilespmem:$0x1CC00] =	vst v63  }
0x17c: {  	_ =	swait.ge [sflag:s16], $0x4000  }
0x17d: {  	[sflag:s16] =	ssyncset.done $0x0  }
0x17e: {  	s25 =	rddreg [dreg:$0x11];
	[sflag:s16] =	ssyncadd.s32 $0xFFFFC000  }
0x17f: {  	[spmem:s2] =	stream.indirect.scatter.add.f32 [tilespmem:s14], [sflag:$0x3], $0x80, s25, s13, $0xb8;
	[tilespmem:$0x1CC00] =	vst v63  }
0x180: {  	_ =	swait.ge [sflag:s11], $0x4000  }
0x181: {  	[sflag:s11] =	ssyncset.done $0x0  }
0x182: {  	[sflag:s11] =	ssyncadd.s32 $0xFFFFC000  }
0x183: {  	[tilespmem:s14], [sflag:$0x1] =	stream.indirect.gather [hbm4b:s4+s13], $0x80, s18, s13, $0xb8;
	[tilespmem:$0x1CC00] =	vst v63  }
0x184: {  	_ =	swait.ge [sflag:s17], $0x4000  }
0x185: {  	[sflag:s17] =	ssyncset.done $0x0  }
0x186: {  	[sflag:s17] =	ssyncadd.s32 $0xFFFFC000  }
0x187: {  	[spmem:s2] =	stream.indirect.scatter.add.f32 [tilespmem:s15], [sflag:$0x3], $0x80, s19, s13, $0xb8;
	[tilespmem:$0x1CC00] =	vst v63  }
0x188: {  	_ =	swait.ge [sflag:s11], $0x4000  }
0x189: {  	[sflag:s11] =	ssyncset.done $0x0  }
0x18a: {  	[sflag:s11] =	ssyncadd.s32 $0xFFFFC000  }
0x18b: {  	[tilespmem:s15], [sflag:$0x2] =	stream.indirect.gather [hbm4b:s4+s13], $0x80, s20, s13, $0xb8;
	[tilespmem:$0x1CC00] =	vst v63  }
0x18c: {  	_ =	swait.ge [sflag:s16], $0x4000  }
0x18d: {  	[sflag:s16] =	ssyncset.done $0x0  }
0x18e: {  	[sflag:s16] =	ssyncadd.s32 $0xFFFFC000  }
0x18f: {  	[spmem:s2] =	stream.indirect.scatter.add.f32 [tilespmem:s14], [sflag:$0x3], $0x80, s21, s13, $0xb8;
	[tilespmem:$0x1CC00] =	vst v63  }
0x190: {  	_ =	swait.ge [sflag:s11], $0x4000  }
0x191: {  	[sflag:s11] =	ssyncset.done $0x0  }
0x192: {  	[sflag:s11] =	ssyncadd.s32 $0xFFFFC000  }
0x193: {  	[tilespmem:s14], [sflag:$0x1] =	stream.indirect.gather [hbm4b:s4+s13], $0x80, s22, s13, $0xb8;
	[tilespmem:$0x1CC00] =	vst v63  }
0x194: {  	_ =	swait.ge [sflag:s17], $0x4000  }
0x195: {  	[sflag:s17] =	ssyncset.done $0x0  }
0x196: {  	[sflag:s17] =	ssyncadd.s32 $0xFFFFC000  }
0x197: {  	[spmem:s2] =	stream.indirect.scatter.add.f32 [tilespmem:s15], [sflag:$0x3], $0x80, s23, s13, $0xb8;
	[tilespmem:$0x1CC00] =	vst v63  }
0x198: {  	_ =	swait.ge [sflag:s11], $0x4000  }
0x199: {  	[sflag:s11] =	ssyncset.done $0x0  }
0x19a: {  	[sflag:s11] =	ssyncadd.s32 $0xFFFFC000  }
0x19b: {  	[tilespmem:s15], [sflag:$0x2] =	stream.indirect.gather [hbm4b:s4+s13], $0x80, s26, s13, $0xb8;
	[tilespmem:$0x1CC00] =	vst v63  }
0x19c: {  	_ =	swait.ge [sflag:s16], $0x4000  }
0x19d: {  	[sflag:s16] =	ssyncset.done $0x0  }
0x19e: {  	[sflag:s16] =	ssyncadd.s32 $0xFFFFC000  }
0x19f: {  	[spmem:s2] =	stream.indirect.scatter.add.f32 [tilespmem:s14], [sflag:$0x3], $0x80, s28, s13, $0xb8;
	[tilespmem:$0x1CC00] =	vst v63  }
0x1a0: {  	_ =	swait.ge [sflag:s11], $0x4000  }
0x1a1: {  	[sflag:s11] =	ssyncset.done $0x0  }
0x1a2: {  	[sflag:s11] =	ssyncadd.s32 $0xFFFFC000  }
0x1a3: {  	[tilespmem:s14], [sflag:$0x1] =	stream.indirect.gather [hbm4b:s4+s13], $0x80, s29, s13, $0xb8;
	[tilespmem:$0x1CC00] =	vst v63  }
0x1a4: {  	_ =	swait.ge [sflag:s17], $0x4000  }
0x1a5: {  	[sflag:s17] =	ssyncset.done $0x0  }
0x1a6: {  	[sflag:s17] =	ssyncadd.s32 $0xFFFFC000  }
0x1a7: {  	[spmem:s2] =	stream.indirect.scatter.add.f32 [tilespmem:s15], [sflag:$0x3], $0x80, s30, s13, $0xb8;
	[tilespmem:$0x1CC00] =	vst v63  }
0x1a8: {  	_ =	swait.ge [sflag:s11], $0x4000  }
0x1a9: {  	[sflag:s11] =	ssyncset.done $0x0  }
0x1aa: {  	[sflag:s11] =	ssyncadd.s32 $0xFFFFC000  }
0x1ab: {  	[tilespmem:s15], [sflag:$0x2] =	stream.indirect.gather [hbm4b:s4+s13], $0x80, s31, s13, $0xb8;
	[tilespmem:$0x1CC00] =	vst v63  }
0x1ac: {  	_ =	swait.ge [sflag:s16], $0x4000  }
0x1ad: {  	[sflag:s16] =	ssyncset.done $0x0  }
0x1ae: {  	[sflag:s16] =	ssyncadd.s32 $0xFFFFC000  }
0x1af: {  	[spmem:s2] =	stream.indirect.scatter.add.f32 [tilespmem:s14], [sflag:$0x3], $0x80, s0, s13, $0xb8;
	[tilespmem:$0x1CC00] =	vst v63  }
0x1b0: {  	_ =	swait.ge [sflag:s11], $0x4000  }
0x1b1: {  	[sflag:s11] =	ssyncset.done $0x0  }
0x1b2: {  	[sflag:s11] =	ssyncadd.s32 $0xFFFFC000  }
0x1b3: {  	[tilespmem:s14], [sflag:$0x1] =	stream.indirect.gather [hbm4b:s4+s13], $0x80, s1, s13, $0xb8;
	[tilespmem:$0x1CC00] =	vst v63  }
0x1b4: {  	_ =	swait.ge [sflag:s17], $0x4000  }
0x1b5: {  	[sflag:s17] =	ssyncset.done $0x0  }
0x1b6: {  	[sflag:s17] =	ssyncadd.s32 $0xFFFFC000  }
0x1b7: {  	[spmem:s2] =	stream.indirect.scatter.add.f32 [tilespmem:s15], [sflag:$0x3], $0x80, s5, s13, $0xb8;
	[tilespmem:$0x1CC00] =	vst v63  }
0x1b8: {  	_ =	swait.ge [sflag:s11], $0x4000  }
0x1b9: {  	[sflag:s11] =	ssyncset.done $0x0  }
0x1ba: {  	[sflag:s11] =	ssyncadd.s32 $0xFFFFC000  }
0x1bb: {  	[tilespmem:s15], [sflag:$0x2] =	stream.indirect.gather [hbm4b:s4+s13], $0x80, s7, s13, $0xb8;
	[tilespmem:$0x1CC00] =	vst v63  }
0x1bc: {  	_ =	swait.ge [sflag:s16], $0x4000  }
0x1bd: {  	[sflag:s16] =	ssyncset.done $0x0  }
0x1be: {  	[sflag:s16] =	ssyncadd.s32 $0xFFFFC000  }
0x1bf: {  	[spmem:s2] =	stream.indirect.scatter.add.f32 [tilespmem:s14], [sflag:$0x3], $0x80, s8, s13, $0xb8;
	[tilespmem:$0x1CC00] =	vst v63  }
0x1c0: {  	_ =	swait.ge [sflag:s11], $0x4000  }
0x1c1: {  	[sflag:s11] =	ssyncset.done $0x0  }
0x1c2: {  	[sflag:s11] =	ssyncadd.s32 $0xFFFFC000  }
0x1c3: {  	_ =	swait.ge [sflag:s17], $0x4000  }
0x1c4: {  	[sflag:s17] =	ssyncset.done $0x0  }
0x1c5: {  	[sflag:s17] =	ssyncadd.s32 $0xFFFFC000  }
0x1c6: {  	[spmem:s2] =	stream.indirect.scatter.add.f32 [tilespmem:s15], [sflag:$0x3], $0x80, s9, s13, $0xb8;
	[tilespmem:$0x1CC00] =	vst v63  }
0x1c7: {  	_ =	swait.ge [sflag:s11], $0x4000  }
0x1c8: {  	[sflag:s11] =	ssyncset.done $0x0  }
0x1c9: {  	[sflag:s11] =	ssyncadd.s32 $0xFFFFC000  }
0x1ca: {  	[bflag:$0x0] =	sbarrier.arrive $0xFFFF  }
0x1cb: {  	s24 =	rddreg [dreg:$0x13]  }
0x1cc: {  	s6 =	rddreg [dreg:$0x15]  }
0x1cd: {  	s10 =	rddreg [dreg:$0x18]  }
0x1ce: {  	[hbm:s6], [sflag:s24] =	dma.local @p0 [spmem:s10], $0x2800  }
0x1cf: {  	s6 =	simm.s32 @p0 $0x3  }
0x1d0: {  	_ =	swait.ge @p0 [sflag:s6], $0x2800  }
0x1d1: {  	[sflag:s6] =	ssyncset.done @p0 $0x0;
	s10 =	rddreg [dreg:$0x19]  }
0x1d2: {  	[sflag:s6] =	ssyncadd.s32 @p0 $0xFFFFD800;
	s6 =	rddreg [dreg:$0x14]  }
0x1d3: {  	[hbm:s6], [sflag:s24] =	dma.local @!p0 [spmem:s10], $0x2700  }
0x1d4: {  	s6 =	simm.s32 @!p0 $0x3  }
0x1d5: {  	_ =	swait.ge @!p0 [sflag:s6], $0x2700  }
0x1d6: {  	s25 =	rddreg [dreg:$0x1a]  }
0x1d7: {  	s10 =	rddreg [dreg:$0x16];
	s25 =	sadd.s32 $0x1, s25  }
0x1d8: {  	p1 =	sne.s32 s25, s10  }
.Ltmp1:
0x1d9: {  	_ = 	snop;
	(pc) =	sbr.rel @p1 .LBB2_1-.Ltmp1, $3  }
0x1da: {  	_ =	sdelay $0x1  }
0x1db: {  	[sflag:s6] =	ssyncset.done @!p0 $0x0  }
0x1dc: {  	[sflag:s6] =	ssyncadd.s32 @!p0 $0xFFFFD900  }
0x1dd: {  	_ =	sfence.sel $0x180000  }
0x1de: {  	[bflag:$0x0] =	sbarrier.arrive $0xFFFF  }
0x1df: {  	_ =	strace $0x9000004D  }
0x1e0: {  	s0 =	stileid.u32;
	[bflag:$0x2] =	sbarrier.arrive $0xFFFF  }
0x1e1: {  	p0 =	sne.s32 s0, $0x0;
	s0 =	rddreg [dreg:$0x3]  }
0x1e2: {  	s0 =	sadd.s32 @!p0 $0x100000, s0  }
0x1e3: {  	[sflag:s0] =	ssyncadd.tile.s32 @!p0 $0x1;
	_ =	shalt  }
.Lfunc_end2:
_tile_overlayer_lowered:
.L_overlay_start_2:
0x1e4: {  	(tag) =	ssettag $0x2  }
0x1e5: {  	s0 =	rddreg [dreg:$0x0];
	s2 =	stileid.u32  }
0x1e6: {  	s1 =	rddreg [dreg:$0x1];
	p0 =	sne.s32 s2, $0x0  }
0x1e7: {  	s3 =	rddreg [dreg:$0x2];
	[bflag:$0x3] =	sbarrier.arrive $0xFFFF;
	s2 =	simm.s32 @!p0 $0x1C03  }
0x1e8: {  	[timem:s3], [sflag:s2] =	dma.local @!p0 [hbm:s0], s1  }
0x1e9: {  	s0 =	simm.s32 @!p0 $0x3  }
0x1ea: {  	_ =	swait.ge @!p0 [sflag:s0], s1  }
0x1eb: {  	s1 =	ssub.s32 @!p0 $0x0, s1;
	[sflag:s0] =	ssyncset.done @!p0 $0x0  }
0x1ec: {  	[sflag:s0] =	ssyncadd.s32 @!p0 s1  }
0x1ed: {  	[bflag:$0x3] =	sbarrier.arrive $0xFFFF  }
0x1ee: {  	_ =	shalt  }

// kernel: kernel.29.cloned.1.call-start
scs
__scs_entry_jumppad:
0x0: {  	(pc) =	sbr.rel $0x88, $3  }
0x1: {  	(tag) =	ssettag $0x0;
	lr =	simm.s32 $0x1  }
0x2: {  	[smem:$0x3F98] =	sst lr;
	_ =	strace $0xD0000000  }
0x3: {  	_ = 	snop  }
0x4: {  	_ = 	snop  }
0x5: {  	_ = 	snop  }
0x6: {  	_ = 	snop  }
0x7: {  	_ = 	snop  }
__scs_overlays_trampoline_lowered:
0x8: {  	[smem:$0x3FA7] =	sst s0  }
0x9: {  	[smem:$0x3FA8] =	sst s1  }
0xa: {  	[smem:$0x3FA9] =	sst s2  }
0xb: {  	[smem:$0x3FAA] =	sst s3  }
0xc: {  	[smem:$0x3FAB] =	sst s4  }
0xd: {  	[smem:$0x3FAC] =	sst s5  }
0xe: {  	[smem:$0x3FAD] =	sst s6  }
0xf: {  	[smem:$0x3FAE] =	sst s7  }
0x10: {  	[smem:$0x3FAF] =	sst s8  }
0x11: {  	[smem:$0x3FB0] =	sst s9;
	s0 =	simm.s32 @!p0 $0x0  }
0x12: {  	s1 =	sld [smem:$0x3F96];
	s0 =	simm.s32 @p0 $0x1  }
0x13: {  	[smem:$0x3FB1] =	sst s0;
	s0 =	simm.s32 @!p1 $0x0  }
0x14: {  	s2 =	sld [smem:$0x3F95];
	s0 =	simm.s32 @p1 $0x1  }
0x15: {  	[smem:$0x3FB2] =	sst s0;
	s0 =	simm.s32 @!p2 $0x0  }
0x16: {  	s3 =	sld [smem:$0x3FDB];
	s0 =	simm.s32 @p2 $0x1  }
0x17: {  	s4 =	simm.s32 $0x1BF5;
	[smem:$0x3FB4] =	sst s0  }
0x18: {  	s0 =	sld [smem:$0x3F97];
	_ =	swait.ge [sflag:s4], $0x0  }
0x19: {  	s7 =	sld [smem:$0x3F98]  }
0x1a: {  	s8 =	sadd.s32 $0xFFFFE003, lr  }
0x1b: {  	s9 =	sadd.s32 $0xFFFFFEF7, lr;
	s5 =	simm.s32 $0xFFFFFFFF;
	p2 =	slt.u32 s8, $0xFFFFF086  }
0x1c: {  	p1 =	slt.u32 s9, $0xF7A;
	s5 =	simm.s32 @!p2 $0x0  }
0x1d: {  	s5 =	simm.s32 @p1 $0x1;
	p0 =	seq.s32 s7, s2  }
0x1e: {  	s7 =	smul.u32 @!p0 $0xF7A, s2;
	p2 =	seq.s32 @!p0 s5, $0x0  }
0x1f: {  	s9 =	smul.u32 $0xF7A, s1;
	s8 =	simm.s32 @!p0 $0x1BF5;
	p2 =	por !p2, p0  }
0x20: {  	[sflag:s8] =	ssyncset.s32 @!p0 $0xFFFFF086;
	s6 =	sadd.s32 @!p0 s3, s7;
	s7 =	simm.s32 @!p0 $0x108  }
0x21: {  	s3 =	sadd.s32 s3, s9;
	s6 =	sadd.s32 @!p0 $0x88, s6;
	s7 =	simm.s32 @p2 $0x1082  }
0x22: {  	[simem:s7], [sflag:s8] =	dma.local @!p0 [hbm:s6], $0xF7A  }
0x23: {  	s9 =	sor.u32 $0xD0000000, s2;
	s6 =	simm.s32 $0x108;
	_ =	swait.ge @!p0 [sflag:s8], $0x0  }
0x24: {  	s3 =	sadd.s32 $0x88, s3;
	s6 =	simm.s32 @!p1 $0x1082;
	[sflag:s4] =	ssyncset.s32 $0xFFFFF086  }
0x25: {  	[simem:s6], [sflag:s4] =	dma.local [hbm:s3], $0xF7A  }
0x26: {  	[smem:$0x3F98] =	sst s1;
	(tag) =	ssettag s2;
	_ =	strace s9  }
0x27: {  	s1 =	sld [smem:$0x3FA8]  }
0x28: {  	s2 =	sld [smem:$0x3FA9]  }
0x29: {  	s4 =	sld [smem:$0x3FAB]  }
0x2a: {  	p0 =	seq.s32 s5, $0x0;
	s5 =	sld [smem:$0x3FAC]  }
0x2b: {  	s6 =	sld [smem:$0x3FAD]  }
0x2c: {  	s7 =	sld [smem:$0x3FAE]  }
0x2d: {  	s3 =	simm.s32 $0x108;
	s8 =	sld [smem:$0x3FAF]  }
0x2e: {  	s3 =	simm.s32 @!p0 $0x1082;
	s9 =	sld [smem:$0x3FB0]  }
0x2f: {  	lr =	sadd.s32 s0, s3;
	s0 =	sld [smem:$0x3FA7]  }
0x30: {  	s3 =	sld [smem:$0x3FAA]  }
0x31: {  	[smem:$0x3FB3] =	sst s10  }
0x32: {  	s10 =	sld [smem:$0x3FB1];
	_ =	sdelay $0x3  }
0x33: {  	p0 =	seq.s32 s10, $0x1;
	s10 =	sld [smem:$0x3FB3];
	_ =	sdelay $0x3  }
0x34: {  	[smem:$0x3FB3] =	sst s10  }
0x35: {  	s10 =	sld [smem:$0x3FB2];
	_ =	sdelay $0x3  }
0x36: {  	p1 =	seq.s32 s10, $0x1;
	s10 =	sld [smem:$0x3FB3];
	_ =	sdelay $0x3  }
0x37: {  	[smem:$0x3FB3] =	sst s10  }
0x38: {  	s10 =	sld [smem:$0x3FB4]  }
0x39: {  	_ = 	snop;
	(pc) =	sbr.ind lr, $3  }
0x3a: {  	_ = 	snop  }
0x3b: {  	_ = 	snop  }
0x3c: {  	p2 =	seq.s32 s10, $0x1;
	s10 =	sld [smem:$0x3FB3]  }
0x3d: {  	_ =	shalt  }
0x3e: {  	_ =	shalt  }
0x3f: {  	_ =	shalt  }
0x40: {  	_ =	shalt  }
0x41: {  	_ =	shalt  }
0x42: {  	_ =	shalt  }
0x43: {  	_ =	shalt  }
0x44: {  	_ =	shalt  }
0x45: {  	_ =	shalt  }
0x46: {  	_ =	shalt  }
0x47: {  	_ =	shalt  }
0x48: {  	_ =	shalt  }
0x49: {  	_ =	shalt  }
0x4a: {  	_ =	shalt  }
0x4b: {  	_ =	shalt  }
0x4c: {  	_ =	shalt  }
0x4d: {  	_ =	shalt  }
0x4e: {  	_ =	shalt  }
0x4f: {  	_ =	shalt  }
0x50: {  	_ =	shalt  }
0x51: {  	_ =	shalt  }
0x52: {  	_ =	shalt  }
0x53: {  	_ =	shalt  }
0x54: {  	_ =	shalt  }
0x55: {  	_ =	shalt  }
0x56: {  	_ =	shalt  }
0x57: {  	_ =	shalt  }
0x58: {  	_ =	shalt  }
0x59: {  	_ =	shalt  }
0x5a: {  	_ =	shalt  }
0x5b: {  	_ =	shalt  }
0x5c: {  	_ =	shalt  }
0x5d: {  	_ =	shalt  }
0x5e: {  	_ =	shalt  }
0x5f: {  	_ =	shalt  }
0x60: {  	_ =	shalt  }
0x61: {  	_ =	shalt  }
0x62: {  	_ =	shalt  }
0x63: {  	_ =	shalt  }
0x64: {  	_ =	shalt  }
0x65: {  	_ =	shalt  }
0x66: {  	_ =	shalt  }
0x67: {  	_ =	shalt  }
0x68: {  	_ =	shalt  }
0x69: {  	_ =	shalt  }
0x6a: {  	_ =	shalt  }
0x6b: {  	_ =	shalt  }
0x6c: {  	_ =	shalt  }
0x6d: {  	_ =	shalt  }
0x6e: {  	_ =	shalt  }
0x6f: {  	_ =	shalt  }
0x70: {  	_ =	shalt  }
0x71: {  	_ =	shalt  }
0x72: {  	_ =	shalt  }
0x73: {  	_ =	shalt  }
0x74: {  	_ =	shalt  }
0x75: {  	_ =	shalt  }
0x76: {  	_ =	shalt  }
0x77: {  	_ =	shalt  }
0x78: {  	_ =	shalt  }
0x79: {  	_ =	shalt  }
0x7a: {  	_ =	shalt  }
0x7b: {  	_ =	shalt  }
0x7c: {  	_ =	shalt  }
0x7d: {  	_ =	shalt  }
0x7e: {  	_ =	shalt  }
0x7f: {  	_ =	shalt  }
0x80: {  	_ =	shalt  }
0x81: {  	_ =	shalt  }
0x82: {  	_ =	shalt  }
0x83: {  	_ =	shalt  }
0x84: {  	_ =	shalt  }
0x85: {  	_ =	shalt  }
0x86: {  	_ =	shalt  }
0x87: {  	_ =	shalt  }
.Lfunc_end0:
.L_simem_size_0:
called_computation.3_lowered:
.L_overlay_start_0:
0x88: {  	s2 =	sld [smem:$0x3FD9]  }
0x89: {  	s3 =	sld [smem:$0x3FFE];
	_ =	sdelay $0x1  }
0x8a: {  	s1 =	srdreg.scid  }
0x8b: {  	s0 =	sand.u32 $0x1, s1  }
0x8c: {  	s17 =	sshll.u32 s0, $0xA;
	s2 =	sadd.s32 s3, s2  }
0x8d: {  	s2 =	sadd.s32 s2, s17  }
0x8e: {  	[smem:$0x3FBF] =	sst s2  }
0x8f: {  	_ = 	snop  }
0x90: {  	s2 =	sld [smem:$0x3FD0];
	(tm) =	ssettm $0x1  }
0x91: {  	s18 =	sld [smem:$0x3FFB];
	_ =	sdelay $0x3  }
0x92: {  	_ =	strace s18  }
0x93: {  	s3 =	sld [smem:$0x3FFC];
	_ =	sdelay $0x3  }
0x94: {  	_ =	strace s3  }
0x95: {  	s3 =	sld [smem:$0x3FFD];
	_ =	sdelay $0x3  }
0x96: {  	_ =	strace s3  }
0x97: {  	_ =	strace $0x8FFFFFFF  }
0x98: {  	s19 =	sld [smem:$0x3FDB];
	_ =	sdelay $0x1  }
0x99: {  	s4 =	simm.s32 $_scs_section_size  }
0x9a: {  	s5 =	simm.s32 $_size__tile_overlayer_lowered;
	s6 =	simm.s32 $_tile_overlayer_lowered  }
0x9b: {  	s22 =	simm.s32 $0x1BFF;
	s21 =	sshll.u32 s6, $0x1;
	s3 =	sadd.s32 s4, s19  }
0x9c: {  	s7 =	simm.s32 $0x0;
	s20 =	sshll.u32 s5, $0x1;
	s5 =	sadd.s32 s21, s3  }
0x9d: {  	[timem:s7], [sflag:s22] =	dma.local [hbm:s5], s20  }
0x9e: {  	_ =	swait.ge [sflag:s22], s20  }
0x9f: {  	s4 =	ssub.s32 $0x0, s20;
	[sflag:s22] =	ssyncset.done $0x0  }
0xa0: {  	[sflag:s22] =	ssyncadd.s32 s4;
	_ =	sdelay $0x1  }
0xa1: {  	s23 =	simm.s32 $0x1B8B  }
0xa2: {  	_ =	swait.ge [sflag:s23], $0x1  }
0xa3: {  	[sflag:s23] =	ssyncset.done $0x0  }
0xa4: {  	s25 =	simm.s32 $0x1B8E;
	s24 =	sld [smem:$0x3FFE];
	[sflag:s23] =	ssyncadd.s32 $0xFFFFFFFF  }
0xa5: {  	s26 =	simm.s32 $execute0_lowered;
	[smem:$0x3FD2] =	sst s25  }
0xa6: {  	s5 =	sshll.u32 s26, $0x1;
	_ =	strace $0x8000004F;
	[dreg:$0x1] =	wrdreg $0xFFFFFFFF  }
0xa7: {  	s28 =	simm.s32 $_size_execute0_lowered;
	s3 =	sadd.s32 s3, s5;
	[dreg:$0x0] =	wrdreg $0x0  }
0xa8: {  	s5 =	sshll.u32 s28, $0x1;
	[dreg:$0x2] =	wrdreg s3  }
0xa9: {  	[dreg:$0x3] =	wrdreg s5  }
0xaa: {  	[dreg:$0x4] =	wrdreg $0xC0  }
0xab: {  	_ =	task [dreg:s7], $0x5FFFF  }
0xac: {  	[dreg:$0x1] =	wrdreg $0xFFFFFFFF  }
0xad: {  	[dreg:$0x0] =	wrdreg $0x60  }
0xae: {  	[dreg:$0x2] =	wrdreg s24  }
0xaf: {  	[dreg:$0x3] =	wrdreg s2  }
0xb0: {  	[dreg:$0x4] =	wrdreg $0x90000  }
0xb1: {  	[dreg:$0x5] =	wrdreg $0x9  }
0xb2: {  	_ =	task.clear_ibuf [dreg:s7], $0x6FFFF;
	_ =	strace $0x9000004F  }
0xb3: {  	s29 =	simm.s32 $0x9;
	_ =	strace $0x80000051  }
0xb4: {  	_ =	swait.ge [sflag:s29], $0x1  }
0xb5: {  	[sflag:s29] =	ssyncadd.s32 $0xFFFFFFFF  }
0xb6: {  	_ =	strace $0x90000051  }
0xb7: {  	_ =	sfence  }
0xb8: {  	s30 =	sld [smem:$0x0];
	_ =	sdelay $0x2  }
0xb9: {  	s31 =	sshll.u32 s1, $0xD;
	s1 =	sshrl.u32 s1, $0x2  }
0xba: {  	s3 =	sand.u32 $0x4000, s31;
	s1 =	sadd.s32 s1, s30  }
0xbb: {  	s0 =	sor.u32 s3, s0;
	s1 =	sshll.u32 s1, $0x11  }
0xbc: {  	s0 =	sor.u32 s1, s0  }
0xbd: {  	s0 =	sadd.s32 $0x8F2B, s0  }
0xbe: {  	[sflag:s0] =	ssyncadd.remote.s32 $0x1  }
0xbf: {  	_ =	sfence.sel $0xFFFF  }
0xc0: {  	[dreg:$0x0] =	wrdreg $0xFFFFFFFF;
	(pc) =	sbr.abs _section_cstart, $3  }
0xc1: {  	[dreg:$0x1] =	wrdreg $0xFFFFFFFF  }
0xc2: {  	_ =	task.clear_ibuf [dreg:s7], $0x2FFFF;
	_ =	strace $0x9FFFFFFF  }
0xc3: {  	(tm) =	ssettm $0x7FFFFFFF  }
tec
execute0_lowered:
.L_overlay_start_1:
0x0: {  	(tag) =	ssettag $0x1  }
0x1: {  	s0 =	rddreg [dreg:$0x0]  }
0x2: {  	s1 =	rddreg [dreg:$0x1];
	s3 =	srdreg.scid  }
0x3: {  	s2 =	rddreg [dreg:$0x2];
	s23 =	stileid.u32;
	s13 =	simm.s32 $0x180  }
0x4: {  	s14 =	simm.s32 $0x900;
	s15 =	simm.s32 $0x200;
	s17 =	simm.s32 $0x980  }
0x5: {  	s19 =	simm.s32 $0x280;
	s20 =	simm.s32 $0xA00;
	s21 =	simm.s32 $0x300  }
0x6: {  	s22 =	simm.s32 $0xA80;
	s28 =	simm.s32 $0xD00;
	s29 =	simm.s32 $0x600  }
0x7: {  	s5 =	sand.u32 $0x1, s3;
	s3 =	simm.s32 $0x0;
	s6 =	smul.u32 $0x2800, s23  }
0x8: {  	s30 =	simm.s32 $0xD80;
	s7 =	smul.u32 $0x2780, s23;
	[smem:$0x7FF] =	sst s3  }
0x9: {  	s8 =	smul.u32 $0x4F000, s23;
	_ =	strace $0x80000050;
	[dreg:$0x8] =	wrdreg s13  }
0xa: {  	s31 =	simm.s32 $0x680;
	s12 =	smul.u32 $0x13800, s23;
	[dreg:$0x9] =	wrdreg s14  }
0xb: {  	s25 =	sshll.u32 s23, $0x6;
	s26 =	smul.u32 $0x4E000, s23;
	[dreg:$0xa] =	wrdreg s15  }
0xc: {  	p0 =	seq.s32 s23, $0xF;
	s23 =	simm.s32 $0xC80;
	[dreg:$0xb] =	wrdreg s17  }
0xd: {  	s4 =	smul.u32 $0x28000, s5;
	s10 =	ssub.s32 $0x2, s5;
	[dreg:$0xc] =	wrdreg s19  }
0xe: {  	s5 =	smul.u32 $0x138800, s5;
	s7 =	sadd.s32 s7, s0;
	[dreg:$0xd] =	wrdreg s20  }
0xf: {  	s11 =	sshrl.u32 s10, $0x1;
	s8 =	sshrl.u32 s8, $0x2;
	[dreg:$0xe] =	wrdreg s21  }
0x10: {  	s13 =	simm.s32 $0x80;
	s14 =	simm.s32 $0x1000;
	[dreg:$0xf] =	wrdreg s22  }
0x11: {  	s15 =	simm.s32 $0x5000;
	s17 =	simm.s32 $0x2;
	s19 =	simm.s32 $0xB80  }
0x12: {  	s20 =	simm.s32 $0x480;
	s21 =	simm.s32 $0xC00;
	s22 =	simm.s32 $0x500  }
0x13: {  	s6 =	sadd.s32 s6, s4;
	s4 =	sadd.s32 $0xDC00, s0;
	s10 =	ssub.s32 s10, s11  }
0x14: {  	s8 =	sadd.s32 s8, s2;
	s7 =	sadd.s32 $0xAA000, s7;
	s24 =	sadd.s32 s12, s5  }
0x15: {  	s11 =	simm.s32 $0x100;
	s5 =	sshrl.u32 s5, $0x3;
	[dreg:$0x12] =	wrdreg s7  }
0x16: {  	s12 =	simm.s32 $0x880;
	s6 =	sshrl.u32 s6, $0x3;
	[dreg:$0x6] =	wrdreg s11  }
0x17: {  	s7 =	sshrl.u32 s24, $0x3;
	s24 =	sor.u32 $0x1C03, s25;
	[dreg:$0x7] =	wrdreg s12  }
0x18: {  	s16 =	smax.u32 s10, $0x1;
	s18 =	sshrl.u32 s8, $0x3;
	s11 =	simm.s32 $0x3  }
0x19: {  	s12 =	simm.s32 $0x800;
	s25 =	simm.s32 $0x380;
	[dreg:$0x16] =	wrdreg s16  }
0x1a: {  	s8 =	simm.s32 $0xF00;
	s9 =	sadd.s32 s6, s0;
	[dreg:$0x17] =	wrdreg s18  }
0x1b: {  	s0 =	sadd.s32 $0xD1800, s0;
	s1 =	sadd.s32 s6, s1;
	[dreg:$0x10] =	wrdreg s25  }
0x1c: {  	s16 =	simm.s32 $0x1;
	s18 =	simm.s32 $0x400;
	[dreg:$0x13] =	wrdreg s24  }
0x1d: {  	s25 =	simm.s32 $0x0;
	s7 =	sadd.s32 s0, s7;
	[dreg:$0x4] =	wrdreg s1  }
0x1e: {  	s9 =	sadd.s32 $0x3C00, s9;
	s0 =	sadd.s32 s0, s5;
	s1 =	sadd.s32 $0x124800, s2  }
0x1f: {  	s5 =	simm.s32 $0xE80;
	[dreg:$0x14] =	wrdreg s7;
	s7 =	sshrl.u32 s26, $0x2  }
0x20: {  	[dreg:$0x5] =	wrdreg s9;
	s0 =	sadd.s32 $0x24900, s0;
	s26 =	simm.s32 $0xB00  }
0x21: {  	s9 =	simm.s32 $0xF80;
	s6 =	sadd.s32 s7, s2;
	[dreg:$0x15] =	wrdreg s0  }
0x22: {  	[dreg:$0x11] =	wrdreg s26;
	s0 =	sshrl.u32 @p0 s1, $0x3;
	s26 =	simm.s32 $0x580  }
0x23: {  	s1 =	simm.s32 $0x700;
	[dreg:$0x18] =	wrdreg s0;
	s0 =	sshrl.u32 @!p0 s6, $0x3  }
0x24: {  	s7 =	simm.s32 $0x780;
	[dreg:$0x19] =	wrdreg s0;
	s0 =	simm.s32 $0xE00  }
.LBB2_1:
0x25: {  	[dreg:$0x1a] =	wrdreg s25  }
0x26: {  	s6 =	rddreg [dreg:$0x12]  }
0x27: {  	s10 =	rddreg [dreg:$0x17]  }
0x28: {  	[spmem:s10], [sflag:s24] =	dma.local [hbm:s6], $0x2780  }
0x29: {  	_ =	swait.ge [sflag:s11], $0x2780  }
0x2a: {  	[sflag:s11] =	ssyncset.done $0x0  }
0x2b: {  	[sflag:s11] =	ssyncadd.s32 $0xFFFFD880  }
0x2c: {  	[bflag:$0x0] =	sbarrier.arrive $0xFFFF  }
0x2d: {  	s24 =	rddreg [dreg:$0x5]  }
0x2e: {  	s6 =	sadd.s32 $0x0, s24  }
0x2f: {  	[tilespmem:s3], [sflag:$0x3] =	stream.linear.gather [hbm4b:s6+s3], $0x800, $0x38;
	[tilespmem:$0x1CC00] =	vst v63  }
0x30: {  	_ =	swait.ge [sflag:s11], $0x800  }
0x31: {  	s25 =	rddreg [dreg:$0x4];
	[sflag:s11] =	ssyncset.done $0x0  }
0x32: {  	[sflag:s11] =	ssyncadd.s32 $0xFFFFF800;
	s6 =	sadd.s32 $0x0, s25  }
0x33: {  	[tilespmem:s12], [sflag:$0x3] =	stream.linear.gather [hbm4b:s6+s3], $0x800, $0x38;
	[tilespmem:$0x1CC00] =	vst v63  }
0x34: {  	_ =	swait.ge [sflag:s11], $0x800  }
0x35: {  	[sflag:s11] =	ssyncset.done $0x0  }
0x36: {  	[sflag:s11] =	ssyncadd.s32 $0xFFFFF800  }
0x37: {  	[tilespmem:s14], [sflag:$0x1] =	stream.indirect.gather [hbm4b:s4+s13], $0x80, s3, s13, $0xb8;
	[tilespmem:$0x1CC00] =	vst v63  }
0x38: {  	_ = 	snop  }
0x39: {  	[tilespmem:s15], [sflag:$0x2] =	stream.indirect.gather [hbm4b:s4+s13], $0x80, s13, s13, $0xb8;
	[tilespmem:$0x1CC00] =	vst v63  }
0x3a: {  	_ =	swait.ge [sflag:s16], $0x4000  }
0x3b: {  	[sflag:s16] =	ssyncset.done $0x0  }
0x3c: {  	[sflag:s16] =	ssyncadd.s32 $0xFFFFC000  }
0x3d: {  	[spmem:s2] =	stream.indirect.scatter.add.f32 [tilespmem:s14], [sflag:$0x3], $0x80, s12, s13, $0xb8;
	[tilespmem:$0x1CC00] =	vst v63  }
0x3e: {  	_ =	swait.ge [sflag:s11], $0x4000  }
0x3f: {  	[sflag:s11] =	ssyncset.done $0x0  }
0x40: {  	s10 =	rddreg [dreg:$0x6];
	[sflag:s11] =	ssyncadd.s32 $0xFFFFC000  }
0x41: {  	[tilespmem:s14], [sflag:$0x1] =	stream.indirect.gather [hbm4b:s4+s13], $0x80, s10, s13, $0xb8;
	[tilespmem:$0x1CC00] =	vst v63  }
0x42: {  	_ =	swait.ge [sflag:s17], $0x4000  }
0x43: {  	[sflag:s17] =	ssyncset.done $0x0  }
0x44: {  	s24 =	rddreg [dreg:$0x7];
	[sflag:s17] =	ssyncadd.s32 $0xFFFFC000  }
0x45: {  	[spmem:s2] =	stream.indirect.scatter.add.f32 [tilespmem:s15], [sflag:$0x3], $0x80, s24, s13, $0xb8;
	[tilespmem:$0x1CC00] =	vst v63  }
0x46: {  	_ =	swait.ge [sflag:s11], $0x4000  }
0x47: {  	[sflag:s11] =	ssyncset.done $0x0  }
0x48: {  	s25 =	rddreg [dreg:$0x8];
	[sflag:s11] =	ssyncadd.s32 $0xFFFFC000  }
0x49: {  	[tilespmem:s15], [sflag:$0x2] =	stream.indirect.gather [hbm4b:s4+s13], $0x80, s25, s13, $0xb8;
	[tilespmem:$0x1CC00] =	vst v63  }
0x4a: {  	_ =	swait.ge [sflag:s16], $0x4000  }
0x4b: {  	[sflag:s16] =	ssyncset.done $0x0  }
0x4c: {  	s10 =	rddreg [dreg:$0x9];
	[sflag:s16] =	ssyncadd.s32 $0xFFFFC000  }
0x4d: {  	[spmem:s2] =	stream.indirect.scatter.add.f32 [tilespmem:s14], [sflag:$0x3], $0x80, s10, s13, $0xb8;
	[tilespmem:$0x1CC00] =	vst v63  }
0x4e: {  	_ =	swait.ge [sflag:s11], $0x4000  }
0x4f: {  	[sflag:s11] =	ssyncset.done $0x0  }
0x50: {  	s24 =	rddreg [dreg:$0xa];
	[sflag:s11] =	ssyncadd.s32 $0xFFFFC000  }
0x51: {  	[tilespmem:s14], [sflag:$0x1] =	stream.indirect.gather [hbm4b:s4+s13], $0x80, s24, s13, $0xb8;
	[tilespmem:$0x1CC00] =	vst v63  }
0x52: {  	_ =	swait.ge [sflag:s17], $0x4000  }
0x53: {  	[sflag:s17] =	ssyncset.done $0x0  }
0x54: {  	s25 =	rddreg [dreg:$0xb];
	[sflag:s17] =	ssyncadd.s32 $0xFFFFC000  }
0x55: {  	[spmem:s2] =	stream.indirect.scatter.add.f32 [tilespmem:s15], [sflag:$0x3], $0x80, s25, s13, $0xb8;
	[tilespmem:$0x1CC00] =	vst v63  }
0x56: {  	_ =	swait.ge [sflag:s11], $0x4000  }
0x57: {  	[sflag:s11] =	ssyncset.done $0x0  }
0x58: {  	s10 =	rddreg [dreg:$0xc];
	[sflag:s11] =	ssyncadd.s32 $0xFFFFC000  }
0x59: {  	[tilespmem:s15], [sflag:$0x2] =	stream.indirect.gather [hbm4b:s4+s13], $0x80, s10, s13, $0xb8;
	[tilespmem:$0x1CC00] =	vst v63  }
0x5a: {  	_ =	swait.ge [sflag:s16], $0x4000  }
0x5b: {  	[sflag:s16] =	ssyncset.done $0x0  }
0x5c: {  	s24 =	rddreg [dreg:$0xd];
	[sflag:s16] =	ssyncadd.s32 $0xFFFFC000  }
0x5d: {  	[spmem:s2] =	stream.indirect.scatter.add.f32 [tilespmem:s14], [sflag:$0x3], $0x80, s24, s13, $0xb8;
	[tilespmem:$0x1CC00] =	vst v63  }
0x5e: {  	_ =	swait.ge [sflag:s11], $0x4000  }
0x5f: {  	[sflag:s11] =	ssyncset.done $0x0  }
0x60: {  	s25 =	rddreg [dreg:$0xe];
	[sflag:s11] =	ssyncadd.s32 $0xFFFFC000  }
0x61: {  	[tilespmem:s14], [sflag:$0x1] =	stream.indirect.gather [hbm4b:s4+s13], $0x80, s25, s13, $0xb8;
	[tilespmem:$0x1CC00] =	vst v63  }
0x62: {  	_ =	swait.ge [sflag:s17], $0x4000  }
0x63: {  	[sflag:s17] =	ssyncset.done $0x0  }
0x64: {  	s10 =	rddreg [dreg:$0xf];
	[sflag:s17] =	ssyncadd.s32 $0xFFFFC000  }
0x65: {  	[spmem:s2] =	stream.indirect.scatter.add.f32 [tilespmem:s15], [sflag:$0x3], $0x80, s10, s13, $0xb8;
	[tilespmem:$0x1CC00] =	vst v63  }
0x66: {  	_ =	swait.ge [sflag:s11], $0x4000  }
0x67: {  	[sflag:s11] =	ssyncset.done $0x0  }
0x68: {  	s24 =	rddreg [dreg:$0x10];
	[sflag:s11] =	ssyncadd.s32 $0xFFFFC000  }
0x69: {  	[tilespmem:s15], [sflag:$0x2] =	stream.indirect.gather [hbm4b:s4+s13], $0x80, s24, s13, $0xb8;
	[tilespmem:$0x1CC00] =	vst v63  }
0x6a: {  	_ =	swait.ge [sflag:s16], $0x4000  }
0x6b: {  	[sflag:s16] =	ssyncset.done $0x0  }
0x6c: {  	s25 =	rddreg [dreg:$0x11];
	[sflag:s16] =	ssyncadd.s32 $0xFFFFC000  }
0x6d: {  	[spmem:s2] =	stream.indirect.scatter.add.f32 [tilespmem:s14], [sflag:$0x3], $0x80, s25, s13, $0xb8;
	[tilespmem:$0x1CC00] =	vst v63  }
0x6e: {  	_ =	swait.ge [sflag:s11], $0x4000  }
0x6f: {  	[sflag:s11] =	ssyncset.done $0x0  }
0x70: {  	[sflag:s11] =	ssyncadd.s32 $0xFFFFC000  }
0x71: {  	[tilespmem:s14], [sflag:$0x1] =	stream.indirect.gather [hbm4b:s4+s13], $0x80, s18, s13, $0xb8;
	[tilespmem:$0x1CC00] =	vst v63  }
0x72: {  	_ =	swait.ge [sflag:s17], $0x4000  }
0x73: {  	[sflag:s17] =	ssyncset.done $0x0  }
0x74: {  	[sflag:s17] =	ssyncadd.s32 $0xFFFFC000  }
0x75: {  	[spmem:s2] =	stream.indirect.scatter.add.f32 [tilespmem:s15], [sflag:$0x3], $0x80, s19, s13, $0xb8;
	[tilespmem:$0x1CC00] =	vst v63  }
0x76: {  	_ =	swait.ge [sflag:s11], $0x4000  }
0x77: {  	[sflag:s11] =	ssyncset.done $0x0  }
0x78: {  	[sflag:s11] =	ssyncadd.s32 $0xFFFFC000  }
0x79: {  	[tilespmem:s15], [sflag:$0x2] =	stream.indirect.gather [hbm4b:s4+s13], $0x80, s20, s13, $0xb8;
	[tilespmem:$0x1CC00] =	vst v63  }
0x7a: {  	_ =	swait.ge [sflag:s16], $0x4000  }
0x7b: {  	[sflag:s16] =	ssyncset.done $0x0  }
0x7c: {  	[sflag:s16] =	ssyncadd.s32 $0xFFFFC000  }
0x7d: {  	[spmem:s2] =	stream.indirect.scatter.add.f32 [tilespmem:s14], [sflag:$0x3], $0x80, s21, s13, $0xb8;
	[tilespmem:$0x1CC00] =	vst v63  }
0x7e: {  	_ =	swait.ge [sflag:s11], $0x4000  }
0x7f: {  	[sflag:s11] =	ssyncset.done $0x0  }
0x80: {  	[sflag:s11] =	ssyncadd.s32 $0xFFFFC000  }
0x81: {  	[tilespmem:s14], [sflag:$0x1] =	stream.indirect.gather [hbm4b:s4+s13], $0x80, s22, s13, $0xb8;
	[tilespmem:$0x1CC00] =	vst v63  }
0x82: {  	_ =	swait.ge [sflag:s17], $0x4000  }
0x83: {  	[sflag:s17] =	ssyncset.done $0x0  }
0x84: {  	[sflag:s17] =	ssyncadd.s32 $0xFFFFC000  }
0x85: {  	[spmem:s2] =	stream.indirect.scatter.add.f32 [tilespmem:s15], [sflag:$0x3], $0x80, s23, s13, $0xb8;
	[tilespmem:$0x1CC00] =	vst v63  }
0x86: {  	_ =	swait.ge [sflag:s11], $0x4000  }
0x87: {  	[sflag:s11] =	ssyncset.done $0x0  }
0x88: {  	[sflag:s11] =	ssyncadd.s32 $0xFFFFC000  }
0x89: {  	[tilespmem:s15], [sflag:$0x2] =	stream.indirect.gather [hbm4b:s4+s13], $0x80, s26, s13, $0xb8;
	[tilespmem:$0x1CC00] =	vst v63  }
0x8a: {  	_ =	swait.ge [sflag:s16], $0x4000  }
0x8b: {  	[sflag:s16] =	ssyncset.done $0x0  }
0x8c: {  	[sflag:s16] =	ssyncadd.s32 $0xFFFFC000  }
0x8d: {  	[spmem:s2] =	stream.indirect.scatter.add.f32 [tilespmem:s14], [sflag:$0x3], $0x80, s28, s13, $0xb8;
	[tilespmem:$0x1CC00] =	vst v63  }
0x8e: {  	_ =	swait.ge [sflag:s11], $0x4000  }
0x8f: {  	[sflag:s11] =	ssyncset.done $0x0  }
0x90: {  	[sflag:s11] =	ssyncadd.s32 $0xFFFFC000  }
0x91: {  	[tilespmem:s14], [sflag:$0x1] =	stream.indirect.gather [hbm4b:s4+s13], $0x80, s29, s13, $0xb8;
	[tilespmem:$0x1CC00] =	vst v63  }
0x92: {  	_ =	swait.ge [sflag:s17], $0x4000  }
0x93: {  	[sflag:s17] =	ssyncset.done $0x0  }
0x94: {  	[sflag:s17] =	ssyncadd.s32 $0xFFFFC000  }
0x95: {  	[spmem:s2] =	stream.indirect.scatter.add.f32 [tilespmem:s15], [sflag:$0x3], $0x80, s30, s13, $0xb8;
	[tilespmem:$0x1CC00] =	vst v63  }
0x96: {  	_ =	swait.ge [sflag:s11], $0x4000  }
0x97: {  	[sflag:s11] =	ssyncset.done $0x0  }
0x98: {  	[sflag:s11] =	ssyncadd.s32 $0xFFFFC000  }
0x99: {  	[tilespmem:s15], [sflag:$0x2] =	stream.indirect.gather [hbm4b:s4+s13], $0x80, s31, s13, $0xb8;
	[tilespmem:$0x1CC00] =	vst v63  }
0x9a: {  	_ =	swait.ge [sflag:s16], $0x4000  }
0x9b: {  	[sflag:s16] =	ssyncset.done $0x0  }
0x9c: {  	[sflag:s16] =	ssyncadd.s32 $0xFFFFC000  }
0x9d: {  	[spmem:s2] =	stream.indirect.scatter.add.f32 [tilespmem:s14], [sflag:$0x3], $0x80, s0, s13, $0xb8;
	[tilespmem:$0x1CC00] =	vst v63  }
0x9e: {  	_ =	swait.ge [sflag:s11], $0x4000  }
0x9f: {  	[sflag:s11] =	ssyncset.done $0x0  }
0xa0: {  	[sflag:s11] =	ssyncadd.s32 $0xFFFFC000  }
0xa1: {  	[tilespmem:s14], [sflag:$0x1] =	stream.indirect.gather [hbm4b:s4+s13], $0x80, s1, s13, $0xb8;
	[tilespmem:$0x1CC00] =	vst v63  }
0xa2: {  	_ =	swait.ge [sflag:s17], $0x4000  }
0xa3: {  	[sflag:s17] =	ssyncset.done $0x0  }
0xa4: {  	[sflag:s17] =	ssyncadd.s32 $0xFFFFC000  }
0xa5: {  	[spmem:s2] =	stream.indirect.scatter.add.f32 [tilespmem:s15], [sflag:$0x3], $0x80, s5, s13, $0xb8;
	[tilespmem:$0x1CC00] =	vst v63  }
0xa6: {  	_ =	swait.ge [sflag:s11], $0x4000  }
0xa7: {  	[sflag:s11] =	ssyncset.done $0x0  }
0xa8: {  	[sflag:s11] =	ssyncadd.s32 $0xFFFFC000  }
0xa9: {  	[tilespmem:s15], [sflag:$0x2] =	stream.indirect.gather [hbm4b:s4+s13], $0x80, s7, s13, $0xb8;
	[tilespmem:$0x1CC00] =	vst v63  }
0xaa: {  	_ =	swait.ge [sflag:s16], $0x4000  }
0xab: {  	[sflag:s16] =	ssyncset.done $0x0  }
0xac: {  	[sflag:s16] =	ssyncadd.s32 $0xFFFFC000  }
0xad: {  	[spmem:s2] =	stream.indirect.scatter.add.f32 [tilespmem:s14], [sflag:$0x3], $0x80, s8, s13, $0xb8;
	[tilespmem:$0x1CC00] =	vst v63  }
0xae: {  	_ =	swait.ge [sflag:s11], $0x4000  }
0xaf: {  	[sflag:s11] =	ssyncset.done $0x0  }
0xb0: {  	[sflag:s11] =	ssyncadd.s32 $0xFFFFC000  }
0xb1: {  	_ =	swait.ge [sflag:s17], $0x4000  }
0xb2: {  	[sflag:s17] =	ssyncset.done $0x0  }
0xb3: {  	[sflag:s17] =	ssyncadd.s32 $0xFFFFC000  }
0xb4: {  	[spmem:s2] =	stream.indirect.scatter.add.f32 [tilespmem:s15], [sflag:$0x3], $0x80, s9, s13, $0xb8;
	[tilespmem:$0x1CC00] =	vst v63  }
0xb5: {  	s24 =	simm.s32 $0x100;
	_ =	swait.ge [sflag:s11], $0x4000  }
0xb6: {  	s25 =	simm.s32 $0x200;
	s6 =	rddreg [dreg:$0x5];
	[sflag:s11] =	ssyncset.done $0x0  }
.LBB2_2:
0xb7: {  	[sflag:s11] =	ssyncadd.s32 $0xFFFFC000;
	s6 =	sadd.s32 s24, s6  }
0xb8: {  	[tilespmem:s3], [sflag:$0x3] =	stream.linear.gather [hbm4b:s6+s3], $0x800, $0x38;
	[tilespmem:$0x1CC00] =	vst v63  }
0xb9: {  	_ =	swait.ge [sflag:s11], $0x800  }
0xba: {  	s6 =	rddreg [dreg:$0x4];
	[sflag:s11] =	ssyncset.done $0x0  }
0xbb: {  	[sflag:s11] =	ssyncadd.s32 $0xFFFFF800;
	s6 =	sadd.s32 s24, s6  }
0xbc: {  	[tilespmem:s12], [sflag:$0x3] =	stream.linear.gather [hbm4b:s6+s3], $0x800, $0x38;
	[tilespmem:$0x1CC00] =	vst v63  }
0xbd: {  	_ =	swait.ge [sflag:s11], $0x800  }
0xbe: {  	[sflag:s11] =	ssyncset.done $0x0  }
0xbf: {  	[sflag:s11] =	ssyncadd.s32 $0xFFFFF800  }
0xc0: {  	[tilespmem:s14], [sflag:$0x1] =	stream.indirect.gather [hbm4b:s4+s13], $0x80, s3, s13, $0xb8;
	[tilespmem:$0x1CC00] =	vst v63  }
0xc1: {  	_ = 	snop  }
0xc2: {  	[tilespmem:s15], [sflag:$0x2] =	stream.indirect.gather [hbm4b:s4+s13], $0x80, s13, s13, $0xb8;
	[tilespmem:$0x1CC00] =	vst v63  }
0xc3: {  	_ =	swait.ge [sflag:s16], $0x4000  }
0xc4: {  	[sflag:s16] =	ssyncset.done $0x0  }
0xc5: {  	[sflag:s16] =	ssyncadd.s32 $0xFFFFC000  }
0xc6: {  	[spmem:s2] =	stream.indirect.scatter.add.f32 [tilespmem:s14], [sflag:$0x3], $0x80, s12, s13, $0xb8;
	[tilespmem:$0x1CC00] =	vst v63  }
0xc7: {  	_ =	swait.ge [sflag:s11], $0x4000  }
0xc8: {  	s10 =	smov.u32 s25;
	[sflag:s11] =	ssyncset.done $0x0  }
0xc9: {  	s24 =	smov.u32 s10;
	s10 =	rddreg [dreg:$0x6];
	[sflag:s11] =	ssyncadd.s32 $0xFFFFC000  }
0xca: {  	[tilespmem:s14], [sflag:$0x1] =	stream.indirect.gather [hbm4b:s4+s13], $0x80, s10, s13, $0xb8;
	[tilespmem:$0x1CC00] =	vst v63  }
0xcb: {  	_ =	swait.ge [sflag:s17], $0x4000  }
0xcc: {  	[sflag:s17] =	ssyncset.done $0x0  }
0xcd: {  	s10 =	rddreg [dreg:$0x7];
	[sflag:s17] =	ssyncadd.s32 $0xFFFFC000  }
0xce: {  	[spmem:s2] =	stream.indirect.scatter.add.f32 [tilespmem:s15], [sflag:$0x3], $0x80, s10, s13, $0xb8;
	[tilespmem:$0x1CC00] =	vst v63  }
0xcf: {  	_ =	swait.ge [sflag:s11], $0x4000  }
0xd0: {  	[sflag:s11] =	ssyncset.done $0x0  }
0xd1: {  	s10 =	rddreg [dreg:$0x8];
	[sflag:s11] =	ssyncadd.s32 $0xFFFFC000  }
0xd2: {  	[tilespmem:s15], [sflag:$0x2] =	stream.indirect.gather [hbm4b:s4+s13], $0x80, s10, s13, $0xb8;
	[tilespmem:$0x1CC00] =	vst v63  }
0xd3: {  	_ =	swait.ge [sflag:s16], $0x4000  }
0xd4: {  	[sflag:s16] =	ssyncset.done $0x0  }
0xd5: {  	s10 =	rddreg [dreg:$0x9];
	[sflag:s16] =	ssyncadd.s32 $0xFFFFC000  }
0xd6: {  	[spmem:s2] =	stream.indirect.scatter.add.f32 [tilespmem:s14], [sflag:$0x3], $0x80, s10, s13, $0xb8;
	[tilespmem:$0x1CC00] =	vst v63  }
0xd7: {  	_ =	swait.ge [sflag:s11], $0x4000  }
0xd8: {  	[sflag:s11] =	ssyncset.done $0x0  }
0xd9: {  	s10 =	rddreg [dreg:$0xa];
	[sflag:s11] =	ssyncadd.s32 $0xFFFFC000  }
0xda: {  	[tilespmem:s14], [sflag:$0x1] =	stream.indirect.gather [hbm4b:s4+s13], $0x80, s10, s13, $0xb8;
	[tilespmem:$0x1CC00] =	vst v63  }
0xdb: {  	_ =	swait.ge [sflag:s17], $0x4000  }
0xdc: {  	[sflag:s17] =	ssyncset.done $0x0  }
0xdd: {  	s10 =	rddreg [dreg:$0xb];
	[sflag:s17] =	ssyncadd.s32 $0xFFFFC000  }
0xde: {  	[spmem:s2] =	stream.indirect.scatter.add.f32 [tilespmem:s15], [sflag:$0x3], $0x80, s10, s13, $0xb8;
	[tilespmem:$0x1CC00] =	vst v63  }
0xdf: {  	_ =	swait.ge [sflag:s11], $0x4000  }
0xe0: {  	[sflag:s11] =	ssyncset.done $0x0  }
0xe1: {  	s10 =	rddreg [dreg:$0xc];
	[sflag:s11] =	ssyncadd.s32 $0xFFFFC000  }
0xe2: {  	[tilespmem:s15], [sflag:$0x2] =	stream.indirect.gather [hbm4b:s4+s13], $0x80, s10, s13, $0xb8;
	[tilespmem:$0x1CC00] =	vst v63  }
0xe3: {  	_ =	swait.ge [sflag:s16], $0x4000  }
0xe4: {  	[sflag:s16] =	ssyncset.done $0x0  }
0xe5: {  	s10 =	rddreg [dreg:$0xd];
	[sflag:s16] =	ssyncadd.s32 $0xFFFFC000  }
0xe6: {  	[spmem:s2] =	stream.indirect.scatter.add.f32 [tilespmem:s14], [sflag:$0x3], $0x80, s10, s13, $0xb8;
	[tilespmem:$0x1CC00] =	vst v63  }
0xe7: {  	_ =	swait.ge [sflag:s11], $0x4000  }
0xe8: {  	[sflag:s11] =	ssyncset.done $0x0  }
0xe9: {  	s10 =	rddreg [dreg:$0xe];
	[sflag:s11] =	ssyncadd.s32 $0xFFFFC000  }
0xea: {  	[tilespmem:s14], [sflag:$0x1] =	stream.indirect.gather [hbm4b:s4+s13], $0x80, s10, s13, $0xb8;
	[tilespmem:$0x1CC00] =	vst v63  }
0xeb: {  	_ =	swait.ge [sflag:s17], $0x4000  }
0xec: {  	[sflag:s17] =	ssyncset.done $0x0  }
0xed: {  	s10 =	rddreg [dreg:$0xf];
	[sflag:s17] =	ssyncadd.s32 $0xFFFFC000  }
0xee: {  	[spmem:s2] =	stream.indirect.scatter.add.f32 [tilespmem:s15], [sflag:$0x3], $0x80, s10, s13, $0xb8;
	[tilespmem:$0x1CC00] =	vst v63  }
0xef: {  	_ =	swait.ge [sflag:s11], $0x4000  }
0xf0: {  	[sflag:s11] =	ssyncset.done $0x0  }
0xf1: {  	s10 =	rddreg [dreg:$0x10];
	[sflag:s11] =	ssyncadd.s32 $0xFFFFC000  }
0xf2: {  	[tilespmem:s15], [sflag:$0x2] =	stream.indirect.gather [hbm4b:s4+s13], $0x80, s10, s13, $0xb8;
	[tilespmem:$0x1CC00] =	vst v63  }
0xf3: {  	_ =	swait.ge [sflag:s16], $0x4000  }
0xf4: {  	[sflag:s16] =	ssyncset.done $0x0  }
0xf5: {  	s10 =	rddreg [dreg:$0x11];
	[sflag:s16] =	ssyncadd.s32 $0xFFFFC000  }
0xf6: {  	[spmem:s2] =	stream.indirect.scatter.add.f32 [tilespmem:s14], [sflag:$0x3], $0x80, s10, s13, $0xb8;
	[tilespmem:$0x1CC00] =	vst v63  }
0xf7: {  	_ =	swait.ge [sflag:s11], $0x4000  }
0xf8: {  	[sflag:s11] =	ssyncset.done $0x0  }
0xf9: {  	[sflag:s11] =	ssyncadd.s32 $0xFFFFC000  }
0xfa: {  	[tilespmem:s14], [sflag:$0x1] =	stream.indirect.gather [hbm4b:s4+s13], $0x80, s18, s13, $0xb8;
	[tilespmem:$0x1CC00] =	vst v63  }
0xfb: {  	_ =	swait.ge [sflag:s17], $0x4000  }
0xfc: {  	[sflag:s17] =	ssyncset.done $0x0  }
0xfd: {  	[sflag:s17] =	ssyncadd.s32 $0xFFFFC000  }
0xfe: {  	[spmem:s2] =	stream.indirect.scatter.add.f32 [tilespmem:s15], [sflag:$0x3], $0x80, s19, s13, $0xb8;
	[tilespmem:$0x1CC00] =	vst v63  }
0xff: {  	_ =	swait.ge [sflag:s11], $0x4000  }
0x100: {  	[sflag:s11] =	ssyncset.done $0x0  }
0x101: {  	[sflag:s11] =	ssyncadd.s32 $0xFFFFC000  }
0x102: {  	[tilespmem:s15], [sflag:$0x2] =	stream.indirect.gather [hbm4b:s4+s13], $0x80, s20, s13, $0xb8;
	[tilespmem:$0x1CC00] =	vst v63  }
0x103: {  	_ =	swait.ge [sflag:s16], $0x4000  }
0x104: {  	[sflag:s16] =	ssyncset.done $0x0  }
0x105: {  	[sflag:s16] =	ssyncadd.s32 $0xFFFFC000  }
0x106: {  	[spmem:s2] =	stream.indirect.scatter.add.f32 [tilespmem:s14], [sflag:$0x3], $0x80, s21, s13, $0xb8;
	[tilespmem:$0x1CC00] =	vst v63  }
0x107: {  	_ =	swait.ge [sflag:s11], $0x4000  }
0x108: {  	[sflag:s11] =	ssyncset.done $0x0  }
0x109: {  	[sflag:s11] =	ssyncadd.s32 $0xFFFFC000  }
0x10a: {  	[tilespmem:s14], [sflag:$0x1] =	stream.indirect.gather [hbm4b:s4+s13], $0x80, s22, s13, $0xb8;
	[tilespmem:$0x1CC00] =	vst v63  }
0x10b: {  	_ =	swait.ge [sflag:s17], $0x4000  }
0x10c: {  	[sflag:s17] =	ssyncset.done $0x0  }
0x10d: {  	[sflag:s17] =	ssyncadd.s32 $0xFFFFC000  }
0x10e: {  	[spmem:s2] =	stream.indirect.scatter.add.f32 [tilespmem:s15], [sflag:$0x3], $0x80, s23, s13, $0xb8;
	[tilespmem:$0x1CC00] =	vst v63  }
0x10f: {  	_ =	swait.ge [sflag:s11], $0x4000  }
0x110: {  	[sflag:s11] =	ssyncset.done $0x0  }
0x111: {  	[sflag:s11] =	ssyncadd.s32 $0xFFFFC000  }
0x112: {  	[tilespmem:s15], [sflag:$0x2] =	stream.indirect.gather [hbm4b:s4+s13], $0x80, s26, s13, $0xb8;
	[tilespmem:$0x1CC00] =	vst v63  }
0x113: {  	_ =	swait.ge [sflag:s16], $0x4000  }
0x114: {  	[sflag:s16] =	ssyncset.done $0x0  }
0x115: {  	[sflag:s16] =	ssyncadd.s32 $0xFFFFC000  }
0x116: {  	[spmem:s2] =	stream.indirect.scatter.add.f32 [tilespmem:s14], [sflag:$0x3], $0x80, s28, s13, $0xb8;
	[tilespmem:$0x1CC00] =	vst v63  }
0x117: {  	_ =	swait.ge [sflag:s11], $0x4000  }
0x118: {  	[sflag:s11] =	ssyncset.done $0x0  }
0x119: {  	[sflag:s11] =	ssyncadd.s32 $0xFFFFC000  }
0x11a: {  	[tilespmem:s14], [sflag:$0x1] =	stream.indirect.gather [hbm4b:s4+s13], $0x80, s29, s13, $0xb8;
	[tilespmem:$0x1CC00] =	vst v63  }
0x11b: {  	_ =	swait.ge [sflag:s17], $0x4000  }
0x11c: {  	[sflag:s17] =	ssyncset.done $0x0  }
0x11d: {  	[sflag:s17] =	ssyncadd.s32 $0xFFFFC000  }
0x11e: {  	[spmem:s2] =	stream.indirect.scatter.add.f32 [tilespmem:s15], [sflag:$0x3], $0x80, s30, s13, $0xb8;
	[tilespmem:$0x1CC00] =	vst v63  }
0x11f: {  	_ =	swait.ge [sflag:s11], $0x4000  }
0x120: {  	[sflag:s11] =	ssyncset.done $0x0  }
0x121: {  	[sflag:s11] =	ssyncadd.s32 $0xFFFFC000  }
0x122: {  	[tilespmem:s15], [sflag:$0x2] =	stream.indirect.gather [hbm4b:s4+s13], $0x80, s31, s13, $0xb8;
	[tilespmem:$0x1CC00] =	vst v63  }
0x123: {  	_ =	swait.ge [sflag:s16], $0x4000  }
0x124: {  	[sflag:s16] =	ssyncset.done $0x0  }
0x125: {  	[sflag:s16] =	ssyncadd.s32 $0xFFFFC000  }
0x126: {  	[spmem:s2] =	stream.indirect.scatter.add.f32 [tilespmem:s14], [sflag:$0x3], $0x80, s0, s13, $0xb8;
	[tilespmem:$0x1CC00] =	vst v63  }
0x127: {  	_ =	swait.ge [sflag:s11], $0x4000  }
0x128: {  	[sflag:s11] =	ssyncset.done $0x0  }
0x129: {  	[sflag:s11] =	ssyncadd.s32 $0xFFFFC000  }
0x12a: {  	[tilespmem:s14], [sflag:$0x1] =	stream.indirect.gather [hbm4b:s4+s13], $0x80, s1, s13, $0xb8;
	[tilespmem:$0x1CC00] =	vst v63  }
0x12b: {  	_ =	swait.ge [sflag:s17], $0x4000  }
0x12c: {  	[sflag:s17] =	ssyncset.done $0x0  }
0x12d: {  	[sflag:s17] =	ssyncadd.s32 $0xFFFFC000  }
0x12e: {  	[spmem:s2] =	stream.indirect.scatter.add.f32 [tilespmem:s15], [sflag:$0x3], $0x80, s5, s13, $0xb8;
	[tilespmem:$0x1CC00] =	vst v63  }
0x12f: {  	_ =	swait.ge [sflag:s11], $0x4000  }
0x130: {  	[sflag:s11] =	ssyncset.done $0x0  }
0x131: {  	[sflag:s11] =	ssyncadd.s32 $0xFFFFC000  }
0x132: {  	[tilespmem:s15], [sflag:$0x2] =	stream.indirect.gather [hbm4b:s4+s13], $0x80, s7, s13, $0xb8;
	[tilespmem:$0x1CC00] =	vst v63  }
0x133: {  	_ =	swait.ge [sflag:s16], $0x4000  }
0x134: {  	[sflag:s16] =	ssyncset.done $0x0  }
0x135: {  	[sflag:s16] =	ssyncadd.s32 $0xFFFFC000  }
0x136: {  	[spmem:s2] =	stream.indirect.scatter.add.f32 [tilespmem:s14], [sflag:$0x3], $0x80, s8, s13, $0xb8;
	[tilespmem:$0x1CC00] =	vst v63  }
0x137: {  	_ =	swait.ge [sflag:s11], $0x4000  }
0x138: {  	[sflag:s11] =	ssyncset.done $0x0  }
0x139: {  	[sflag:s11] =	ssyncadd.s32 $0xFFFFC000  }
0x13a: {  	p1 =	sne.s32 s25, $0x400;
	_ =	swait.ge [sflag:s17], $0x4000  }
.Ltmp0:
0x13b: {  	[sflag:s17] =	ssyncset.done $0x0;
	(pc) =	sbr.rel @p1 .LBB2_2-.Ltmp0, $4  }
0x13c: {  	[sflag:s17] =	ssyncadd.s32 $0xFFFFC000  }
0x13d: {  	[spmem:s2] =	stream.indirect.scatter.add.f32 [tilespmem:s15], [sflag:$0x3], $0x80, s9, s13, $0xb8;
	[tilespmem:$0x1CC00] =	vst v63  }
0x13e: {  	_ =	swait.ge [sflag:s11], $0x4000  }
0x13f: {  	s25 =	sadd.s32 $0x100, s25;
	s6 =	rddreg [dreg:$0x5];
	[sflag:s11] =	ssyncset.done $0x0  }
0x140: {  	[sflag:s11] =	ssyncadd.s32 $0xFFFFC000;
	s6 =	sadd.s32 s24, s6  }
0x141: {  	[tilespmem:s3], [sflag:$0x3] =	stream.linear.gather [hbm4b:s6+s3], $0x800, $0x38;
	[tilespmem:$0x1CC00] =	vst v63  }
0x142: {  	_ =	swait.ge [sflag:s11], $0x800  }
0x143: {  	s25 =	rddreg [dreg:$0x4];
	[sflag:s11] =	ssyncset.done $0x0  }
0x144: {  	s6 =	sadd.s32 s24, s25;
	[sflag:s11] =	ssyncadd.s32 $0xFFFFF800  }
0x145: {  	[tilespmem:s12], [sflag:$0x3] =	stream.linear.gather [hbm4b:s6+s3], $0x800, $0x38;
	[tilespmem:$0x1CC00] =	vst v63  }
0x146: {  	_ =	swait.ge [sflag:s11], $0x800  }
0x147: {  	[sflag:s11] =	ssyncset.done $0x0  }
0x148: {  	[sflag:s11] =	ssyncadd.s32 $0xFFFFF800  }
0x149: {  	[tilespmem:s14], [sflag:$0x1] =	stream.indirect.gather [hbm4b:s4+s13], $0x80, s3, s13, $0xb8;
	[tilespmem:$0x1CC00] =	vst v63  }
0x14a: {  	_ = 	snop  }
0x14b: {  	[tilespmem:s15], [sflag:$0x2] =	stream.indirect.gather [hbm4b:s4+s13], $0x80, s13, s13, $0xb8;
	[tilespmem:$0x1CC00] =	vst v63  }
0x14c: {  	_ =	swait.ge [sflag:s16], $0x4000  }
0x14d: {  	[sflag:s16] =	ssyncset.done $0x0  }
0x14e: {  	[sflag:s16] =	ssyncadd.s32 $0xFFFFC000  }
0x14f: {  	[spmem:s2] =	stream.indirect.scatter.add.f32 [tilespmem:s14], [sflag:$0x3], $0x80, s12, s13, $0xb8;
	[tilespmem:$0x1CC00] =	vst v63  }
0x150: {  	_ =	swait.ge [sflag:s11], $0x4000  }
0x151: {  	[sflag:s11] =	ssyncset.done $0x0  }
0x152: {  	s10 =	rddreg [dreg:$0x6];
	[sflag:s11] =	ssyncadd.s32 $0xFFFFC000  }
0x153: {  	[tilespmem:s14], [sflag:$0x1] =	stream.indirect.gather [hbm4b:s4+s13], $0x80, s10, s13, $0xb8;
	[tilespmem:$0x1CC00] =	vst v63  }
0x154: {  	_ =	swait.ge [sflag:s17], $0x4000  }
0x155: {  	[sflag:s17] =	ssyncset.done $0x0  }
0x156: {  	s24 =	rddreg [dreg:$0x7];
	[sflag:s17] =	ssyncadd.s32 $0xFFFFC000  }
0x157: {  	[spmem:s2] =	stream.indirect.scatter.add.f32 [tilespmem:s15], [sflag:$0x3], $0x80, s24, s13, $0xb8;
	[tilespmem:$0x1CC00] =	vst v63  }
0x158: {  	_ =	swait.ge [sflag:s11], $0x4000  }
0x159: {  	[sflag:s11] =	ssyncset.done $0x0  }
0x15a: {  	s25 =	rddreg [dreg:$0x8];
	[sflag:s11] =	ssyncadd.s32 $0xFFFFC000  }
0x15b: {  	[tilespmem:s15], [sflag:$0x2] =	stream.indirect.gather [hbm4b:s4+s13], $0x80, s25, s13, $0xb8;
	[tilespmem:$0x1CC00] =	vst v63  }
0x15c: {  	_ =	swait.ge [sflag:s16], $0x4000  }
0x15d: {  	[sflag:s16] =	ssyncset.done $0x0  }
0x15e: {  	s10 =	rddreg [dreg:$0x9];
	[sflag:s16] =	ssyncadd.s32 $0xFFFFC000  }
0x15f: {  	[spmem:s2] =	stream.indirect.scatter.add.f32 [tilespmem:s14], [sflag:$0x3], $0x80, s10, s13, $0xb8;
	[tilespmem:$0x1CC00] =	vst v63  }
0x160: {  	_ =	swait.ge [sflag:s11], $0x4000  }
0x161: {  	[sflag:s11] =	ssyncset.done $0x0  }
0x162: {  	s24 =	rddreg [dreg:$0xa];
	[sflag:s11] =	ssyncadd.s32 $0xFFFFC000  }
0x163: {  	[tilespmem:s14], [sflag:$0x1] =	stream.indirect.gather [hbm4b:s4+s13], $0x80, s24, s13, $0xb8;
	[tilespmem:$0x1CC00] =	vst v63  }
0x164: {  	_ =	swait.ge [sflag:s17], $0x4000  }
0x165: {  	[sflag:s17] =	ssyncset.done $0x0  }
0x166: {  	s25 =	rddreg [dreg:$0xb];
	[sflag:s17] =	ssyncadd.s32 $0xFFFFC000  }
0x167: {  	[spmem:s2] =	stream.indirect.scatter.add.f32 [tilespmem:s15], [sflag:$0x3], $0x80, s25, s13, $0xb8;
	[tilespmem:$0x1CC00] =	vst v63  }
0x168: {  	_ =	swait.ge [sflag:s11], $0x4000  }
0x169: {  	[sflag:s11] =	ssyncset.done $0x0  }
0x16a: {  	s10 =	rddreg [dreg:$0xc];
	[sflag:s11] =	ssyncadd.s32 $0xFFFFC000  }
0x16b: {  	[tilespmem:s15], [sflag:$0x2] =	stream.indirect.gather [hbm4b:s4+s13], $0x80, s10, s13, $0xb8;
	[tilespmem:$0x1CC00] =	vst v63  }
0x16c: {  	_ =	swait.ge [sflag:s16], $0x4000  }
0x16d: {  	[sflag:s16] =	ssyncset.done $0x0  }
0x16e: {  	s24 =	rddreg [dreg:$0xd];
	[sflag:s16] =	ssyncadd.s32 $0xFFFFC000  }
0x16f: {  	[spmem:s2] =	stream.indirect.scatter.add.f32 [tilespmem:s14], [sflag:$0x3], $0x80, s24, s13, $0xb8;
	[tilespmem:$0x1CC00] =	vst v63  }
0x170: {  	_ =	swait.ge [sflag:s11], $0x4000  }
0x171: {  	[sflag:s11] =	ssyncset.done $0x0  }
0x172: {  	s25 =	rddreg [dreg:$0xe];
	[sflag:s11] =	ssyncadd.s32 $0xFFFFC000  }
0x173: {  	[tilespmem:s14], [sflag:$0x1] =	stream.indirect.gather [hbm4b:s4+s13], $0x80, s25, s13, $0xb8;
	[tilespmem:$0x1CC00] =	vst v63  }
0x174: {  	_ =	swait.ge [sflag:s17], $0x4000  }
0x175: {  	[sflag:s17] =	ssyncset.done $0x0  }
0x176: {  	s10 =	rddreg [dreg:$0xf];
	[sflag:s17] =	ssyncadd.s32 $0xFFFFC000  }
0x177: {  	[spmem:s2] =	stream.indirect.scatter.add.f32 [tilespmem:s15], [sflag:$0x3], $0x80, s10, s13, $0xb8;
	[tilespmem:$0x1CC00] =	vst v63  }
0x178: {  	_ =	swait.ge [sflag:s11], $0x4000  }
0x179: {  	[sflag:s11] =	ssyncset.done $0x0  }
0x17a: {  	s24 =	rddreg [dreg:$0x10];
	[sflag:s11] =	ssyncadd.s32 $0xFFFFC000  }
0x17b: {  	[tilespmem:s15], [sflag:$0x2] =	stream.indirect.gather [hbm4b:s4+s13], $0x80, s24, s13, $0xb8;
	[tilespmem:$0x1CC00] =	vst v63  }
0x17c: {  	_ =	swait.ge [sflag:s16], $0x4000  }
0x17d: {  	[sflag:s16] =	ssyncset.done $0x0  }
0x17e: {  	s25 =	rddreg [dreg:$0x11];
	[sflag:s16] =	ssyncadd.s32 $0xFFFFC000  }
0x17f: {  	[spmem:s2] =	stream.indirect.scatter.add.f32 [tilespmem:s14], [sflag:$0x3], $0x80, s25, s13, $0xb8;
	[tilespmem:$0x1CC00] =	vst v63  }
0x180: {  	_ =	swait.ge [sflag:s11], $0x4000  }
0x181: {  	[sflag:s11] =	ssyncset.done $0x0  }
0x182: {  	[sflag:s11] =	ssyncadd.s32 $0xFFFFC000  }
0x183: {  	[tilespmem:s14], [sflag:$0x1] =	stream.indirect.gather [hbm4b:s4+s13], $0x80, s18, s13, $0xb8;
	[tilespmem:$0x1CC00] =	vst v63  }
0x184: {  	_ =	swait.ge [sflag:s17], $0x4000  }
0x185: {  	[sflag:s17] =	ssyncset.done $0x0  }
0x186: {  	[sflag:s17] =	ssyncadd.s32 $0xFFFFC000  }
0x187: {  	[spmem:s2] =	stream.indirect.scatter.add.f32 [tilespmem:s15], [sflag:$0x3], $0x80, s19, s13, $0xb8;
	[tilespmem:$0x1CC00] =	vst v63  }
0x188: {  	_ =	swait.ge [sflag:s11], $0x4000  }
0x189: {  	[sflag:s11] =	ssyncset.done $0x0  }
0x18a: {  	[sflag:s11] =	ssyncadd.s32 $0xFFFFC000  }
0x18b: {  	[tilespmem:s15], [sflag:$0x2] =	stream.indirect.gather [hbm4b:s4+s13], $0x80, s20, s13, $0xb8;
	[tilespmem:$0x1CC00] =	vst v63  }
0x18c: {  	_ =	swait.ge [sflag:s16], $0x4000  }
0x18d: {  	[sflag:s16] =	ssyncset.done $0x0  }
0x18e: {  	[sflag:s16] =	ssyncadd.s32 $0xFFFFC000  }
0x18f: {  	[spmem:s2] =	stream.indirect.scatter.add.f32 [tilespmem:s14], [sflag:$0x3], $0x80, s21, s13, $0xb8;
	[tilespmem:$0x1CC00] =	vst v63  }
0x190: {  	_ =	swait.ge [sflag:s11], $0x4000  }
0x191: {  	[sflag:s11] =	ssyncset.done $0x0  }
0x192: {  	[sflag:s11] =	ssyncadd.s32 $0xFFFFC000  }
0x193: {  	[tilespmem:s14], [sflag:$0x1] =	stream.indirect.gather [hbm4b:s4+s13], $0x80, s22, s13, $0xb8;
	[tilespmem:$0x1CC00] =	vst v63  }
0x194: {  	_ =	swait.ge [sflag:s17], $0x4000  }
0x195: {  	[sflag:s17] =	ssyncset.done $0x0  }
0x196: {  	[sflag:s17] =	ssyncadd.s32 $0xFFFFC000  }
0x197: {  	[spmem:s2] =	stream.indirect.scatter.add.f32 [tilespmem:s15], [sflag:$0x3], $0x80, s23, s13, $0xb8;
	[tilespmem:$0x1CC00] =	vst v63  }
0x198: {  	_ =	swait.ge [sflag:s11], $0x4000  }
0x199: {  	[sflag:s11] =	ssyncset.done $0x0  }
0x19a: {  	[sflag:s11] =	ssyncadd.s32 $0xFFFFC000  }
0x19b: {  	[tilespmem:s15], [sflag:$0x2] =	stream.indirect.gather [hbm4b:s4+s13], $0x80, s26, s13, $0xb8;
	[tilespmem:$0x1CC00] =	vst v63  }
0x19c: {  	_ =	swait.ge [sflag:s16], $0x4000  }
0x19d: {  	[sflag:s16] =	ssyncset.done $0x0  }
0x19e: {  	[sflag:s16] =	ssyncadd.s32 $0xFFFFC000  }
0x19f: {  	[spmem:s2] =	stream.indirect.scatter.add.f32 [tilespmem:s14], [sflag:$0x3], $0x80, s28, s13, $0xb8;
	[tilespmem:$0x1CC00] =	vst v63  }
0x1a0: {  	_ =	swait.ge [sflag:s11], $0x4000  }
0x1a1: {  	[sflag:s11] =	ssyncset.done $0x0  }
0x1a2: {  	[sflag:s11] =	ssyncadd.s32 $0xFFFFC000  }
0x1a3: {  	[tilespmem:s14], [sflag:$0x1] =	stream.indirect.gather [hbm4b:s4+s13], $0x80, s29, s13, $0xb8;
	[tilespmem:$0x1CC00] =	vst v63  }
0x1a4: {  	_ =	swait.ge [sflag:s17], $0x4000  }
0x1a5: {  	[sflag:s17] =	ssyncset.done $0x0  }
0x1a6: {  	[sflag:s17] =	ssyncadd.s32 $0xFFFFC000  }
0x1a7: {  	[spmem:s2] =	stream.indirect.scatter.add.f32 [tilespmem:s15], [sflag:$0x3], $0x80, s30, s13, $0xb8;
	[tilespmem:$0x1CC00] =	vst v63  }
0x1a8: {  	_ =	swait.ge [sflag:s11], $0x4000  }
0x1a9: {  	[sflag:s11] =	ssyncset.done $0x0  }
0x1aa: {  	[sflag:s11] =	ssyncadd.s32 $0xFFFFC000  }
0x1ab: {  	[tilespmem:s15], [sflag:$0x2] =	stream.indirect.gather [hbm4b:s4+s13], $0x80, s31, s13, $0xb8;
	[tilespmem:$0x1CC00] =	vst v63  }
0x1ac: {  	_ =	swait.ge [sflag:s16], $0x4000  }
0x1ad: {  	[sflag:s16] =	ssyncset.done $0x0  }
0x1ae: {  	[sflag:s16] =	ssyncadd.s32 $0xFFFFC000  }
0x1af: {  	[spmem:s2] =	stream.indirect.scatter.add.f32 [tilespmem:s14], [sflag:$0x3], $0x80, s0, s13, $0xb8;
	[tilespmem:$0x1CC00] =	vst v63  }
0x1b0: {  	_ =	swait.ge [sflag:s11], $0x4000  }
0x1b1: {  	[sflag:s11] =	ssyncset.done $0x0  }
0x1b2: {  	[sflag:s11] =	ssyncadd.s32 $0xFFFFC000  }
0x1b3: {  	[tilespmem:s14], [sflag:$0x1] =	stream.indirect.gather [hbm4b:s4+s13], $0x80, s1, s13, $0xb8;
	[tilespmem:$0x1CC00] =	vst v63  }
0x1b4: {  	_ =	swait.ge [sflag:s17], $0x4000  }
0x1b5: {  	[sflag:s17] =	ssyncset.done $0x0  }
0x1b6: {  	[sflag:s17] =	ssyncadd.s32 $0xFFFFC000  }
0x1b7: {  	[spmem:s2] =	stream.indirect.scatter.add.f32 [tilespmem:s15], [sflag:$0x3], $0x80, s5, s13, $0xb8;
	[tilespmem:$0x1CC00] =	vst v63  }
0x1b8: {  	_ =	swait.ge [sflag:s11], $0x4000  }
0x1b9: {  	[sflag:s11] =	ssyncset.done $0x0  }
0x1ba: {  	[sflag:s11] =	ssyncadd.s32 $0xFFFFC000  }
0x1bb: {  	[tilespmem:s15], [sflag:$0x2] =	stream.indirect.gather [hbm4b:s4+s13], $0x80, s7, s13, $0xb8;
	[tilespmem:$0x1CC00] =	vst v63  }
0x1bc: {  	_ =	swait.ge [sflag:s16], $0x4000  }
0x1bd: {  	[sflag:s16] =	ssyncset.done $0x0  }
0x1be: {  	[sflag:s16] =	ssyncadd.s32 $0xFFFFC000  }
0x1bf: {  	[spmem:s2] =	stream.indirect.scatter.add.f32 [tilespmem:s14], [sflag:$0x3], $0x80, s8, s13, $0xb8;
	[tilespmem:$0x1CC00] =	vst v63  }
0x1c0: {  	_ =	swait.ge [sflag:s11], $0x4000  }
0x1c1: {  	[sflag:s11] =	ssyncset.done $0x0  }
0x1c2: {  	[sflag:s11] =	ssyncadd.s32 $0xFFFFC000  }
0x1c3: {  	_ =	swait.ge [sflag:s17], $0x4000  }
0x1c4: {  	[sflag:s17] =	ssyncset.done $0x0  }
0x1c5: {  	[sflag:s17] =	ssyncadd.s32 $0xFFFFC000  }
0x1c6: {  	[spmem:s2] =	stream.indirect.scatter.add.f32 [tilespmem:s15], [sflag:$0x3], $0x80, s9, s13, $0xb8;
	[tilespmem:$0x1CC00] =	vst v63  }
0x1c7: {  	_ =	swait.ge [sflag:s11], $0x4000  }
0x1c8: {  	[sflag:s11] =	ssyncset.done $0x0  }
0x1c9: {  	[sflag:s11] =	ssyncadd.s32 $0xFFFFC000  }
0x1ca: {  	[bflag:$0x0] =	sbarrier.arrive $0xFFFF  }
0x1cb: {  	s24 =	rddreg [dreg:$0x13]  }
0x1cc: {  	s6 =	rddreg [dreg:$0x15]  }
0x1cd: {  	s10 =	rddreg [dreg:$0x18]  }
0x1ce: {  	[hbm:s6], [sflag:s24] =	dma.local @p0 [spmem:s10], $0x2800  }
0x1cf: {  	s6 =	simm.s32 @p0 $0x3  }
0x1d0: {  	_ =	swait.ge @p0 [sflag:s6], $0x2800  }
0x1d1: {  	[sflag:s6] =	ssyncset.done @p0 $0x0;
	s10 =	rddreg [dreg:$0x19]  }
0x1d2: {  	[sflag:s6] =	ssyncadd.s32 @p0 $0xFFFFD800;
	s6 =	rddreg [dreg:$0x14]  }
0x1d3: {  	[hbm:s6], [sflag:s24] =	dma.local @!p0 [spmem:s10], $0x2700  }
0x1d4: {  	s6 =	simm.s32 @!p0 $0x3  }
0x1d5: {  	_ =	swait.ge @!p0 [sflag:s6], $0x2700  }
0x1d6: {  	s25 =	rddreg [dreg:$0x1a]  }
0x1d7: {  	s10 =	rddreg [dreg:$0x16];
	s25 =	sadd.s32 $0x1, s25  }
0x1d8: {  	p1 =	sne.s32 s25, s10  }
.Ltmp1:
0x1d9: {  	_ = 	snop;
	(pc) =	sbr.rel @p1 .LBB2_1-.Ltmp1, $3  }
0x1da: {  	_ =	sdelay $0x1  }
0x1db: {  	[sflag:s6] =	ssyncset.done @!p0 $0x0  }
0x1dc: {  	[sflag:s6] =	ssyncadd.s32 @!p0 $0xFFFFD900  }
0x1dd: {  	_ =	sfence.sel $0x180000  }
0x1de: {  	[bflag:$0x0] =	sbarrier.arrive $0xFFFF  }
0x1df: {  	_ =	strace $0x90000050  }
0x1e0: {  	s0 =	stileid.u32;
	[bflag:$0x2] =	sbarrier.arrive $0xFFFF  }
0x1e1: {  	p0 =	sne.s32 s0, $0x0;
	s0 =	rddreg [dreg:$0x3]  }
0x1e2: {  	s0 =	sadd.s32 @!p0 $0x100000, s0  }
0x1e3: {  	[sflag:s0] =	ssyncadd.tile.s32 @!p0 $0x1;
	_ =	shalt  }
.Lfunc_end2:
_tile_overlayer_lowered:
.L_overlay_start_2:
0x1e4: {  	(tag) =	ssettag $0x2  }
0x1e5: {  	s0 =	rddreg [dreg:$0x0];
	s2 =	stileid.u32  }
0x1e6: {  	s1 =	rddreg [dreg:$0x1];
	p0 =	sne.s32 s2, $0x0  }
0x1e7: {  	s3 =	rddreg [dreg:$0x2];
	[bflag:$0x3] =	sbarrier.arrive $0xFFFF;
	s2 =	simm.s32 @!p0 $0x1C03  }
0x1e8: {  	[timem:s3], [sflag:s2] =	dma.local @!p0 [hbm:s0], s1  }
0x1e9: {  	s0 =	simm.s32 @!p0 $0x3  }
0x1ea: {  	_ =	swait.ge @!p0 [sflag:s0], s1  }
0x1eb: {  	s1 =	ssub.s32 @!p0 $0x0, s1;
	[sflag:s0] =	ssyncset.done @!p0 $0x0  }
0x1ec: {  	[sflag:s0] =	ssyncadd.s32 @!p0 s1  }
0x1ed: {  	[bflag:$0x3] =	sbarrier.arrive $0xFFFF  }
0x1ee: {  	_ =	shalt  }

// kernel: kernel.32.cloned.1.call-start
scs
__scs_entry_jumppad:
0x0: {  	(pc) =	sbr.rel $0x88, $3  }
0x1: {  	(tag) =	ssettag $0x0;
	lr =	simm.s32 $0x1  }
0x2: {  	[smem:$0x3F98] =	sst lr;
	_ =	strace $0xD0000000  }
0x3: {  	_ = 	snop  }
0x4: {  	_ = 	snop  }
0x5: {  	_ = 	snop  }
0x6: {  	_ = 	snop  }
0x7: {  	_ = 	snop  }
__scs_overlays_trampoline_lowered:
0x8: {  	[smem:$0x3FA7] =	sst s0  }
0x9: {  	[smem:$0x3FA8] =	sst s1  }
0xa: {  	[smem:$0x3FA9] =	sst s2  }
0xb: {  	[smem:$0x3FAA] =	sst s3  }
0xc: {  	[smem:$0x3FAB] =	sst s4  }
0xd: {  	[smem:$0x3FAC] =	sst s5  }
0xe: {  	[smem:$0x3FAD] =	sst s6  }
0xf: {  	[smem:$0x3FAE] =	sst s7  }
0x10: {  	[smem:$0x3FAF] =	sst s8  }
0x11: {  	[smem:$0x3FB0] =	sst s9;
	s0 =	simm.s32 @!p0 $0x0  }
0x12: {  	s1 =	sld [smem:$0x3F96];
	s0 =	simm.s32 @p0 $0x1  }
0x13: {  	[smem:$0x3FB1] =	sst s0;
	s0 =	simm.s32 @!p1 $0x0  }
0x14: {  	s2 =	sld [smem:$0x3F95];
	s0 =	simm.s32 @p1 $0x1  }
0x15: {  	[smem:$0x3FB2] =	sst s0;
	s0 =	simm.s32 @!p2 $0x0  }
0x16: {  	s3 =	sld [smem:$0x3FDB];
	s0 =	simm.s32 @p2 $0x1  }
0x17: {  	s4 =	simm.s32 $0x1BF5;
	[smem:$0x3FB4] =	sst s0  }
0x18: {  	s0 =	sld [smem:$0x3F97];
	_ =	swait.ge [sflag:s4], $0x0  }
0x19: {  	s7 =	sld [smem:$0x3F98]  }
0x1a: {  	s8 =	sadd.s32 $0xFFFFE003, lr  }
0x1b: {  	s9 =	sadd.s32 $0xFFFFFEF7, lr;
	s5 =	simm.s32 $0xFFFFFFFF;
	p2 =	slt.u32 s8, $0xFFFFF086  }
0x1c: {  	p1 =	slt.u32 s9, $0xF7A;
	s5 =	simm.s32 @!p2 $0x0  }
0x1d: {  	s5 =	simm.s32 @p1 $0x1;
	p0 =	seq.s32 s7, s2  }
0x1e: {  	s7 =	smul.u32 @!p0 $0xF7A, s2;
	p2 =	seq.s32 @!p0 s5, $0x0  }
0x1f: {  	s9 =	smul.u32 $0xF7A, s1;
	s8 =	simm.s32 @!p0 $0x1BF5;
	p2 =	por !p2, p0  }
0x20: {  	[sflag:s8] =	ssyncset.s32 @!p0 $0xFFFFF086;
	s6 =	sadd.s32 @!p0 s3, s7;
	s7 =	simm.s32 @!p0 $0x108  }
0x21: {  	s3 =	sadd.s32 s3, s9;
	s6 =	sadd.s32 @!p0 $0x88, s6;
	s7 =	simm.s32 @p2 $0x1082  }
0x22: {  	[simem:s7], [sflag:s8] =	dma.local @!p0 [hbm:s6], $0xF7A  }
0x23: {  	s9 =	sor.u32 $0xD0000000, s2;
	s6 =	simm.s32 $0x108;
	_ =	swait.ge @!p0 [sflag:s8], $0x0  }
0x24: {  	s3 =	sadd.s32 $0x88, s3;
	s6 =	simm.s32 @!p1 $0x1082;
	[sflag:s4] =	ssyncset.s32 $0xFFFFF086  }
0x25: {  	[simem:s6], [sflag:s4] =	dma.local [hbm:s3], $0xF7A  }
0x26: {  	[smem:$0x3F98] =	sst s1;
	(tag) =	ssettag s2;
	_ =	strace s9  }
0x27: {  	s1 =	sld [smem:$0x3FA8]  }
0x28: {  	s2 =	sld [smem:$0x3FA9]  }
0x29: {  	s4 =	sld [smem:$0x3FAB]  }
0x2a: {  	p0 =	seq.s32 s5, $0x0;
	s5 =	sld [smem:$0x3FAC]  }
0x2b: {  	s6 =	sld [smem:$0x3FAD]  }
0x2c: {  	s7 =	sld [smem:$0x3FAE]  }
0x2d: {  	s3 =	simm.s32 $0x108;
	s8 =	sld [smem:$0x3FAF]  }
0x2e: {  	s3 =	simm.s32 @!p0 $0x1082;
	s9 =	sld [smem:$0x3FB0]  }
0x2f: {  	lr =	sadd.s32 s0, s3;
	s0 =	sld [smem:$0x3FA7]  }
0x30: {  	s3 =	sld [smem:$0x3FAA]  }
0x31: {  	[smem:$0x3FB3] =	sst s10  }
0x32: {  	s10 =	sld [smem:$0x3FB1];
	_ =	sdelay $0x3  }
0x33: {  	p0 =	seq.s32 s10, $0x1;
	s10 =	sld [smem:$0x3FB3];
	_ =	sdelay $0x3  }
0x34: {  	[smem:$0x3FB3] =	sst s10  }
0x35: {  	s10 =	sld [smem:$0x3FB2];
	_ =	sdelay $0x3  }
0x36: {  	p1 =	seq.s32 s10, $0x1;
	s10 =	sld [smem:$0x3FB3];
	_ =	sdelay $0x3  }
0x37: {  	[smem:$0x3FB3] =	sst s10  }
0x38: {  	s10 =	sld [smem:$0x3FB4]  }
0x39: {  	_ = 	snop;
	(pc) =	sbr.ind lr, $3  }
0x3a: {  	_ = 	snop  }
0x3b: {  	_ = 	snop  }
0x3c: {  	p2 =	seq.s32 s10, $0x1;
	s10 =	sld [smem:$0x3FB3]  }
0x3d: {  	_ =	shalt  }
0x3e: {  	_ =	shalt  }
0x3f: {  	_ =	shalt  }
0x40: {  	_ =	shalt  }
0x41: {  	_ =	shalt  }
0x42: {  	_ =	shalt  }
0x43: {  	_ =	shalt  }
0x44: {  	_ =	shalt  }
0x45: {  	_ =	shalt  }
0x46: {  	_ =	shalt  }
0x47: {  	_ =	shalt  }
0x48: {  	_ =	shalt  }
0x49: {  	_ =	shalt  }
0x4a: {  	_ =	shalt  }
0x4b: {  	_ =	shalt  }
0x4c: {  	_ =	shalt  }
0x4d: {  	_ =	shalt  }
0x4e: {  	_ =	shalt  }
0x4f: {  	_ =	shalt  }
0x50: {  	_ =	shalt  }
0x51: {  	_ =	shalt  }
0x52: {  	_ =	shalt  }
0x53: {  	_ =	shalt  }
0x54: {  	_ =	shalt  }
0x55: {  	_ =	shalt  }
0x56: {  	_ =	shalt  }
0x57: {  	_ =	shalt  }
0x58: {  	_ =	shalt  }
0x59: {  	_ =	shalt  }
0x5a: {  	_ =	shalt  }
0x5b: {  	_ =	shalt  }
0x5c: {  	_ =	shalt  }
0x5d: {  	_ =	shalt  }
0x5e: {  	_ =	shalt  }
0x5f: {  	_ =	shalt  }
0x60: {  	_ =	shalt  }
0x61: {  	_ =	shalt  }
0x62: {  	_ =	shalt  }
0x63: {  	_ =	shalt  }
0x64: {  	_ =	shalt  }
0x65: {  	_ =	shalt  }
0x66: {  	_ =	shalt  }
0x67: {  	_ =	shalt  }
0x68: {  	_ =	shalt  }
0x69: {  	_ =	shalt  }
0x6a: {  	_ =	shalt  }
0x6b: {  	_ =	shalt  }
0x6c: {  	_ =	shalt  }
0x6d: {  	_ =	shalt  }
0x6e: {  	_ =	shalt  }
0x6f: {  	_ =	shalt  }
0x70: {  	_ =	shalt  }
0x71: {  	_ =	shalt  }
0x72: {  	_ =	shalt  }
0x73: {  	_ =	shalt  }
0x74: {  	_ =	shalt  }
0x75: {  	_ =	shalt  }
0x76: {  	_ =	shalt  }
0x77: {  	_ =	shalt  }
0x78: {  	_ =	shalt  }
0x79: {  	_ =	shalt  }
0x7a: {  	_ =	shalt  }
0x7b: {  	_ =	shalt  }
0x7c: {  	_ =	shalt  }
0x7d: {  	_ =	shalt  }
0x7e: {  	_ =	shalt  }
0x7f: {  	_ =	shalt  }
0x80: {  	_ =	shalt  }
0x81: {  	_ =	shalt  }
0x82: {  	_ =	shalt  }
0x83: {  	_ =	shalt  }
0x84: {  	_ =	shalt  }
0x85: {  	_ =	shalt  }
0x86: {  	_ =	shalt  }
0x87: {  	_ =	shalt  }
.Lfunc_end0:
.L_simem_size_0:
called_computation.4_lowered:
.L_overlay_start_0:
0x88: {  	s2 =	sld [smem:$0x3FD9]  }
0x89: {  	s3 =	sld [smem:$0x3FFE];
	_ =	sdelay $0x1  }
0x8a: {  	s1 =	srdreg.scid  }
0x8b: {  	s0 =	sand.u32 $0x1, s1  }
0x8c: {  	s17 =	sshll.u32 s0, $0xA;
	s2 =	sadd.s32 s3, s2  }
0x8d: {  	s2 =	sadd.s32 s2, s17  }
0x8e: {  	[smem:$0x3FBF] =	sst s2  }
0x8f: {  	_ = 	snop  }
0x90: {  	s2 =	sld [smem:$0x3FD0];
	(tm) =	ssettm $0x1  }
0x91: {  	s18 =	sld [smem:$0x3FFB];
	_ =	sdelay $0x3  }
0x92: {  	_ =	strace s18  }
0x93: {  	s3 =	sld [smem:$0x3FFC];
	_ =	sdelay $0x3  }
0x94: {  	_ =	strace s3  }
0x95: {  	s3 =	sld [smem:$0x3FFD];
	_ =	sdelay $0x3  }
0x96: {  	_ =	strace s3  }
0x97: {  	_ =	strace $0x8FFFFFFF  }
0x98: {  	s19 =	sld [smem:$0x3FDB];
	_ =	sdelay $0x1  }
0x99: {  	s4 =	simm.s32 $_scs_section_size  }
0x9a: {  	s5 =	simm.s32 $_size__tile_overlayer_lowered;
	s6 =	simm.s32 $_tile_overlayer_lowered  }
0x9b: {  	s22 =	simm.s32 $0x1BFF;
	s21 =	sshll.u32 s6, $0x1;
	s3 =	sadd.s32 s4, s19  }
0x9c: {  	s7 =	simm.s32 $0x0;
	s20 =	sshll.u32 s5, $0x1;
	s5 =	sadd.s32 s21, s3  }
0x9d: {  	[timem:s7], [sflag:s22] =	dma.local [hbm:s5], s20  }
0x9e: {  	_ =	swait.ge [sflag:s22], s20  }
0x9f: {  	s4 =	ssub.s32 $0x0, s20;
	[sflag:s22] =	ssyncset.done $0x0  }
0xa0: {  	[sflag:s22] =	ssyncadd.s32 s4;
	_ =	sdelay $0x1  }
0xa1: {  	s23 =	simm.s32 $0x1B8B  }
0xa2: {  	_ =	swait.ge [sflag:s23], $0x1  }
0xa3: {  	[sflag:s23] =	ssyncset.done $0x0  }
0xa4: {  	s25 =	simm.s32 $0x1B8E;
	s24 =	sld [smem:$0x3FFE];
	[sflag:s23] =	ssyncadd.s32 $0xFFFFFFFF  }
0xa5: {  	s26 =	simm.s32 $execute0_lowered;
	[smem:$0x3FD2] =	sst s25  }
0xa6: {  	s5 =	sshll.u32 s26, $0x1;
	_ =	strace $0x80000052;
	[dreg:$0x1] =	wrdreg $0xFFFFFFFF  }
0xa7: {  	s28 =	simm.s32 $_size_execute0_lowered;
	s3 =	sadd.s32 s3, s5;
	[dreg:$0x0] =	wrdreg $0x0  }
0xa8: {  	s5 =	sshll.u32 s28, $0x1;
	[dreg:$0x2] =	wrdreg s3  }
0xa9: {  	[dreg:$0x3] =	wrdreg s5  }
0xaa: {  	[dreg:$0x4] =	wrdreg $0xC0  }
0xab: {  	_ =	task [dreg:s7], $0x5FFFF  }
0xac: {  	[dreg:$0x1] =	wrdreg $0xFFFFFFFF  }
0xad: {  	[dreg:$0x0] =	wrdreg $0x60  }
0xae: {  	[dreg:$0x2] =	wrdreg s24  }
0xaf: {  	[dreg:$0x3] =	wrdreg s2  }
0xb0: {  	[dreg:$0x4] =	wrdreg $0x90000  }
0xb1: {  	[dreg:$0x5] =	wrdreg $0x9  }
0xb2: {  	_ =	task.clear_ibuf [dreg:s7], $0x6FFFF;
	_ =	strace $0x90000052  }
0xb3: {  	s29 =	simm.s32 $0x9;
	_ =	strace $0x80000054  }
0xb4: {  	_ =	swait.ge [sflag:s29], $0x1  }
0xb5: {  	[sflag:s29] =	ssyncadd.s32 $0xFFFFFFFF  }
0xb6: {  	_ =	strace $0x90000054  }
0xb7: {  	_ =	sfence  }
0xb8: {  	s30 =	sld [smem:$0x0];
	_ =	sdelay $0x2  }
0xb9: {  	s31 =	sshll.u32 s1, $0xD;
	s1 =	sshrl.u32 s1, $0x2  }
0xba: {  	s3 =	sand.u32 $0x4000, s31;
	s1 =	sadd.s32 s1, s30  }
0xbb: {  	s0 =	sor.u32 s3, s0;
	s1 =	sshll.u32 s1, $0x11  }
0xbc: {  	s0 =	sor.u32 s1, s0  }
0xbd: {  	s0 =	sadd.s32 $0x8F2B, s0  }
0xbe: {  	[sflag:s0] =	ssyncadd.remote.s32 $0x1  }
0xbf: {  	_ =	sfence.sel $0xFFFF  }
0xc0: {  	[dreg:$0x0] =	wrdreg $0xFFFFFFFF;
	(pc) =	sbr.abs _section_cstart, $3  }
0xc1: {  	[dreg:$0x1] =	wrdreg $0xFFFFFFFF  }
0xc2: {  	_ =	task.clear_ibuf [dreg:s7], $0x2FFFF;
	_ =	strace $0x9FFFFFFF  }
0xc3: {  	(tm) =	ssettm $0x7FFFFFFF  }
tec
execute0_lowered:
.L_overlay_start_1:
0x0: {  	(tag) =	ssettag $0x1  }
0x1: {  	s0 =	rddreg [dreg:$0x0]  }
0x2: {  	s1 =	rddreg [dreg:$0x1];
	s3 =	srdreg.scid  }
0x3: {  	s2 =	rddreg [dreg:$0x2];
	s23 =	stileid.u32;
	s13 =	simm.s32 $0x180  }
0x4: {  	s14 =	simm.s32 $0x900;
	s15 =	simm.s32 $0x200;
	s17 =	simm.s32 $0x980  }
0x5: {  	s19 =	simm.s32 $0x280;
	s20 =	simm.s32 $0xA00;
	s21 =	simm.s32 $0x300  }
0x6: {  	s22 =	simm.s32 $0xA80;
	s28 =	simm.s32 $0xD00;
	s29 =	simm.s32 $0x600  }
0x7: {  	s5 =	sand.u32 $0x1, s3;
	s3 =	simm.s32 $0x0;
	s6 =	smul.u32 $0x2800, s23  }
0x8: {  	s30 =	simm.s32 $0xD80;
	s7 =	smul.u32 $0x2780, s23;
	[smem:$0x7FF] =	sst s3  }
0x9: {  	s8 =	smul.u32 $0x4F000, s23;
	_ =	strace $0x80000053;
	[dreg:$0x8] =	wrdreg s13  }
0xa: {  	s31 =	simm.s32 $0x680;
	s12 =	smul.u32 $0x13800, s23;
	[dreg:$0x9] =	wrdreg s14  }
0xb: {  	s25 =	sshll.u32 s23, $0x6;
	s26 =	smul.u32 $0x4E000, s23;
	[dreg:$0xa] =	wrdreg s15  }
0xc: {  	p0 =	seq.s32 s23, $0xF;
	s23 =	simm.s32 $0xC80;
	[dreg:$0xb] =	wrdreg s17  }
0xd: {  	s4 =	smul.u32 $0x28000, s5;
	s10 =	ssub.s32 $0x2, s5;
	[dreg:$0xc] =	wrdreg s19  }
0xe: {  	s5 =	smul.u32 $0x138800, s5;
	s7 =	sadd.s32 s7, s0;
	[dreg:$0xd] =	wrdreg s20  }
0xf: {  	s11 =	sshrl.u32 s10, $0x1;
	s8 =	sshrl.u32 s8, $0x2;
	[dreg:$0xe] =	wrdreg s21  }
0x10: {  	s13 =	simm.s32 $0x80;
	s14 =	simm.s32 $0x1000;
	[dreg:$0xf] =	wrdreg s22  }
0x11: {  	s15 =	simm.s32 $0x5000;
	s17 =	simm.s32 $0x2;
	s19 =	simm.s32 $0xB80  }
0x12: {  	s20 =	simm.s32 $0x480;
	s21 =	simm.s32 $0xC00;
	s22 =	simm.s32 $0x500  }
0x13: {  	s6 =	sadd.s32 s6, s4;
	s4 =	sadd.s32 $0xDC00, s0;
	s10 =	ssub.s32 s10, s11  }
0x14: {  	s8 =	sadd.s32 s8, s2;
	s7 =	sadd.s32 $0xAA000, s7;
	s24 =	sadd.s32 s12, s5  }
0x15: {  	s11 =	simm.s32 $0x100;
	s5 =	sshrl.u32 s5, $0x3;
	[dreg:$0x12] =	wrdreg s7  }
0x16: {  	s12 =	simm.s32 $0x880;
	s6 =	sshrl.u32 s6, $0x3;
	[dreg:$0x6] =	wrdreg s11  }
0x17: {  	s7 =	sshrl.u32 s24, $0x3;
	s24 =	sor.u32 $0x1C03, s25;
	[dreg:$0x7] =	wrdreg s12  }
0x18: {  	s16 =	smax.u32 s10, $0x1;
	s18 =	sshrl.u32 s8, $0x3;
	s11 =	simm.s32 $0x3  }
0x19: {  	s12 =	simm.s32 $0x800;
	s25 =	simm.s32 $0x380;
	[dreg:$0x16] =	wrdreg s16  }
0x1a: {  	s8 =	simm.s32 $0xF00;
	s9 =	sadd.s32 s6, s0;
	[dreg:$0x17] =	wrdreg s18  }
0x1b: {  	s0 =	sadd.s32 $0xD1800, s0;
	s1 =	sadd.s32 s6, s1;
	[dreg:$0x10] =	wrdreg s25  }
0x1c: {  	s16 =	simm.s32 $0x1;
	s18 =	simm.s32 $0x400;
	[dreg:$0x13] =	wrdreg s24  }
0x1d: {  	s25 =	simm.s32 $0x0;
	s7 =	sadd.s32 s0, s7;
	[dreg:$0x4] =	wrdreg s1  }
0x1e: {  	s9 =	sadd.s32 $0x3C00, s9;
	s0 =	sadd.s32 s0, s5;
	s1 =	sadd.s32 $0x124800, s2  }
0x1f: {  	s5 =	simm.s32 $0xE80;
	[dreg:$0x14] =	wrdreg s7;
	s7 =	sshrl.u32 s26, $0x2  }
0x20: {  	[dreg:$0x5] =	wrdreg s9;
	s0 =	sadd.s32 $0x24900, s0;
	s26 =	simm.s32 $0xB00  }
0x21: {  	s9 =	simm.s32 $0xF80;
	s6 =	sadd.s32 s7, s2;
	[dreg:$0x15] =	wrdreg s0  }
0x22: {  	[dreg:$0x11] =	wrdreg s26;
	s0 =	sshrl.u32 @p0 s1, $0x3;
	s26 =	simm.s32 $0x580  }
0x23: {  	s1 =	simm.s32 $0x700;
	[dreg:$0x18] =	wrdreg s0;
	s0 =	sshrl.u32 @!p0 s6, $0x3  }
0x24: {  	s7 =	simm.s32 $0x780;
	[dreg:$0x19] =	wrdreg s0;
	s0 =	simm.s32 $0xE00  }
.LBB2_1:
0x25: {  	[dreg:$0x1a] =	wrdreg s25  }
0x26: {  	s6 =	rddreg [dreg:$0x12]  }
0x27: {  	s10 =	rddreg [dreg:$0x17]  }
0x28: {  	[spmem:s10], [sflag:s24] =	dma.local [hbm:s6], $0x2780  }
0x29: {  	_ =	swait.ge [sflag:s11], $0x2780  }
0x2a: {  	[sflag:s11] =	ssyncset.done $0x0  }
0x2b: {  	[sflag:s11] =	ssyncadd.s32 $0xFFFFD880  }
0x2c: {  	[bflag:$0x0] =	sbarrier.arrive $0xFFFF  }
0x2d: {  	s24 =	rddreg [dreg:$0x5]  }
0x2e: {  	s6 =	sadd.s32 $0x0, s24  }
0x2f: {  	[tilespmem:s3], [sflag:$0x3] =	stream.linear.gather [hbm4b:s6+s3], $0x800, $0x38;
	[tilespmem:$0x1CC00] =	vst v63  }
0x30: {  	_ =	swait.ge [sflag:s11], $0x800  }
0x31: {  	s25 =	rddreg [dreg:$0x4];
	[sflag:s11] =	ssyncset.done $0x0  }
0x32: {  	[sflag:s11] =	ssyncadd.s32 $0xFFFFF800;
	s6 =	sadd.s32 $0x0, s25  }
0x33: {  	[tilespmem:s12], [sflag:$0x3] =	stream.linear.gather [hbm4b:s6+s3], $0x800, $0x38;
	[tilespmem:$0x1CC00] =	vst v63  }
0x34: {  	_ =	swait.ge [sflag:s11], $0x800  }
0x35: {  	[sflag:s11] =	ssyncset.done $0x0  }
0x36: {  	[sflag:s11] =	ssyncadd.s32 $0xFFFFF800  }
0x37: {  	[tilespmem:s14], [sflag:$0x1] =	stream.indirect.gather [hbm4b:s4+s13], $0x80, s3, s13, $0xb8;
	[tilespmem:$0x1CC00] =	vst v63  }
0x38: {  	_ = 	snop  }
0x39: {  	[tilespmem:s15], [sflag:$0x2] =	stream.indirect.gather [hbm4b:s4+s13], $0x80, s13, s13, $0xb8;
	[tilespmem:$0x1CC00] =	vst v63  }
0x3a: {  	_ =	swait.ge [sflag:s16], $0x4000  }
0x3b: {  	[sflag:s16] =	ssyncset.done $0x0  }
0x3c: {  	[sflag:s16] =	ssyncadd.s32 $0xFFFFC000  }
0x3d: {  	[spmem:s2] =	stream.indirect.scatter.add.f32 [tilespmem:s14], [sflag:$0x3], $0x80, s12, s13, $0xb8;
	[tilespmem:$0x1CC00] =	vst v63  }
0x3e: {  	_ =	swait.ge [sflag:s11], $0x4000  }
0x3f: {  	[sflag:s11] =	ssyncset.done $0x0  }
0x40: {  	s10 =	rddreg [dreg:$0x6];
	[sflag:s11] =	ssyncadd.s32 $0xFFFFC000  }
0x41: {  	[tilespmem:s14], [sflag:$0x1] =	stream.indirect.gather [hbm4b:s4+s13], $0x80, s10, s13, $0xb8;
	[tilespmem:$0x1CC00] =	vst v63  }
0x42: {  	_ =	swait.ge [sflag:s17], $0x4000  }
0x43: {  	[sflag:s17] =	ssyncset.done $0x0  }
0x44: {  	s24 =	rddreg [dreg:$0x7];
	[sflag:s17] =	ssyncadd.s32 $0xFFFFC000  }
0x45: {  	[spmem:s2] =	stream.indirect.scatter.add.f32 [tilespmem:s15], [sflag:$0x3], $0x80, s24, s13, $0xb8;
	[tilespmem:$0x1CC00] =	vst v63  }
0x46: {  	_ =	swait.ge [sflag:s11], $0x4000  }
0x47: {  	[sflag:s11] =	ssyncset.done $0x0  }
0x48: {  	s25 =	rddreg [dreg:$0x8];
	[sflag:s11] =	ssyncadd.s32 $0xFFFFC000  }
0x49: {  	[tilespmem:s15], [sflag:$0x2] =	stream.indirect.gather [hbm4b:s4+s13], $0x80, s25, s13, $0xb8;
	[tilespmem:$0x1CC00] =	vst v63  }
0x4a: {  	_ =	swait.ge [sflag:s16], $0x4000  }
0x4b: {  	[sflag:s16] =	ssyncset.done $0x0  }
0x4c: {  	s10 =	rddreg [dreg:$0x9];
	[sflag:s16] =	ssyncadd.s32 $0xFFFFC000  }
0x4d: {  	[spmem:s2] =	stream.indirect.scatter.add.f32 [tilespmem:s14], [sflag:$0x3], $0x80, s10, s13, $0xb8;
	[tilespmem:$0x1CC00] =	vst v63  }
0x4e: {  	_ =	swait.ge [sflag:s11], $0x4000  }
0x4f: {  	[sflag:s11] =	ssyncset.done $0x0  }
0x50: {  	s24 =	rddreg [dreg:$0xa];
	[sflag:s11] =	ssyncadd.s32 $0xFFFFC000  }
0x51: {  	[tilespmem:s14], [sflag:$0x1] =	stream.indirect.gather [hbm4b:s4+s13], $0x80, s24, s13, $0xb8;
	[tilespmem:$0x1CC00] =	vst v63  }
0x52: {  	_ =	swait.ge [sflag:s17], $0x4000  }
0x53: {  	[sflag:s17] =	ssyncset.done $0x0  }
0x54: {  	s25 =	rddreg [dreg:$0xb];
	[sflag:s17] =	ssyncadd.s32 $0xFFFFC000  }
0x55: {  	[spmem:s2] =	stream.indirect.scatter.add.f32 [tilespmem:s15], [sflag:$0x3], $0x80, s25, s13, $0xb8;
	[tilespmem:$0x1CC00] =	vst v63  }
0x56: {  	_ =	swait.ge [sflag:s11], $0x4000  }
0x57: {  	[sflag:s11] =	ssyncset.done $0x0  }
0x58: {  	s10 =	rddreg [dreg:$0xc];
	[sflag:s11] =	ssyncadd.s32 $0xFFFFC000  }
0x59: {  	[tilespmem:s15], [sflag:$0x2] =	stream.indirect.gather [hbm4b:s4+s13], $0x80, s10, s13, $0xb8;
	[tilespmem:$0x1CC00] =	vst v63  }
0x5a: {  	_ =	swait.ge [sflag:s16], $0x4000  }
0x5b: {  	[sflag:s16] =	ssyncset.done $0x0  }
0x5c: {  	s24 =	rddreg [dreg:$0xd];
	[sflag:s16] =	ssyncadd.s32 $0xFFFFC000  }
0x5d: {  	[spmem:s2] =	stream.indirect.scatter.add.f32 [tilespmem:s14], [sflag:$0x3], $0x80, s24, s13, $0xb8;
	[tilespmem:$0x1CC00] =	vst v63  }
0x5e: {  	_ =	swait.ge [sflag:s11], $0x4000  }
0x5f: {  	[sflag:s11] =	ssyncset.done $0x0  }
0x60: {  	s25 =	rddreg [dreg:$0xe];
	[sflag:s11] =	ssyncadd.s32 $0xFFFFC000  }
0x61: {  	[tilespmem:s14], [sflag:$0x1] =	stream.indirect.gather [hbm4b:s4+s13], $0x80, s25, s13, $0xb8;
	[tilespmem:$0x1CC00] =	vst v63  }
0x62: {  	_ =	swait.ge [sflag:s17], $0x4000  }
0x63: {  	[sflag:s17] =	ssyncset.done $0x0  }
0x64: {  	s10 =	rddreg [dreg:$0xf];
	[sflag:s17] =	ssyncadd.s32 $0xFFFFC000  }
0x65: {  	[spmem:s2] =	stream.indirect.scatter.add.f32 [tilespmem:s15], [sflag:$0x3], $0x80, s10, s13, $0xb8;
	[tilespmem:$0x1CC00] =	vst v63  }
0x66: {  	_ =	swait.ge [sflag:s11], $0x4000  }
0x67: {  	[sflag:s11] =	ssyncset.done $0x0  }
0x68: {  	s24 =	rddreg [dreg:$0x10];
	[sflag:s11] =	ssyncadd.s32 $0xFFFFC000  }
0x69: {  	[tilespmem:s15], [sflag:$0x2] =	stream.indirect.gather [hbm4b:s4+s13], $0x80, s24, s13, $0xb8;
	[tilespmem:$0x1CC00] =	vst v63  }
0x6a: {  	_ =	swait.ge [sflag:s16], $0x4000  }
0x6b: {  	[sflag:s16] =	ssyncset.done $0x0  }
0x6c: {  	s25 =	rddreg [dreg:$0x11];
	[sflag:s16] =	ssyncadd.s32 $0xFFFFC000  }
0x6d: {  	[spmem:s2] =	stream.indirect.scatter.add.f32 [tilespmem:s14], [sflag:$0x3], $0x80, s25, s13, $0xb8;
	[tilespmem:$0x1CC00] =	vst v63  }
0x6e: {  	_ =	swait.ge [sflag:s11], $0x4000  }
0x6f: {  	[sflag:s11] =	ssyncset.done $0x0  }
0x70: {  	[sflag:s11] =	ssyncadd.s32 $0xFFFFC000  }
0x71: {  	[tilespmem:s14], [sflag:$0x1] =	stream.indirect.gather [hbm4b:s4+s13], $0x80, s18, s13, $0xb8;
	[tilespmem:$0x1CC00] =	vst v63  }
0x72: {  	_ =	swait.ge [sflag:s17], $0x4000  }
0x73: {  	[sflag:s17] =	ssyncset.done $0x0  }
0x74: {  	[sflag:s17] =	ssyncadd.s32 $0xFFFFC000  }
0x75: {  	[spmem:s2] =	stream.indirect.scatter.add.f32 [tilespmem:s15], [sflag:$0x3], $0x80, s19, s13, $0xb8;
	[tilespmem:$0x1CC00] =	vst v63  }
0x76: {  	_ =	swait.ge [sflag:s11], $0x4000  }
0x77: {  	[sflag:s11] =	ssyncset.done $0x0  }
0x78: {  	[sflag:s11] =	ssyncadd.s32 $0xFFFFC000  }
0x79: {  	[tilespmem:s15], [sflag:$0x2] =	stream.indirect.gather [hbm4b:s4+s13], $0x80, s20, s13, $0xb8;
	[tilespmem:$0x1CC00] =	vst v63  }
0x7a: {  	_ =	swait.ge [sflag:s16], $0x4000  }
0x7b: {  	[sflag:s16] =	ssyncset.done $0x0  }
0x7c: {  	[sflag:s16] =	ssyncadd.s32 $0xFFFFC000  }
0x7d: {  	[spmem:s2] =	stream.indirect.scatter.add.f32 [tilespmem:s14], [sflag:$0x3], $0x80, s21, s13, $0xb8;
	[tilespmem:$0x1CC00] =	vst v63  }
0x7e: {  	_ =	swait.ge [sflag:s11], $0x4000  }
0x7f: {  	[sflag:s11] =	ssyncset.done $0x0  }
0x80: {  	[sflag:s11] =	ssyncadd.s32 $0xFFFFC000  }
0x81: {  	[tilespmem:s14], [sflag:$0x1] =	stream.indirect.gather [hbm4b:s4+s13], $0x80, s22, s13, $0xb8;
	[tilespmem:$0x1CC00] =	vst v63  }
0x82: {  	_ =	swait.ge [sflag:s17], $0x4000  }
0x83: {  	[sflag:s17] =	ssyncset.done $0x0  }
0x84: {  	[sflag:s17] =	ssyncadd.s32 $0xFFFFC000  }
0x85: {  	[spmem:s2] =	stream.indirect.scatter.add.f32 [tilespmem:s15], [sflag:$0x3], $0x80, s23, s13, $0xb8;
	[tilespmem:$0x1CC00] =	vst v63  }
0x86: {  	_ =	swait.ge [sflag:s11], $0x4000  }
0x87: {  	[sflag:s11] =	ssyncset.done $0x0  }
0x88: {  	[sflag:s11] =	ssyncadd.s32 $0xFFFFC000  }
0x89: {  	[tilespmem:s15], [sflag:$0x2] =	stream.indirect.gather [hbm4b:s4+s13], $0x80, s26, s13, $0xb8;
	[tilespmem:$0x1CC00] =	vst v63  }
0x8a: {  	_ =	swait.ge [sflag:s16], $0x4000  }
0x8b: {  	[sflag:s16] =	ssyncset.done $0x0  }
0x8c: {  	[sflag:s16] =	ssyncadd.s32 $0xFFFFC000  }
0x8d: {  	[spmem:s2] =	stream.indirect.scatter.add.f32 [tilespmem:s14], [sflag:$0x3], $0x80, s28, s13, $0xb8;
	[tilespmem:$0x1CC00] =	vst v63  }
0x8e: {  	_ =	swait.ge [sflag:s11], $0x4000  }
0x8f: {  	[sflag:s11] =	ssyncset.done $0x0  }
0x90: {  	[sflag:s11] =	ssyncadd.s32 $0xFFFFC000  }
0x91: {  	[tilespmem:s14], [sflag:$0x1] =	stream.indirect.gather [hbm4b:s4+s13], $0x80, s29, s13, $0xb8;
	[tilespmem:$0x1CC00] =	vst v63  }
0x92: {  	_ =	swait.ge [sflag:s17], $0x4000  }
0x93: {  	[sflag:s17] =	ssyncset.done $0x0  }
0x94: {  	[sflag:s17] =	ssyncadd.s32 $0xFFFFC000  }
0x95: {  	[spmem:s2] =	stream.indirect.scatter.add.f32 [tilespmem:s15], [sflag:$0x3], $0x80, s30, s13, $0xb8;
	[tilespmem:$0x1CC00] =	vst v63  }
0x96: {  	_ =	swait.ge [sflag:s11], $0x4000  }
0x97: {  	[sflag:s11] =	ssyncset.done $0x0  }
0x98: {  	[sflag:s11] =	ssyncadd.s32 $0xFFFFC000  }
0x99: {  	[tilespmem:s15], [sflag:$0x2] =	stream.indirect.gather [hbm4b:s4+s13], $0x80, s31, s13, $0xb8;
	[tilespmem:$0x1CC00] =	vst v63  }
0x9a: {  	_ =	swait.ge [sflag:s16], $0x4000  }
0x9b: {  	[sflag:s16] =	ssyncset.done $0x0  }
0x9c: {  	[sflag:s16] =	ssyncadd.s32 $0xFFFFC000  }
0x9d: {  	[spmem:s2] =	stream.indirect.scatter.add.f32 [tilespmem:s14], [sflag:$0x3], $0x80, s0, s13, $0xb8;
	[tilespmem:$0x1CC00] =	vst v63  }
0x9e: {  	_ =	swait.ge [sflag:s11], $0x4000  }
0x9f: {  	[sflag:s11] =	ssyncset.done $0x0  }
0xa0: {  	[sflag:s11] =	ssyncadd.s32 $0xFFFFC000  }
0xa1: {  	[tilespmem:s14], [sflag:$0x1] =	stream.indirect.gather [hbm4b:s4+s13], $0x80, s1, s13, $0xb8;
	[tilespmem:$0x1CC00] =	vst v63  }
0xa2: {  	_ =	swait.ge [sflag:s17], $0x4000  }
0xa3: {  	[sflag:s17] =	ssyncset.done $0x0  }
0xa4: {  	[sflag:s17] =	ssyncadd.s32 $0xFFFFC000  }
0xa5: {  	[spmem:s2] =	stream.indirect.scatter.add.f32 [tilespmem:s15], [sflag:$0x3], $0x80, s5, s13, $0xb8;
	[tilespmem:$0x1CC00] =	vst v63  }
0xa6: {  	_ =	swait.ge [sflag:s11], $0x4000  }
0xa7: {  	[sflag:s11] =	ssyncset.done $0x0  }
0xa8: {  	[sflag:s11] =	ssyncadd.s32 $0xFFFFC000  }
0xa9: {  	[tilespmem:s15], [sflag:$0x2] =	stream.indirect.gather [hbm4b:s4+s13], $0x80, s7, s13, $0xb8;
	[tilespmem:$0x1CC00] =	vst v63  }
0xaa: {  	_ =	swait.ge [sflag:s16], $0x4000  }
0xab: {  	[sflag:s16] =	ssyncset.done $0x0  }
0xac: {  	[sflag:s16] =	ssyncadd.s32 $0xFFFFC000  }
0xad: {  	[spmem:s2] =	stream.indirect.scatter.add.f32 [tilespmem:s14], [sflag:$0x3], $0x80, s8, s13, $0xb8;
	[tilespmem:$0x1CC00] =	vst v63  }
0xae: {  	_ =	swait.ge [sflag:s11], $0x4000  }
0xaf: {  	[sflag:s11] =	ssyncset.done $0x0  }
0xb0: {  	[sflag:s11] =	ssyncadd.s32 $0xFFFFC000  }
0xb1: {  	_ =	swait.ge [sflag:s17], $0x4000  }
0xb2: {  	[sflag:s17] =	ssyncset.done $0x0  }
0xb3: {  	[sflag:s17] =	ssyncadd.s32 $0xFFFFC000  }
0xb4: {  	[spmem:s2] =	stream.indirect.scatter.add.f32 [tilespmem:s15], [sflag:$0x3], $0x80, s9, s13, $0xb8;
	[tilespmem:$0x1CC00] =	vst v63  }
0xb5: {  	s24 =	simm.s32 $0x100;
	_ =	swait.ge [sflag:s11], $0x4000  }
0xb6: {  	s25 =	simm.s32 $0x200;
	s6 =	rddreg [dreg:$0x5];
	[sflag:s11] =	ssyncset.done $0x0  }
.LBB2_2:
0xb7: {  	[sflag:s11] =	ssyncadd.s32 $0xFFFFC000;
	s6 =	sadd.s32 s24, s6  }
0xb8: {  	[tilespmem:s3], [sflag:$0x3] =	stream.linear.gather [hbm4b:s6+s3], $0x800, $0x38;
	[tilespmem:$0x1CC00] =	vst v63  }
0xb9: {  	_ =	swait.ge [sflag:s11], $0x800  }
0xba: {  	s6 =	rddreg [dreg:$0x4];
	[sflag:s11] =	ssyncset.done $0x0  }
0xbb: {  	[sflag:s11] =	ssyncadd.s32 $0xFFFFF800;
	s6 =	sadd.s32 s24, s6  }
0xbc: {  	[tilespmem:s12], [sflag:$0x3] =	stream.linear.gather [hbm4b:s6+s3], $0x800, $0x38;
	[tilespmem:$0x1CC00] =	vst v63  }
0xbd: {  	_ =	swait.ge [sflag:s11], $0x800  }
0xbe: {  	[sflag:s11] =	ssyncset.done $0x0  }
0xbf: {  	[sflag:s11] =	ssyncadd.s32 $0xFFFFF800  }
0xc0: {  	[tilespmem:s14], [sflag:$0x1] =	stream.indirect.gather [hbm4b:s4+s13], $0x80, s3, s13, $0xb8;
	[tilespmem:$0x1CC00] =	vst v63  }
0xc1: {  	_ = 	snop  }
0xc2: {  	[tilespmem:s15], [sflag:$0x2] =	stream.indirect.gather [hbm4b:s4+s13], $0x80, s13, s13, $0xb8;
	[tilespmem:$0x1CC00] =	vst v63  }
0xc3: {  	_ =	swait.ge [sflag:s16], $0x4000  }
0xc4: {  	[sflag:s16] =	ssyncset.done $0x0  }
0xc5: {  	[sflag:s16] =	ssyncadd.s32 $0xFFFFC000  }
0xc6: {  	[spmem:s2] =	stream.indirect.scatter.add.f32 [tilespmem:s14], [sflag:$0x3], $0x80, s12, s13, $0xb8;
	[tilespmem:$0x1CC00] =	vst v63  }
0xc7: {  	_ =	swait.ge [sflag:s11], $0x4000  }
0xc8: {  	s10 =	smov.u32 s25;
	[sflag:s11] =	ssyncset.done $0x0  }
0xc9: {  	s24 =	smov.u32 s10;
	s10 =	rddreg [dreg:$0x6];
	[sflag:s11] =	ssyncadd.s32 $0xFFFFC000  }
0xca: {  	[tilespmem:s14], [sflag:$0x1] =	stream.indirect.gather [hbm4b:s4+s13], $0x80, s10, s13, $0xb8;
	[tilespmem:$0x1CC00] =	vst v63  }
0xcb: {  	_ =	swait.ge [sflag:s17], $0x4000  }
0xcc: {  	[sflag:s17] =	ssyncset.done $0x0  }
0xcd: {  	s10 =	rddreg [dreg:$0x7];
	[sflag:s17] =	ssyncadd.s32 $0xFFFFC000  }
0xce: {  	[spmem:s2] =	stream.indirect.scatter.add.f32 [tilespmem:s15], [sflag:$0x3], $0x80, s10, s13, $0xb8;
	[tilespmem:$0x1CC00] =	vst v63  }
0xcf: {  	_ =	swait.ge [sflag:s11], $0x4000  }
0xd0: {  	[sflag:s11] =	ssyncset.done $0x0  }
0xd1: {  	s10 =	rddreg [dreg:$0x8];
	[sflag:s11] =	ssyncadd.s32 $0xFFFFC000  }
0xd2: {  	[tilespmem:s15], [sflag:$0x2] =	stream.indirect.gather [hbm4b:s4+s13], $0x80, s10, s13, $0xb8;
	[tilespmem:$0x1CC00] =	vst v63  }
0xd3: {  	_ =	swait.ge [sflag:s16], $0x4000  }
0xd4: {  	[sflag:s16] =	ssyncset.done $0x0  }
0xd5: {  	s10 =	rddreg [dreg:$0x9];
	[sflag:s16] =	ssyncadd.s32 $0xFFFFC000  }
0xd6: {  	[spmem:s2] =	stream.indirect.scatter.add.f32 [tilespmem:s14], [sflag:$0x3], $0x80, s10, s13, $0xb8;
	[tilespmem:$0x1CC00] =	vst v63  }
0xd7: {  	_ =	swait.ge [sflag:s11], $0x4000  }
0xd8: {  	[sflag:s11] =	ssyncset.done $0x0  }
0xd9: {  	s10 =	rddreg [dreg:$0xa];
	[sflag:s11] =	ssyncadd.s32 $0xFFFFC000  }
0xda: {  	[tilespmem:s14], [sflag:$0x1] =	stream.indirect.gather [hbm4b:s4+s13], $0x80, s10, s13, $0xb8;
	[tilespmem:$0x1CC00] =	vst v63  }
0xdb: {  	_ =	swait.ge [sflag:s17], $0x4000  }
0xdc: {  	[sflag:s17] =	ssyncset.done $0x0  }
0xdd: {  	s10 =	rddreg [dreg:$0xb];
	[sflag:s17] =	ssyncadd.s32 $0xFFFFC000  }
0xde: {  	[spmem:s2] =	stream.indirect.scatter.add.f32 [tilespmem:s15], [sflag:$0x3], $0x80, s10, s13, $0xb8;
	[tilespmem:$0x1CC00] =	vst v63  }
0xdf: {  	_ =	swait.ge [sflag:s11], $0x4000  }
0xe0: {  	[sflag:s11] =	ssyncset.done $0x0  }
0xe1: {  	s10 =	rddreg [dreg:$0xc];
	[sflag:s11] =	ssyncadd.s32 $0xFFFFC000  }
0xe2: {  	[tilespmem:s15], [sflag:$0x2] =	stream.indirect.gather [hbm4b:s4+s13], $0x80, s10, s13, $0xb8;
	[tilespmem:$0x1CC00] =	vst v63  }
0xe3: {  	_ =	swait.ge [sflag:s16], $0x4000  }
0xe4: {  	[sflag:s16] =	ssyncset.done $0x0  }
0xe5: {  	s10 =	rddreg [dreg:$0xd];
	[sflag:s16] =	ssyncadd.s32 $0xFFFFC000  }
0xe6: {  	[spmem:s2] =	stream.indirect.scatter.add.f32 [tilespmem:s14], [sflag:$0x3], $0x80, s10, s13, $0xb8;
	[tilespmem:$0x1CC00] =	vst v63  }
0xe7: {  	_ =	swait.ge [sflag:s11], $0x4000  }
0xe8: {  	[sflag:s11] =	ssyncset.done $0x0  }
0xe9: {  	s10 =	rddreg [dreg:$0xe];
	[sflag:s11] =	ssyncadd.s32 $0xFFFFC000  }
0xea: {  	[tilespmem:s14], [sflag:$0x1] =	stream.indirect.gather [hbm4b:s4+s13], $0x80, s10, s13, $0xb8;
	[tilespmem:$0x1CC00] =	vst v63  }
0xeb: {  	_ =	swait.ge [sflag:s17], $0x4000  }
0xec: {  	[sflag:s17] =	ssyncset.done $0x0  }
0xed: {  	s10 =	rddreg [dreg:$0xf];
	[sflag:s17] =	ssyncadd.s32 $0xFFFFC000  }
0xee: {  	[spmem:s2] =	stream.indirect.scatter.add.f32 [tilespmem:s15], [sflag:$0x3], $0x80, s10, s13, $0xb8;
	[tilespmem:$0x1CC00] =	vst v63  }
0xef: {  	_ =	swait.ge [sflag:s11], $0x4000  }
0xf0: {  	[sflag:s11] =	ssyncset.done $0x0  }
0xf1: {  	s10 =	rddreg [dreg:$0x10];
	[sflag:s11] =	ssyncadd.s32 $0xFFFFC000  }
0xf2: {  	[tilespmem:s15], [sflag:$0x2] =	stream.indirect.gather [hbm4b:s4+s13], $0x80, s10, s13, $0xb8;
	[tilespmem:$0x1CC00] =	vst v63  }
0xf3: {  	_ =	swait.ge [sflag:s16], $0x4000  }
0xf4: {  	[sflag:s16] =	ssyncset.done $0x0  }
0xf5: {  	s10 =	rddreg [dreg:$0x11];
	[sflag:s16] =	ssyncadd.s32 $0xFFFFC000  }
0xf6: {  	[spmem:s2] =	stream.indirect.scatter.add.f32 [tilespmem:s14], [sflag:$0x3], $0x80, s10, s13, $0xb8;
	[tilespmem:$0x1CC00] =	vst v63  }
0xf7: {  	_ =	swait.ge [sflag:s11], $0x4000  }
0xf8: {  	[sflag:s11] =	ssyncset.done $0x0  }
0xf9: {  	[sflag:s11] =	ssyncadd.s32 $0xFFFFC000  }
0xfa: {  	[tilespmem:s14], [sflag:$0x1] =	stream.indirect.gather [hbm4b:s4+s13], $0x80, s18, s13, $0xb8;
	[tilespmem:$0x1CC00] =	vst v63  }
0xfb: {  	_ =	swait.ge [sflag:s17], $0x4000  }
0xfc: {  	[sflag:s17] =	ssyncset.done $0x0  }
0xfd: {  	[sflag:s17] =	ssyncadd.s32 $0xFFFFC000  }
0xfe: {  	[spmem:s2] =	stream.indirect.scatter.add.f32 [tilespmem:s15], [sflag:$0x3], $0x80, s19, s13, $0xb8;
	[tilespmem:$0x1CC00] =	vst v63  }
0xff: {  	_ =	swait.ge [sflag:s11], $0x4000  }
0x100: {  	[sflag:s11] =	ssyncset.done $0x0  }
0x101: {  	[sflag:s11] =	ssyncadd.s32 $0xFFFFC000  }
0x102: {  	[tilespmem:s15], [sflag:$0x2] =	stream.indirect.gather [hbm4b:s4+s13], $0x80, s20, s13, $0xb8;
	[tilespmem:$0x1CC00] =	vst v63  }
0x103: {  	_ =	swait.ge [sflag:s16], $0x4000  }
0x104: {  	[sflag:s16] =	ssyncset.done $0x0  }
0x105: {  	[sflag:s16] =	ssyncadd.s32 $0xFFFFC000  }
0x106: {  	[spmem:s2] =	stream.indirect.scatter.add.f32 [tilespmem:s14], [sflag:$0x3], $0x80, s21, s13, $0xb8;
	[tilespmem:$0x1CC00] =	vst v63  }
0x107: {  	_ =	swait.ge [sflag:s11], $0x4000  }
0x108: {  	[sflag:s11] =	ssyncset.done $0x0  }
0x109: {  	[sflag:s11] =	ssyncadd.s32 $0xFFFFC000  }
0x10a: {  	[tilespmem:s14], [sflag:$0x1] =	stream.indirect.gather [hbm4b:s4+s13], $0x80, s22, s13, $0xb8;
	[tilespmem:$0x1CC00] =	vst v63  }
0x10b: {  	_ =	swait.ge [sflag:s17], $0x4000  }
0x10c: {  	[sflag:s17] =	ssyncset.done $0x0  }
0x10d: {  	[sflag:s17] =	ssyncadd.s32 $0xFFFFC000  }
0x10e: {  	[spmem:s2] =	stream.indirect.scatter.add.f32 [tilespmem:s15], [sflag:$0x3], $0x80, s23, s13, $0xb8;
	[tilespmem:$0x1CC00] =	vst v63  }
0x10f: {  	_ =	swait.ge [sflag:s11], $0x4000  }
0x110: {  	[sflag:s11] =	ssyncset.done $0x0  }
0x111: {  	[sflag:s11] =	ssyncadd.s32 $0xFFFFC000  }
0x112: {  	[tilespmem:s15], [sflag:$0x2] =	stream.indirect.gather [hbm4b:s4+s13], $0x80, s26, s13, $0xb8;
	[tilespmem:$0x1CC00] =	vst v63  }
0x113: {  	_ =	swait.ge [sflag:s16], $0x4000  }
0x114: {  	[sflag:s16] =	ssyncset.done $0x0  }
0x115: {  	[sflag:s16] =	ssyncadd.s32 $0xFFFFC000  }
0x116: {  	[spmem:s2] =	stream.indirect.scatter.add.f32 [tilespmem:s14], [sflag:$0x3], $0x80, s28, s13, $0xb8;
	[tilespmem:$0x1CC00] =	vst v63  }
0x117: {  	_ =	swait.ge [sflag:s11], $0x4000  }
0x118: {  	[sflag:s11] =	ssyncset.done $0x0  }
0x119: {  	[sflag:s11] =	ssyncadd.s32 $0xFFFFC000  }
0x11a: {  	[tilespmem:s14], [sflag:$0x1] =	stream.indirect.gather [hbm4b:s4+s13], $0x80, s29, s13, $0xb8;
	[tilespmem:$0x1CC00] =	vst v63  }
0x11b: {  	_ =	swait.ge [sflag:s17], $0x4000  }
0x11c: {  	[sflag:s17] =	ssyncset.done $0x0  }
0x11d: {  	[sflag:s17] =	ssyncadd.s32 $0xFFFFC000  }
0x11e: {  	[spmem:s2] =	stream.indirect.scatter.add.f32 [tilespmem:s15], [sflag:$0x3], $0x80, s30, s13, $0xb8;
	[tilespmem:$0x1CC00] =	vst v63  }
0x11f: {  	_ =	swait.ge [sflag:s11], $0x4000  }
0x120: {  	[sflag:s11] =	ssyncset.done $0x0  }
0x121: {  	[sflag:s11] =	ssyncadd.s32 $0xFFFFC000  }
0x122: {  	[tilespmem:s15], [sflag:$0x2] =	stream.indirect.gather [hbm4b:s4+s13], $0x80, s31, s13, $0xb8;
	[tilespmem:$0x1CC00] =	vst v63  }
0x123: {  	_ =	swait.ge [sflag:s16], $0x4000  }
0x124: {  	[sflag:s16] =	ssyncset.done $0x0  }
0x125: {  	[sflag:s16] =	ssyncadd.s32 $0xFFFFC000  }
0x126: {  	[spmem:s2] =	stream.indirect.scatter.add.f32 [tilespmem:s14], [sflag:$0x3], $0x80, s0, s13, $0xb8;
	[tilespmem:$0x1CC00] =	vst v63  }
0x127: {  	_ =	swait.ge [sflag:s11], $0x4000  }
0x128: {  	[sflag:s11] =	ssyncset.done $0x0  }
0x129: {  	[sflag:s11] =	ssyncadd.s32 $0xFFFFC000  }
0x12a: {  	[tilespmem:s14], [sflag:$0x1] =	stream.indirect.gather [hbm4b:s4+s13], $0x80, s1, s13, $0xb8;
	[tilespmem:$0x1CC00] =	vst v63  }
0x12b: {  	_ =	swait.ge [sflag:s17], $0x4000  }
0x12c: {  	[sflag:s17] =	ssyncset.done $0x0  }
0x12d: {  	[sflag:s17] =	ssyncadd.s32 $0xFFFFC000  }
0x12e: {  	[spmem:s2] =	stream.indirect.scatter.add.f32 [tilespmem:s15], [sflag:$0x3], $0x80, s5, s13, $0xb8;
	[tilespmem:$0x1CC00] =	vst v63  }
0x12f: {  	_ =	swait.ge [sflag:s11], $0x4000  }
0x130: {  	[sflag:s11] =	ssyncset.done $0x0  }
0x131: {  	[sflag:s11] =	ssyncadd.s32 $0xFFFFC000  }
0x132: {  	[tilespmem:s15], [sflag:$0x2] =	stream.indirect.gather [hbm4b:s4+s13], $0x80, s7, s13, $0xb8;
	[tilespmem:$0x1CC00] =	vst v63  }
0x133: {  	_ =	swait.ge [sflag:s16], $0x4000  }
0x134: {  	[sflag:s16] =	ssyncset.done $0x0  }
0x135: {  	[sflag:s16] =	ssyncadd.s32 $0xFFFFC000  }
0x136: {  	[spmem:s2] =	stream.indirect.scatter.add.f32 [tilespmem:s14], [sflag:$0x3], $0x80, s8, s13, $0xb8;
	[tilespmem:$0x1CC00] =	vst v63  }
0x137: {  	_ =	swait.ge [sflag:s11], $0x4000  }
0x138: {  	[sflag:s11] =	ssyncset.done $0x0  }
0x139: {  	[sflag:s11] =	ssyncadd.s32 $0xFFFFC000  }
0x13a: {  	p1 =	sne.s32 s25, $0x400;
	_ =	swait.ge [sflag:s17], $0x4000  }
.Ltmp0:
0x13b: {  	[sflag:s17] =	ssyncset.done $0x0;
	(pc) =	sbr.rel @p1 .LBB2_2-.Ltmp0, $4  }
0x13c: {  	[sflag:s17] =	ssyncadd.s32 $0xFFFFC000  }
0x13d: {  	[spmem:s2] =	stream.indirect.scatter.add.f32 [tilespmem:s15], [sflag:$0x3], $0x80, s9, s13, $0xb8;
	[tilespmem:$0x1CC00] =	vst v63  }
0x13e: {  	_ =	swait.ge [sflag:s11], $0x4000  }
0x13f: {  	s25 =	sadd.s32 $0x100, s25;
	s6 =	rddreg [dreg:$0x5];
	[sflag:s11] =	ssyncset.done $0x0  }
0x140: {  	[sflag:s11] =	ssyncadd.s32 $0xFFFFC000;
	s6 =	sadd.s32 s24, s6  }
0x141: {  	[tilespmem:s3], [sflag:$0x3] =	stream.linear.gather [hbm4b:s6+s3], $0x800, $0x38;
	[tilespmem:$0x1CC00] =	vst v63  }
0x142: {  	_ =	swait.ge [sflag:s11], $0x800  }
0x143: {  	s25 =	rddreg [dreg:$0x4];
	[sflag:s11] =	ssyncset.done $0x0  }
0x144: {  	s6 =	sadd.s32 s24, s25;
	[sflag:s11] =	ssyncadd.s32 $0xFFFFF800  }
0x145: {  	[tilespmem:s12], [sflag:$0x3] =	stream.linear.gather [hbm4b:s6+s3], $0x800, $0x38;
	[tilespmem:$0x1CC00] =	vst v63  }
0x146: {  	_ =	swait.ge [sflag:s11], $0x800  }
0x147: {  	[sflag:s11] =	ssyncset.done $0x0  }
0x148: {  	[sflag:s11] =	ssyncadd.s32 $0xFFFFF800  }
0x149: {  	[tilespmem:s14], [sflag:$0x1] =	stream.indirect.gather [hbm4b:s4+s13], $0x80, s3, s13, $0xb8;
	[tilespmem:$0x1CC00] =	vst v63  }
0x14a: {  	_ = 	snop  }
0x14b: {  	[tilespmem:s15], [sflag:$0x2] =	stream.indirect.gather [hbm4b:s4+s13], $0x80, s13, s13, $0xb8;
	[tilespmem:$0x1CC00] =	vst v63  }
0x14c: {  	_ =	swait.ge [sflag:s16], $0x4000  }
0x14d: {  	[sflag:s16] =	ssyncset.done $0x0  }
0x14e: {  	[sflag:s16] =	ssyncadd.s32 $0xFFFFC000  }
0x14f: {  	[spmem:s2] =	stream.indirect.scatter.add.f32 [tilespmem:s14], [sflag:$0x3], $0x80, s12, s13, $0xb8;
	[tilespmem:$0x1CC00] =	vst v63  }
0x150: {  	_ =	swait.ge [sflag:s11], $0x4000  }
0x151: {  	[sflag:s11] =	ssyncset.done $0x0  }
0x152: {  	s10 =	rddreg [dreg:$0x6];
	[sflag:s11] =	ssyncadd.s32 $0xFFFFC000  }
0x153: {  	[tilespmem:s14], [sflag:$0x1] =	stream.indirect.gather [hbm4b:s4+s13], $0x80, s10, s13, $0xb8;
	[tilespmem:$0x1CC00] =	vst v63  }
0x154: {  	_ =	swait.ge [sflag:s17], $0x4000  }
0x155: {  	[sflag:s17] =	ssyncset.done $0x0  }
0x156: {  	s24 =	rddreg [dreg:$0x7];
	[sflag:s17] =	ssyncadd.s32 $0xFFFFC000  }
0x157: {  	[spmem:s2] =	stream.indirect.scatter.add.f32 [tilespmem:s15], [sflag:$0x3], $0x80, s24, s13, $0xb8;
	[tilespmem:$0x1CC00] =	vst v63  }
0x158: {  	_ =	swait.ge [sflag:s11], $0x4000  }
0x159: {  	[sflag:s11] =	ssyncset.done $0x0  }
0x15a: {  	s25 =	rddreg [dreg:$0x8];
	[sflag:s11] =	ssyncadd.s32 $0xFFFFC000  }
0x15b: {  	[tilespmem:s15], [sflag:$0x2] =	stream.indirect.gather [hbm4b:s4+s13], $0x80, s25, s13, $0xb8;
	[tilespmem:$0x1CC00] =	vst v63  }
0x15c: {  	_ =	swait.ge [sflag:s16], $0x4000  }
0x15d: {  	[sflag:s16] =	ssyncset.done $0x0  }
0x15e: {  	s10 =	rddreg [dreg:$0x9];
	[sflag:s16] =	ssyncadd.s32 $0xFFFFC000  }
0x15f: {  	[spmem:s2] =	stream.indirect.scatter.add.f32 [tilespmem:s14], [sflag:$0x3], $0x80, s10, s13, $0xb8;
	[tilespmem:$0x1CC00] =	vst v63  }
0x160: {  	_ =	swait.ge [sflag:s11], $0x4000  }
0x161: {  	[sflag:s11] =	ssyncset.done $0x0  }
0x162: {  	s24 =	rddreg [dreg:$0xa];
	[sflag:s11] =	ssyncadd.s32 $0xFFFFC000  }
0x163: {  	[tilespmem:s14], [sflag:$0x1] =	stream.indirect.gather [hbm4b:s4+s13], $0x80, s24, s13, $0xb8;
	[tilespmem:$0x1CC00] =	vst v63  }
0x164: {  	_ =	swait.ge [sflag:s17], $0x4000  }
0x165: {  	[sflag:s17] =	ssyncset.done $0x0  }
0x166: {  	s25 =	rddreg [dreg:$0xb];
	[sflag:s17] =	ssyncadd.s32 $0xFFFFC000  }
0x167: {  	[spmem:s2] =	stream.indirect.scatter.add.f32 [tilespmem:s15], [sflag:$0x3], $0x80, s25, s13, $0xb8;
	[tilespmem:$0x1CC00] =	vst v63  }
0x168: {  	_ =	swait.ge [sflag:s11], $0x4000  }
0x169: {  	[sflag:s11] =	ssyncset.done $0x0  }
0x16a: {  	s10 =	rddreg [dreg:$0xc];
	[sflag:s11] =	ssyncadd.s32 $0xFFFFC000  }
0x16b: {  	[tilespmem:s15], [sflag:$0x2] =	stream.indirect.gather [hbm4b:s4+s13], $0x80, s10, s13, $0xb8;
	[tilespmem:$0x1CC00] =	vst v63  }
0x16c: {  	_ =	swait.ge [sflag:s16], $0x4000  }
0x16d: {  	[sflag:s16] =	ssyncset.done $0x0  }
0x16e: {  	s24 =	rddreg [dreg:$0xd];
	[sflag:s16] =	ssyncadd.s32 $0xFFFFC000  }
0x16f: {  	[spmem:s2] =	stream.indirect.scatter.add.f32 [tilespmem:s14], [sflag:$0x3], $0x80, s24, s13, $0xb8;
	[tilespmem:$0x1CC00] =	vst v63  }
0x170: {  	_ =	swait.ge [sflag:s11], $0x4000  }
0x171: {  	[sflag:s11] =	ssyncset.done $0x0  }
0x172: {  	s25 =	rddreg [dreg:$0xe];
	[sflag:s11] =	ssyncadd.s32 $0xFFFFC000  }
0x173: {  	[tilespmem:s14], [sflag:$0x1] =	stream.indirect.gather [hbm4b:s4+s13], $0x80, s25, s13, $0xb8;
	[tilespmem:$0x1CC00] =	vst v63  }
0x174: {  	_ =	swait.ge [sflag:s17], $0x4000  }
0x175: {  	[sflag:s17] =	ssyncset.done $0x0  }
0x176: {  	s10 =	rddreg [dreg:$0xf];
	[sflag:s17] =	ssyncadd.s32 $0xFFFFC000  }
0x177: {  	[spmem:s2] =	stream.indirect.scatter.add.f32 [tilespmem:s15], [sflag:$0x3], $0x80, s10, s13, $0xb8;
	[tilespmem:$0x1CC00] =	vst v63  }
0x178: {  	_ =	swait.ge [sflag:s11], $0x4000  }
0x179: {  	[sflag:s11] =	ssyncset.done $0x0  }
0x17a: {  	s24 =	rddreg [dreg:$0x10];
	[sflag:s11] =	ssyncadd.s32 $0xFFFFC000  }
0x17b: {  	[tilespmem:s15], [sflag:$0x2] =	stream.indirect.gather [hbm4b:s4+s13], $0x80, s24, s13, $0xb8;
	[tilespmem:$0x1CC00] =	vst v63  }
0x17c: {  	_ =	swait.ge [sflag:s16], $0x4000  }
0x17d: {  	[sflag:s16] =	ssyncset.done $0x0  }
0x17e: {  	s25 =	rddreg [dreg:$0x11];
	[sflag:s16] =	ssyncadd.s32 $0xFFFFC000  }
0x17f: {  	[spmem:s2] =	stream.indirect.scatter.add.f32 [tilespmem:s14], [sflag:$0x3], $0x80, s25, s13, $0xb8;
	[tilespmem:$0x1CC00] =	vst v63  }
0x180: {  	_ =	swait.ge [sflag:s11], $0x4000  }
0x181: {  	[sflag:s11] =	ssyncset.done $0x0  }
0x182: {  	[sflag:s11] =	ssyncadd.s32 $0xFFFFC000  }
0x183: {  	[tilespmem:s14], [sflag:$0x1] =	stream.indirect.gather [hbm4b:s4+s13], $0x80, s18, s13, $0xb8;
	[tilespmem:$0x1CC00] =	vst v63  }
0x184: {  	_ =	swait.ge [sflag:s17], $0x4000  }
0x185: {  	[sflag:s17] =	ssyncset.done $0x0  }
0x186: {  	[sflag:s17] =	ssyncadd.s32 $0xFFFFC000  }
0x187: {  	[spmem:s2] =	stream.indirect.scatter.add.f32 [tilespmem:s15], [sflag:$0x3], $0x80, s19, s13, $0xb8;
	[tilespmem:$0x1CC00] =	vst v63  }
0x188: {  	_ =	swait.ge [sflag:s11], $0x4000  }
0x189: {  	[sflag:s11] =	ssyncset.done $0x0  }
0x18a: {  	[sflag:s11] =	ssyncadd.s32 $0xFFFFC000  }
0x18b: {  	[tilespmem:s15], [sflag:$0x2] =	stream.indirect.gather [hbm4b:s4+s13], $0x80, s20, s13, $0xb8;
	[tilespmem:$0x1CC00] =	vst v63  }
0x18c: {  	_ =	swait.ge [sflag:s16], $0x4000  }
0x18d: {  	[sflag:s16] =	ssyncset.done $0x0  }
0x18e: {  	[sflag:s16] =	ssyncadd.s32 $0xFFFFC000  }
0x18f: {  	[spmem:s2] =	stream.indirect.scatter.add.f32 [tilespmem:s14], [sflag:$0x3], $0x80, s21, s13, $0xb8;
	[tilespmem:$0x1CC00] =	vst v63  }
0x190: {  	_ =	swait.ge [sflag:s11], $0x4000  }
0x191: {  	[sflag:s11] =	ssyncset.done $0x0  }
0x192: {  	[sflag:s11] =	ssyncadd.s32 $0xFFFFC000  }
0x193: {  	[tilespmem:s14], [sflag:$0x1] =	stream.indirect.gather [hbm4b:s4+s13], $0x80, s22, s13, $0xb8;
	[tilespmem:$0x1CC00] =	vst v63  }
0x194: {  	_ =	swait.ge [sflag:s17], $0x4000  }
0x195: {  	[sflag:s17] =	ssyncset.done $0x0  }
0x196: {  	[sflag:s17] =	ssyncadd.s32 $0xFFFFC000  }
0x197: {  	[spmem:s2] =	stream.indirect.scatter.add.f32 [tilespmem:s15], [sflag:$0x3], $0x80, s23, s13, $0xb8;
	[tilespmem:$0x1CC00] =	vst v63  }
0x198: {  	_ =	swait.ge [sflag:s11], $0x4000  }
0x199: {  	[sflag:s11] =	ssyncset.done $0x0  }
0x19a: {  	[sflag:s11] =	ssyncadd.s32 $0xFFFFC000  }
0x19b: {  	[tilespmem:s15], [sflag:$0x2] =	stream.indirect.gather [hbm4b:s4+s13], $0x80, s26, s13, $0xb8;
	[tilespmem:$0x1CC00] =	vst v63  }
0x19c: {  	_ =	swait.ge [sflag:s16], $0x4000  }
0x19d: {  	[sflag:s16] =	ssyncset.done $0x0  }
0x19e: {  	[sflag:s16] =	ssyncadd.s32 $0xFFFFC000  }
0x19f: {  	[spmem:s2] =	stream.indirect.scatter.add.f32 [tilespmem:s14], [sflag:$0x3], $0x80, s28, s13, $0xb8;
	[tilespmem:$0x1CC00] =	vst v63  }
0x1a0: {  	_ =	swait.ge [sflag:s11], $0x4000  }
0x1a1: {  	[sflag:s11] =	ssyncset.done $0x0  }
0x1a2: {  	[sflag:s11] =	ssyncadd.s32 $0xFFFFC000  }
0x1a3: {  	[tilespmem:s14], [sflag:$0x1] =	stream.indirect.gather [hbm4b:s4+s13], $0x80, s29, s13, $0xb8;
	[tilespmem:$0x1CC00] =	vst v63  }
0x1a4: {  	_ =	swait.ge [sflag:s17], $0x4000  }
0x1a5: {  	[sflag:s17] =	ssyncset.done $0x0  }
0x1a6: {  	[sflag:s17] =	ssyncadd.s32 $0xFFFFC000  }
0x1a7: {  	[spmem:s2] =	stream.indirect.scatter.add.f32 [tilespmem:s15], [sflag:$0x3], $0x80, s30, s13, $0xb8;
	[tilespmem:$0x1CC00] =	vst v63  }
0x1a8: {  	_ =	swait.ge [sflag:s11], $0x4000  }
0x1a9: {  	[sflag:s11] =	ssyncset.done $0x0  }
0x1aa: {  	[sflag:s11] =	ssyncadd.s32 $0xFFFFC000  }
0x1ab: {  	[tilespmem:s15], [sflag:$0x2] =	stream.indirect.gather [hbm4b:s4+s13], $0x80, s31, s13, $0xb8;
	[tilespmem:$0x1CC00] =	vst v63  }
0x1ac: {  	_ =	swait.ge [sflag:s16], $0x4000  }
0x1ad: {  	[sflag:s16] =	ssyncset.done $0x0  }
0x1ae: {  	[sflag:s16] =	ssyncadd.s32 $0xFFFFC000  }
0x1af: {  	[spmem:s2] =	stream.indirect.scatter.add.f32 [tilespmem:s14], [sflag:$0x3], $0x80, s0, s13, $0xb8;
	[tilespmem:$0x1CC00] =	vst v63  }
0x1b0: {  	_ =	swait.ge [sflag:s11], $0x4000  }
0x1b1: {  	[sflag:s11] =	ssyncset.done $0x0  }
0x1b2: {  	[sflag:s11] =	ssyncadd.s32 $0xFFFFC000  }
0x1b3: {  	[tilespmem:s14], [sflag:$0x1] =	stream.indirect.gather [hbm4b:s4+s13], $0x80, s1, s13, $0xb8;
	[tilespmem:$0x1CC00] =	vst v63  }
0x1b4: {  	_ =	swait.ge [sflag:s17], $0x4000  }
0x1b5: {  	[sflag:s17] =	ssyncset.done $0x0  }
0x1b6: {  	[sflag:s17] =	ssyncadd.s32 $0xFFFFC000  }
0x1b7: {  	[spmem:s2] =	stream.indirect.scatter.add.f32 [tilespmem:s15], [sflag:$0x3], $0x80, s5, s13, $0xb8;
	[tilespmem:$0x1CC00] =	vst v63  }
0x1b8: {  	_ =	swait.ge [sflag:s11], $0x4000  }
0x1b9: {  	[sflag:s11] =	ssyncset.done $0x0  }
0x1ba: {  	[sflag:s11] =	ssyncadd.s32 $0xFFFFC000  }
0x1bb: {  	[tilespmem:s15], [sflag:$0x2] =	stream.indirect.gather [hbm4b:s4+s13], $0x80, s7, s13, $0xb8;
	[tilespmem:$0x1CC00] =	vst v63  }
0x1bc: {  	_ =	swait.ge [sflag:s16], $0x4000  }
0x1bd: {  	[sflag:s16] =	ssyncset.done $0x0  }
0x1be: {  	[sflag:s16] =	ssyncadd.s32 $0xFFFFC000  }
0x1bf: {  	[spmem:s2] =	stream.indirect.scatter.add.f32 [tilespmem:s14], [sflag:$0x3], $0x80, s8, s13, $0xb8;
	[tilespmem:$0x1CC00] =	vst v63  }
0x1c0: {  	_ =	swait.ge [sflag:s11], $0x4000  }
0x1c1: {  	[sflag:s11] =	ssyncset.done $0x0  }
0x1c2: {  	[sflag:s11] =	ssyncadd.s32 $0xFFFFC000  }
0x1c3: {  	_ =	swait.ge [sflag:s17], $0x4000  }
0x1c4: {  	[sflag:s17] =	ssyncset.done $0x0  }
0x1c5: {  	[sflag:s17] =	ssyncadd.s32 $0xFFFFC000  }
0x1c6: {  	[spmem:s2] =	stream.indirect.scatter.add.f32 [tilespmem:s15], [sflag:$0x3], $0x80, s9, s13, $0xb8;
	[tilespmem:$0x1CC00] =	vst v63  }
0x1c7: {  	_ =	swait.ge [sflag:s11], $0x4000  }
0x1c8: {  	[sflag:s11] =	ssyncset.done $0x0  }
0x1c9: {  	[sflag:s11] =	ssyncadd.s32 $0xFFFFC000  }
0x1ca: {  	[bflag:$0x0] =	sbarrier.arrive $0xFFFF  }
0x1cb: {  	s24 =	rddreg [dreg:$0x13]  }
0x1cc: {  	s6 =	rddreg [dreg:$0x15]  }
0x1cd: {  	s10 =	rddreg [dreg:$0x18]  }
0x1ce: {  	[hbm:s6], [sflag:s24] =	dma.local @p0 [spmem:s10], $0x2800  }
0x1cf: {  	s6 =	simm.s32 @p0 $0x3  }
0x1d0: {  	_ =	swait.ge @p0 [sflag:s6], $0x2800  }
0x1d1: {  	[sflag:s6] =	ssyncset.done @p0 $0x0;
	s10 =	rddreg [dreg:$0x19]  }
0x1d2: {  	[sflag:s6] =	ssyncadd.s32 @p0 $0xFFFFD800;
	s6 =	rddreg [dreg:$0x14]  }
0x1d3: {  	[hbm:s6], [sflag:s24] =	dma.local @!p0 [spmem:s10], $0x2700  }
0x1d4: {  	s6 =	simm.s32 @!p0 $0x3  }
0x1d5: {  	_ =	swait.ge @!p0 [sflag:s6], $0x2700  }
0x1d6: {  	s25 =	rddreg [dreg:$0x1a]  }
0x1d7: {  	s10 =	rddreg [dreg:$0x16];
	s25 =	sadd.s32 $0x1, s25  }
0x1d8: {  	p1 =	sne.s32 s25, s10  }
.Ltmp1:
0x1d9: {  	_ = 	snop;
	(pc) =	sbr.rel @p1 .LBB2_1-.Ltmp1, $3  }
0x1da: {  	_ =	sdelay $0x1  }
0x1db: {  	[sflag:s6] =	ssyncset.done @!p0 $0x0  }
0x1dc: {  	[sflag:s6] =	ssyncadd.s32 @!p0 $0xFFFFD900  }
0x1dd: {  	_ =	sfence.sel $0x180000  }
0x1de: {  	[bflag:$0x0] =	sbarrier.arrive $0xFFFF  }
0x1df: {  	_ =	strace $0x90000053  }
0x1e0: {  	s0 =	stileid.u32;
	[bflag:$0x2] =	sbarrier.arrive $0xFFFF  }
0x1e1: {  	p0 =	sne.s32 s0, $0x0;
	s0 =	rddreg [dreg:$0x3]  }
0x1e2: {  	s0 =	sadd.s32 @!p0 $0x100000, s0  }
0x1e3: {  	[sflag:s0] =	ssyncadd.tile.s32 @!p0 $0x1;
	_ =	shalt  }
.Lfunc_end2:
_tile_overlayer_lowered:
.L_overlay_start_2:
0x1e4: {  	(tag) =	ssettag $0x2  }
0x1e5: {  	s0 =	rddreg [dreg:$0x0];
	s2 =	stileid.u32  }
0x1e6: {  	s1 =	rddreg [dreg:$0x1];
	p0 =	sne.s32 s2, $0x0  }
0x1e7: {  	s3 =	rddreg [dreg:$0x2];
	[bflag:$0x3] =	sbarrier.arrive $0xFFFF;
	s2 =	simm.s32 @!p0 $0x1C03  }
0x1e8: {  	[timem:s3], [sflag:s2] =	dma.local @!p0 [hbm:s0], s1  }
0x1e9: {  	s0 =	simm.s32 @!p0 $0x3  }
0x1ea: {  	_ =	swait.ge @!p0 [sflag:s0], s1  }
0x1eb: {  	s1 =	ssub.s32 @!p0 $0x0, s1;
	[sflag:s0] =	ssyncset.done @!p0 $0x0  }
0x1ec: {  	[sflag:s0] =	ssyncadd.s32 @!p0 s1  }
0x1ed: {  	[bflag:$0x3] =	sbarrier.arrive $0xFFFF  }
0x1ee: {  	_ =	shalt  }

// kernel: kernel.35.cloned.1.call-start
scs
__scs_entry_jumppad:
0x0: {  	(pc) =	sbr.rel $0x88, $3  }
0x1: {  	(tag) =	ssettag $0x0;
	lr =	simm.s32 $0x1  }
0x2: {  	[smem:$0x3F98] =	sst lr;
	_ =	strace $0xD0000000  }
0x3: {  	_ = 	snop  }
0x4: {  	_ = 	snop  }
0x5: {  	_ = 	snop  }
0x6: {  	_ = 	snop  }
0x7: {  	_ = 	snop  }
__scs_overlays_trampoline_lowered:
0x8: {  	[smem:$0x3FA7] =	sst s0  }
0x9: {  	[smem:$0x3FA8] =	sst s1  }
0xa: {  	[smem:$0x3FA9] =	sst s2  }
0xb: {  	[smem:$0x3FAA] =	sst s3  }
0xc: {  	[smem:$0x3FAB] =	sst s4  }
0xd: {  	[smem:$0x3FAC] =	sst s5  }
0xe: {  	[smem:$0x3FAD] =	sst s6  }
0xf: {  	[smem:$0x3FAE] =	sst s7  }
0x10: {  	[smem:$0x3FAF] =	sst s8  }
0x11: {  	[smem:$0x3FB0] =	sst s9;
	s0 =	simm.s32 @!p0 $0x0  }
0x12: {  	s1 =	sld [smem:$0x3F96];
	s0 =	simm.s32 @p0 $0x1  }
0x13: {  	[smem:$0x3FB1] =	sst s0;
	s0 =	simm.s32 @!p1 $0x0  }
0x14: {  	s2 =	sld [smem:$0x3F95];
	s0 =	simm.s32 @p1 $0x1  }
0x15: {  	[smem:$0x3FB2] =	sst s0;
	s0 =	simm.s32 @!p2 $0x0  }
0x16: {  	s3 =	sld [smem:$0x3FDB];
	s0 =	simm.s32 @p2 $0x1  }
0x17: {  	s4 =	simm.s32 $0x1BF5;
	[smem:$0x3FB4] =	sst s0  }
0x18: {  	s0 =	sld [smem:$0x3F97];
	_ =	swait.ge [sflag:s4], $0x0  }
0x19: {  	s7 =	sld [smem:$0x3F98]  }
0x1a: {  	s8 =	sadd.s32 $0xFFFFE003, lr  }
0x1b: {  	s9 =	sadd.s32 $0xFFFFFEF7, lr;
	s5 =	simm.s32 $0xFFFFFFFF;
	p2 =	slt.u32 s8, $0xFFFFF086  }
0x1c: {  	p1 =	slt.u32 s9, $0xF7A;
	s5 =	simm.s32 @!p2 $0x0  }
0x1d: {  	s5 =	simm.s32 @p1 $0x1;
	p0 =	seq.s32 s7, s2  }
0x1e: {  	s7 =	smul.u32 @!p0 $0xF7A, s2;
	p2 =	seq.s32 @!p0 s5, $0x0  }
0x1f: {  	s9 =	smul.u32 $0xF7A, s1;
	s8 =	simm.s32 @!p0 $0x1BF5;
	p2 =	por !p2, p0  }
0x20: {  	[sflag:s8] =	ssyncset.s32 @!p0 $0xFFFFF086;
	s6 =	sadd.s32 @!p0 s3, s7;
	s7 =	simm.s32 @!p0 $0x108  }
0x21: {  	s3 =	sadd.s32 s3, s9;
	s6 =	sadd.s32 @!p0 $0x88, s6;
	s7 =	simm.s32 @p2 $0x1082  }
0x22: {  	[simem:s7], [sflag:s8] =	dma.local @!p0 [hbm:s6], $0xF7A  }
0x23: {  	s9 =	sor.u32 $0xD0000000, s2;
	s6 =	simm.s32 $0x108;
	_ =	swait.ge @!p0 [sflag:s8], $0x0  }
0x24: {  	s3 =	sadd.s32 $0x88, s3;
	s6 =	simm.s32 @!p1 $0x1082;
	[sflag:s4] =	ssyncset.s32 $0xFFFFF086  }
0x25: {  	[simem:s6], [sflag:s4] =	dma.local [hbm:s3], $0xF7A  }
0x26: {  	[smem:$0x3F98] =	sst s1;
	(tag) =	ssettag s2;
	_ =	strace s9  }
0x27: {  	s1 =	sld [smem:$0x3FA8]  }
0x28: {  	s2 =	sld [smem:$0x3FA9]  }
0x29: {  	s4 =	sld [smem:$0x3FAB]  }
0x2a: {  	p0 =	seq.s32 s5, $0x0;
	s5 =	sld [smem:$0x3FAC]  }
0x2b: {  	s6 =	sld [smem:$0x3FAD]  }
0x2c: {  	s7 =	sld [smem:$0x3FAE]  }
0x2d: {  	s3 =	simm.s32 $0x108;
	s8 =	sld [smem:$0x3FAF]  }
0x2e: {  	s3 =	simm.s32 @!p0 $0x1082;
	s9 =	sld [smem:$0x3FB0]  }
0x2f: {  	lr =	sadd.s32 s0, s3;
	s0 =	sld [smem:$0x3FA7]  }
0x30: {  	s3 =	sld [smem:$0x3FAA]  }
0x31: {  	[smem:$0x3FB3] =	sst s10  }
0x32: {  	s10 =	sld [smem:$0x3FB1];
	_ =	sdelay $0x3  }
0x33: {  	p0 =	seq.s32 s10, $0x1;
	s10 =	sld [smem:$0x3FB3];
	_ =	sdelay $0x3  }
0x34: {  	[smem:$0x3FB3] =	sst s10  }
0x35: {  	s10 =	sld [smem:$0x3FB2];
	_ =	sdelay $0x3  }
0x36: {  	p1 =	seq.s32 s10, $0x1;
	s10 =	sld [smem:$0x3FB3];
	_ =	sdelay $0x3  }
0x37: {  	[smem:$0x3FB3] =	sst s10  }
0x38: {  	s10 =	sld [smem:$0x3FB4]  }
0x39: {  	_ = 	snop;
	(pc) =	sbr.ind lr, $3  }
0x3a: {  	_ = 	snop  }
0x3b: {  	_ = 	snop  }
0x3c: {  	p2 =	seq.s32 s10, $0x1;
	s10 =	sld [smem:$0x3FB3]  }
0x3d: {  	_ =	shalt  }
0x3e: {  	_ =	shalt  }
0x3f: {  	_ =	shalt  }
0x40: {  	_ =	shalt  }
0x41: {  	_ =	shalt  }
0x42: {  	_ =	shalt  }
0x43: {  	_ =	shalt  }
0x44: {  	_ =	shalt  }
0x45: {  	_ =	shalt  }
0x46: {  	_ =	shalt  }
0x47: {  	_ =	shalt  }
0x48: {  	_ =	shalt  }
0x49: {  	_ =	shalt  }
0x4a: {  	_ =	shalt  }
0x4b: {  	_ =	shalt  }
0x4c: {  	_ =	shalt  }
0x4d: {  	_ =	shalt  }
0x4e: {  	_ =	shalt  }
0x4f: {  	_ =	shalt  }
0x50: {  	_ =	shalt  }
0x51: {  	_ =	shalt  }
0x52: {  	_ =	shalt  }
0x53: {  	_ =	shalt  }
0x54: {  	_ =	shalt  }
0x55: {  	_ =	shalt  }
0x56: {  	_ =	shalt  }
0x57: {  	_ =	shalt  }
0x58: {  	_ =	shalt  }
0x59: {  	_ =	shalt  }
0x5a: {  	_ =	shalt  }
0x5b: {  	_ =	shalt  }
0x5c: {  	_ =	shalt  }
0x5d: {  	_ =	shalt  }
0x5e: {  	_ =	shalt  }
0x5f: {  	_ =	shalt  }
0x60: {  	_ =	shalt  }
0x61: {  	_ =	shalt  }
0x62: {  	_ =	shalt  }
0x63: {  	_ =	shalt  }
0x64: {  	_ =	shalt  }
0x65: {  	_ =	shalt  }
0x66: {  	_ =	shalt  }
0x67: {  	_ =	shalt  }
0x68: {  	_ =	shalt  }
0x69: {  	_ =	shalt  }
0x6a: {  	_ =	shalt  }
0x6b: {  	_ =	shalt  }
0x6c: {  	_ =	shalt  }
0x6d: {  	_ =	shalt  }
0x6e: {  	_ =	shalt  }
0x6f: {  	_ =	shalt  }
0x70: {  	_ =	shalt  }
0x71: {  	_ =	shalt  }
0x72: {  	_ =	shalt  }
0x73: {  	_ =	shalt  }
0x74: {  	_ =	shalt  }
0x75: {  	_ =	shalt  }
0x76: {  	_ =	shalt  }
0x77: {  	_ =	shalt  }
0x78: {  	_ =	shalt  }
0x79: {  	_ =	shalt  }
0x7a: {  	_ =	shalt  }
0x7b: {  	_ =	shalt  }
0x7c: {  	_ =	shalt  }
0x7d: {  	_ =	shalt  }
0x7e: {  	_ =	shalt  }
0x7f: {  	_ =	shalt  }
0x80: {  	_ =	shalt  }
0x81: {  	_ =	shalt  }
0x82: {  	_ =	shalt  }
0x83: {  	_ =	shalt  }
0x84: {  	_ =	shalt  }
0x85: {  	_ =	shalt  }
0x86: {  	_ =	shalt  }
0x87: {  	_ =	shalt  }
.Lfunc_end0:
.L_simem_size_0:
called_computation.5_lowered:
.L_overlay_start_0:
0x88: {  	s2 =	sld [smem:$0x3FD9]  }
0x89: {  	s3 =	sld [smem:$0x3FFE];
	_ =	sdelay $0x1  }
0x8a: {  	s1 =	srdreg.scid  }
0x8b: {  	s0 =	sand.u32 $0x1, s1  }
0x8c: {  	s17 =	sshll.u32 s0, $0xA;
	s2 =	sadd.s32 s3, s2  }
0x8d: {  	s2 =	sadd.s32 s2, s17  }
0x8e: {  	[smem:$0x3FBF] =	sst s2  }
0x8f: {  	_ = 	snop  }
0x90: {  	s2 =	sld [smem:$0x3FD0];
	(tm) =	ssettm $0x1  }
0x91: {  	s18 =	sld [smem:$0x3FFB];
	_ =	sdelay $0x3  }
0x92: {  	_ =	strace s18  }
0x93: {  	s3 =	sld [smem:$0x3FFC];
	_ =	sdelay $0x3  }
0x94: {  	_ =	strace s3  }
0x95: {  	s3 =	sld [smem:$0x3FFD];
	_ =	sdelay $0x3  }
0x96: {  	_ =	strace s3  }
0x97: {  	_ =	strace $0x8FFFFFFF  }
0x98: {  	s19 =	sld [smem:$0x3FDB];
	_ =	sdelay $0x1  }
0x99: {  	s4 =	simm.s32 $_scs_section_size  }
0x9a: {  	s5 =	simm.s32 $_size__tile_overlayer_lowered;
	s6 =	simm.s32 $_tile_overlayer_lowered  }
0x9b: {  	s22 =	simm.s32 $0x1BFF;
	s21 =	sshll.u32 s6, $0x1;
	s3 =	sadd.s32 s4, s19  }
0x9c: {  	s7 =	simm.s32 $0x0;
	s20 =	sshll.u32 s5, $0x1;
	s5 =	sadd.s32 s21, s3  }
0x9d: {  	[timem:s7], [sflag:s22] =	dma.local [hbm:s5], s20  }
0x9e: {  	_ =	swait.ge [sflag:s22], s20  }
0x9f: {  	s4 =	ssub.s32 $0x0, s20;
	[sflag:s22] =	ssyncset.done $0x0  }
0xa0: {  	[sflag:s22] =	ssyncadd.s32 s4;
	_ =	sdelay $0x1  }
0xa1: {  	s23 =	simm.s32 $0x1B8B  }
0xa2: {  	_ =	swait.ge [sflag:s23], $0x1  }
0xa3: {  	[sflag:s23] =	ssyncset.done $0x0  }
0xa4: {  	s25 =	simm.s32 $0x1B8E;
	s24 =	sld [smem:$0x3FFE];
	[sflag:s23] =	ssyncadd.s32 $0xFFFFFFFF  }
0xa5: {  	s26 =	simm.s32 $execute0_lowered;
	[smem:$0x3FD2] =	sst s25  }
0xa6: {  	s5 =	sshll.u32 s26, $0x1;
	_ =	strace $0x80000055;
	[dreg:$0x1] =	wrdreg $0xFFFFFFFF  }
0xa7: {  	s28 =	simm.s32 $_size_execute0_lowered;
	s3 =	sadd.s32 s3, s5;
	[dreg:$0x0] =	wrdreg $0x0  }
0xa8: {  	s5 =	sshll.u32 s28, $0x1;
	[dreg:$0x2] =	wrdreg s3  }
0xa9: {  	[dreg:$0x3] =	wrdreg s5  }
0xaa: {  	[dreg:$0x4] =	wrdreg $0xC0  }
0xab: {  	_ =	task [dreg:s7], $0x5FFFF  }
0xac: {  	[dreg:$0x1] =	wrdreg $0xFFFFFFFF  }
0xad: {  	[dreg:$0x0] =	wrdreg $0x60  }
0xae: {  	[dreg:$0x2] =	wrdreg s24  }
0xaf: {  	[dreg:$0x3] =	wrdreg s2  }
0xb0: {  	[dreg:$0x4] =	wrdreg $0x90000  }
0xb1: {  	[dreg:$0x5] =	wrdreg $0x9  }
0xb2: {  	_ =	task.clear_ibuf [dreg:s7], $0x6FFFF;
	_ =	strace $0x90000055  }
0xb3: {  	s29 =	simm.s32 $0x9;
	_ =	strace $0x80000057  }
0xb4: {  	_ =	swait.ge [sflag:s29], $0x1  }
0xb5: {  	[sflag:s29] =	ssyncadd.s32 $0xFFFFFFFF  }
0xb6: {  	_ =	strace $0x90000057  }
0xb7: {  	_ =	sfence  }
0xb8: {  	s30 =	sld [smem:$0x0];
	_ =	sdelay $0x2  }
0xb9: {  	s31 =	sshll.u32 s1, $0xD;
	s1 =	sshrl.u32 s1, $0x2  }
0xba: {  	s3 =	sand.u32 $0x4000, s31;
	s1 =	sadd.s32 s1, s30  }
0xbb: {  	s0 =	sor.u32 s3, s0;
	s1 =	sshll.u32 s1, $0x11  }
0xbc: {  	s0 =	sor.u32 s1, s0  }
0xbd: {  	s0 =	sadd.s32 $0x8F2B, s0  }
0xbe: {  	[sflag:s0] =	ssyncadd.remote.s32 $0x1  }
0xbf: {  	_ =	sfence.sel $0xFFFF  }
0xc0: {  	[dreg:$0x0] =	wrdreg $0xFFFFFFFF;
	(pc) =	sbr.abs _section_cstart, $3  }
0xc1: {  	[dreg:$0x1] =	wrdreg $0xFFFFFFFF  }
0xc2: {  	_ =	task.clear_ibuf [dreg:s7], $0x2FFFF;
	_ =	strace $0x9FFFFFFF  }
0xc3: {  	(tm) =	ssettm $0x7FFFFFFF  }
tec
execute0_lowered:
.L_overlay_start_1:
0x0: {  	(tag) =	ssettag $0x1  }
0x1: {  	s0 =	rddreg [dreg:$0x0]  }
0x2: {  	s1 =	rddreg [dreg:$0x1];
	s3 =	srdreg.scid  }
0x3: {  	s2 =	rddreg [dreg:$0x2];
	s23 =	stileid.u32;
	s13 =	simm.s32 $0x180  }
0x4: {  	s14 =	simm.s32 $0x900;
	s15 =	simm.s32 $0x200;
	s17 =	simm.s32 $0x980  }
0x5: {  	s19 =	simm.s32 $0x280;
	s20 =	simm.s32 $0xA00;
	s21 =	simm.s32 $0x300  }
0x6: {  	s22 =	simm.s32 $0xA80;
	s28 =	simm.s32 $0xD00;
	s29 =	simm.s32 $0x600  }
0x7: {  	s5 =	sand.u32 $0x1, s3;
	s3 =	simm.s32 $0x0;
	s6 =	smul.u32 $0x2800, s23  }
0x8: {  	s30 =	simm.s32 $0xD80;
	s7 =	smul.u32 $0x2780, s23;
	[smem:$0x7FF] =	sst s3  }
0x9: {  	s8 =	smul.u32 $0x4F000, s23;
	_ =	strace $0x80000056;
	[dreg:$0x8] =	wrdreg s13  }
0xa: {  	s31 =	simm.s32 $0x680;
	s12 =	smul.u32 $0x13800, s23;
	[dreg:$0x9] =	wrdreg s14  }
0xb: {  	s25 =	sshll.u32 s23, $0x6;
	s26 =	smul.u32 $0x4E000, s23;
	[dreg:$0xa] =	wrdreg s15  }
0xc: {  	p0 =	seq.s32 s23, $0xF;
	s23 =	simm.s32 $0xC80;
	[dreg:$0xb] =	wrdreg s17  }
0xd: {  	s4 =	smul.u32 $0x28000, s5;
	s10 =	ssub.s32 $0x2, s5;
	[dreg:$0xc] =	wrdreg s19  }
0xe: {  	s5 =	smul.u32 $0x138800, s5;
	s7 =	sadd.s32 s7, s0;
	[dreg:$0xd] =	wrdreg s20  }
0xf: {  	s11 =	sshrl.u32 s10, $0x1;
	s8 =	sshrl.u32 s8, $0x2;
	[dreg:$0xe] =	wrdreg s21  }
0x10: {  	s13 =	simm.s32 $0x80;
	s14 =	simm.s32 $0x1000;
	[dreg:$0xf] =	wrdreg s22  }
0x11: {  	s15 =	simm.s32 $0x5000;
	s17 =	simm.s32 $0x2;
	s19 =	simm.s32 $0xB80  }
0x12: {  	s20 =	simm.s32 $0x480;
	s21 =	simm.s32 $0xC00;
	s22 =	simm.s32 $0x500  }
0x13: {  	s6 =	sadd.s32 s6, s4;
	s4 =	sadd.s32 $0xDC00, s0;
	s10 =	ssub.s32 s10, s11  }
0x14: {  	s8 =	sadd.s32 s8, s2;
	s7 =	sadd.s32 $0xAA000, s7;
	s24 =	sadd.s32 s12, s5  }
0x15: {  	s11 =	simm.s32 $0x100;
	s5 =	sshrl.u32 s5, $0x3;
	[dreg:$0x12] =	wrdreg s7  }
0x16: {  	s12 =	simm.s32 $0x880;
	s6 =	sshrl.u32 s6, $0x3;
	[dreg:$0x6] =	wrdreg s11  }
0x17: {  	s7 =	sshrl.u32 s24, $0x3;
	s24 =	sor.u32 $0x1C03, s25;
	[dreg:$0x7] =	wrdreg s12  }
0x18: {  	s16 =	smax.u32 s10, $0x1;
	s18 =	sshrl.u32 s8, $0x3;
	s11 =	simm.s32 $0x3  }
0x19: {  	s12 =	simm.s32 $0x800;
	s25 =	simm.s32 $0x380;
	[dreg:$0x16] =	wrdreg s16  }
0x1a: {  	s8 =	simm.s32 $0xF00;
	s9 =	sadd.s32 s6, s0;
	[dreg:$0x17] =	wrdreg s18  }
0x1b: {  	s0 =	sadd.s32 $0xD1800, s0;
	s1 =	sadd.s32 s6, s1;
	[dreg:$0x10] =	wrdreg s25  }
0x1c: {  	s16 =	simm.s32 $0x1;
	s18 =	simm.s32 $0x400;
	[dreg:$0x13] =	wrdreg s24  }
0x1d: {  	s25 =	simm.s32 $0x0;
	s7 =	sadd.s32 s0, s7;
	[dreg:$0x4] =	wrdreg s1  }
0x1e: {  	s9 =	sadd.s32 $0x3C00, s9;
	s0 =	sadd.s32 s0, s5;
	s1 =	sadd.s32 $0x124800, s2  }
0x1f: {  	s5 =	simm.s32 $0xE80;
	[dreg:$0x14] =	wrdreg s7;
	s7 =	sshrl.u32 s26, $0x2  }
0x20: {  	[dreg:$0x5] =	wrdreg s9;
	s0 =	sadd.s32 $0x24900, s0;
	s26 =	simm.s32 $0xB00  }
0x21: {  	s9 =	simm.s32 $0xF80;
	s6 =	sadd.s32 s7, s2;
	[dreg:$0x15] =	wrdreg s0  }
0x22: {  	[dreg:$0x11] =	wrdreg s26;
	s0 =	sshrl.u32 @p0 s1, $0x3;
	s26 =	simm.s32 $0x580  }
0x23: {  	s1 =	simm.s32 $0x700;
	[dreg:$0x18] =	wrdreg s0;
	s0 =	sshrl.u32 @!p0 s6, $0x3  }
0x24: {  	s7 =	simm.s32 $0x780;
	[dreg:$0x19] =	wrdreg s0;
	s0 =	simm.s32 $0xE00  }
.LBB2_1:
0x25: {  	[dreg:$0x1a] =	wrdreg s25  }
0x26: {  	s6 =	rddreg [dreg:$0x12]  }
0x27: {  	s10 =	rddreg [dreg:$0x17]  }
0x28: {  	[spmem:s10], [sflag:s24] =	dma.local [hbm:s6], $0x2780  }
0x29: {  	_ =	swait.ge [sflag:s11], $0x2780  }
0x2a: {  	[sflag:s11] =	ssyncset.done $0x0  }
0x2b: {  	[sflag:s11] =	ssyncadd.s32 $0xFFFFD880  }
0x2c: {  	[bflag:$0x0] =	sbarrier.arrive $0xFFFF  }
0x2d: {  	s24 =	rddreg [dreg:$0x5]  }
0x2e: {  	s6 =	sadd.s32 $0x0, s24  }
0x2f: {  	[tilespmem:s3], [sflag:$0x3] =	stream.linear.gather [hbm4b:s6+s3], $0x800, $0x38;
	[tilespmem:$0x1CC00] =	vst v63  }
0x30: {  	_ =	swait.ge [sflag:s11], $0x800  }
0x31: {  	s25 =	rddreg [dreg:$0x4];
	[sflag:s11] =	ssyncset.done $0x0  }
0x32: {  	[sflag:s11] =	ssyncadd.s32 $0xFFFFF800;
	s6 =	sadd.s32 $0x0, s25  }
0x33: {  	[tilespmem:s12], [sflag:$0x3] =	stream.linear.gather [hbm4b:s6+s3], $0x800, $0x38;
	[tilespmem:$0x1CC00] =	vst v63  }
0x34: {  	_ =	swait.ge [sflag:s11], $0x800  }
0x35: {  	[sflag:s11] =	ssyncset.done $0x0  }
0x36: {  	[sflag:s11] =	ssyncadd.s32 $0xFFFFF800  }
0x37: {  	[tilespmem:s14], [sflag:$0x1] =	stream.indirect.gather [hbm4b:s4+s13], $0x80, s3, s13, $0xb8;
	[tilespmem:$0x1CC00] =	vst v63  }
0x38: {  	_ = 	snop  }
0x39: {  	[tilespmem:s15], [sflag:$0x2] =	stream.indirect.gather [hbm4b:s4+s13], $0x80, s13, s13, $0xb8;
	[tilespmem:$0x1CC00] =	vst v63  }
0x3a: {  	_ =	swait.ge [sflag:s16], $0x4000  }
0x3b: {  	[sflag:s16] =	ssyncset.done $0x0  }
0x3c: {  	[sflag:s16] =	ssyncadd.s32 $0xFFFFC000  }
0x3d: {  	[spmem:s2] =	stream.indirect.scatter.add.f32 [tilespmem:s14], [sflag:$0x3], $0x80, s12, s13, $0xb8;
	[tilespmem:$0x1CC00] =	vst v63  }
0x3e: {  	_ =	swait.ge [sflag:s11], $0x4000  }
0x3f: {  	[sflag:s11] =	ssyncset.done $0x0  }
0x40: {  	s10 =	rddreg [dreg:$0x6];
	[sflag:s11] =	ssyncadd.s32 $0xFFFFC000  }
0x41: {  	[tilespmem:s14], [sflag:$0x1] =	stream.indirect.gather [hbm4b:s4+s13], $0x80, s10, s13, $0xb8;
	[tilespmem:$0x1CC00] =	vst v63  }
0x42: {  	_ =	swait.ge [sflag:s17], $0x4000  }
0x43: {  	[sflag:s17] =	ssyncset.done $0x0  }
0x44: {  	s24 =	rddreg [dreg:$0x7];
	[sflag:s17] =	ssyncadd.s32 $0xFFFFC000  }
0x45: {  	[spmem:s2] =	stream.indirect.scatter.add.f32 [tilespmem:s15], [sflag:$0x3], $0x80, s24, s13, $0xb8;
	[tilespmem:$0x1CC00] =	vst v63  }
0x46: {  	_ =	swait.ge [sflag:s11], $0x4000  }
0x47: {  	[sflag:s11] =	ssyncset.done $0x0  }
0x48: {  	s25 =	rddreg [dreg:$0x8];
	[sflag:s11] =	ssyncadd.s32 $0xFFFFC000  }
0x49: {  	[tilespmem:s15], [sflag:$0x2] =	stream.indirect.gather [hbm4b:s4+s13], $0x80, s25, s13, $0xb8;
	[tilespmem:$0x1CC00] =	vst v63  }
0x4a: {  	_ =	swait.ge [sflag:s16], $0x4000  }
0x4b: {  	[sflag:s16] =	ssyncset.done $0x0  }
0x4c: {  	s10 =	rddreg [dreg:$0x9];
	[sflag:s16] =	ssyncadd.s32 $0xFFFFC000  }
0x4d: {  	[spmem:s2] =	stream.indirect.scatter.add.f32 [tilespmem:s14], [sflag:$0x3], $0x80, s10, s13, $0xb8;
	[tilespmem:$0x1CC00] =	vst v63  }
0x4e: {  	_ =	swait.ge [sflag:s11], $0x4000  }
0x4f: {  	[sflag:s11] =	ssyncset.done $0x0  }
0x50: {  	s24 =	rddreg [dreg:$0xa];
	[sflag:s11] =	ssyncadd.s32 $0xFFFFC000  }
0x51: {  	[tilespmem:s14], [sflag:$0x1] =	stream.indirect.gather [hbm4b:s4+s13], $0x80, s24, s13, $0xb8;
	[tilespmem:$0x1CC00] =	vst v63  }
0x52: {  	_ =	swait.ge [sflag:s17], $0x4000  }
0x53: {  	[sflag:s17] =	ssyncset.done $0x0  }
0x54: {  	s25 =	rddreg [dreg:$0xb];
	[sflag:s17] =	ssyncadd.s32 $0xFFFFC000  }
0x55: {  	[spmem:s2] =	stream.indirect.scatter.add.f32 [tilespmem:s15], [sflag:$0x3], $0x80, s25, s13, $0xb8;
	[tilespmem:$0x1CC00] =	vst v63  }
0x56: {  	_ =	swait.ge [sflag:s11], $0x4000  }
0x57: {  	[sflag:s11] =	ssyncset.done $0x0  }
0x58: {  	s10 =	rddreg [dreg:$0xc];
	[sflag:s11] =	ssyncadd.s32 $0xFFFFC000  }
0x59: {  	[tilespmem:s15], [sflag:$0x2] =	stream.indirect.gather [hbm4b:s4+s13], $0x80, s10, s13, $0xb8;
	[tilespmem:$0x1CC00] =	vst v63  }
0x5a: {  	_ =	swait.ge [sflag:s16], $0x4000  }
0x5b: {  	[sflag:s16] =	ssyncset.done $0x0  }
0x5c: {  	s24 =	rddreg [dreg:$0xd];
	[sflag:s16] =	ssyncadd.s32 $0xFFFFC000  }
0x5d: {  	[spmem:s2] =	stream.indirect.scatter.add.f32 [tilespmem:s14], [sflag:$0x3], $0x80, s24, s13, $0xb8;
	[tilespmem:$0x1CC00] =	vst v63  }
0x5e: {  	_ =	swait.ge [sflag:s11], $0x4000  }
0x5f: {  	[sflag:s11] =	ssyncset.done $0x0  }
0x60: {  	s25 =	rddreg [dreg:$0xe];
	[sflag:s11] =	ssyncadd.s32 $0xFFFFC000  }
0x61: {  	[tilespmem:s14], [sflag:$0x1] =	stream.indirect.gather [hbm4b:s4+s13], $0x80, s25, s13, $0xb8;
	[tilespmem:$0x1CC00] =	vst v63  }
0x62: {  	_ =	swait.ge [sflag:s17], $0x4000  }
0x63: {  	[sflag:s17] =	ssyncset.done $0x0  }
0x64: {  	s10 =	rddreg [dreg:$0xf];
	[sflag:s17] =	ssyncadd.s32 $0xFFFFC000  }
0x65: {  	[spmem:s2] =	stream.indirect.scatter.add.f32 [tilespmem:s15], [sflag:$0x3], $0x80, s10, s13, $0xb8;
	[tilespmem:$0x1CC00] =	vst v63  }
0x66: {  	_ =	swait.ge [sflag:s11], $0x4000  }
0x67: {  	[sflag:s11] =	ssyncset.done $0x0  }
0x68: {  	s24 =	rddreg [dreg:$0x10];
	[sflag:s11] =	ssyncadd.s32 $0xFFFFC000  }
0x69: {  	[tilespmem:s15], [sflag:$0x2] =	stream.indirect.gather [hbm4b:s4+s13], $0x80, s24, s13, $0xb8;
	[tilespmem:$0x1CC00] =	vst v63  }
0x6a: {  	_ =	swait.ge [sflag:s16], $0x4000  }
0x6b: {  	[sflag:s16] =	ssyncset.done $0x0  }
0x6c: {  	s25 =	rddreg [dreg:$0x11];
	[sflag:s16] =	ssyncadd.s32 $0xFFFFC000  }
0x6d: {  	[spmem:s2] =	stream.indirect.scatter.add.f32 [tilespmem:s14], [sflag:$0x3], $0x80, s25, s13, $0xb8;
	[tilespmem:$0x1CC00] =	vst v63  }
0x6e: {  	_ =	swait.ge [sflag:s11], $0x4000  }
0x6f: {  	[sflag:s11] =	ssyncset.done $0x0  }
0x70: {  	[sflag:s11] =	ssyncadd.s32 $0xFFFFC000  }
0x71: {  	[tilespmem:s14], [sflag:$0x1] =	stream.indirect.gather [hbm4b:s4+s13], $0x80, s18, s13, $0xb8;
	[tilespmem:$0x1CC00] =	vst v63  }
0x72: {  	_ =	swait.ge [sflag:s17], $0x4000  }
0x73: {  	[sflag:s17] =	ssyncset.done $0x0  }
0x74: {  	[sflag:s17] =	ssyncadd.s32 $0xFFFFC000  }
0x75: {  	[spmem:s2] =	stream.indirect.scatter.add.f32 [tilespmem:s15], [sflag:$0x3], $0x80, s19, s13, $0xb8;
	[tilespmem:$0x1CC00] =	vst v63  }
0x76: {  	_ =	swait.ge [sflag:s11], $0x4000  }
0x77: {  	[sflag:s11] =	ssyncset.done $0x0  }
0x78: {  	[sflag:s11] =	ssyncadd.s32 $0xFFFFC000  }
0x79: {  	[tilespmem:s15], [sflag:$0x2] =	stream.indirect.gather [hbm4b:s4+s13], $0x80, s20, s13, $0xb8;
	[tilespmem:$0x1CC00] =	vst v63  }
0x7a: {  	_ =	swait.ge [sflag:s16], $0x4000  }
0x7b: {  	[sflag:s16] =	ssyncset.done $0x0  }
0x7c: {  	[sflag:s16] =	ssyncadd.s32 $0xFFFFC000  }
0x7d: {  	[spmem:s2] =	stream.indirect.scatter.add.f32 [tilespmem:s14], [sflag:$0x3], $0x80, s21, s13, $0xb8;
	[tilespmem:$0x1CC00] =	vst v63  }
0x7e: {  	_ =	swait.ge [sflag:s11], $0x4000  }
0x7f: {  	[sflag:s11] =	ssyncset.done $0x0  }
0x80: {  	[sflag:s11] =	ssyncadd.s32 $0xFFFFC000  }
0x81: {  	[tilespmem:s14], [sflag:$0x1] =	stream.indirect.gather [hbm4b:s4+s13], $0x80, s22, s13, $0xb8;
	[tilespmem:$0x1CC00] =	vst v63  }
0x82: {  	_ =	swait.ge [sflag:s17], $0x4000  }
0x83: {  	[sflag:s17] =	ssyncset.done $0x0  }
0x84: {  	[sflag:s17] =	ssyncadd.s32 $0xFFFFC000  }
0x85: {  	[spmem:s2] =	stream.indirect.scatter.add.f32 [tilespmem:s15], [sflag:$0x3], $0x80, s23, s13, $0xb8;
	[tilespmem:$0x1CC00] =	vst v63  }
0x86: {  	_ =	swait.ge [sflag:s11], $0x4000  }
0x87: {  	[sflag:s11] =	ssyncset.done $0x0  }
0x88: {  	[sflag:s11] =	ssyncadd.s32 $0xFFFFC000  }
0x89: {  	[tilespmem:s15], [sflag:$0x2] =	stream.indirect.gather [hbm4b:s4+s13], $0x80, s26, s13, $0xb8;
	[tilespmem:$0x1CC00] =	vst v63  }
0x8a: {  	_ =	swait.ge [sflag:s16], $0x4000  }
0x8b: {  	[sflag:s16] =	ssyncset.done $0x0  }
0x8c: {  	[sflag:s16] =	ssyncadd.s32 $0xFFFFC000  }
0x8d: {  	[spmem:s2] =	stream.indirect.scatter.add.f32 [tilespmem:s14], [sflag:$0x3], $0x80, s28, s13, $0xb8;
	[tilespmem:$0x1CC00] =	vst v63  }
0x8e: {  	_ =	swait.ge [sflag:s11], $0x4000  }
0x8f: {  	[sflag:s11] =	ssyncset.done $0x0  }
0x90: {  	[sflag:s11] =	ssyncadd.s32 $0xFFFFC000  }
0x91: {  	[tilespmem:s14], [sflag:$0x1] =	stream.indirect.gather [hbm4b:s4+s13], $0x80, s29, s13, $0xb8;
	[tilespmem:$0x1CC00] =	vst v63  }
0x92: {  	_ =	swait.ge [sflag:s17], $0x4000  }
0x93: {  	[sflag:s17] =	ssyncset.done $0x0  }
0x94: {  	[sflag:s17] =	ssyncadd.s32 $0xFFFFC000  }
0x95: {  	[spmem:s2] =	stream.indirect.scatter.add.f32 [tilespmem:s15], [sflag:$0x3], $0x80, s30, s13, $0xb8;
	[tilespmem:$0x1CC00] =	vst v63  }
0x96: {  	_ =	swait.ge [sflag:s11], $0x4000  }
0x97: {  	[sflag:s11] =	ssyncset.done $0x0  }
0x98: {  	[sflag:s11] =	ssyncadd.s32 $0xFFFFC000  }
0x99: {  	[tilespmem:s15], [sflag:$0x2] =	stream.indirect.gather [hbm4b:s4+s13], $0x80, s31, s13, $0xb8;
	[tilespmem:$0x1CC00] =	vst v63  }
0x9a: {  	_ =	swait.ge [sflag:s16], $0x4000  }
0x9b: {  	[sflag:s16] =	ssyncset.done $0x0  }
0x9c: {  	[sflag:s16] =	ssyncadd.s32 $0xFFFFC000  }
0x9d: {  	[spmem:s2] =	stream.indirect.scatter.add.f32 [tilespmem:s14], [sflag:$0x3], $0x80, s0, s13, $0xb8;
	[tilespmem:$0x1CC00] =	vst v63  }
0x9e: {  	_ =	swait.ge [sflag:s11], $0x4000  }
0x9f: {  	[sflag:s11] =	ssyncset.done $0x0  }
0xa0: {  	[sflag:s11] =	ssyncadd.s32 $0xFFFFC000  }
0xa1: {  	[tilespmem:s14], [sflag:$0x1] =	stream.indirect.gather [hbm4b:s4+s13], $0x80, s1, s13, $0xb8;
	[tilespmem:$0x1CC00] =	vst v63  }
0xa2: {  	_ =	swait.ge [sflag:s17], $0x4000  }
0xa3: {  	[sflag:s17] =	ssyncset.done $0x0  }
0xa4: {  	[sflag:s17] =	ssyncadd.s32 $0xFFFFC000  }
0xa5: {  	[spmem:s2] =	stream.indirect.scatter.add.f32 [tilespmem:s15], [sflag:$0x3], $0x80, s5, s13, $0xb8;
	[tilespmem:$0x1CC00] =	vst v63  }
0xa6: {  	_ =	swait.ge [sflag:s11], $0x4000  }
0xa7: {  	[sflag:s11] =	ssyncset.done $0x0  }
0xa8: {  	[sflag:s11] =	ssyncadd.s32 $0xFFFFC000  }
0xa9: {  	[tilespmem:s15], [sflag:$0x2] =	stream.indirect.gather [hbm4b:s4+s13], $0x80, s7, s13, $0xb8;
	[tilespmem:$0x1CC00] =	vst v63  }
0xaa: {  	_ =	swait.ge [sflag:s16], $0x4000  }
0xab: {  	[sflag:s16] =	ssyncset.done $0x0  }
0xac: {  	[sflag:s16] =	ssyncadd.s32 $0xFFFFC000  }
0xad: {  	[spmem:s2] =	stream.indirect.scatter.add.f32 [tilespmem:s14], [sflag:$0x3], $0x80, s8, s13, $0xb8;
	[tilespmem:$0x1CC00] =	vst v63  }
0xae: {  	_ =	swait.ge [sflag:s11], $0x4000  }
0xaf: {  	[sflag:s11] =	ssyncset.done $0x0  }
0xb0: {  	[sflag:s11] =	ssyncadd.s32 $0xFFFFC000  }
0xb1: {  	_ =	swait.ge [sflag:s17], $0x4000  }
0xb2: {  	[sflag:s17] =	ssyncset.done $0x0  }
0xb3: {  	[sflag:s17] =	ssyncadd.s32 $0xFFFFC000  }
0xb4: {  	[spmem:s2] =	stream.indirect.scatter.add.f32 [tilespmem:s15], [sflag:$0x3], $0x80, s9, s13, $0xb8;
	[tilespmem:$0x1CC00] =	vst v63  }
0xb5: {  	s24 =	simm.s32 $0x100;
	_ =	swait.ge [sflag:s11], $0x4000  }
0xb6: {  	s25 =	simm.s32 $0x200;
	s6 =	rddreg [dreg:$0x5];
	[sflag:s11] =	ssyncset.done $0x0  }
.LBB2_2:
0xb7: {  	[sflag:s11] =	ssyncadd.s32 $0xFFFFC000;
	s6 =	sadd.s32 s24, s6  }
0xb8: {  	[tilespmem:s3], [sflag:$0x3] =	stream.linear.gather [hbm4b:s6+s3], $0x800, $0x38;
	[tilespmem:$0x1CC00] =	vst v63  }
0xb9: {  	_ =	swait.ge [sflag:s11], $0x800  }
0xba: {  	s6 =	rddreg [dreg:$0x4];
	[sflag:s11] =	ssyncset.done $0x0  }
0xbb: {  	[sflag:s11] =	ssyncadd.s32 $0xFFFFF800;
	s6 =	sadd.s32 s24, s6  }
0xbc: {  	[tilespmem:s12], [sflag:$0x3] =	stream.linear.gather [hbm4b:s6+s3], $0x800, $0x38;
	[tilespmem:$0x1CC00] =	vst v63  }
0xbd: {  	_ =	swait.ge [sflag:s11], $0x800  }
0xbe: {  	[sflag:s11] =	ssyncset.done $0x0  }
0xbf: {  	[sflag:s11] =	ssyncadd.s32 $0xFFFFF800  }
0xc0: {  	[tilespmem:s14], [sflag:$0x1] =	stream.indirect.gather [hbm4b:s4+s13], $0x80, s3, s13, $0xb8;
	[tilespmem:$0x1CC00] =	vst v63  }
0xc1: {  	_ = 	snop  }
0xc2: {  	[tilespmem:s15], [sflag:$0x2] =	stream.indirect.gather [hbm4b:s4+s13], $0x80, s13, s13, $0xb8;
	[tilespmem:$0x1CC00] =	vst v63  }
0xc3: {  	_ =	swait.ge [sflag:s16], $0x4000  }
0xc4: {  	[sflag:s16] =	ssyncset.done $0x0  }
0xc5: {  	[sflag:s16] =	ssyncadd.s32 $0xFFFFC000  }
0xc6: {  	[spmem:s2] =	stream.indirect.scatter.add.f32 [tilespmem:s14], [sflag:$0x3], $0x80, s12, s13, $0xb8;
	[tilespmem:$0x1CC00] =	vst v63  }
0xc7: {  	_ =	swait.ge [sflag:s11], $0x4000  }
0xc8: {  	s10 =	smov.u32 s25;
	[sflag:s11] =	ssyncset.done $0x0  }
0xc9: {  	s24 =	smov.u32 s10;
	s10 =	rddreg [dreg:$0x6];
	[sflag:s11] =	ssyncadd.s32 $0xFFFFC000  }
0xca: {  	[tilespmem:s14], [sflag:$0x1] =	stream.indirect.gather [hbm4b:s4+s13], $0x80, s10, s13, $0xb8;
	[tilespmem:$0x1CC00] =	vst v63  }
0xcb: {  	_ =	swait.ge [sflag:s17], $0x4000  }
0xcc: {  	[sflag:s17] =	ssyncset.done $0x0  }
0xcd: {  	s10 =	rddreg [dreg:$0x7];
	[sflag:s17] =	ssyncadd.s32 $0xFFFFC000  }
0xce: {  	[spmem:s2] =	stream.indirect.scatter.add.f32 [tilespmem:s15], [sflag:$0x3], $0x80, s10, s13, $0xb8;
	[tilespmem:$0x1CC00] =	vst v63  }
0xcf: {  	_ =	swait.ge [sflag:s11], $0x4000  }
0xd0: {  	[sflag:s11] =	ssyncset.done $0x0  }
0xd1: {  	s10 =	rddreg [dreg:$0x8];
	[sflag:s11] =	ssyncadd.s32 $0xFFFFC000  }
0xd2: {  	[tilespmem:s15], [sflag:$0x2] =	stream.indirect.gather [hbm4b:s4+s13], $0x80, s10, s13, $0xb8;
	[tilespmem:$0x1CC00] =	vst v63  }
0xd3: {  	_ =	swait.ge [sflag:s16], $0x4000  }
0xd4: {  	[sflag:s16] =	ssyncset.done $0x0  }
0xd5: {  	s10 =	rddreg [dreg:$0x9];
	[sflag:s16] =	ssyncadd.s32 $0xFFFFC000  }
0xd6: {  	[spmem:s2] =	stream.indirect.scatter.add.f32 [tilespmem:s14], [sflag:$0x3], $0x80, s10, s13, $0xb8;
	[tilespmem:$0x1CC00] =	vst v63  }
0xd7: {  	_ =	swait.ge [sflag:s11], $0x4000  }
0xd8: {  	[sflag:s11] =	ssyncset.done $0x0  }
0xd9: {  	s10 =	rddreg [dreg:$0xa];
	[sflag:s11] =	ssyncadd.s32 $0xFFFFC000  }
0xda: {  	[tilespmem:s14], [sflag:$0x1] =	stream.indirect.gather [hbm4b:s4+s13], $0x80, s10, s13, $0xb8;
	[tilespmem:$0x1CC00] =	vst v63  }
0xdb: {  	_ =	swait.ge [sflag:s17], $0x4000  }
0xdc: {  	[sflag:s17] =	ssyncset.done $0x0  }
0xdd: {  	s10 =	rddreg [dreg:$0xb];
	[sflag:s17] =	ssyncadd.s32 $0xFFFFC000  }
0xde: {  	[spmem:s2] =	stream.indirect.scatter.add.f32 [tilespmem:s15], [sflag:$0x3], $0x80, s10, s13, $0xb8;
	[tilespmem:$0x1CC00] =	vst v63  }
0xdf: {  	_ =	swait.ge [sflag:s11], $0x4000  }
0xe0: {  	[sflag:s11] =	ssyncset.done $0x0  }
0xe1: {  	s10 =	rddreg [dreg:$0xc];
	[sflag:s11] =	ssyncadd.s32 $0xFFFFC000  }
0xe2: {  	[tilespmem:s15], [sflag:$0x2] =	stream.indirect.gather [hbm4b:s4+s13], $0x80, s10, s13, $0xb8;
	[tilespmem:$0x1CC00] =	vst v63  }
0xe3: {  	_ =	swait.ge [sflag:s16], $0x4000  }
0xe4: {  	[sflag:s16] =	ssyncset.done $0x0  }
0xe5: {  	s10 =	rddreg [dreg:$0xd];
	[sflag:s16] =	ssyncadd.s32 $0xFFFFC000  }
0xe6: {  	[spmem:s2] =	stream.indirect.scatter.add.f32 [tilespmem:s14], [sflag:$0x3], $0x80, s10, s13, $0xb8;
	[tilespmem:$0x1CC00] =	vst v63  }
0xe7: {  	_ =	swait.ge [sflag:s11], $0x4000  }
0xe8: {  	[sflag:s11] =	ssyncset.done $0x0  }
0xe9: {  	s10 =	rddreg [dreg:$0xe];
	[sflag:s11] =	ssyncadd.s32 $0xFFFFC000  }
0xea: {  	[tilespmem:s14], [sflag:$0x1] =	stream.indirect.gather [hbm4b:s4+s13], $0x80, s10, s13, $0xb8;
	[tilespmem:$0x1CC00] =	vst v63  }
0xeb: {  	_ =	swait.ge [sflag:s17], $0x4000  }
0xec: {  	[sflag:s17] =	ssyncset.done $0x0  }
0xed: {  	s10 =	rddreg [dreg:$0xf];
	[sflag:s17] =	ssyncadd.s32 $0xFFFFC000  }
0xee: {  	[spmem:s2] =	stream.indirect.scatter.add.f32 [tilespmem:s15], [sflag:$0x3], $0x80, s10, s13, $0xb8;
	[tilespmem:$0x1CC00] =	vst v63  }
0xef: {  	_ =	swait.ge [sflag:s11], $0x4000  }
0xf0: {  	[sflag:s11] =	ssyncset.done $0x0  }
0xf1: {  	s10 =	rddreg [dreg:$0x10];
	[sflag:s11] =	ssyncadd.s32 $0xFFFFC000  }
0xf2: {  	[tilespmem:s15], [sflag:$0x2] =	stream.indirect.gather [hbm4b:s4+s13], $0x80, s10, s13, $0xb8;
	[tilespmem:$0x1CC00] =	vst v63  }
0xf3: {  	_ =	swait.ge [sflag:s16], $0x4000  }
0xf4: {  	[sflag:s16] =	ssyncset.done $0x0  }
0xf5: {  	s10 =	rddreg [dreg:$0x11];
	[sflag:s16] =	ssyncadd.s32 $0xFFFFC000  }
0xf6: {  	[spmem:s2] =	stream.indirect.scatter.add.f32 [tilespmem:s14], [sflag:$0x3], $0x80, s10, s13, $0xb8;
	[tilespmem:$0x1CC00] =	vst v63  }
0xf7: {  	_ =	swait.ge [sflag:s11], $0x4000  }
0xf8: {  	[sflag:s11] =	ssyncset.done $0x0  }
0xf9: {  	[sflag:s11] =	ssyncadd.s32 $0xFFFFC000  }
0xfa: {  	[tilespmem:s14], [sflag:$0x1] =	stream.indirect.gather [hbm4b:s4+s13], $0x80, s18, s13, $0xb8;
	[tilespmem:$0x1CC00] =	vst v63  }
0xfb: {  	_ =	swait.ge [sflag:s17], $0x4000  }
0xfc: {  	[sflag:s17] =	ssyncset.done $0x0  }
0xfd: {  	[sflag:s17] =	ssyncadd.s32 $0xFFFFC000  }
0xfe: {  	[spmem:s2] =	stream.indirect.scatter.add.f32 [tilespmem:s15], [sflag:$0x3], $0x80, s19, s13, $0xb8;
	[tilespmem:$0x1CC00] =	vst v63  }
0xff: {  	_ =	swait.ge [sflag:s11], $0x4000  }
0x100: {  	[sflag:s11] =	ssyncset.done $0x0  }
0x101: {  	[sflag:s11] =	ssyncadd.s32 $0xFFFFC000  }
0x102: {  	[tilespmem:s15], [sflag:$0x2] =	stream.indirect.gather [hbm4b:s4+s13], $0x80, s20, s13, $0xb8;
	[tilespmem:$0x1CC00] =	vst v63  }
0x103: {  	_ =	swait.ge [sflag:s16], $0x4000  }
0x104: {  	[sflag:s16] =	ssyncset.done $0x0  }
0x105: {  	[sflag:s16] =	ssyncadd.s32 $0xFFFFC000  }
0x106: {  	[spmem:s2] =	stream.indirect.scatter.add.f32 [tilespmem:s14], [sflag:$0x3], $0x80, s21, s13, $0xb8;
	[tilespmem:$0x1CC00] =	vst v63  }
0x107: {  	_ =	swait.ge [sflag:s11], $0x4000  }
0x108: {  	[sflag:s11] =	ssyncset.done $0x0  }
0x109: {  	[sflag:s11] =	ssyncadd.s32 $0xFFFFC000  }
0x10a: {  	[tilespmem:s14], [sflag:$0x1] =	stream.indirect.gather [hbm4b:s4+s13], $0x80, s22, s13, $0xb8;
	[tilespmem:$0x1CC00] =	vst v63  }
0x10b: {  	_ =	swait.ge [sflag:s17], $0x4000  }
0x10c: {  	[sflag:s17] =	ssyncset.done $0x0  }
0x10d: {  	[sflag:s17] =	ssyncadd.s32 $0xFFFFC000  }
0x10e: {  	[spmem:s2] =	stream.indirect.scatter.add.f32 [tilespmem:s15], [sflag:$0x3], $0x80, s23, s13, $0xb8;
	[tilespmem:$0x1CC00] =	vst v63  }
0x10f: {  	_ =	swait.ge [sflag:s11], $0x4000  }
0x110: {  	[sflag:s11] =	ssyncset.done $0x0  }
0x111: {  	[sflag:s11] =	ssyncadd.s32 $0xFFFFC000  }
0x112: {  	[tilespmem:s15], [sflag:$0x2] =	stream.indirect.gather [hbm4b:s4+s13], $0x80, s26, s13, $0xb8;
	[tilespmem:$0x1CC00] =	vst v63  }
0x113: {  	_ =	swait.ge [sflag:s16], $0x4000  }
0x114: {  	[sflag:s16] =	ssyncset.done $0x0  }
0x115: {  	[sflag:s16] =	ssyncadd.s32 $0xFFFFC000  }
0x116: {  	[spmem:s2] =	stream.indirect.scatter.add.f32 [tilespmem:s14], [sflag:$0x3], $0x80, s28, s13, $0xb8;
	[tilespmem:$0x1CC00] =	vst v63  }
0x117: {  	_ =	swait.ge [sflag:s11], $0x4000  }
0x118: {  	[sflag:s11] =	ssyncset.done $0x0  }
0x119: {  	[sflag:s11] =	ssyncadd.s32 $0xFFFFC000  }
0x11a: {  	[tilespmem:s14], [sflag:$0x1] =	stream.indirect.gather [hbm4b:s4+s13], $0x80, s29, s13, $0xb8;
	[tilespmem:$0x1CC00] =	vst v63  }
0x11b: {  	_ =	swait.ge [sflag:s17], $0x4000  }
0x11c: {  	[sflag:s17] =	ssyncset.done $0x0  }
0x11d: {  	[sflag:s17] =	ssyncadd.s32 $0xFFFFC000  }
0x11e: {  	[spmem:s2] =	stream.indirect.scatter.add.f32 [tilespmem:s15], [sflag:$0x3], $0x80, s30, s13, $0xb8;
	[tilespmem:$0x1CC00] =	vst v63  }
0x11f: {  	_ =	swait.ge [sflag:s11], $0x4000  }
0x120: {  	[sflag:s11] =	ssyncset.done $0x0  }
0x121: {  	[sflag:s11] =	ssyncadd.s32 $0xFFFFC000  }
0x122: {  	[tilespmem:s15], [sflag:$0x2] =	stream.indirect.gather [hbm4b:s4+s13], $0x80, s31, s13, $0xb8;
	[tilespmem:$0x1CC00] =	vst v63  }
0x123: {  	_ =	swait.ge [sflag:s16], $0x4000  }
0x124: {  	[sflag:s16] =	ssyncset.done $0x0  }
0x125: {  	[sflag:s16] =	ssyncadd.s32 $0xFFFFC000  }
0x126: {  	[spmem:s2] =	stream.indirect.scatter.add.f32 [tilespmem:s14], [sflag:$0x3], $0x80, s0, s13, $0xb8;
	[tilespmem:$0x1CC00] =	vst v63  }
0x127: {  	_ =	swait.ge [sflag:s11], $0x4000  }
0x128: {  	[sflag:s11] =	ssyncset.done $0x0  }
0x129: {  	[sflag:s11] =	ssyncadd.s32 $0xFFFFC000  }
0x12a: {  	[tilespmem:s14], [sflag:$0x1] =	stream.indirect.gather [hbm4b:s4+s13], $0x80, s1, s13, $0xb8;
	[tilespmem:$0x1CC00] =	vst v63  }
0x12b: {  	_ =	swait.ge [sflag:s17], $0x4000  }
0x12c: {  	[sflag:s17] =	ssyncset.done $0x0  }
0x12d: {  	[sflag:s17] =	ssyncadd.s32 $0xFFFFC000  }
0x12e: {  	[spmem:s2] =	stream.indirect.scatter.add.f32 [tilespmem:s15], [sflag:$0x3], $0x80, s5, s13, $0xb8;
	[tilespmem:$0x1CC00] =	vst v63  }
0x12f: {  	_ =	swait.ge [sflag:s11], $0x4000  }
0x130: {  	[sflag:s11] =	ssyncset.done $0x0  }
0x131: {  	[sflag:s11] =	ssyncadd.s32 $0xFFFFC000  }
0x132: {  	[tilespmem:s15], [sflag:$0x2] =	stream.indirect.gather [hbm4b:s4+s13], $0x80, s7, s13, $0xb8;
	[tilespmem:$0x1CC00] =	vst v63  }
0x133: {  	_ =	swait.ge [sflag:s16], $0x4000  }
0x134: {  	[sflag:s16] =	ssyncset.done $0x0  }
0x135: {  	[sflag:s16] =	ssyncadd.s32 $0xFFFFC000  }
0x136: {  	[spmem:s2] =	stream.indirect.scatter.add.f32 [tilespmem:s14], [sflag:$0x3], $0x80, s8, s13, $0xb8;
	[tilespmem:$0x1CC00] =	vst v63  }
0x137: {  	_ =	swait.ge [sflag:s11], $0x4000  }
0x138: {  	[sflag:s11] =	ssyncset.done $0x0  }
0x139: {  	[sflag:s11] =	ssyncadd.s32 $0xFFFFC000  }
0x13a: {  	p1 =	sne.s32 s25, $0x400;
	_ =	swait.ge [sflag:s17], $0x4000  }
.Ltmp0:
0x13b: {  	[sflag:s17] =	ssyncset.done $0x0;
	(pc) =	sbr.rel @p1 .LBB2_2-.Ltmp0, $4  }
0x13c: {  	[sflag:s17] =	ssyncadd.s32 $0xFFFFC000  }
0x13d: {  	[spmem:s2] =	stream.indirect.scatter.add.f32 [tilespmem:s15], [sflag:$0x3], $0x80, s9, s13, $0xb8;
	[tilespmem:$0x1CC00] =	vst v63  }
0x13e: {  	_ =	swait.ge [sflag:s11], $0x4000  }
0x13f: {  	s25 =	sadd.s32 $0x100, s25;
	s6 =	rddreg [dreg:$0x5];
	[sflag:s11] =	ssyncset.done $0x0  }
0x140: {  	[sflag:s11] =	ssyncadd.s32 $0xFFFFC000;
	s6 =	sadd.s32 s24, s6  }
0x141: {  	[tilespmem:s3], [sflag:$0x3] =	stream.linear.gather [hbm4b:s6+s3], $0x800, $0x38;
	[tilespmem:$0x1CC00] =	vst v63  }
0x142: {  	_ =	swait.ge [sflag:s11], $0x800  }
0x143: {  	s25 =	rddreg [dreg:$0x4];
	[sflag:s11] =	ssyncset.done $0x0  }
0x144: {  	s6 =	sadd.s32 s24, s25;
	[sflag:s11] =	ssyncadd.s32 $0xFFFFF800  }
0x145: {  	[tilespmem:s12], [sflag:$0x3] =	stream.linear.gather [hbm4b:s6+s3], $0x800, $0x38;
	[tilespmem:$0x1CC00] =	vst v63  }
0x146: {  	_ =	swait.ge [sflag:s11], $0x800  }
0x147: {  	[sflag:s11] =	ssyncset.done $0x0  }
0x148: {  	[sflag:s11] =	ssyncadd.s32 $0xFFFFF800  }
0x149: {  	[tilespmem:s14], [sflag:$0x1] =	stream.indirect.gather [hbm4b:s4+s13], $0x80, s3, s13, $0xb8;
	[tilespmem:$0x1CC00] =	vst v63  }
0x14a: {  	_ = 	snop  }
0x14b: {  	[tilespmem:s15], [sflag:$0x2] =	stream.indirect.gather [hbm4b:s4+s13], $0x80, s13, s13, $0xb8;
	[tilespmem:$0x1CC00] =	vst v63  }
0x14c: {  	_ =	swait.ge [sflag:s16], $0x4000  }
0x14d: {  	[sflag:s16] =	ssyncset.done $0x0  }
0x14e: {  	[sflag:s16] =	ssyncadd.s32 $0xFFFFC000  }
0x14f: {  	[spmem:s2] =	stream.indirect.scatter.add.f32 [tilespmem:s14], [sflag:$0x3], $0x80, s12, s13, $0xb8;
	[tilespmem:$0x1CC00] =	vst v63  }
0x150: {  	_ =	swait.ge [sflag:s11], $0x4000  }
0x151: {  	[sflag:s11] =	ssyncset.done $0x0  }
0x152: {  	s10 =	rddreg [dreg:$0x6];
	[sflag:s11] =	ssyncadd.s32 $0xFFFFC000  }
0x153: {  	[tilespmem:s14], [sflag:$0x1] =	stream.indirect.gather [hbm4b:s4+s13], $0x80, s10, s13, $0xb8;
	[tilespmem:$0x1CC00] =	vst v63  }
0x154: {  	_ =	swait.ge [sflag:s17], $0x4000  }
0x155: {  	[sflag:s17] =	ssyncset.done $0x0  }
0x156: {  	s24 =	rddreg [dreg:$0x7];
	[sflag:s17] =	ssyncadd.s32 $0xFFFFC000  }
0x157: {  	[spmem:s2] =	stream.indirect.scatter.add.f32 [tilespmem:s15], [sflag:$0x3], $0x80, s24, s13, $0xb8;
	[tilespmem:$0x1CC00] =	vst v63  }
0x158: {  	_ =	swait.ge [sflag:s11], $0x4000  }
0x159: {  	[sflag:s11] =	ssyncset.done $0x0  }
0x15a: {  	s25 =	rddreg [dreg:$0x8];
	[sflag:s11] =	ssyncadd.s32 $0xFFFFC000  }
0x15b: {  	[tilespmem:s15], [sflag:$0x2] =	stream.indirect.gather [hbm4b:s4+s13], $0x80, s25, s13, $0xb8;
	[tilespmem:$0x1CC00] =	vst v63  }
0x15c: {  	_ =	swait.ge [sflag:s16], $0x4000  }
0x15d: {  	[sflag:s16] =	ssyncset.done $0x0  }
0x15e: {  	s10 =	rddreg [dreg:$0x9];
	[sflag:s16] =	ssyncadd.s32 $0xFFFFC000  }
0x15f: {  	[spmem:s2] =	stream.indirect.scatter.add.f32 [tilespmem:s14], [sflag:$0x3], $0x80, s10, s13, $0xb8;
	[tilespmem:$0x1CC00] =	vst v63  }
0x160: {  	_ =	swait.ge [sflag:s11], $0x4000  }
0x161: {  	[sflag:s11] =	ssyncset.done $0x0  }
0x162: {  	s24 =	rddreg [dreg:$0xa];
	[sflag:s11] =	ssyncadd.s32 $0xFFFFC000  }
0x163: {  	[tilespmem:s14], [sflag:$0x1] =	stream.indirect.gather [hbm4b:s4+s13], $0x80, s24, s13, $0xb8;
	[tilespmem:$0x1CC00] =	vst v63  }
0x164: {  	_ =	swait.ge [sflag:s17], $0x4000  }
0x165: {  	[sflag:s17] =	ssyncset.done $0x0  }
0x166: {  	s25 =	rddreg [dreg:$0xb];
	[sflag:s17] =	ssyncadd.s32 $0xFFFFC000  }
0x167: {  	[spmem:s2] =	stream.indirect.scatter.add.f32 [tilespmem:s15], [sflag:$0x3], $0x80, s25, s13, $0xb8;
	[tilespmem:$0x1CC00] =	vst v63  }
0x168: {  	_ =	swait.ge [sflag:s11], $0x4000  }
0x169: {  	[sflag:s11] =	ssyncset.done $0x0  }
0x16a: {  	s10 =	rddreg [dreg:$0xc];
	[sflag:s11] =	ssyncadd.s32 $0xFFFFC000  }
0x16b: {  	[tilespmem:s15], [sflag:$0x2] =	stream.indirect.gather [hbm4b:s4+s13], $0x80, s10, s13, $0xb8;
	[tilespmem:$0x1CC00] =	vst v63  }
0x16c: {  	_ =	swait.ge [sflag:s16], $0x4000  }
0x16d: {  	[sflag:s16] =	ssyncset.done $0x0  }
0x16e: {  	s24 =	rddreg [dreg:$0xd];
	[sflag:s16] =	ssyncadd.s32 $0xFFFFC000  }
0x16f: {  	[spmem:s2] =	stream.indirect.scatter.add.f32 [tilespmem:s14], [sflag:$0x3], $0x80, s24, s13, $0xb8;
	[tilespmem:$0x1CC00] =	vst v63  }
0x170: {  	_ =	swait.ge [sflag:s11], $0x4000  }
0x171: {  	[sflag:s11] =	ssyncset.done $0x0  }
0x172: {  	s25 =	rddreg [dreg:$0xe];
	[sflag:s11] =	ssyncadd.s32 $0xFFFFC000  }
0x173: {  	[tilespmem:s14], [sflag:$0x1] =	stream.indirect.gather [hbm4b:s4+s13], $0x80, s25, s13, $0xb8;
	[tilespmem:$0x1CC00] =	vst v63  }
0x174: {  	_ =	swait.ge [sflag:s17], $0x4000  }
0x175: {  	[sflag:s17] =	ssyncset.done $0x0  }
0x176: {  	s10 =	rddreg [dreg:$0xf];
	[sflag:s17] =	ssyncadd.s32 $0xFFFFC000  }
0x177: {  	[spmem:s2] =	stream.indirect.scatter.add.f32 [tilespmem:s15], [sflag:$0x3], $0x80, s10, s13, $0xb8;
	[tilespmem:$0x1CC00] =	vst v63  }
0x178: {  	_ =	swait.ge [sflag:s11], $0x4000  }
0x179: {  	[sflag:s11] =	ssyncset.done $0x0  }
0x17a: {  	s24 =	rddreg [dreg:$0x10];
	[sflag:s11] =	ssyncadd.s32 $0xFFFFC000  }
0x17b: {  	[tilespmem:s15], [sflag:$0x2] =	stream.indirect.gather [hbm4b:s4+s13], $0x80, s24, s13, $0xb8;
	[tilespmem:$0x1CC00] =	vst v63  }
0x17c: {  	_ =	swait.ge [sflag:s16], $0x4000  }
0x17d: {  	[sflag:s16] =	ssyncset.done $0x0  }
0x17e: {  	s25 =	rddreg [dreg:$0x11];
	[sflag:s16] =	ssyncadd.s32 $0xFFFFC000  }
0x17f: {  	[spmem:s2] =	stream.indirect.scatter.add.f32 [tilespmem:s14], [sflag:$0x3], $0x80, s25, s13, $0xb8;
	[tilespmem:$0x1CC00] =	vst v63  }
0x180: {  	_ =	swait.ge [sflag:s11], $0x4000  }
0x181: {  	[sflag:s11] =	ssyncset.done $0x0  }
0x182: {  	[sflag:s11] =	ssyncadd.s32 $0xFFFFC000  }
0x183: {  	[tilespmem:s14], [sflag:$0x1] =	stream.indirect.gather [hbm4b:s4+s13], $0x80, s18, s13, $0xb8;
	[tilespmem:$0x1CC00] =	vst v63  }
0x184: {  	_ =	swait.ge [sflag:s17], $0x4000  }
0x185: {  	[sflag:s17] =	ssyncset.done $0x0  }
0x186: {  	[sflag:s17] =	ssyncadd.s32 $0xFFFFC000  }
0x187: {  	[spmem:s2] =	stream.indirect.scatter.add.f32 [tilespmem:s15], [sflag:$0x3], $0x80, s19, s13, $0xb8;
	[tilespmem:$0x1CC00] =	vst v63  }
0x188: {  	_ =	swait.ge [sflag:s11], $0x4000  }
0x189: {  	[sflag:s11] =	ssyncset.done $0x0  }
0x18a: {  	[sflag:s11] =	ssyncadd.s32 $0xFFFFC000  }
0x18b: {  	[tilespmem:s15], [sflag:$0x2] =	stream.indirect.gather [hbm4b:s4+s13], $0x80, s20, s13, $0xb8;
	[tilespmem:$0x1CC00] =	vst v63  }
0x18c: {  	_ =	swait.ge [sflag:s16], $0x4000  }
0x18d: {  	[sflag:s16] =	ssyncset.done $0x0  }
0x18e: {  	[sflag:s16] =	ssyncadd.s32 $0xFFFFC000  }
0x18f: {  	[spmem:s2] =	stream.indirect.scatter.add.f32 [tilespmem:s14], [sflag:$0x3], $0x80, s21, s13, $0xb8;
	[tilespmem:$0x1CC00] =	vst v63  }
0x190: {  	_ =	swait.ge [sflag:s11], $0x4000  }
0x191: {  	[sflag:s11] =	ssyncset.done $0x0  }
0x192: {  	[sflag:s11] =	ssyncadd.s32 $0xFFFFC000  }
0x193: {  	[tilespmem:s14], [sflag:$0x1] =	stream.indirect.gather [hbm4b:s4+s13], $0x80, s22, s13, $0xb8;
	[tilespmem:$0x1CC00] =	vst v63  }
0x194: {  	_ =	swait.ge [sflag:s17], $0x4000  }
0x195: {  	[sflag:s17] =	ssyncset.done $0x0  }
0x196: {  	[sflag:s17] =	ssyncadd.s32 $0xFFFFC000  }
0x197: {  	[spmem:s2] =	stream.indirect.scatter.add.f32 [tilespmem:s15], [sflag:$0x3], $0x80, s23, s13, $0xb8;
	[tilespmem:$0x1CC00] =	vst v63  }
0x198: {  	_ =	swait.ge [sflag:s11], $0x4000  }
0x199: {  	[sflag:s11] =	ssyncset.done $0x0  }
0x19a: {  	[sflag:s11] =	ssyncadd.s32 $0xFFFFC000  }
0x19b: {  	[tilespmem:s15], [sflag:$0x2] =	stream.indirect.gather [hbm4b:s4+s13], $0x80, s26, s13, $0xb8;
	[tilespmem:$0x1CC00] =	vst v63  }
0x19c: {  	_ =	swait.ge [sflag:s16], $0x4000  }
0x19d: {  	[sflag:s16] =	ssyncset.done $0x0  }
0x19e: {  	[sflag:s16] =	ssyncadd.s32 $0xFFFFC000  }
0x19f: {  	[spmem:s2] =	stream.indirect.scatter.add.f32 [tilespmem:s14], [sflag:$0x3], $0x80, s28, s13, $0xb8;
	[tilespmem:$0x1CC00] =	vst v63  }
0x1a0: {  	_ =	swait.ge [sflag:s11], $0x4000  }
0x1a1: {  	[sflag:s11] =	ssyncset.done $0x0  }
0x1a2: {  	[sflag:s11] =	ssyncadd.s32 $0xFFFFC000  }
0x1a3: {  	[tilespmem:s14], [sflag:$0x1] =	stream.indirect.gather [hbm4b:s4+s13], $0x80, s29, s13, $0xb8;
	[tilespmem:$0x1CC00] =	vst v63  }
0x1a4: {  	_ =	swait.ge [sflag:s17], $0x4000  }
0x1a5: {  	[sflag:s17] =	ssyncset.done $0x0  }
0x1a6: {  	[sflag:s17] =	ssyncadd.s32 $0xFFFFC000  }
0x1a7: {  	[spmem:s2] =	stream.indirect.scatter.add.f32 [tilespmem:s15], [sflag:$0x3], $0x80, s30, s13, $0xb8;
	[tilespmem:$0x1CC00] =	vst v63  }
0x1a8: {  	_ =	swait.ge [sflag:s11], $0x4000  }
0x1a9: {  	[sflag:s11] =	ssyncset.done $0x0  }
0x1aa: {  	[sflag:s11] =	ssyncadd.s32 $0xFFFFC000  }
0x1ab: {  	[tilespmem:s15], [sflag:$0x2] =	stream.indirect.gather [hbm4b:s4+s13], $0x80, s31, s13, $0xb8;
	[tilespmem:$0x1CC00] =	vst v63  }
0x1ac: {  	_ =	swait.ge [sflag:s16], $0x4000  }
0x1ad: {  	[sflag:s16] =	ssyncset.done $0x0  }
0x1ae: {  	[sflag:s16] =	ssyncadd.s32 $0xFFFFC000  }
0x1af: {  	[spmem:s2] =	stream.indirect.scatter.add.f32 [tilespmem:s14], [sflag:$0x3], $0x80, s0, s13, $0xb8;
	[tilespmem:$0x1CC00] =	vst v63  }
0x1b0: {  	_ =	swait.ge [sflag:s11], $0x4000  }
0x1b1: {  	[sflag:s11] =	ssyncset.done $0x0  }
0x1b2: {  	[sflag:s11] =	ssyncadd.s32 $0xFFFFC000  }
0x1b3: {  	[tilespmem:s14], [sflag:$0x1] =	stream.indirect.gather [hbm4b:s4+s13], $0x80, s1, s13, $0xb8;
	[tilespmem:$0x1CC00] =	vst v63  }
0x1b4: {  	_ =	swait.ge [sflag:s17], $0x4000  }
0x1b5: {  	[sflag:s17] =	ssyncset.done $0x0  }
0x1b6: {  	[sflag:s17] =	ssyncadd.s32 $0xFFFFC000  }
0x1b7: {  	[spmem:s2] =	stream.indirect.scatter.add.f32 [tilespmem:s15], [sflag:$0x3], $0x80, s5, s13, $0xb8;
	[tilespmem:$0x1CC00] =	vst v63  }
0x1b8: {  	_ =	swait.ge [sflag:s11], $0x4000  }
0x1b9: {  	[sflag:s11] =	ssyncset.done $0x0  }
0x1ba: {  	[sflag:s11] =	ssyncadd.s32 $0xFFFFC000  }
0x1bb: {  	[tilespmem:s15], [sflag:$0x2] =	stream.indirect.gather [hbm4b:s4+s13], $0x80, s7, s13, $0xb8;
	[tilespmem:$0x1CC00] =	vst v63  }
0x1bc: {  	_ =	swait.ge [sflag:s16], $0x4000  }
0x1bd: {  	[sflag:s16] =	ssyncset.done $0x0  }
0x1be: {  	[sflag:s16] =	ssyncadd.s32 $0xFFFFC000  }
0x1bf: {  	[spmem:s2] =	stream.indirect.scatter.add.f32 [tilespmem:s14], [sflag:$0x3], $0x80, s8, s13, $0xb8;
	[tilespmem:$0x1CC00] =	vst v63  }
0x1c0: {  	_ =	swait.ge [sflag:s11], $0x4000  }
0x1c1: {  	[sflag:s11] =	ssyncset.done $0x0  }
0x1c2: {  	[sflag:s11] =	ssyncadd.s32 $0xFFFFC000  }
0x1c3: {  	_ =	swait.ge [sflag:s17], $0x4000  }
0x1c4: {  	[sflag:s17] =	ssyncset.done $0x0  }
0x1c5: {  	[sflag:s17] =	ssyncadd.s32 $0xFFFFC000  }
0x1c6: {  	[spmem:s2] =	stream.indirect.scatter.add.f32 [tilespmem:s15], [sflag:$0x3], $0x80, s9, s13, $0xb8;
	[tilespmem:$0x1CC00] =	vst v63  }
0x1c7: {  	_ =	swait.ge [sflag:s11], $0x4000  }
0x1c8: {  	[sflag:s11] =	ssyncset.done $0x0  }
0x1c9: {  	[sflag:s11] =	ssyncadd.s32 $0xFFFFC000  }
0x1ca: {  	[bflag:$0x0] =	sbarrier.arrive $0xFFFF  }
0x1cb: {  	s24 =	rddreg [dreg:$0x13]  }
0x1cc: {  	s6 =	rddreg [dreg:$0x15]  }
0x1cd: {  	s10 =	rddreg [dreg:$0x18]  }
0x1ce: {  	[hbm:s6], [sflag:s24] =	dma.local @p0 [spmem:s10], $0x2800  }
0x1cf: {  	s6 =	simm.s32 @p0 $0x3  }
0x1d0: {  	_ =	swait.ge @p0 [sflag:s6], $0x2800  }
0x1d1: {  	[sflag:s6] =	ssyncset.done @p0 $0x0;
	s10 =	rddreg [dreg:$0x19]  }
0x1d2: {  	[sflag:s6] =	ssyncadd.s32 @p0 $0xFFFFD800;
	s6 =	rddreg [dreg:$0x14]  }
0x1d3: {  	[hbm:s6], [sflag:s24] =	dma.local @!p0 [spmem:s10], $0x2700  }
0x1d4: {  	s6 =	simm.s32 @!p0 $0x3  }
0x1d5: {  	_ =	swait.ge @!p0 [sflag:s6], $0x2700  }
0x1d6: {  	s25 =	rddreg [dreg:$0x1a]  }
0x1d7: {  	s10 =	rddreg [dreg:$0x16];
	s25 =	sadd.s32 $0x1, s25  }
0x1d8: {  	p1 =	sne.s32 s25, s10  }
.Ltmp1:
0x1d9: {  	_ = 	snop;
	(pc) =	sbr.rel @p1 .LBB2_1-.Ltmp1, $3  }
0x1da: {  	_ =	sdelay $0x1  }
0x1db: {  	[sflag:s6] =	ssyncset.done @!p0 $0x0  }
0x1dc: {  	[sflag:s6] =	ssyncadd.s32 @!p0 $0xFFFFD900  }
0x1dd: {  	_ =	sfence.sel $0x180000  }
0x1de: {  	[bflag:$0x0] =	sbarrier.arrive $0xFFFF  }
0x1df: {  	_ =	strace $0x90000056  }
0x1e0: {  	s0 =	stileid.u32;
	[bflag:$0x2] =	sbarrier.arrive $0xFFFF  }
0x1e1: {  	p0 =	sne.s32 s0, $0x0;
	s0 =	rddreg [dreg:$0x3]  }
0x1e2: {  	s0 =	sadd.s32 @!p0 $0x100000, s0  }
0x1e3: {  	[sflag:s0] =	ssyncadd.tile.s32 @!p0 $0x1;
	_ =	shalt  }
.Lfunc_end2:
_tile_overlayer_lowered:
.L_overlay_start_2:
0x1e4: {  	(tag) =	ssettag $0x2  }
0x1e5: {  	s0 =	rddreg [dreg:$0x0];
	s2 =	stileid.u32  }
0x1e6: {  	s1 =	rddreg [dreg:$0x1];
	p0 =	sne.s32 s2, $0x0  }
0x1e7: {  	s3 =	rddreg [dreg:$0x2];
	[bflag:$0x3] =	sbarrier.arrive $0xFFFF;
	s2 =	simm.s32 @!p0 $0x1C03  }
0x1e8: {  	[timem:s3], [sflag:s2] =	dma.local @!p0 [hbm:s0], s1  }
0x1e9: {  	s0 =	simm.s32 @!p0 $0x3  }
0x1ea: {  	_ =	swait.ge @!p0 [sflag:s0], s1  }
0x1eb: {  	s1 =	ssub.s32 @!p0 $0x0, s1;
	[sflag:s0] =	ssyncset.done @!p0 $0x0  }
0x1ec: {  	[sflag:s0] =	ssyncadd.s32 @!p0 s1  }
0x1ed: {  	[bflag:$0x3] =	sbarrier.arrive $0xFFFF  }
0x1ee: {  	_ =	shalt  }

</sc_bundles>
